<compile_context>
chip_gen: v7x
topology: tpu7x:2x2x1
jax: 0.10.2.dev20260603
libtpu: 0.0.44.dev20260713+nightly
codegen_flags: <defaults>
</compile_context>

<pallas_src>
import functools

import jax
import jax.numpy as jnp
from jax import lax
from jax.experimental import pallas as pl
from jax.experimental.pallas import tpu as pltpu
from jax.experimental.pallas import tpu_sc as plsc

N = 10000
NPAD = 10240
E = 320000
D = 128
LANES = 16
EB = 128
NB = E // EB
NC = 2
NS = 16
NW = NC * NS
ROWS_PER_TILE = NPAD // NS
ZCHUNK = 128


def _hop_body(x_hbm, src_hbm, dst_hbm, w_hbm, out_hbm,
              col_v, dst_v, w_v, rows_v, zero_v, acc_sh, sem):
    cid = lax.axis_index("c")
    sid = lax.axis_index("s")
    wid = sid * NC + cid

    def zfill(r, _):
        for f in range(D // LANES):
            zero_v[r, pl.ds(f * LANES, LANES)] = jnp.zeros((LANES,), jnp.float32)
        return _
    lax.fori_loop(0, ZCHUNK, zfill, None)
    base_row = sid * ROWS_PER_TILE
    for z in range(ROWS_PER_TILE // ZCHUNK):
        pltpu.sync_copy(zero_v, acc_sh.at[pl.ds(base_row + z * ZCHUNK, ZCHUNK)])
    plsc.subcore_barrier()

    nb = (NB - wid + NW - 1) // NW

    def batch(b, _):
        base = (wid + b * NW) * EB
        pltpu.sync_copy(src_hbm.at[pl.ds(base, EB)], col_v)
        pltpu.sync_copy(dst_hbm.at[pl.ds(base, EB)], dst_v)
        pltpu.sync_copy(w_hbm.at[pl.ds(base, EB)], w_v)
        pltpu.async_copy(x_hbm.at[col_v], rows_v, sem).wait()

        def scale(g, _):
            wchunk = w_v[pl.ds(g * LANES, LANES)]
            for k in range(LANES):
                idx = jnp.full((LANES,), k, jnp.int32)
                wsplat = wchunk.at[idx].get(mode="promise_in_bounds")
                e = g * LANES + k
                for f in range(D // LANES):
                    sl = pl.ds(f * LANES, LANES)
                    rows_v[e, sl] = rows_v[e, sl] * wsplat
            return _
        lax.fori_loop(0, EB // LANES, scale, None)

        pltpu.sync_copy(rows_v, acc_sh.at[dst_v], add=True)
        return _
    lax.fori_loop(0, nb, batch, None)

    plsc.subcore_barrier()
    pltpu.sync_copy(acc_sh.at[pl.ds(base_row, ROWS_PER_TILE)],
                    out_hbm.at[cid, pl.ds(base_row, ROWS_PER_TILE)])


@jax.jit
def _hop(x, src, dst, w):
    mesh = plsc.VectorSubcoreMesh(core_axis_name="c", subcore_axis_name="s")
    f = pl.kernel(
        _hop_body,
        out_type=jax.ShapeDtypeStruct((NC, NPAD, D), jnp.float32),
        mesh=mesh,
        scratch_types=[
            pltpu.VMEM((EB,), jnp.int32),
            pltpu.VMEM((EB,), jnp.int32),
            pltpu.VMEM((EB,), jnp.float32),
            pltpu.VMEM((EB, D), jnp.float32),
            pltpu.VMEM((ZCHUNK, D), jnp.float32),
            pltpu.VMEM_SHARED((NPAD, D), jnp.float32),
            pltpu.SemaphoreType.DMA,
        ],
    )
    return f(x, src, dst, w)


def _tc_add_body(a_ref, o_ref):
    o_ref[...] = a_ref[0] + a_ref[1]


@jax.jit
def _tc_add(a):
    blk = 1000
    return pl.pallas_call(
        _tc_add_body,
        grid=(N // blk,),
        in_specs=[pl.BlockSpec((NC, blk, D), lambda i: (0, i, 0))],
        out_specs=pl.BlockSpec((blk, D), lambda i: (i, 0)),
        out_shape=jax.ShapeDtypeStruct((N, D), jnp.float32),
    )(a)


def _tc_final_body(x_ref, h1_ref, b_ref, w0_ref, b0_ref, w1_ref, b1_ref,
                   w2_ref, b2_ref, o_ref):
    h2 = b_ref[0] + b_ref[1]
    dn = (((1,), (1,)), ((), ()))
    o_ref[:, 0:D] = lax.dot_general(
        x_ref[...], w0_ref[...], dn, preferred_element_type=jnp.float32) + b0_ref[...]
    o_ref[:, D:2 * D] = lax.dot_general(
        h1_ref[...], w1_ref[...], dn, preferred_element_type=jnp.float32) + b1_ref[...]
    o_ref[:, 2 * D:3 * D] = lax.dot_general(
        h2, w2_ref[...], dn, preferred_element_type=jnp.float32) + b2_ref[...]


@jax.jit
def _tc_final(x, h1, b_parts, W0, b0, W1, b1, W2, b2):
    blk = 1000
    wspec = pl.BlockSpec((D, D), lambda i: (0, 0))
    bspec = pl.BlockSpec((1, D), lambda i: (0, 0))
    return pl.pallas_call(
        _tc_final_body,
        grid=(N // blk,),
        in_specs=[
            pl.BlockSpec((blk, D), lambda i: (i, 0)),
            pl.BlockSpec((blk, D), lambda i: (i, 0)),
            pl.BlockSpec((NC, blk, D), lambda i: (0, i, 0)),
            wspec, bspec, wspec, bspec, wspec, bspec,
        ],
        out_specs=pl.BlockSpec((blk, 3 * D), lambda i: (i, 0)),
        out_shape=jax.ShapeDtypeStruct((N, 3 * D), jnp.float32),
    )(x, h1, b_parts, W0, b0.reshape(1, D), W1, b1.reshape(1, D),
      W2, b2.reshape(1, D))


def kernel(x, edge_index, edge_weight, num_nodes, W0, b0, W1, b1, W2, b2):
    src = edge_index[1]
    dst = edge_index[0]
    a_parts = _hop(x, src, dst, edge_weight)
    h1 = _tc_add(a_parts)
    b_parts = _hop(h1, src, dst, edge_weight)
    return _tc_final(x, h1, b_parts, W0, b0, W1, b1, W2, b2)

# --- scband reference (transcript-rebuilt; emitter-appended) ---
"""Pipeline reference for scband-h2-gcnconv-68143951118621 (READ-ONLY COPY).

The authoritative reference and input builder live on the scoring server;
editing this copy changes nothing except your own understanding.
"""

import jax, jax.numpy as jnp
import numpy as np

N_NODES = 10000
N_EDGES = 320000
D_IN = 128
D_OUT = 128
K_HOPS = 2


def setup_inputs(seed: int = 0) -> dict:
    key = jax.random.key(seed)
    ks = jax.random.split(key, 12)
    x = jax.random.normal(ks[0], (N_NODES, D_IN), dtype=jnp.float32)
    edge_index = jax.random.randint(ks[1], (2, N_EDGES), 0, N_NODES, dtype=jnp.int32)
    edge_weight = jax.random.uniform(ks[2], (N_EDGES,), dtype=jnp.float32)
    inp = {
        "x": x,
        "edge_index": edge_index,
        "edge_weight": edge_weight,
        "num_nodes": N_NODES,
    }
    # Linear layers: out = x @ W.T + b (torch nn.Linear convention)
    for i in range(K_HOPS + 1):
        W = jax.random.normal(ks[3 + 2 * i], (D_OUT, D_IN), dtype=jnp.float32) * (1.0 / np.sqrt(D_IN))
        b = jnp.zeros((D_OUT,), dtype=jnp.float32)
        inp[f"W{i}"] = W
        inp[f"b{i}"] = b
    return inp


def _sparse_mm(edge_index, edge_weight, x, num_nodes):
    row = edge_index[0]
    col = edge_index[1]
    message = x[col] * edge_weight[:, None]
    out = jnp.zeros((x.shape[0], x.shape[1]), dtype=x.dtype).at[row].add(message)
    return jnp.where(num_nodes > 0, out, out)


def reference(x, edge_index, edge_weight, num_nodes, W0, b0, W1, b1, W2, b2):
    Ws = [W0, W1, W2]
    bs = [b0, b1, b2]
    outputs = [x @ Ws[0].T + bs[0]]
    current = x
    for k in range(1, K_HOPS + 1):
        current = _sparse_mm(edge_index, edge_weight, current, num_nodes)
        outputs.append(current @ Ws[k].T + bs[k])
    return jnp.concatenate(outputs, axis=1)

if __name__ == "__main__":
    import jax
    _d = setup_inputs()
    print(jax.jit(kernel)(*tuple(_d.values())))

</pallas_src>

<mosaic_0001>
#map = affine_map<(d0, d1) -> (0, 0)>
#map1 = affine_map<(d0, d1) -> (0)>
#map2 = affine_map<(d0, d1) -> (0, 0, 0)>
module attributes {stable_mosaic.version = 14 : i64} {
  func.func @_hop_body(%arg0: i32, %arg1: i32, %arg2: memref<10000x128xf32, #tpu.memory_space<hbm>>, %arg3: memref<320000xi32, #tpu.memory_space<hbm>>, %arg4: memref<320000xi32, #tpu.memory_space<hbm>>, %arg5: memref<320000xf32, #tpu.memory_space<hbm>>, %arg6: memref<2x10240x128xf32, #tpu.memory_space<hbm>>, %arg7: memref<128xi32, #tpu.memory_space<vmem>>, %arg8: memref<128xi32, #tpu.memory_space<vmem>>, %arg9: memref<128xf32, #tpu.memory_space<vmem>>, %arg10: memref<128x128xf32, #tpu.memory_space<vmem>>, %arg11: memref<128x128xf32, #tpu.memory_space<vmem>>, %arg12: memref<10240x128xf32, #tpu.memory_space<vmem_shared>>, %arg13: memref<!tpu.dma_semaphore, #tpu.memory_space<semaphore_mem>>) attributes {dimension_semantics = [#tpu.dimension_semantics<core_parallel>, #tpu.dimension_semantics<subcore_parallel>], iteration_bounds = array<i64: 2, 16>, scalar_prefetch = 0 : i64, scratch_operands = 7 : i64, tpu.core_type = #tpu.core_type<sc_vector_subcore>, window_params = [{transform_indices = #map}, {transform_indices = #map1}, {transform_indices = #map1}, {transform_indices = #map1}, {transform_indices = #map2}]} {
    %mul3A = arith.constant 2 : i32
    %mul3A_0 = arith.muli %arg1, %mul3A : i32
    %add3A = arith.addi %mul3A_0, %arg0 : i32
    %scan3A = arith.constant 0 : i32
    %scan3A_1 = arith.constant 128 : i32
    %scan3A_2 = arith.addi %scan3A, %scan3A_1 : i32
    %scan3A_3 = arith.constant 1 : i32
    scf.for %scan3A_48 = %scan3A to %scan3A_2 step %scan3A_3  : i32 {
      %broadcast_in_dim3A = arith.constant 0.000000e+00 : f32
      %broadcast_in_dim3A_49 = vector.broadcast %broadcast_in_dim3A : f32 to vector<16xf32>
      %swap3A = arith.index_cast %scan3A_48 : i32 to index
      %swap3A_50 = arith.constant 0 : index
      %swap3A_51 = tpu.vector_load %arg11[%swap3A, %swap3A_50] {strides = array<i32>} : memref<128x128xf32, #tpu.memory_space<vmem>>, vector<1x16xf32>,
      %swap3A_52 = vector.shape_cast %swap3A_51 : vector<1x16xf32> to vector<16xf32>
      %swap3A_53 = vector.shape_cast %broadcast_in_dim3A_49 : vector<16xf32> to vector<1x16xf32>
      tpu.vector_store %arg11[%swap3A, %swap3A_50], %swap3A_53 {strides = array<i32>} : memref<128x128xf32, #tpu.memory_space<vmem>>, vector<1x16xf32>,
      %broadcast_in_dim3A_54 = arith.constant 0.000000e+00 : f32
      %broadcast_in_dim3A_55 = vector.broadcast %broadcast_in_dim3A_54 : f32 to vector<16xf32>
      %swap3A_56 = arith.index_cast %scan3A_48 : i32 to index
      %swap3A_57 = arith.constant 16 : index
      %swap3A_58 = tpu.vector_load %arg11[%swap3A_56, %swap3A_57] {strides = array<i32>} : memref<128x128xf32, #tpu.memory_space<vmem>>, vector<1x16xf32>,
      %swap3A_59 = vector.shape_cast %swap3A_58 : vector<1x16xf32> to vector<16xf32>
      %swap3A_60 = vector.shape_cast %broadcast_in_dim3A_55 : vector<16xf32> to vector<1x16xf32>
      tpu.vector_store %arg11[%swap3A_56, %swap3A_57], %swap3A_60 {strides = array<i32>} : memref<128x128xf32, #tpu.memory_space<vmem>>, vector<1x16xf32>,
      %broadcast_in_dim3A_61 = arith.constant 0.000000e+00 : f32
      %broadcast_in_dim3A_62 = vector.broadcast %broadcast_in_dim3A_61 : f32 to vector<16xf32>
      %swap3A_63 = arith.index_cast %scan3A_48 : i32 to index
      %swap3A_64 = arith.constant 32 : index
      %swap3A_65 = tpu.vector_load %arg11[%swap3A_63, %swap3A_64] {strides = array<i32>} : memref<128x128xf32, #tpu.memory_space<vmem>>, vector<1x16xf32>,
      %swap3A_66 = vector.shape_cast %swap3A_65 : vector<1x16xf32> to vector<16xf32>
      %swap3A_67 = vector.shape_cast %broadcast_in_dim3A_62 : vector<16xf32> to vector<1x16xf32>
      tpu.vector_store %arg11[%swap3A_63, %swap3A_64], %swap3A_67 {strides = array<i32>} : memref<128x128xf32, #tpu.memory_space<vmem>>, vector<1x16xf32>,
      %broadcast_in_dim3A_68 = arith.constant 0.000000e+00 : f32
      %broadcast_in_dim3A_69 = vector.broadcast %broadcast_in_dim3A_68 : f32 to vector<16xf32>
      %swap3A_70 = arith.index_cast %scan3A_48 : i32 to index
      %swap3A_71 = arith.constant 48 : index
      %swap3A_72 = tpu.vector_load %arg11[%swap3A_70, %swap3A_71] {strides = array<i32>} : memref<128x128xf32, #tpu.memory_space<vmem>>, vector<1x16xf32>,
      %swap3A_73 = vector.shape_cast %swap3A_72 : vector<1x16xf32> to vector<16xf32>
      %swap3A_74 = vector.shape_cast %broadcast_in_dim3A_69 : vector<16xf32> to vector<1x16xf32>
      tpu.vector_store %arg11[%swap3A_70, %swap3A_71], %swap3A_74 {strides = array<i32>} : memref<128x128xf32, #tpu.memory_space<vmem>>, vector<1x16xf32>,
      %broadcast_in_dim3A_75 = arith.constant 0.000000e+00 : f32
      %broadcast_in_dim3A_76 = vector.broadcast %broadcast_in_dim3A_75 : f32 to vector<16xf32>
      %swap3A_77 = arith.index_cast %scan3A_48 : i32 to index
      %swap3A_78 = arith.constant 64 : index
      %swap3A_79 = tpu.vector_load %arg11[%swap3A_77, %swap3A_78] {strides = array<i32>} : memref<128x128xf32, #tpu.memory_space<vmem>>, vector<1x16xf32>,
      %swap3A_80 = vector.shape_cast %swap3A_79 : vector<1x16xf32> to vector<16xf32>
      %swap3A_81 = vector.shape_cast %broadcast_in_dim3A_76 : vector<16xf32> to vector<1x16xf32>
      tpu.vector_store %arg11[%swap3A_77, %swap3A_78], %swap3A_81 {strides = array<i32>} : memref<128x128xf32, #tpu.memory_space<vmem>>, vector<1x16xf32>,
      %broadcast_in_dim3A_82 = arith.constant 0.000000e+00 : f32
      %broadcast_in_dim3A_83 = vector.broadcast %broadcast_in_dim3A_82 : f32 to vector<16xf32>
      %swap3A_84 = arith.index_cast %scan3A_48 : i32 to index
      %swap3A_85 = arith.constant 80 : index
      %swap3A_86 = tpu.vector_load %arg11[%swap3A_84, %swap3A_85] {strides = array<i32>} : memref<128x128xf32, #tpu.memory_space<vmem>>, vector<1x16xf32>,
      %swap3A_87 = vector.shape_cast %swap3A_86 : vector<1x16xf32> to vector<16xf32>
      %swap3A_88 = vector.shape_cast %broadcast_in_dim3A_83 : vector<16xf32> to vector<1x16xf32>
      tpu.vector_store %arg11[%swap3A_84, %swap3A_85], %swap3A_88 {strides = array<i32>} : memref<128x128xf32, #tpu.memory_space<vmem>>, vector<1x16xf32>,
      %broadcast_in_dim3A_89 = arith.constant 0.000000e+00 : f32
      %broadcast_in_dim3A_90 = vector.broadcast %broadcast_in_dim3A_89 : f32 to vector<16xf32>
      %swap3A_91 = arith.index_cast %scan3A_48 : i32 to index
      %swap3A_92 = arith.constant 96 : index
      %swap3A_93 = tpu.vector_load %arg11[%swap3A_91, %swap3A_92] {strides = array<i32>} : memref<128x128xf32, #tpu.memory_space<vmem>>, vector<1x16xf32>,
      %swap3A_94 = vector.shape_cast %swap3A_93 : vector<1x16xf32> to vector<16xf32>
      %swap3A_95 = vector.shape_cast %broadcast_in_dim3A_90 : vector<16xf32> to vector<1x16xf32>
      tpu.vector_store %arg11[%swap3A_91, %swap3A_92], %swap3A_95 {strides = array<i32>} : memref<128x128xf32, #tpu.memory_space<vmem>>, vector<1x16xf32>,
      %broadcast_in_dim3A_96 = arith.constant 0.000000e+00 : f32
      %broadcast_in_dim3A_97 = vector.broadcast %broadcast_in_dim3A_96 : f32 to vector<16xf32>
      %swap3A_98 = arith.index_cast %scan3A_48 : i32 to index
      %swap3A_99 = arith.constant 112 : index
      %swap3A_100 = tpu.vector_load %arg11[%swap3A_98, %swap3A_99] {strides = array<i32>} : memref<128x128xf32, #tpu.memory_space<vmem>>, vector<1x16xf32>,
      %swap3A_101 = vector.shape_cast %swap3A_100 : vector<1x16xf32> to vector<16xf32>
      %swap3A_102 = vector.shape_cast %broadcast_in_dim3A_97 : vector<16xf32> to vector<1x16xf32>
      tpu.vector_store %arg11[%swap3A_98, %swap3A_99], %swap3A_102 {strides = array<i32>} : memref<128x128xf32, #tpu.memory_space<vmem>>, vector<1x16xf32>,
    }
    %scan3A_4 = arith.constant 128 : i32
    %mul3A_5 = arith.constant 640 : i32
    %mul3A_6 = arith.muli %arg1, %mul3A_5 : i32
    %add3A_7 = arith.constant 0 : i32
    %add3A_8 = arith.addi %mul3A_6, %add3A_7 : i32
    "tpu.region"() ({
      %run_scoped3A = tpu.sem_alloc : memref<!tpu.dma_semaphore, #tpu.memory_space<semaphore_mem>>
      %dma_start3A = arith.constant 0 : i32
      %dma_start3A_48 = tpu.memref_slice %arg12[%add3A_8, %dma_start3A] : memref<10240x128xf32, #tpu.memory_space<vmem_shared>> -> memref<128x128xf32, #tpu.memory_space<vmem_shared>>
      %dma_start3A_49 = arith.constant 0 : i32
      %dma_start3A_50 = tpu.memref_slice %arg12[%add3A_8, %dma_start3A_49] : memref<10240x128xf32, #tpu.memory_space<vmem_shared>> -> memref<128x128xf32, #tpu.memory_space<vmem_shared>>
      tpu.enqueue_dma source(%arg11 : memref<128x128xf32, #tpu.memory_space<vmem>>) target(%dma_start3A_50 : memref<128x128xf32, #tpu.memory_space<vmem_shared>>) target_semaphore(%run_scoped3A : memref<!tpu.dma_semaphore, #tpu.memory_space<semaphore_mem>>)
      %dma_wait3A = arith.constant 0 : i32
      %dma_wait3A_51 = tpu.memref_slice %arg12[%add3A_8, %dma_wait3A] : memref<10240x128xf32, #tpu.memory_space<vmem_shared>> -> memref<128x128xf32, #tpu.memory_space<vmem_shared>>
      %dma_wait3A_52 = arith.constant 0 : i32
      %dma_wait3A_53 = tpu.memref_slice %arg12[%add3A_8, %dma_wait3A_52] : memref<10240x128xf32, #tpu.memory_space<vmem_shared>> -> memref<128x128xf32, #tpu.memory_space<vmem_shared>>
      tpu.wait_dma2 semaphore(%run_scoped3A : memref<!tpu.dma_semaphore, #tpu.memory_space<semaphore_mem>>) src(%arg11 : memref<128x128xf32, #tpu.memory_space<vmem>>) dst(%dma_wait3A_53 : memref<128x128xf32, #tpu.memory_space<vmem_shared>>)
      tpu.yield
    }) : () -> ()
    %add3A_9 = arith.constant 128 : i32
    %add3A_10 = arith.addi %mul3A_6, %add3A_9 : i32
    "tpu.region"() ({
      %run_scoped3A = tpu.sem_alloc : memref<!tpu.dma_semaphore, #tpu.memory_space<semaphore_mem>>
      %dma_start3A = arith.constant 0 : i32
      %dma_start3A_48 = tpu.memref_slice %arg12[%add3A_10, %dma_start3A] : memref<10240x128xf32, #tpu.memory_space<vmem_shared>> -> memref<128x128xf32, #tpu.memory_space<vmem_shared>>
      %dma_start3A_49 = arith.constant 0 : i32
      %dma_start3A_50 = tpu.memref_slice %arg12[%add3A_10, %dma_start3A_49] : memref<10240x128xf32, #tpu.memory_space<vmem_shared>> -> memref<128x128xf32, #tpu.memory_space<vmem_shared>>
      tpu.enqueue_dma source(%arg11 : memref<128x128xf32, #tpu.memory_space<vmem>>) target(%dma_start3A_50 : memref<128x128xf32, #tpu.memory_space<vmem_shared>>) target_semaphore(%run_scoped3A : memref<!tpu.dma_semaphore, #tpu.memory_space<semaphore_mem>>)
      %dma_wait3A = arith.constant 0 : i32
      %dma_wait3A_51 = tpu.memref_slice %arg12[%add3A_10, %dma_wait3A] : memref<10240x128xf32, #tpu.memory_space<vmem_shared>> -> memref<128x128xf32, #tpu.memory_space<vmem_shared>>
      %dma_wait3A_52 = arith.constant 0 : i32
      %dma_wait3A_53 = tpu.memref_slice %arg12[%add3A_10, %dma_wait3A_52] : memref<10240x128xf32, #tpu.memory_space<vmem_shared>> -> memref<128x128xf32, #tpu.memory_space<vmem_shared>>
      tpu.wait_dma2 semaphore(%run_scoped3A : memref<!tpu.dma_semaphore, #tpu.memory_space<semaphore_mem>>) src(%arg11 : memref<128x128xf32, #tpu.memory_space<vmem>>) dst(%dma_wait3A_53 : memref<128x128xf32, #tpu.memory_space<vmem_shared>>)
      tpu.yield
    }) : () -> ()
    %add3A_11 = arith.constant 256 : i32
    %add3A_12 = arith.addi %mul3A_6, %add3A_11 : i32
    "tpu.region"() ({
      %run_scoped3A = tpu.sem_alloc : memref<!tpu.dma_semaphore, #tpu.memory_space<semaphore_mem>>
      %dma_start3A = arith.constant 0 : i32
      %dma_start3A_48 = tpu.memref_slice %arg12[%add3A_12, %dma_start3A] : memref<10240x128xf32, #tpu.memory_space<vmem_shared>> -> memref<128x128xf32, #tpu.memory_space<vmem_shared>>
      %dma_start3A_49 = arith.constant 0 : i32
      %dma_start3A_50 = tpu.memref_slice %arg12[%add3A_12, %dma_start3A_49] : memref<10240x128xf32, #tpu.memory_space<vmem_shared>> -> memref<128x128xf32, #tpu.memory_space<vmem_shared>>
      tpu.enqueue_dma source(%arg11 : memref<128x128xf32, #tpu.memory_space<vmem>>) target(%dma_start3A_50 : memref<128x128xf32, #tpu.memory_space<vmem_shared>>) target_semaphore(%run_scoped3A : memref<!tpu.dma_semaphore, #tpu.memory_space<semaphore_mem>>)
      %dma_wait3A = arith.constant 0 : i32
      %dma_wait3A_51 = tpu.memref_slice %arg12[%add3A_12, %dma_wait3A] : memref<10240x128xf32, #tpu.memory_space<vmem_shared>> -> memref<128x128xf32, #tpu.memory_space<vmem_shared>>
      %dma_wait3A_52 = arith.constant 0 : i32
      %dma_wait3A_53 = tpu.memref_slice %arg12[%add3A_12, %dma_wait3A_52] : memref<10240x128xf32, #tpu.memory_space<vmem_shared>> -> memref<128x128xf32, #tpu.memory_space<vmem_shared>>
      tpu.wait_dma2 semaphore(%run_scoped3A : memref<!tpu.dma_semaphore, #tpu.memory_space<semaphore_mem>>) src(%arg11 : memref<128x128xf32, #tpu.memory_space<vmem>>) dst(%dma_wait3A_53 : memref<128x128xf32, #tpu.memory_space<vmem_shared>>)
      tpu.yield
    }) : () -> ()
    %add3A_13 = arith.constant 384 : i32
    %add3A_14 = arith.addi %mul3A_6, %add3A_13 : i32
    "tpu.region"() ({
      %run_scoped3A = tpu.sem_alloc : memref<!tpu.dma_semaphore, #tpu.memory_space<semaphore_mem>>
      %dma_start3A = arith.constant 0 : i32
      %dma_start3A_48 = tpu.memref_slice %arg12[%add3A_14, %dma_start3A] : memref<10240x128xf32, #tpu.memory_space<vmem_shared>> -> memref<128x128xf32, #tpu.memory_space<vmem_shared>>
      %dma_start3A_49 = arith.constant 0 : i32
      %dma_start3A_50 = tpu.memref_slice %arg12[%add3A_14, %dma_start3A_49] : memref<10240x128xf32, #tpu.memory_space<vmem_shared>> -> memref<128x128xf32, #tpu.memory_space<vmem_shared>>
      tpu.enqueue_dma source(%arg11 : memref<128x128xf32, #tpu.memory_space<vmem>>) target(%dma_start3A_50 : memref<128x128xf32, #tpu.memory_space<vmem_shared>>) target_semaphore(%run_scoped3A : memref<!tpu.dma_semaphore, #tpu.memory_space<semaphore_mem>>)
      %dma_wait3A = arith.constant 0 : i32
      %dma_wait3A_51 = tpu.memref_slice %arg12[%add3A_14, %dma_wait3A] : memref<10240x128xf32, #tpu.memory_space<vmem_shared>> -> memref<128x128xf32, #tpu.memory_space<vmem_shared>>
      %dma_wait3A_52 = arith.constant 0 : i32
      %dma_wait3A_53 = tpu.memref_slice %arg12[%add3A_14, %dma_wait3A_52] : memref<10240x128xf32, #tpu.memory_space<vmem_shared>> -> memref<128x128xf32, #tpu.memory_space<vmem_shared>>
      tpu.wait_dma2 semaphore(%run_scoped3A : memref<!tpu.dma_semaphore, #tpu.memory_space<semaphore_mem>>) src(%arg11 : memref<128x128xf32, #tpu.memory_space<vmem>>) dst(%dma_wait3A_53 : memref<128x128xf32, #tpu.memory_space<vmem_shared>>)
      tpu.yield
    }) : () -> ()
    %add3A_15 = arith.constant 512 : i32
    %add3A_16 = arith.addi %mul3A_6, %add3A_15 : i32
    "tpu.region"() ({
      %run_scoped3A = tpu.sem_alloc : memref<!tpu.dma_semaphore, #tpu.memory_space<semaphore_mem>>
      %dma_start3A = arith.constant 0 : i32
      %dma_start3A_48 = tpu.memref_slice %arg12[%add3A_16, %dma_start3A] : memref<10240x128xf32, #tpu.memory_space<vmem_shared>> -> memref<128x128xf32, #tpu.memory_space<vmem_shared>>
      %dma_start3A_49 = arith.constant 0 : i32
      %dma_start3A_50 = tpu.memref_slice %arg12[%add3A_16, %dma_start3A_49] : memref<10240x128xf32, #tpu.memory_space<vmem_shared>> -> memref<128x128xf32, #tpu.memory_space<vmem_shared>>
      tpu.enqueue_dma source(%arg11 : memref<128x128xf32, #tpu.memory_space<vmem>>) target(%dma_start3A_50 : memref<128x128xf32, #tpu.memory_space<vmem_shared>>) target_semaphore(%run_scoped3A : memref<!tpu.dma_semaphore, #tpu.memory_space<semaphore_mem>>)
      %dma_wait3A = arith.constant 0 : i32
      %dma_wait3A_51 = tpu.memref_slice %arg12[%add3A_16, %dma_wait3A] : memref<10240x128xf32, #tpu.memory_space<vmem_shared>> -> memref<128x128xf32, #tpu.memory_space<vmem_shared>>
      %dma_wait3A_52 = arith.constant 0 : i32
      %dma_wait3A_53 = tpu.memref_slice %arg12[%add3A_16, %dma_wait3A_52] : memref<10240x128xf32, #tpu.memory_space<vmem_shared>> -> memref<128x128xf32, #tpu.memory_space<vmem_shared>>
      tpu.wait_dma2 semaphore(%run_scoped3A : memref<!tpu.dma_semaphore, #tpu.memory_space<semaphore_mem>>) src(%arg11 : memref<128x128xf32, #tpu.memory_space<vmem>>) dst(%dma_wait3A_53 : memref<128x128xf32, #tpu.memory_space<vmem_shared>>)
      tpu.yield
    }) : () -> ()
    %barrier3A = arith.constant 0 : index
    tpu.barrier barrier_id(%barrier3A)
    %sub3A = arith.constant 2500 : i32
    %sub3A_17 = arith.subi %sub3A, %add3A : i32
    %add3A_18 = arith.constant 32 : i32
    %add3A_19 = arith.addi %sub3A_17, %add3A_18 : i32
    %sub3A_20 = arith.constant 1 : i32
    %sub3A_21 = arith.subi %add3A_19, %sub3A_20 : i32
    %jit3A = arith.constant 32 : i32
    %div3A = arith.divsi %sub3A_21, %jit3A : i32
    %sign3A = arith.constant 0 : i32
    %sign3A_22 = arith.cmpi sgt, %sub3A_21, %sign3A : i32
    %sign3A_23 = arith.extui %sign3A_22 : i1 to i32
    %sign3A_24 = arith.constant 0 : i32
    %sign3A_25 = arith.cmpi slt, %sub3A_21, %sign3A_24 : i32
    %sign3A_26 = arith.extui %sign3A_25 : i1 to i32
    %sign3A_27 = arith.subi %sign3A_23, %sign3A_26 : i32
    %sign3A_28 = arith.constant 0 : i32
    %sign3A_29 = arith.cmpi sgt, %jit3A, %sign3A_28 : i32
    %sign3A_30 = arith.extui %sign3A_29 : i1 to i32
    %sign3A_31 = arith.constant 0 : i32
    %sign3A_32 = arith.cmpi slt, %jit3A, %sign3A_31 : i32
    %sign3A_33 = arith.extui %sign3A_32 : i1 to i32
    %sign3A_34 = arith.subi %sign3A_30, %sign3A_33 : i32
    %ne3A = arith.cmpi ne, %sign3A_27, %sign3A_34 : i32
    %rem3A = arith.remsi %sub3A_21, %jit3A : i32
    %ne3A_35 = arith.constant 0 : i32
    %ne3A_36 = arith.cmpi ne, %rem3A, %ne3A_35 : i32
    %and3A = arith.andi %ne3A, %ne3A_36 : i1
    %sub3A_37 = arith.constant 1 : i32
    %sub3A_38 = arith.subi %div3A, %sub3A_37 : i32
    %select_n3A = arith.select %and3A, %sub3A_38, %div3A : i32
    %while3A = arith.constant 0 : i32
    %while3A_39 = arith.subi %select_n3A, %while3A : i32
    %while3A_40 = arith.addi %while3A, %while3A_39 : i32
    %while3A_41 = arith.constant 1 : i32
    %while3A_42 = arith.divsi %while3A_39, %while3A_41 : i32
    %while3A_43 = arith.muli %while3A_42, %while3A_41 : i32
    %while3A_44 = arith.addi %while3A, %while3A_43 : i32
    %while3A_45 = arith.constant 1 : i32
    scf.for %while3A_48 = %while3A to %while3A_44 step %while3A_45  : i32 {
      %mul3A_49 = arith.constant 32 : i32
      %mul3A_50 = arith.muli %while3A_48, %mul3A_49 : i32
      %add3A_51 = arith.addi %add3A, %mul3A_50 : i32
      %mul3A_52 = arith.constant 128 : i32
      %mul3A_53 = arith.muli %add3A_51, %mul3A_52 : i32
      "tpu.region"() ({
        %run_scoped3A = tpu.sem_alloc : memref<!tpu.dma_semaphore, #tpu.memory_space<semaphore_mem>>
        %dma_start3A_63 = tpu.memref_slice %arg3[%mul3A_53] : memref<320000xi32, #tpu.memory_space<hbm>> -> memref<128xi32, #tpu.memory_space<hbm>>
        %dma_start3A_64 = tpu.memref_slice %arg3[%mul3A_53] : memref<320000xi32, #tpu.memory_space<hbm>> -> memref<128xi32, #tpu.memory_space<hbm>>
        tpu.enqueue_dma source(%dma_start3A_64 : memref<128xi32, #tpu.memory_space<hbm>>) target(%arg7 : memref<128xi32, #tpu.memory_space<vmem>>) target_semaphore(%run_scoped3A : memref<!tpu.dma_semaphore, #tpu.memory_space<semaphore_mem>>)
        %dma_wait3A_65 = tpu.memref_slice %arg3[%mul3A_53] : memref<320000xi32, #tpu.memory_space<hbm>> -> memref<128xi32, #tpu.memory_space<hbm>>
        %dma_wait3A_66 = tpu.memref_slice %arg3[%mul3A_53] : memref<320000xi32, #tpu.memory_space<hbm>> -> memref<128xi32, #tpu.memory_space<hbm>>
        tpu.wait_dma2 semaphore(%run_scoped3A : memref<!tpu.dma_semaphore, #tpu.memory_space<semaphore_mem>>) src(%dma_wait3A_66 : memref<128xi32, #tpu.memory_space<hbm>>) dst(%arg7 : memref<128xi32, #tpu.memory_space<vmem>>)
        tpu.yield
      }) : () -> ()
      "tpu.region"() ({
        %run_scoped3A = tpu.sem_alloc : memref<!tpu.dma_semaphore, #tpu.memory_space<semaphore_mem>>
        %dma_start3A_63 = tpu.memref_slice %arg4[%mul3A_53] : memref<320000xi32, #tpu.memory_space<hbm>> -> memref<128xi32, #tpu.memory_space<hbm>>
        %dma_start3A_64 = tpu.memref_slice %arg4[%mul3A_53] : memref<320000xi32, #tpu.memory_space<hbm>> -> memref<128xi32, #tpu.memory_space<hbm>>
        tpu.enqueue_dma source(%dma_start3A_64 : memref<128xi32, #tpu.memory_space<hbm>>) target(%arg8 : memref<128xi32, #tpu.memory_space<vmem>>) target_semaphore(%run_scoped3A : memref<!tpu.dma_semaphore, #tpu.memory_space<semaphore_mem>>)
        %dma_wait3A_65 = tpu.memref_slice %arg4[%mul3A_53] : memref<320000xi32, #tpu.memory_space<hbm>> -> memref<128xi32, #tpu.memory_space<hbm>>
        %dma_wait3A_66 = tpu.memref_slice %arg4[%mul3A_53] : memref<320000xi32, #tpu.memory_space<hbm>> -> memref<128xi32, #tpu.memory_space<hbm>>
        tpu.wait_dma2 semaphore(%run_scoped3A : memref<!tpu.dma_semaphore, #tpu.memory_space<semaphore_mem>>) src(%dma_wait3A_66 : memref<128xi32, #tpu.memory_space<hbm>>) dst(%arg8 : memref<128xi32, #tpu.memory_space<vmem>>)
        tpu.yield
      }) : () -> ()
      "tpu.region"() ({
        %run_scoped3A = tpu.sem_alloc : memref<!tpu.dma_semaphore, #tpu.memory_space<semaphore_mem>>
        %dma_start3A_63 = tpu.memref_slice %arg5[%mul3A_53] : memref<320000xf32, #tpu.memory_space<hbm>> -> memref<128xf32, #tpu.memory_space<hbm>>
        %dma_start3A_64 = tpu.memref_slice %arg5[%mul3A_53] : memref<320000xf32, #tpu.memory_space<hbm>> -> memref<128xf32, #tpu.memory_space<hbm>>
        tpu.enqueue_dma source(%dma_start3A_64 : memref<128xf32, #tpu.memory_space<hbm>>) target(%arg9 : memref<128xf32, #tpu.memory_space<vmem>>) target_semaphore(%run_scoped3A : memref<!tpu.dma_semaphore, #tpu.memory_space<semaphore_mem>>)
        %dma_wait3A_65 = tpu.memref_slice %arg5[%mul3A_53] : memref<320000xf32, #tpu.memory_space<hbm>> -> memref<128xf32, #tpu.memory_space<hbm>>
        %dma_wait3A_66 = tpu.memref_slice %arg5[%mul3A_53] : memref<320000xf32, #tpu.memory_space<hbm>> -> memref<128xf32, #tpu.memory_space<hbm>>
        tpu.wait_dma2 semaphore(%run_scoped3A : memref<!tpu.dma_semaphore, #tpu.memory_space<semaphore_mem>>) src(%dma_wait3A_66 : memref<128xf32, #tpu.memory_space<hbm>>) dst(%arg9 : memref<128xf32, #tpu.memory_space<vmem>>)
        tpu.yield
      }) : () -> ()
      %dma_start3A = arith.constant 0 : i32
      %dma_start3A_54 = arith.constant 0 : i32
      %dma_start3A_55 = tpu.memref_slice %arg2[%dma_start3A, %dma_start3A_54] : memref<10000x128xf32, #tpu.memory_space<hbm>> -> memref<10000x128xf32, #tpu.memory_space<hbm>>
      tpu.enqueue_indirect_dma source(%dma_start3A_55 : memref<10000x128xf32, #tpu.memory_space<hbm>>) target(%arg10 : memref<128x128xf32, #tpu.memory_space<vmem>>) offsets(%arg7 : memref<128xi32, #tpu.memory_space<vmem>>) semaphore(%arg13 : memref<!tpu.dma_semaphore, #tpu.memory_space<semaphore_mem>>)
      %dma_wait3A = arith.constant 0 : i32
      %dma_wait3A_56 = arith.constant 0 : i32
      %dma_wait3A_57 = tpu.memref_slice %arg2[%dma_wait3A, %dma_wait3A_56] : memref<10000x128xf32, #tpu.memory_space<hbm>> -> memref<10000x128xf32, #tpu.memory_space<hbm>>
      tpu.wait_indirect_dma semaphore(%arg13 : memref<!tpu.dma_semaphore, #tpu.memory_space<semaphore_mem>>) src(%dma_wait3A_57 : memref<10000x128xf32, #tpu.memory_space<hbm>>) dst(%arg10 : memref<128x128xf32, #tpu.memory_space<vmem>>)
      %scan3A_58 = arith.constant 0 : i32
      %scan3A_59 = arith.constant 8 : i32
      %scan3A_60 = arith.addi %scan3A_58, %scan3A_59 : i32
      %scan3A_61 = arith.constant 1 : i32
      scf.for %scan3A_63 = %scan3A_58 to %scan3A_60 step %scan3A_61  : i32 {
        %mul3A_64 = arith.constant 16 : i32
        %mul3A_65 = arith.muli %scan3A_63, %mul3A_64 : i32
        %get3A = arith.index_cast %mul3A_65 : i32 to index
        %get3A_66 = tpu.vector_load %arg9[%get3A] {strides = array<i32>} : memref<128xf32, #tpu.memory_space<vmem>>, vector<16xf32>,
        %get3A_67 = vector.shape_cast %get3A_66 : vector<16xf32> to vector<16xf32>
        %broadcast_in_dim3A = arith.constant 0 : i32
        %broadcast_in_dim3A_68 = vector.broadcast %broadcast_in_dim3A : i32 to vector<16xi32>
        %lt3A = arith.constant 0 : i32
        %lt3A_69 = vector.broadcast %lt3A : i32 to vector<16xi32>
        %lt3A_70 = arith.cmpi slt, %broadcast_in_dim3A_68, %lt3A_69 : vector<16xi32>
        %add3A_71 = arith.constant 16 : i32
        %add3A_72 = vector.broadcast %add3A_71 : i32 to vector<16xi32>
        %add3A_73 = arith.addi %broadcast_in_dim3A_68, %add3A_72 : vector<16xi32>
        %select_n3A_74 = arith.select %lt3A_70, %add3A_73, %broadcast_in_dim3A_68 : vector<16xi1>, vector<16xi32>
        %broadcast_in_dim3A_75 = vector.shape_cast %select_n3A_74 : vector<16xi32> to vector<16x1xi32>
        %gather3A = vector.shape_cast %broadcast_in_dim3A_75 : vector<16x1xi32> to vector<16xi32>
        %gather3A_76 = tpu.dynamic_gather %get3A_67[%gather3A] in [0] : vector<16xf32>, vector<16xi32> -> vector<16xf32>
        %mul3A_77 = arith.constant 16 : i32
        %mul3A_78 = arith.muli %scan3A_63, %mul3A_77 : i32
        %add3A_79 = arith.constant 0 : i32
        %add3A_80 = arith.addi %mul3A_78, %add3A_79 : i32
        %get3A_81 = arith.index_cast %add3A_80 : i32 to index
        %get3A_82 = arith.constant 0 : index
        %get3A_83 = tpu.vector_load %arg10[%get3A_81, %get3A_82] {strides = array<i32>} : memref<128x128xf32, #tpu.memory_space<vmem>>, vector<1x16xf32>,
        %get3A_84 = vector.shape_cast %get3A_83 : vector<1x16xf32> to vector<16xf32>
        %mul3A_85 = arith.mulf %get3A_84, %gather3A_76 : vector<16xf32>
        %swap3A = arith.index_cast %add3A_80 : i32 to index
        %swap3A_86 = arith.constant 0 : index
        %swap3A_87 = tpu.vector_load %arg10[%swap3A, %swap3A_86] {strides = array<i32>} : memref<128x128xf32, #tpu.memory_space<vmem>>, vector<1x16xf32>,
        %swap3A_88 = vector.shape_cast %swap3A_87 : vector<1x16xf32> to vector<16xf32>
        %swap3A_89 = vector.shape_cast %mul3A_85 : vector<16xf32> to vector<1x16xf32>
        tpu.vector_store %arg10[%swap3A, %swap3A_86], %swap3A_89 {strides = array<i32>} : memref<128x128xf32, #tpu.memory_space<vmem>>, vector<1x16xf32>,
        %get3A_90 = arith.index_cast %add3A_80 : i32 to index
        %get3A_91 = arith.constant 16 : index
        %get3A_92 = tpu.vector_load %arg10[%get3A_90, %get3A_91] {strides = array<i32>} : memref<128x128xf32, #tpu.memory_space<vmem>>, vector<1x16xf32>,
        %get3A_93 = vector.shape_cast %get3A_92 : vector<1x16xf32> to vector<16xf32>
        %mul3A_94 = arith.mulf %get3A_93, %gather3A_76 : vector<16xf32>
        %swap3A_95 = arith.index_cast %add3A_80 : i32 to index
        %swap3A_96 = arith.constant 16 : index
        %swap3A_97 = tpu.vector_load %arg10[%swap3A_95, %swap3A_96] {strides = array<i32>} : memref<128x128xf32, #tpu.memory_space<vmem>>, vector<1x16xf32>,
        %swap3A_98 = vector.shape_cast %swap3A_97 : vector<1x16xf32> to vector<16xf32>
        %swap3A_99 = vector.shape_cast %mul3A_94 : vector<16xf32> to vector<1x16xf32>
        tpu.vector_store %arg10[%swap3A_95, %swap3A_96], %swap3A_99 {strides = array<i32>} : memref<128x128xf32, #tpu.memory_space<vmem>>, vector<1x16xf32>,
        %get3A_100 = arith.index_cast %add3A_80 : i32 to index
        %get3A_101 = arith.constant 32 : index
        %get3A_102 = tpu.vector_load %arg10[%get3A_100, %get3A_101] {strides = array<i32>} : memref<128x128xf32, #tpu.memory_space<vmem>>, vector<1x16xf32>,
        %get3A_103 = vector.shape_cast %get3A_102 : vector<1x16xf32> to vector<16xf32>
        %mul3A_104 = arith.mulf %get3A_103, %gather3A_76 : vector<16xf32>
        %swap3A_105 = arith.index_cast %add3A_80 : i32 to index
        %swap3A_106 = arith.constant 32 : index
        %swap3A_107 = tpu.vector_load %arg10[%swap3A_105, %swap3A_106] {strides = array<i32>} : memref<128x128xf32, #tpu.memory_space<vmem>>, vector<1x16xf32>,
        %swap3A_108 = vector.shape_cast %swap3A_107 : vector<1x16xf32> to vector<16xf32>
        %swap3A_109 = vector.shape_cast %mul3A_104 : vector<16xf32> to vector<1x16xf32>
        tpu.vector_store %arg10[%swap3A_105, %swap3A_106], %swap3A_109 {strides = array<i32>} : memref<128x128xf32, #tpu.memory_space<vmem>>, vector<1x16xf32>,
        %get3A_110 = arith.index_cast %add3A_80 : i32 to index
        %get3A_111 = arith.constant 48 : index
        %get3A_112 = tpu.vector_load %arg10[%get3A_110, %get3A_111] {strides = array<i32>} : memref<128x128xf32, #tpu.memory_space<vmem>>, vector<1x16xf32>,
        %get3A_113 = vector.shape_cast %get3A_112 : vector<1x16xf32> to vector<16xf32>
        %mul3A_114 = arith.mulf %get3A_113, %gather3A_76 : vector<16xf32>
        %swap3A_115 = arith.index_cast %add3A_80 : i32 to index
        %swap3A_116 = arith.constant 48 : index
        %swap3A_117 = tpu.vector_load %arg10[%swap3A_115, %swap3A_116] {strides = array<i32>} : memref<128x128xf32, #tpu.memory_space<vmem>>, vector<1x16xf32>,
        %swap3A_118 = vector.shape_cast %swap3A_117 : vector<1x16xf32> to vector<16xf32>
        %swap3A_119 = vector.shape_cast %mul3A_114 : vector<16xf32> to vector<1x16xf32>
        tpu.vector_store %arg10[%swap3A_115, %swap3A_116], %swap3A_119 {strides = array<i32>} : memref<128x128xf32, #tpu.memory_space<vmem>>, vector<1x16xf32>,
        %get3A_120 = arith.index_cast %add3A_80 : i32 to index
        %get3A_121 = arith.constant 64 : index
        %get3A_122 = tpu.vector_load %arg10[%get3A_120, %get3A_121] {strides = array<i32>} : memref<128x128xf32, #tpu.memory_space<vmem>>, vector<1x16xf32>,
        %get3A_123 = vector.shape_cast %get3A_122 : vector<1x16xf32> to vector<16xf32>
        %mul3A_124 = arith.mulf %get3A_123, %gather3A_76 : vector<16xf32>
        %swap3A_125 = arith.index_cast %add3A_80 : i32 to index
        %swap3A_126 = arith.constant 64 : index
        %swap3A_127 = tpu.vector_load %arg10[%swap3A_125, %swap3A_126] {strides = array<i32>} : memref<128x128xf32, #tpu.memory_space<vmem>>, vector<1x16xf32>,
        %swap3A_128 = vector.shape_cast %swap3A_127 : vector<1x16xf32> to vector<16xf32>
        %swap3A_129 = vector.shape_cast %mul3A_124 : vector<16xf32> to vector<1x16xf32>
        tpu.vector_store %arg10[%swap3A_125, %swap3A_126], %swap3A_129 {strides = array<i32>} : memref<128x128xf32, #tpu.memory_space<vmem>>, vector<1x16xf32>,
        %get3A_130 = arith.index_cast %add3A_80 : i32 to index
        %get3A_131 = arith.constant 80 : index
        %get3A_132 = tpu.vector_load %arg10[%get3A_130, %get3A_131] {strides = array<i32>} : memref<128x128xf32, #tpu.memory_space<vmem>>, vector<1x16xf32>,
        %get3A_133 = vector.shape_cast %get3A_132 : vector<1x16xf32> to vector<16xf32>
        %mul3A_134 = arith.mulf %get3A_133, %gather3A_76 : vector<16xf32>
        %swap3A_135 = arith.index_cast %add3A_80 : i32 to index
        %swap3A_136 = arith.constant 80 : index
        %swap3A_137 = tpu.vector_load %arg10[%swap3A_135, %swap3A_136] {strides = array<i32>} : memref<128x128xf32, #tpu.memory_space<vmem>>, vector<1x16xf32>,
        %swap3A_138 = vector.shape_cast %swap3A_137 : vector<1x16xf32> to vector<16xf32>
        %swap3A_139 = vector.shape_cast %mul3A_134 : vector<16xf32> to vector<1x16xf32>
        tpu.vector_store %arg10[%swap3A_135, %swap3A_136], %swap3A_139 {strides = array<i32>} : memref<128x128xf32, #tpu.memory_space<vmem>>, vector<1x16xf32>,
        %get3A_140 = arith.index_cast %add3A_80 : i32 to index
        %get3A_141 = arith.constant 96 : index
        %get3A_142 = tpu.vector_load %arg10[%get3A_140, %get3A_141] {strides = array<i32>} : memref<128x128xf32, #tpu.memory_space<vmem>>, vector<1x16xf32>,
        %get3A_143 = vector.shape_cast %get3A_142 : vector<1x16xf32> to vector<16xf32>
        %mul3A_144 = arith.mulf %get3A_143, %gather3A_76 : vector<16xf32>
        %swap3A_145 = arith.index_cast %add3A_80 : i32 to index
        %swap3A_146 = arith.constant 96 : index
        %swap3A_147 = tpu.vector_load %arg10[%swap3A_145, %swap3A_146] {strides = array<i32>} : memref<128x128xf32, #tpu.memory_space<vmem>>, vector<1x16xf32>,
        %swap3A_148 = vector.shape_cast %swap3A_147 : vector<1x16xf32> to vector<16xf32>
        %swap3A_149 = vector.shape_cast %mul3A_144 : vector<16xf32> to vector<1x16xf32>
        tpu.vector_store %arg10[%swap3A_145, %swap3A_146], %swap3A_149 {strides = array<i32>} : memref<128x128xf32, #tpu.memory_space<vmem>>, vector<1x16xf32>,
        %get3A_150 = arith.index_cast %add3A_80 : i32 to index
        %get3A_151 = arith.constant 112 : index
        %get3A_152 = tpu.vector_load %arg10[%get3A_150, %get3A_151] {strides = array<i32>} : memref<128x128xf32, #tpu.memory_space<vmem>>, vector<1x16xf32>,
        %get3A_153 = vector.shape_cast %get3A_152 : vector<1x16xf32> to vector<16xf32>
        %mul3A_154 = arith.mulf %get3A_153, %gather3A_76 : vector<16xf32>
        %swap3A_155 = arith.index_cast %add3A_80 : i32 to index
        %swap3A_156 = arith.constant 112 : index
        %swap3A_157 = tpu.vector_load %arg10[%swap3A_155, %swap3A_156] {strides = array<i32>} : memref<128x128xf32, #tpu.memory_space<vmem>>, vector<1x16xf32>,
        %swap3A_158 = vector.shape_cast %swap3A_157 : vector<1x16xf32> to vector<16xf32>
        %swap3A_159 = vector.shape_cast %mul3A_154 : vector<16xf32> to vector<1x16xf32>
        tpu.vector_store %arg10[%swap3A_155, %swap3A_156], %swap3A_159 {strides = array<i32>} : memref<128x128xf32, #tpu.memory_space<vmem>>, vector<1x16xf32>,
        %broadcast_in_dim3A_160 = arith.constant 1 : i32
        %broadcast_in_dim3A_161 = vector.broadcast %broadcast_in_dim3A_160 : i32 to vector<16xi32>
        %lt3A_162 = arith.constant 0 : i32
        %lt3A_163 = vector.broadcast %lt3A_162 : i32 to vector<16xi32>
        %lt3A_164 = arith.cmpi slt, %broadcast_in_dim3A_161, %lt3A_163 : vector<16xi32>
        %add3A_165 = arith.constant 16 : i32
        %add3A_166 = vector.broadcast %add3A_165 : i32 to vector<16xi32>
        %add3A_167 = arith.addi %broadcast_in_dim3A_161, %add3A_166 : vector<16xi32>
        %select_n3A_168 = arith.select %lt3A_164, %add3A_167, %broadcast_in_dim3A_161 : vector<16xi1>, vector<16xi32>
        %broadcast_in_dim3A_169 = vector.shape_cast %select_n3A_168 : vector<16xi32> to vector<16x1xi32>
        %gather3A_170 = vector.shape_cast %broadcast_in_dim3A_169 : vector<16x1xi32> to vector<16xi32>
        %gather3A_171 = tpu.dynamic_gather %get3A_67[%gather3A_170] in [0] : vector<16xf32>, vector<16xi32> -> vector<16xf32>
        %mul3A_172 = arith.constant 16 : i32
        %mul3A_173 = arith.muli %scan3A_63, %mul3A_172 : i32
        %add3A_174 = arith.constant 1 : i32
        %add3A_175 = arith.addi %mul3A_173, %add3A_174 : i32
        %get3A_176 = arith.index_cast %add3A_175 : i32 to index
        %get3A_177 = arith.constant 0 : index
        %get3A_178 = tpu.vector_load %arg10[%get3A_176, %get3A_177] {strides = array<i32>} : memref<128x128xf32, #tpu.memory_space<vmem>>, vector<1x16xf32>,
        %get3A_179 = vector.shape_cast %get3A_178 : vector<1x16xf32> to vector<16xf32>
        %mul3A_180 = arith.mulf %get3A_179, %gather3A_171 : vector<16xf32>
        %swap3A_181 = arith.index_cast %add3A_175 : i32 to index
        %swap3A_182 = arith.constant 0 : index
        %swap3A_183 = tpu.vector_load %arg10[%swap3A_181, %swap3A_182] {strides = array<i32>} : memref<128x128xf32, #tpu.memory_space<vmem>>, vector<1x16xf32>,
        %swap3A_184 = vector.shape_cast %swap3A_183 : vector<1x16xf32> to vector<16xf32>
        %swap3A_185 = vector.shape_cast %mul3A_180 : vector<16xf32> to vector<1x16xf32>
        tpu.vector_store %arg10[%swap3A_181, %swap3A_182], %swap3A_185 {strides = array<i32>} : memref<128x128xf32, #tpu.memory_space<vmem>>, vector<1x16xf32>,
        %get3A_186 = arith.index_cast %add3A_175 : i32 to index
        %get3A_187 = arith.constant 16 : index
        %get3A_188 = tpu.vector_load %arg10[%get3A_186, %get3A_187] {strides = array<i32>} : memref<128x128xf32, #tpu.memory_space<vmem>>, vector<1x16xf32>,
        %get3A_189 = vector.shape_cast %get3A_188 : vector<1x16xf32> to vector<16xf32>
        %mul3A_190 = arith.mulf %get3A_189, %gather3A_171 : vector<16xf32>
        %swap3A_191 = arith.index_cast %add3A_175 : i32 to index
        %swap3A_192 = arith.constant 16 : index
        %swap3A_193 = tpu.vector_load %arg10[%swap3A_191, %swap3A_192] {strides = array<i32>} : memref<128x128xf32, #tpu.memory_space<vmem>>, vector<1x16xf32>,
        %swap3A_194 = vector.shape_cast %swap3A_193 : vector<1x16xf32> to vector<16xf32>
        %swap3A_195 = vector.shape_cast %mul3A_190 : vector<16xf32> to vector<1x16xf32>
        tpu.vector_store %arg10[%swap3A_191, %swap3A_192], %swap3A_195 {strides = array<i32>} : memref<128x128xf32, #tpu.memory_space<vmem>>, vector<1x16xf32>,
        %get3A_196 = arith.index_cast %add3A_175 : i32 to index
        %get3A_197 = arith.constant 32 : index
        %get3A_198 = tpu.vector_load %arg10[%get3A_196, %get3A_197] {strides = array<i32>} : memref<128x128xf32, #tpu.memory_space<vmem>>, vector<1x16xf32>,
        %get3A_199 = vector.shape_cast %get3A_198 : vector<1x16xf32> to vector<16xf32>
        %mul3A_200 = arith.mulf %get3A_199, %gather3A_171 : vector<16xf32>
        %swap3A_201 = arith.index_cast %add3A_175 : i32 to index
        %swap3A_202 = arith.constant 32 : index
        %swap3A_203 = tpu.vector_load %arg10[%swap3A_201, %swap3A_202] {strides = array<i32>} : memref<128x128xf32, #tpu.memory_space<vmem>>, vector<1x16xf32>,
        %swap3A_204 = vector.shape_cast %swap3A_203 : vector<1x16xf32> to vector<16xf32>
        %swap3A_205 = vector.shape_cast %mul3A_200 : vector<16xf32> to vector<1x16xf32>
        tpu.vector_store %arg10[%swap3A_201, %swap3A_202], %swap3A_205 {strides = array<i32>} : memref<128x128xf32, #tpu.memory_space<vmem>>, vector<1x16xf32>,
        %get3A_206 = arith.index_cast %add3A_175 : i32 to index
        %get3A_207 = arith.constant 48 : index
        %get3A_208 = tpu.vector_load %arg10[%get3A_206, %get3A_207] {strides = array<i32>} : memref<128x128xf32, #tpu.memory_space<vmem>>, vector<1x16xf32>,
        %get3A_209 = vector.shape_cast %get3A_208 : vector<1x16xf32> to vector<16xf32>
        %mul3A_210 = arith.mulf %get3A_209, %gather3A_171 : vector<16xf32>
        %swap3A_211 = arith.index_cast %add3A_175 : i32 to index
        %swap3A_212 = arith.constant 48 : index
        %swap3A_213 = tpu.vector_load %arg10[%swap3A_211, %swap3A_212] {strides = array<i32>} : memref<128x128xf32, #tpu.memory_space<vmem>>, vector<1x16xf32>,
        %swap3A_214 = vector.shape_cast %swap3A_213 : vector<1x16xf32> to vector<16xf32>
        %swap3A_215 = vector.shape_cast %mul3A_210 : vector<16xf32> to vector<1x16xf32>
        tpu.vector_store %arg10[%swap3A_211, %swap3A_212], %swap3A_215 {strides = array<i32>} : memref<128x128xf32, #tpu.memory_space<vmem>>, vector<1x16xf32>,
        %get3A_216 = arith.index_cast %add3A_175 : i32 to index
        %get3A_217 = arith.constant 64 : index
        %get3A_218 = tpu.vector_load %arg10[%get3A_216, %get3A_217] {strides = array<i32>} : memref<128x128xf32, #tpu.memory_space<vmem>>, vector<1x16xf32>,
        %get3A_219 = vector.shape_cast %get3A_218 : vector<1x16xf32> to vector<16xf32>
        %mul3A_220 = arith.mulf %get3A_219, %gather3A_171 : vector<16xf32>
        %swap3A_221 = arith.index_cast %add3A_175 : i32 to index
        %swap3A_222 = arith.constant 64 : index
        %swap3A_223 = tpu.vector_load %arg10[%swap3A_221, %swap3A_222] {strides = array<i32>} : memref<128x128xf32, #tpu.memory_space<vmem>>, vector<1x16xf32>,
        %swap3A_224 = vector.shape_cast %swap3A_223 : vector<1x16xf32> to vector<16xf32>
        %swap3A_225 = vector.shape_cast %mul3A_220 : vector<16xf32> to vector<1x16xf32>
        tpu.vector_store %arg10[%swap3A_221, %swap3A_222], %swap3A_225 {strides = array<i32>} : memref<128x128xf32, #tpu.memory_space<vmem>>, vector<1x16xf32>,
        %get3A_226 = arith.index_cast %add3A_175 : i32 to index
        %get3A_227 = arith.constant 80 : index
        %get3A_228 = tpu.vector_load %arg10[%get3A_226, %get3A_227] {strides = array<i32>} : memref<128x128xf32, #tpu.memory_space<vmem>>, vector<1x16xf32>,
        %get3A_229 = vector.shape_cast %get3A_228 : vector<1x16xf32> to vector<16xf32>
        %mul3A_230 = arith.mulf %get3A_229, %gather3A_171 : vector<16xf32>
        %swap3A_231 = arith.index_cast %add3A_175 : i32 to index
        %swap3A_232 = arith.constant 80 : index
        %swap3A_233 = tpu.vector_load %arg10[%swap3A_231, %swap3A_232] {strides = array<i32>} : memref<128x128xf32, #tpu.memory_space<vmem>>, vector<1x16xf32>,
        %swap3A_234 = vector.shape_cast %swap3A_233 : vector<1x16xf32> to vector<16xf32>
        %swap3A_235 = vector.shape_cast %mul3A_230 : vector<16xf32> to vector<1x16xf32>
        tpu.vector_store %arg10[%swap3A_231, %swap3A_232], %swap3A_235 {strides = array<i32>} : memref<128x128xf32, #tpu.memory_space<vmem>>, vector<1x16xf32>,
        %get3A_236 = arith.index_cast %add3A_175 : i32 to index
        %get3A_237 = arith.constant 96 : index
        %get3A_238 = tpu.vector_load %arg10[%get3A_236, %get3A_237] {strides = array<i32>} : memref<128x128xf32, #tpu.memory_space<vmem>>, vector<1x16xf32>,
        %get3A_239 = vector.shape_cast %get3A_238 : vector<1x16xf32> to vector<16xf32>
        %mul3A_240 = arith.mulf %get3A_239, %gather3A_171 : vector<16xf32>
        %swap3A_241 = arith.index_cast %add3A_175 : i32 to index
        %swap3A_242 = arith.constant 96 : index
        %swap3A_243 = tpu.vector_load %arg10[%swap3A_241, %swap3A_242] {strides = array<i32>} : memref<128x128xf32, #tpu.memory_space<vmem>>, vector<1x16xf32>,
        %swap3A_244 = vector.shape_cast %swap3A_243 : vector<1x16xf32> to vector<16xf32>
        %swap3A_245 = vector.shape_cast %mul3A_240 : vector<16xf32> to vector<1x16xf32>
        tpu.vector_store %arg10[%swap3A_241, %swap3A_242], %swap3A_245 {strides = array<i32>} : memref<128x128xf32, #tpu.memory_space<vmem>>, vector<1x16xf32>,
        %get3A_246 = arith.index_cast %add3A_175 : i32 to index
        %get3A_247 = arith.constant 112 : index
        %get3A_248 = tpu.vector_load %arg10[%get3A_246, %get3A_247] {strides = array<i32>} : memref<128x128xf32, #tpu.memory_space<vmem>>, vector<1x16xf32>,
        %get3A_249 = vector.shape_cast %get3A_248 : vector<1x16xf32> to vector<16xf32>
        %mul3A_250 = arith.mulf %get3A_249, %gather3A_171 : vector<16xf32>
        %swap3A_251 = arith.index_cast %add3A_175 : i32 to index
        %swap3A_252 = arith.constant 112 : index
        %swap3A_253 = tpu.vector_load %arg10[%swap3A_251, %swap3A_252] {strides = array<i32>} : memref<128x128xf32, #tpu.memory_space<vmem>>, vector<1x16xf32>,
        %swap3A_254 = vector.shape_cast %swap3A_253 : vector<1x16xf32> to vector<16xf32>
        %swap3A_255 = vector.shape_cast %mul3A_250 : vector<16xf32> to vector<1x16xf32>
        tpu.vector_store %arg10[%swap3A_251, %swap3A_252], %swap3A_255 {strides = array<i32>} : memref<128x128xf32, #tpu.memory_space<vmem>>, vector<1x16xf32>,
        %broadcast_in_dim3A_256 = arith.constant 2 : i32
        %broadcast_in_dim3A_257 = vector.broadcast %broadcast_in_dim3A_256 : i32 to vector<16xi32>
        %lt3A_258 = arith.constant 0 : i32
        %lt3A_259 = vector.broadcast %lt3A_258 : i32 to vector<16xi32>
        %lt3A_260 = arith.cmpi slt, %broadcast_in_dim3A_257, %lt3A_259 : vector<16xi32>
        %add3A_261 = arith.constant 16 : i32
        %add3A_262 = vector.broadcast %add3A_261 : i32 to vector<16xi32>
        %add3A_263 = arith.addi %broadcast_in_dim3A_257, %add3A_262 : vector<16xi32>
        %select_n3A_264 = arith.select %lt3A_260, %add3A_263, %broadcast_in_dim3A_257 : vector<16xi1>, vector<16xi32>
        %broadcast_in_dim3A_265 = vector.shape_cast %select_n3A_264 : vector<16xi32> to vector<16x1xi32>
        %gather3A_266 = vector.shape_cast %broadcast_in_dim3A_265 : vector<16x1xi32> to vector<16xi32>
        %gather3A_267 = tpu.dynamic_gather %get3A_67[%gather3A_266] in [0] : vector<16xf32>, vector<16xi32> -> vector<16xf32>
        %mul3A_268 = arith.constant 16 : i32
        %mul3A_269 = arith.muli %scan3A_63, %mul3A_268 : i32
        %add3A_270 = arith.constant 2 : i32
        %add3A_271 = arith.addi %mul3A_269, %add3A_270 : i32
        %get3A_272 = arith.index_cast %add3A_271 : i32 to index
        %get3A_273 = arith.constant 0 : index
        %get3A_274 = tpu.vector_load %arg10[%get3A_272, %get3A_273] {strides = array<i32>} : memref<128x128xf32, #tpu.memory_space<vmem>>, vector<1x16xf32>,
        %get3A_275 = vector.shape_cast %get3A_274 : vector<1x16xf32> to vector<16xf32>
        %mul3A_276 = arith.mulf %get3A_275, %gather3A_267 : vector<16xf32>
        %swap3A_277 = arith.index_cast %add3A_271 : i32 to index
        %swap3A_278 = arith.constant 0 : index
        %swap3A_279 = tpu.vector_load %arg10[%swap3A_277, %swap3A_278] {strides = array<i32>} : memref<128x128xf32, #tpu.memory_space<vmem>>, vector<1x16xf32>,
        %swap3A_280 = vector.shape_cast %swap3A_279 : vector<1x16xf32> to vector<16xf32>
        %swap3A_281 = vector.shape_cast %mul3A_276 : vector<16xf32> to vector<1x16xf32>
        tpu.vector_store %arg10[%swap3A_277, %swap3A_278], %swap3A_281 {strides = array<i32>} : memref<128x128xf32, #tpu.memory_space<vmem>>, vector<1x16xf32>,
        %get3A_282 = arith.index_cast %add3A_271 : i32 to index
        %get3A_283 = arith.constant 16 : index
        %get3A_284 = tpu.vector_load %arg10[%get3A_282, %get3A_283] {strides = array<i32>} : memref<128x128xf32, #tpu.memory_space<vmem>>, vector<1x16xf32>,
        %get3A_285 = vector.shape_cast %get3A_284 : vector<1x16xf32> to vector<16xf32>
        %mul3A_286 = arith.mulf %get3A_285, %gather3A_267 : vector<16xf32>
        %swap3A_287 = arith.index_cast %add3A_271 : i32 to index
        %swap3A_288 = arith.constant 16 : index
        %swap3A_289 = tpu.vector_load %arg10[%swap3A_287, %swap3A_288] {strides = array<i32>} : memref<128x128xf32, #tpu.memory_space<vmem>>, vector<1x16xf32>,
        %swap3A_290 = vector.shape_cast %swap3A_289 : vector<1x16xf32> to vector<16xf32>
        %swap3A_291 = vector.shape_cast %mul3A_286 : vector<16xf32> to vector<1x16xf32>
        tpu.vector_store %arg10[%swap3A_287, %swap3A_288], %swap3A_291 {strides = array<i32>} : memref<128x128xf32, #tpu.memory_space<vmem>>, vector<1x16xf32>,
        %get3A_292 = arith.index_cast %add3A_271 : i32 to index
        %get3A_293 = arith.constant 32 : index
        %get3A_294 = tpu.vector_load %arg10[%get3A_292, %get3A_293] {strides = array<i32>} : memref<128x128xf32, #tpu.memory_space<vmem>>, vector<1x16xf32>,
        %get3A_295 = vector.shape_cast %get3A_294 : vector<1x16xf32> to vector<16xf32>
        %mul3A_296 = arith.mulf %get3A_295, %gather3A_267 : vector<16xf32>
        %swap3A_297 = arith.index_cast %add3A_271 : i32 to index
        %swap3A_298 = arith.constant 32 : index
        %swap3A_299 = tpu.vector_load %arg10[%swap3A_297, %swap3A_298] {strides = array<i32>} : memref<128x128xf32, #tpu.memory_space<vmem>>, vector<1x16xf32>,
        %swap3A_300 = vector.shape_cast %swap3A_299 : vector<1x16xf32> to vector<16xf32>
        %swap3A_301 = vector.shape_cast %mul3A_296 : vector<16xf32> to vector<1x16xf32>
        tpu.vector_store %arg10[%swap3A_297, %swap3A_298], %swap3A_301 {strides = array<i32>} : memref<128x128xf32, #tpu.memory_space<vmem>>, vector<1x16xf32>,
        %get3A_302 = arith.index_cast %add3A_271 : i32 to index
        %get3A_303 = arith.constant 48 : index
        %get3A_304 = tpu.vector_load %arg10[%get3A_302, %get3A_303] {strides = array<i32>} : memref<128x128xf32, #tpu.memory_space<vmem>>, vector<1x16xf32>,
        %get3A_305 = vector.shape_cast %get3A_304 : vector<1x16xf32> to vector<16xf32>
        %mul3A_306 = arith.mulf %get3A_305, %gather3A_267 : vector<16xf32>
        %swap3A_307 = arith.index_cast %add3A_271 : i32 to index
        %swap3A_308 = arith.constant 48 : index
        %swap3A_309 = tpu.vector_load %arg10[%swap3A_307, %swap3A_308] {strides = array<i32>} : memref<128x128xf32, #tpu.memory_space<vmem>>, vector<1x16xf32>,
        %swap3A_310 = vector.shape_cast %swap3A_309 : vector<1x16xf32> to vector<16xf32>
        %swap3A_311 = vector.shape_cast %mul3A_306 : vector<16xf32> to vector<1x16xf32>
        tpu.vector_store %arg10[%swap3A_307, %swap3A_308], %swap3A_311 {strides = array<i32>} : memref<128x128xf32, #tpu.memory_space<vmem>>, vector<1x16xf32>,
        %get3A_312 = arith.index_cast %add3A_271 : i32 to index
        %get3A_313 = arith.constant 64 : index
        %get3A_314 = tpu.vector_load %arg10[%get3A_312, %get3A_313] {strides = array<i32>} : memref<128x128xf32, #tpu.memory_space<vmem>>, vector<1x16xf32>,
        %get3A_315 = vector.shape_cast %get3A_314 : vector<1x16xf32> to vector<16xf32>
        %mul3A_316 = arith.mulf %get3A_315, %gather3A_267 : vector<16xf32>
        %swap3A_317 = arith.index_cast %add3A_271 : i32 to index
        %swap3A_318 = arith.constant 64 : index
        %swap3A_319 = tpu.vector_load %arg10[%swap3A_317, %swap3A_318] {strides = array<i32>} : memref<128x128xf32, #tpu.memory_space<vmem>>, vector<1x16xf32>,
        %swap3A_320 = vector.shape_cast %swap3A_319 : vector<1x16xf32> to vector<16xf32>
        %swap3A_321 = vector.shape_cast %mul3A_316 : vector<16xf32> to vector<1x16xf32>
        tpu.vector_store %arg10[%swap3A_317, %swap3A_318], %swap3A_321 {strides = array<i32>} : memref<128x128xf32, #tpu.memory_space<vmem>>, vector<1x16xf32>,
        %get3A_322 = arith.index_cast %add3A_271 : i32 to index
        %get3A_323 = arith.constant 80 : index
        %get3A_324 = tpu.vector_load %arg10[%get3A_322, %get3A_323] {strides = array<i32>} : memref<128x128xf32, #tpu.memory_space<vmem>>, vector<1x16xf32>,
        %get3A_325 = vector.shape_cast %get3A_324 : vector<1x16xf32> to vector<16xf32>
        %mul3A_326 = arith.mulf %get3A_325, %gather3A_267 : vector<16xf32>
        %swap3A_327 = arith.index_cast %add3A_271 : i32 to index
        %swap3A_328 = arith.constant 80 : index
        %swap3A_329 = tpu.vector_load %arg10[%swap3A_327, %swap3A_328] {strides = array<i32>} : memref<128x128xf32, #tpu.memory_space<vmem>>, vector<1x16xf32>,
        %swap3A_330 = vector.shape_cast %swap3A_329 : vector<1x16xf32> to vector<16xf32>
        %swap3A_331 = vector.shape_cast %mul3A_326 : vector<16xf32> to vector<1x16xf32>
        tpu.vector_store %arg10[%swap3A_327, %swap3A_328], %swap3A_331 {strides = array<i32>} : memref<128x128xf32, #tpu.memory_space<vmem>>, vector<1x16xf32>,
        %get3A_332 = arith.index_cast %add3A_271 : i32 to index
        %get3A_333 = arith.constant 96 : index
        %get3A_334 = tpu.vector_load %arg10[%get3A_332, %get3A_333] {strides = array<i32>} : memref<128x128xf32, #tpu.memory_space<vmem>>, vector<1x16xf32>,
        %get3A_335 = vector.shape_cast %get3A_334 : vector<1x16xf32> to vector<16xf32>
        %mul3A_336 = arith.mulf %get3A_335, %gather3A_267 : vector<16xf32>
        %swap3A_337 = arith.index_cast %add3A_271 : i32 to index
        %swap3A_338 = arith.constant 96 : index
        %swap3A_339 = tpu.vector_load %arg10[%swap3A_337, %swap3A_338] {strides = array<i32>} : memref<128x128xf32, #tpu.memory_space<vmem>>, vector<1x16xf32>,
        %swap3A_340 = vector.shape_cast %swap3A_339 : vector<1x16xf32> to vector<16xf32>
        %swap3A_341 = vector.shape_cast %mul3A_336 : vector<16xf32> to vector<1x16xf32>
        tpu.vector_store %arg10[%swap3A_337, %swap3A_338], %swap3A_341 {strides = array<i32>} : memref<128x128xf32, #tpu.memory_space<vmem>>, vector<1x16xf32>,
        %get3A_342 = arith.index_cast %add3A_271 : i32 to index
        %get3A_343 = arith.constant 112 : index
        %get3A_344 = tpu.vector_load %arg10[%get3A_342, %get3A_343] {strides = array<i32>} : memref<128x128xf32, #tpu.memory_space<vmem>>, vector<1x16xf32>,
        %get3A_345 = vector.shape_cast %get3A_344 : vector<1x16xf32> to vector<16xf32>
        %mul3A_346 = arith.mulf %get3A_345, %gather3A_267 : vector<16xf32>
        %swap3A_347 = arith.index_cast %add3A_271 : i32 to index
        %swap3A_348 = arith.constant 112 : index
        %swap3A_349 = tpu.vector_load %arg10[%swap3A_347, %swap3A_348] {strides = array<i32>} : memref<128x128xf32, #tpu.memory_space<vmem>>, vector<1x16xf32>,
        %swap3A_350 = vector.shape_cast %swap3A_349 : vector<1x16xf32> to vector<16xf32>
        %swap3A_351 = vector.shape_cast %mul3A_346 : vector<16xf32> to vector<1x16xf32>
        tpu.vector_store %arg10[%swap3A_347, %swap3A_348], %swap3A_351 {strides = array<i32>} : memref<128x128xf32, #tpu.memory_space<vmem>>, vector<1x16xf32>,
        %broadcast_in_dim3A_352 = arith.constant 3 : i32
        %broadcast_in_dim3A_353 = vector.broadcast %broadcast_in_dim3A_352 : i32 to vector<16xi32>
        %lt3A_354 = arith.constant 0 : i32
        %lt3A_355 = vector.broadcast %lt3A_354 : i32 to vector<16xi32>
        %lt3A_356 = arith.cmpi slt, %broadcast_in_dim3A_353, %lt3A_355 : vector<16xi32>
        %add3A_357 = arith.constant 16 : i32
        %add3A_358 = vector.broadcast %add3A_357 : i32 to vector<16xi32>
        %add3A_359 = arith.addi %broadcast_in_dim3A_353, %add3A_358 : vector<16xi32>
        %select_n3A_360 = arith.select %lt3A_356, %add3A_359, %broadcast_in_dim3A_353 : vector<16xi1>, vector<16xi32>
        %broadcast_in_dim3A_361 = vector.shape_cast %select_n3A_360 : vector<16xi32> to vector<16x1xi32>
        %gather3A_362 = vector.shape_cast %broadcast_in_dim3A_361 : vector<16x1xi32> to vector<16xi32>
        %gather3A_363 = tpu.dynamic_gather %get3A_67[%gather3A_362] in [0] : vector<16xf32>, vector<16xi32> -> vector<16xf32>
        %mul3A_364 = arith.constant 16 : i32
        %mul3A_365 = arith.muli %scan3A_63, %mul3A_364 : i32
        %add3A_366 = arith.constant 3 : i32
        %add3A_367 = arith.addi %mul3A_365, %add3A_366 : i32
        %get3A_368 = arith.index_cast %add3A_367 : i32 to index
        %get3A_369 = arith.constant 0 : index
        %get3A_370 = tpu.vector_load %arg10[%get3A_368, %get3A_369] {strides = array<i32>} : memref<128x128xf32, #tpu.memory_space<vmem>>, vector<1x16xf32>,
        %get3A_371 = vector.shape_cast %get3A_370 : vector<1x16xf32> to vector<16xf32>
        %mul3A_372 = arith.mulf %get3A_371, %gather3A_363 : vector<16xf32>
        %swap3A_373 = arith.index_cast %add3A_367 : i32 to index
        %swap3A_374 = arith.constant 0 : index
        %swap3A_375 = tpu.vector_load %arg10[%swap3A_373, %swap3A_374] {strides = array<i32>} : memref<128x128xf32, #tpu.memory_space<vmem>>, vector<1x16xf32>,
        %swap3A_376 = vector.shape_cast %swap3A_375 : vector<1x16xf32> to vector<16xf32>
        %swap3A_377 = vector.shape_cast %mul3A_372 : vector<16xf32> to vector<1x16xf32>
        tpu.vector_store %arg10[%swap3A_373, %swap3A_374], %swap3A_377 {strides = array<i32>} : memref<128x128xf32, #tpu.memory_space<vmem>>, vector<1x16xf32>,
        %get3A_378 = arith.index_cast %add3A_367 : i32 to index
        %get3A_379 = arith.constant 16 : index
        %get3A_380 = tpu.vector_load %arg10[%get3A_378, %get3A_379] {strides = array<i32>} : memref<128x128xf32, #tpu.memory_space<vmem>>, vector<1x16xf32>,
        %get3A_381 = vector.shape_cast %get3A_380 : vector<1x16xf32> to vector<16xf32>
        %mul3A_382 = arith.mulf %get3A_381, %gather3A_363 : vector<16xf32>
        %swap3A_383 = arith.index_cast %add3A_367 : i32 to index
        %swap3A_384 = arith.constant 16 : index
        %swap3A_385 = tpu.vector_load %arg10[%swap3A_383, %swap3A_384] {strides = array<i32>} : memref<128x128xf32, #tpu.memory_space<vmem>>, vector<1x16xf32>,
        %swap3A_386 = vector.shape_cast %swap3A_385 : vector<1x16xf32> to vector<16xf32>
        %swap3A_387 = vector.shape_cast %mul3A_382 : vector<16xf32> to vector<1x16xf32>
        tpu.vector_store %arg10[%swap3A_383, %swap3A_384], %swap3A_387 {strides = array<i32>} : memref<128x128xf32, #tpu.memory_space<vmem>>, vector<1x16xf32>,
        %get3A_388 = arith.index_cast %add3A_367 : i32 to index
        %get3A_389 = arith.constant 32 : index
        %get3A_390 = tpu.vector_load %arg10[%get3A_388, %get3A_389] {strides = array<i32>} : memref<128x128xf32, #tpu.memory_space<vmem>>, vector<1x16xf32>,
        %get3A_391 = vector.shape_cast %get3A_390 : vector<1x16xf32> to vector<16xf32>
        %mul3A_392 = arith.mulf %get3A_391, %gather3A_363 : vector<16xf32>
        %swap3A_393 = arith.index_cast %add3A_367 : i32 to index
        %swap3A_394 = arith.constant 32 : index
        %swap3A_395 = tpu.vector_load %arg10[%swap3A_393, %swap3A_394] {strides = array<i32>} : memref<128x128xf32, #tpu.memory_space<vmem>>, vector<1x16xf32>,
        %swap3A_396 = vector.shape_cast %swap3A_395 : vector<1x16xf32> to vector<16xf32>
        %swap3A_397 = vector.shape_cast %mul3A_392 : vector<16xf32> to vector<1x16xf32>
        tpu.vector_store %arg10[%swap3A_393, %swap3A_394], %swap3A_397 {strides = array<i32>} : memref<128x128xf32, #tpu.memory_space<vmem>>, vector<1x16xf32>,
        %get3A_398 = arith.index_cast %add3A_367 : i32 to index
        %get3A_399 = arith.constant 48 : index
        %get3A_400 = tpu.vector_load %arg10[%get3A_398, %get3A_399] {strides = array<i32>} : memref<128x128xf32, #tpu.memory_space<vmem>>, vector<1x16xf32>,
        %get3A_401 = vector.shape_cast %get3A_400 : vector<1x16xf32> to vector<16xf32>
        %mul3A_402 = arith.mulf %get3A_401, %gather3A_363 : vector<16xf32>
        %swap3A_403 = arith.index_cast %add3A_367 : i32 to index
        %swap3A_404 = arith.constant 48 : index
        %swap3A_405 = tpu.vector_load %arg10[%swap3A_403, %swap3A_404] {strides = array<i32>} : memref<128x128xf32, #tpu.memory_space<vmem>>, vector<1x16xf32>,
        %swap3A_406 = vector.shape_cast %swap3A_405 : vector<1x16xf32> to vector<16xf32>
        %swap3A_407 = vector.shape_cast %mul3A_402 : vector<16xf32> to vector<1x16xf32>
        tpu.vector_store %arg10[%swap3A_403, %swap3A_404], %swap3A_407 {strides = array<i32>} : memref<128x128xf32, #tpu.memory_space<vmem>>, vector<1x16xf32>,
        %get3A_408 = arith.index_cast %add3A_367 : i32 to index
        %get3A_409 = arith.constant 64 : index
        %get3A_410 = tpu.vector_load %arg10[%get3A_408, %get3A_409] {strides = array<i32>} : memref<128x128xf32, #tpu.memory_space<vmem>>, vector<1x16xf32>,
        %get3A_411 = vector.shape_cast %get3A_410 : vector<1x16xf32> to vector<16xf32>
        %mul3A_412 = arith.mulf %get3A_411, %gather3A_363 : vector<16xf32>
        %swap3A_413 = arith.index_cast %add3A_367 : i32 to index
        %swap3A_414 = arith.constant 64 : index
        %swap3A_415 = tpu.vector_load %arg10[%swap3A_413, %swap3A_414] {strides = array<i32>} : memref<128x128xf32, #tpu.memory_space<vmem>>, vector<1x16xf32>,
        %swap3A_416 = vector.shape_cast %swap3A_415 : vector<1x16xf32> to vector<16xf32>
        %swap3A_417 = vector.shape_cast %mul3A_412 : vector<16xf32> to vector<1x16xf32>
        tpu.vector_store %arg10[%swap3A_413, %swap3A_414], %swap3A_417 {strides = array<i32>} : memref<128x128xf32, #tpu.memory_space<vmem>>, vector<1x16xf32>,
        %get3A_418 = arith.index_cast %add3A_367 : i32 to index
        %get3A_419 = arith.constant 80 : index
        %get3A_420 = tpu.vector_load %arg10[%get3A_418, %get3A_419] {strides = array<i32>} : memref<128x128xf32, #tpu.memory_space<vmem>>, vector<1x16xf32>,
        %get3A_421 = vector.shape_cast %get3A_420 : vector<1x16xf32> to vector<16xf32>
        %mul3A_422 = arith.mulf %get3A_421, %gather3A_363 : vector<16xf32>
        %swap3A_423 = arith.index_cast %add3A_367 : i32 to index
        %swap3A_424 = arith.constant 80 : index
        %swap3A_425 = tpu.vector_load %arg10[%swap3A_423, %swap3A_424] {strides = array<i32>} : memref<128x128xf32, #tpu.memory_space<vmem>>, vector<1x16xf32>,
        %swap3A_426 = vector.shape_cast %swap3A_425 : vector<1x16xf32> to vector<16xf32>
        %swap3A_427 = vector.shape_cast %mul3A_422 : vector<16xf32> to vector<1x16xf32>
        tpu.vector_store %arg10[%swap3A_423, %swap3A_424], %swap3A_427 {strides = array<i32>} : memref<128x128xf32, #tpu.memory_space<vmem>>, vector<1x16xf32>,
        %get3A_428 = arith.index_cast %add3A_367 : i32 to index
        %get3A_429 = arith.constant 96 : index
        %get3A_430 = tpu.vector_load %arg10[%get3A_428, %get3A_429] {strides = array<i32>} : memref<128x128xf32, #tpu.memory_space<vmem>>, vector<1x16xf32>,
        %get3A_431 = vector.shape_cast %get3A_430 : vector<1x16xf32> to vector<16xf32>
        %mul3A_432 = arith.mulf %get3A_431, %gather3A_363 : vector<16xf32>
        %swap3A_433 = arith.index_cast %add3A_367 : i32 to index
        %swap3A_434 = arith.constant 96 : index
        %swap3A_435 = tpu.vector_load %arg10[%swap3A_433, %swap3A_434] {strides = array<i32>} : memref<128x128xf32, #tpu.memory_space<vmem>>, vector<1x16xf32>,
        %swap3A_436 = vector.shape_cast %swap3A_435 : vector<1x16xf32> to vector<16xf32>
        %swap3A_437 = vector.shape_cast %mul3A_432 : vector<16xf32> to vector<1x16xf32>
        tpu.vector_store %arg10[%swap3A_433, %swap3A_434], %swap3A_437 {strides = array<i32>} : memref<128x128xf32, #tpu.memory_space<vmem>>, vector<1x16xf32>,
        %get3A_438 = arith.index_cast %add3A_367 : i32 to index
        %get3A_439 = arith.constant 112 : index
        %get3A_440 = tpu.vector_load %arg10[%get3A_438, %get3A_439] {strides = array<i32>} : memref<128x128xf32, #tpu.memory_space<vmem>>, vector<1x16xf32>,
        %get3A_441 = vector.shape_cast %get3A_440 : vector<1x16xf32> to vector<16xf32>
        %mul3A_442 = arith.mulf %get3A_441, %gather3A_363 : vector<16xf32>
        %swap3A_443 = arith.index_cast %add3A_367 : i32 to index
        %swap3A_444 = arith.constant 112 : index
        %swap3A_445 = tpu.vector_load %arg10[%swap3A_443, %swap3A_444] {strides = array<i32>} : memref<128x128xf32, #tpu.memory_space<vmem>>, vector<1x16xf32>,
        %swap3A_446 = vector.shape_cast %swap3A_445 : vector<1x16xf32> to vector<16xf32>
        %swap3A_447 = vector.shape_cast %mul3A_442 : vector<16xf32> to vector<1x16xf32>
        tpu.vector_store %arg10[%swap3A_443, %swap3A_444], %swap3A_447 {strides = array<i32>} : memref<128x128xf32, #tpu.memory_space<vmem>>, vector<1x16xf32>,
        %broadcast_in_dim3A_448 = arith.constant 4 : i32
        %broadcast_in_dim3A_449 = vector.broadcast %broadcast_in_dim3A_448 : i32 to vector<16xi32>
        %lt3A_450 = arith.constant 0 : i32
        %lt3A_451 = vector.broadcast %lt3A_450 : i32 to vector<16xi32>
        %lt3A_452 = arith.cmpi slt, %broadcast_in_dim3A_449, %lt3A_451 : vector<16xi32>
        %add3A_453 = arith.constant 16 : i32
        %add3A_454 = vector.broadcast %add3A_453 : i32 to vector<16xi32>
        %add3A_455 = arith.addi %broadcast_in_dim3A_449, %add3A_454 : vector<16xi32>
        %select_n3A_456 = arith.select %lt3A_452, %add3A_455, %broadcast_in_dim3A_449 : vector<16xi1>, vector<16xi32>
        %broadcast_in_dim3A_457 = vector.shape_cast %select_n3A_456 : vector<16xi32> to vector<16x1xi32>
        %gather3A_458 = vector.shape_cast %broadcast_in_dim3A_457 : vector<16x1xi32> to vector<16xi32>
        %gather3A_459 = tpu.dynamic_gather %get3A_67[%gather3A_458] in [0] : vector<16xf32>, vector<16xi32> -> vector<16xf32>
        %mul3A_460 = arith.constant 16 : i32
        %mul3A_461 = arith.muli %scan3A_63, %mul3A_460 : i32
        %add3A_462 = arith.constant 4 : i32
        %add3A_463 = arith.addi %mul3A_461, %add3A_462 : i32
        %get3A_464 = arith.index_cast %add3A_463 : i32 to index
        %get3A_465 = arith.constant 0 : index
        %get3A_466 = tpu.vector_load %arg10[%get3A_464, %get3A_465] {strides = array<i32>} : memref<128x128xf32, #tpu.memory_space<vmem>>, vector<1x16xf32>,
        %get3A_467 = vector.shape_cast %get3A_466 : vector<1x16xf32> to vector<16xf32>
        %mul3A_468 = arith.mulf %get3A_467, %gather3A_459 : vector<16xf32>
        %swap3A_469 = arith.index_cast %add3A_463 : i32 to index
        %swap3A_470 = arith.constant 0 : index
        %swap3A_471 = tpu.vector_load %arg10[%swap3A_469, %swap3A_470] {strides = array<i32>} : memref<128x128xf32, #tpu.memory_space<vmem>>, vector<1x16xf32>,
        %swap3A_472 = vector.shape_cast %swap3A_471 : vector<1x16xf32> to vector<16xf32>
        %swap3A_473 = vector.shape_cast %mul3A_468 : vector<16xf32> to vector<1x16xf32>
        tpu.vector_store %arg10[%swap3A_469, %swap3A_470], %swap3A_473 {strides = array<i32>} : memref<128x128xf32, #tpu.memory_space<vmem>>, vector<1x16xf32>,
        %get3A_474 = arith.index_cast %add3A_463 : i32 to index
        %get3A_475 = arith.constant 16 : index
        %get3A_476 = tpu.vector_load %arg10[%get3A_474, %get3A_475] {strides = array<i32>} : memref<128x128xf32, #tpu.memory_space<vmem>>, vector<1x16xf32>,
        %get3A_477 = vector.shape_cast %get3A_476 : vector<1x16xf32> to vector<16xf32>
        %mul3A_478 = arith.mulf %get3A_477, %gather3A_459 : vector<16xf32>
        %swap3A_479 = arith.index_cast %add3A_463 : i32 to index
        %swap3A_480 = arith.constant 16 : index
        %swap3A_481 = tpu.vector_load %arg10[%swap3A_479, %swap3A_480] {strides = array<i32>} : memref<128x128xf32, #tpu.memory_space<vmem>>, vector<1x16xf32>,
        %swap3A_482 = vector.shape_cast %swap3A_481 : vector<1x16xf32> to vector<16xf32>
        %swap3A_483 = vector.shape_cast %mul3A_478 : vector<16xf32> to vector<1x16xf32>
        tpu.vector_store %arg10[%swap3A_479, %swap3A_480], %swap3A_483 {strides = array<i32>} : memref<128x128xf32, #tpu.memory_space<vmem>>, vector<1x16xf32>,
        %get3A_484 = arith.index_cast %add3A_463 : i32 to index
        %get3A_485 = arith.constant 32 : index
        %get3A_486 = tpu.vector_load %arg10[%get3A_484, %get3A_485] {strides = array<i32>} : memref<128x128xf32, #tpu.memory_space<vmem>>, vector<1x16xf32>,
        %get3A_487 = vector.shape_cast %get3A_486 : vector<1x16xf32> to vector<16xf32>
        %mul3A_488 = arith.mulf %get3A_487, %gather3A_459 : vector<16xf32>
        %swap3A_489 = arith.index_cast %add3A_463 : i32 to index
        %swap3A_490 = arith.constant 32 : index
        %swap3A_491 = tpu.vector_load %arg10[%swap3A_489, %swap3A_490] {strides = array<i32>} : memref<128x128xf32, #tpu.memory_space<vmem>>, vector<1x16xf32>,
        %swap3A_492 = vector.shape_cast %swap3A_491 : vector<1x16xf32> to vector<16xf32>
        %swap3A_493 = vector.shape_cast %mul3A_488 : vector<16xf32> to vector<1x16xf32>
        tpu.vector_store %arg10[%swap3A_489, %swap3A_490], %swap3A_493 {strides = array<i32>} : memref<128x128xf32, #tpu.memory_space<vmem>>, vector<1x16xf32>,
        %get3A_494 = arith.index_cast %add3A_463 : i32 to index
        %get3A_495 = arith.constant 48 : index
        %get3A_496 = tpu.vector_load %arg10[%get3A_494, %get3A_495] {strides = array<i32>} : memref<128x128xf32, #tpu.memory_space<vmem>>, vector<1x16xf32>,
        %get3A_497 = vector.shape_cast %get3A_496 : vector<1x16xf32> to vector<16xf32>
        %mul3A_498 = arith.mulf %get3A_497, %gather3A_459 : vector<16xf32>
        %swap3A_499 = arith.index_cast %add3A_463 : i32 to index
        %swap3A_500 = arith.constant 48 : index
        %swap3A_501 = tpu.vector_load %arg10[%swap3A_499, %swap3A_500] {strides = array<i32>} : memref<128x128xf32, #tpu.memory_space<vmem>>, vector<1x16xf32>,
        %swap3A_502 = vector.shape_cast %swap3A_501 : vector<1x16xf32> to vector<16xf32>
        %swap3A_503 = vector.shape_cast %mul3A_498 : vector<16xf32> to vector<1x16xf32>
        tpu.vector_store %arg10[%swap3A_499, %swap3A_500], %swap3A_503 {strides = array<i32>} : memref<128x128xf32, #tpu.memory_space<vmem>>, vector<1x16xf32>,
        %get3A_504 = arith.index_cast %add3A_463 : i32 to index
        %get3A_505 = arith.constant 64 : index
        %get3A_506 = tpu.vector_load %arg10[%get3A_504, %get3A_505] {strides = array<i32>} : memref<128x128xf32, #tpu.memory_space<vmem>>, vector<1x16xf32>,
        %get3A_507 = vector.shape_cast %get3A_506 : vector<1x16xf32> to vector<16xf32>
        %mul3A_508 = arith.mulf %get3A_507, %gather3A_459 : vector<16xf32>
        %swap3A_509 = arith.index_cast %add3A_463 : i32 to index
        %swap3A_510 = arith.constant 64 : index
        %swap3A_511 = tpu.vector_load %arg10[%swap3A_509, %swap3A_510] {strides = array<i32>} : memref<128x128xf32, #tpu.memory_space<vmem>>, vector<1x16xf32>,
        %swap3A_512 = vector.shape_cast %swap3A_511 : vector<1x16xf32> to vector<16xf32>
        %swap3A_513 = vector.shape_cast %mul3A_508 : vector<16xf32> to vector<1x16xf32>
        tpu.vector_store %arg10[%swap3A_509, %swap3A_510], %swap3A_513 {strides = array<i32>} : memref<128x128xf32, #tpu.memory_space<vmem>>, vector<1x16xf32>,
        %get3A_514 = arith.index_cast %add3A_463 : i32 to index
        %get3A_515 = arith.constant 80 : index
        %get3A_516 = tpu.vector_load %arg10[%get3A_514, %get3A_515] {strides = array<i32>} : memref<128x128xf32, #tpu.memory_space<vmem>>, vector<1x16xf32>,
        %get3A_517 = vector.shape_cast %get3A_516 : vector<1x16xf32> to vector<16xf32>
        %mul3A_518 = arith.mulf %get3A_517, %gather3A_459 : vector<16xf32>
        %swap3A_519 = arith.index_cast %add3A_463 : i32 to index
        %swap3A_520 = arith.constant 80 : index
        %swap3A_521 = tpu.vector_load %arg10[%swap3A_519, %swap3A_520] {strides = array<i32>} : memref<128x128xf32, #tpu.memory_space<vmem>>, vector<1x16xf32>,
        %swap3A_522 = vector.shape_cast %swap3A_521 : vector<1x16xf32> to vector<16xf32>
        %swap3A_523 = vector.shape_cast %mul3A_518 : vector<16xf32> to vector<1x16xf32>
        tpu.vector_store %arg10[%swap3A_519, %swap3A_520], %swap3A_523 {strides = array<i32>} : memref<128x128xf32, #tpu.memory_space<vmem>>, vector<1x16xf32>,
        %get3A_524 = arith.index_cast %add3A_463 : i32 to index
        %get3A_525 = arith.constant 96 : index
        %get3A_526 = tpu.vector_load %arg10[%get3A_524, %get3A_525] {strides = array<i32>} : memref<128x128xf32, #tpu.memory_space<vmem>>, vector<1x16xf32>,
        %get3A_527 = vector.shape_cast %get3A_526 : vector<1x16xf32> to vector<16xf32>
        %mul3A_528 = arith.mulf %get3A_527, %gather3A_459 : vector<16xf32>
        %swap3A_529 = arith.index_cast %add3A_463 : i32 to index
        %swap3A_530 = arith.constant 96 : index
        %swap3A_531 = tpu.vector_load %arg10[%swap3A_529, %swap3A_530] {strides = array<i32>} : memref<128x128xf32, #tpu.memory_space<vmem>>, vector<1x16xf32>,
        %swap3A_532 = vector.shape_cast %swap3A_531 : vector<1x16xf32> to vector<16xf32>
        %swap3A_533 = vector.shape_cast %mul3A_528 : vector<16xf32> to vector<1x16xf32>
        tpu.vector_store %arg10[%swap3A_529, %swap3A_530], %swap3A_533 {strides = array<i32>} : memref<128x128xf32, #tpu.memory_space<vmem>>, vector<1x16xf32>,
        %get3A_534 = arith.index_cast %add3A_463 : i32 to index
        %get3A_535 = arith.constant 112 : index
        %get3A_536 = tpu.vector_load %arg10[%get3A_534, %get3A_535] {strides = array<i32>} : memref<128x128xf32, #tpu.memory_space<vmem>>, vector<1x16xf32>,
        %get3A_537 = vector.shape_cast %get3A_536 : vector<1x16xf32> to vector<16xf32>
        %mul3A_538 = arith.mulf %get3A_537, %gather3A_459 : vector<16xf32>
        %swap3A_539 = arith.index_cast %add3A_463 : i32 to index
        %swap3A_540 = arith.constant 112 : index
        %swap3A_541 = tpu.vector_load %arg10[%swap3A_539, %swap3A_540] {strides = array<i32>} : memref<128x128xf32, #tpu.memory_space<vmem>>, vector<1x16xf32>,
        %swap3A_542 = vector.shape_cast %swap3A_541 : vector<1x16xf32> to vector<16xf32>
        %swap3A_543 = vector.shape_cast %mul3A_538 : vector<16xf32> to vector<1x16xf32>
        tpu.vector_store %arg10[%swap3A_539, %swap3A_540], %swap3A_543 {strides = array<i32>} : memref<128x128xf32, #tpu.memory_space<vmem>>, vector<1x16xf32>,
        %broadcast_in_dim3A_544 = arith.constant 5 : i32
        %broadcast_in_dim3A_545 = vector.broadcast %broadcast_in_dim3A_544 : i32 to vector<16xi32>
        %lt3A_546 = arith.constant 0 : i32
        %lt3A_547 = vector.broadcast %lt3A_546 : i32 to vector<16xi32>
        %lt3A_548 = arith.cmpi slt, %broadcast_in_dim3A_545, %lt3A_547 : vector<16xi32>
        %add3A_549 = arith.constant 16 : i32
        %add3A_550 = vector.broadcast %add3A_549 : i32 to vector<16xi32>
        %add3A_551 = arith.addi %broadcast_in_dim3A_545, %add3A_550 : vector<16xi32>
        %select_n3A_552 = arith.select %lt3A_548, %add3A_551, %broadcast_in_dim3A_545 : vector<16xi1>, vector<16xi32>
        %broadcast_in_dim3A_553 = vector.shape_cast %select_n3A_552 : vector<16xi32> to vector<16x1xi32>
        %gather3A_554 = vector.shape_cast %broadcast_in_dim3A_553 : vector<16x1xi32> to vector<16xi32>
        %gather3A_555 = tpu.dynamic_gather %get3A_67[%gather3A_554] in [0] : vector<16xf32>, vector<16xi32> -> vector<16xf32>
        %mul3A_556 = arith.constant 16 : i32
        %mul3A_557 = arith.muli %scan3A_63, %mul3A_556 : i32
        %add3A_558 = arith.constant 5 : i32
        %add3A_559 = arith.addi %mul3A_557, %add3A_558 : i32
        %get3A_560 = arith.index_cast %add3A_559 : i32 to index
        %get3A_561 = arith.constant 0 : index
        %get3A_562 = tpu.vector_load %arg10[%get3A_560, %get3A_561] {strides = array<i32>} : memref<128x128xf32, #tpu.memory_space<vmem>>, vector<1x16xf32>,
        %get3A_563 = vector.shape_cast %get3A_562 : vector<1x16xf32> to vector<16xf32>
        %mul3A_564 = arith.mulf %get3A_563, %gather3A_555 : vector<16xf32>
        %swap3A_565 = arith.index_cast %add3A_559 : i32 to index
        %swap3A_566 = arith.constant 0 : index
        %swap3A_567 = tpu.vector_load %arg10[%swap3A_565, %swap3A_566] {strides = array<i32>} : memref<128x128xf32, #tpu.memory_space<vmem>>, vector<1x16xf32>,
        %swap3A_568 = vector.shape_cast %swap3A_567 : vector<1x16xf32> to vector<16xf32>
        %swap3A_569 = vector.shape_cast %mul3A_564 : vector<16xf32> to vector<1x16xf32>
        tpu.vector_store %arg10[%swap3A_565, %swap3A_566], %swap3A_569 {strides = array<i32>} : memref<128x128xf32, #tpu.memory_space<vmem>>, vector<1x16xf32>,
        %get3A_570 = arith.index_cast %add3A_559 : i32 to index
        %get3A_571 = arith.constant 16 : index
        %get3A_572 = tpu.vector_load %arg10[%get3A_570, %get3A_571] {strides = array<i32>} : memref<128x128xf32, #tpu.memory_space<vmem>>, vector<1x16xf32>,
        %get3A_573 = vector.shape_cast %get3A_572 : vector<1x16xf32> to vector<16xf32>
        %mul3A_574 = arith.mulf %get3A_573, %gather3A_555 : vector<16xf32>
        %swap3A_575 = arith.index_cast %add3A_559 : i32 to index
        %swap3A_576 = arith.constant 16 : index
        %swap3A_577 = tpu.vector_load %arg10[%swap3A_575, %swap3A_576] {strides = array<i32>} : memref<128x128xf32, #tpu.memory_space<vmem>>, vector<1x16xf32>,
        %swap3A_578 = vector.shape_cast %swap3A_577 : vector<1x16xf32> to vector<16xf32>
        %swap3A_579 = vector.shape_cast %mul3A_574 : vector<16xf32> to vector<1x16xf32>
        tpu.vector_store %arg10[%swap3A_575, %swap3A_576], %swap3A_579 {strides = array<i32>} : memref<128x128xf32, #tpu.memory_space<vmem>>, vector<1x16xf32>,
        %get3A_580 = arith.index_cast %add3A_559 : i32 to index
        %get3A_581 = arith.constant 32 : index
        %get3A_582 = tpu.vector_load %arg10[%get3A_580, %get3A_581] {strides = array<i32>} : memref<128x128xf32, #tpu.memory_space<vmem>>, vector<1x16xf32>,
        %get3A_583 = vector.shape_cast %get3A_582 : vector<1x16xf32> to vector<16xf32>
        %mul3A_584 = arith.mulf %get3A_583, %gather3A_555 : vector<16xf32>
        %swap3A_585 = arith.index_cast %add3A_559 : i32 to index
        %swap3A_586 = arith.constant 32 : index
        %swap3A_587 = tpu.vector_load %arg10[%swap3A_585, %swap3A_586] {strides = array<i32>} : memref<128x128xf32, #tpu.memory_space<vmem>>, vector<1x16xf32>,
        %swap3A_588 = vector.shape_cast %swap3A_587 : vector<1x16xf32> to vector<16xf32>
        %swap3A_589 = vector.shape_cast %mul3A_584 : vector<16xf32> to vector<1x16xf32>
        tpu.vector_store %arg10[%swap3A_585, %swap3A_586], %swap3A_589 {strides = array<i32>} : memref<128x128xf32, #tpu.memory_space<vmem>>, vector<1x16xf32>,
        %get3A_590 = arith.index_cast %add3A_559 : i32 to index
        %get3A_591 = arith.constant 48 : index
        %get3A_592 = tpu.vector_load %arg10[%get3A_590, %get3A_591] {strides = array<i32>} : memref<128x128xf32, #tpu.memory_space<vmem>>, vector<1x16xf32>,
        %get3A_593 = vector.shape_cast %get3A_592 : vector<1x16xf32> to vector<16xf32>
        %mul3A_594 = arith.mulf %get3A_593, %gather3A_555 : vector<16xf32>
        %swap3A_595 = arith.index_cast %add3A_559 : i32 to index
        %swap3A_596 = arith.constant 48 : index
        %swap3A_597 = tpu.vector_load %arg10[%swap3A_595, %swap3A_596] {strides = array<i32>} : memref<128x128xf32, #tpu.memory_space<vmem>>, vector<1x16xf32>,
        %swap3A_598 = vector.shape_cast %swap3A_597 : vector<1x16xf32> to vector<16xf32>
        %swap3A_599 = vector.shape_cast %mul3A_594 : vector<16xf32> to vector<1x16xf32>
        tpu.vector_store %arg10[%swap3A_595, %swap3A_596], %swap3A_599 {strides = array<i32>} : memref<128x128xf32, #tpu.memory_space<vmem>>, vector<1x16xf32>,
        %get3A_600 = arith.index_cast %add3A_559 : i32 to index
        %get3A_601 = arith.constant 64 : index
        %get3A_602 = tpu.vector_load %arg10[%get3A_600, %get3A_601] {strides = array<i32>} : memref<128x128xf32, #tpu.memory_space<vmem>>, vector<1x16xf32>,
        %get3A_603 = vector.shape_cast %get3A_602 : vector<1x16xf32> to vector<16xf32>
        %mul3A_604 = arith.mulf %get3A_603, %gather3A_555 : vector<16xf32>
        %swap3A_605 = arith.index_cast %add3A_559 : i32 to index
        %swap3A_606 = arith.constant 64 : index
        %swap3A_607 = tpu.vector_load %arg10[%swap3A_605, %swap3A_606] {strides = array<i32>} : memref<128x128xf32, #tpu.memory_space<vmem>>, vector<1x16xf32>,
        %swap3A_608 = vector.shape_cast %swap3A_607 : vector<1x16xf32> to vector<16xf32>
        %swap3A_609 = vector.shape_cast %mul3A_604 : vector<16xf32> to vector<1x16xf32>
        tpu.vector_store %arg10[%swap3A_605, %swap3A_606], %swap3A_609 {strides = array<i32>} : memref<128x128xf32, #tpu.memory_space<vmem>>, vector<1x16xf32>,
        %get3A_610 = arith.index_cast %add3A_559 : i32 to index
        %get3A_611 = arith.constant 80 : index
        %get3A_612 = tpu.vector_load %arg10[%get3A_610, %get3A_611] {strides = array<i32>} : memref<128x128xf32, #tpu.memory_space<vmem>>, vector<1x16xf32>,
        %get3A_613 = vector.shape_cast %get3A_612 : vector<1x16xf32> to vector<16xf32>
        %mul3A_614 = arith.mulf %get3A_613, %gather3A_555 : vector<16xf32>
        %swap3A_615 = arith.index_cast %add3A_559 : i32 to index
        %swap3A_616 = arith.constant 80 : index
        %swap3A_617 = tpu.vector_load %arg10[%swap3A_615, %swap3A_616] {strides = array<i32>} : memref<128x128xf32, #tpu.memory_space<vmem>>, vector<1x16xf32>,
        %swap3A_618 = vector.shape_cast %swap3A_617 : vector<1x16xf32> to vector<16xf32>
        %swap3A_619 = vector.shape_cast %mul3A_614 : vector<16xf32> to vector<1x16xf32>
        tpu.vector_store %arg10[%swap3A_615, %swap3A_616], %swap3A_619 {strides = array<i32>} : memref<128x128xf32, #tpu.memory_space<vmem>>, vector<1x16xf32>,
        %get3A_620 = arith.index_cast %add3A_559 : i32 to index
        %get3A_621 = arith.constant 96 : index
        %get3A_622 = tpu.vector_load %arg10[%get3A_620, %get3A_621] {strides = array<i32>} : memref<128x128xf32, #tpu.memory_space<vmem>>, vector<1x16xf32>,
        %get3A_623 = vector.shape_cast %get3A_622 : vector<1x16xf32> to vector<16xf32>
        %mul3A_624 = arith.mulf %get3A_623, %gather3A_555 : vector<16xf32>
        %swap3A_625 = arith.index_cast %add3A_559 : i32 to index
        %swap3A_626 = arith.constant 96 : index
        %swap3A_627 = tpu.vector_load %arg10[%swap3A_625, %swap3A_626] {strides = array<i32>} : memref<128x128xf32, #tpu.memory_space<vmem>>, vector<1x16xf32>,
        %swap3A_628 = vector.shape_cast %swap3A_627 : vector<1x16xf32> to vector<16xf32>
        %swap3A_629 = vector.shape_cast %mul3A_624 : vector<16xf32> to vector<1x16xf32>
        tpu.vector_store %arg10[%swap3A_625, %swap3A_626], %swap3A_629 {strides = array<i32>} : memref<128x128xf32, #tpu.memory_space<vmem>>, vector<1x16xf32>,
        %get3A_630 = arith.index_cast %add3A_559 : i32 to index
        %get3A_631 = arith.constant 112 : index
        %get3A_632 = tpu.vector_load %arg10[%get3A_630, %get3A_631] {strides = array<i32>} : memref<128x128xf32, #tpu.memory_space<vmem>>, vector<1x16xf32>,
        %get3A_633 = vector.shape_cast %get3A_632 : vector<1x16xf32> to vector<16xf32>
        %mul3A_634 = arith.mulf %get3A_633, %gather3A_555 : vector<16xf32>
        %swap3A_635 = arith.index_cast %add3A_559 : i32 to index
        %swap3A_636 = arith.constant 112 : index
        %swap3A_637 = tpu.vector_load %arg10[%swap3A_635, %swap3A_636] {strides = array<i32>} : memref<128x128xf32, #tpu.memory_space<vmem>>, vector<1x16xf32>,
        %swap3A_638 = vector.shape_cast %swap3A_637 : vector<1x16xf32> to vector<16xf32>
        %swap3A_639 = vector.shape_cast %mul3A_634 : vector<16xf32> to vector<1x16xf32>
        tpu.vector_store %arg10[%swap3A_635, %swap3A_636], %swap3A_639 {strides = array<i32>} : memref<128x128xf32, #tpu.memory_space<vmem>>, vector<1x16xf32>,
        %broadcast_in_dim3A_640 = arith.constant 6 : i32
        %broadcast_in_dim3A_641 = vector.broadcast %broadcast_in_dim3A_640 : i32 to vector<16xi32>
        %lt3A_642 = arith.constant 0 : i32
        %lt3A_643 = vector.broadcast %lt3A_642 : i32 to vector<16xi32>
        %lt3A_644 = arith.cmpi slt, %broadcast_in_dim3A_641, %lt3A_643 : vector<16xi32>
        %add3A_645 = arith.constant 16 : i32
        %add3A_646 = vector.broadcast %add3A_645 : i32 to vector<16xi32>
        %add3A_647 = arith.addi %broadcast_in_dim3A_641, %add3A_646 : vector<16xi32>
        %select_n3A_648 = arith.select %lt3A_644, %add3A_647, %broadcast_in_dim3A_641 : vector<16xi1>, vector<16xi32>
        %broadcast_in_dim3A_649 = vector.shape_cast %select_n3A_648 : vector<16xi32> to vector<16x1xi32>
        %gather3A_650 = vector.shape_cast %broadcast_in_dim3A_649 : vector<16x1xi32> to vector<16xi32>
        %gather3A_651 = tpu.dynamic_gather %get3A_67[%gather3A_650] in [0] : vector<16xf32>, vector<16xi32> -> vector<16xf32>
        %mul3A_652 = arith.constant 16 : i32
        %mul3A_653 = arith.muli %scan3A_63, %mul3A_652 : i32
        %add3A_654 = arith.constant 6 : i32
        %add3A_655 = arith.addi %mul3A_653, %add3A_654 : i32
        %get3A_656 = arith.index_cast %add3A_655 : i32 to index
        %get3A_657 = arith.constant 0 : index
        %get3A_658 = tpu.vector_load %arg10[%get3A_656, %get3A_657] {strides = array<i32>} : memref<128x128xf32, #tpu.memory_space<vmem>>, vector<1x16xf32>,
        %get3A_659 = vector.shape_cast %get3A_658 : vector<1x16xf32> to vector<16xf32>
        %mul3A_660 = arith.mulf %get3A_659, %gather3A_651 : vector<16xf32>
        %swap3A_661 = arith.index_cast %add3A_655 : i32 to index
        %swap3A_662 = arith.constant 0 : index
        %swap3A_663 = tpu.vector_load %arg10[%swap3A_661, %swap3A_662] {strides = array<i32>} : memref<128x128xf32, #tpu.memory_space<vmem>>, vector<1x16xf32>,
        %swap3A_664 = vector.shape_cast %swap3A_663 : vector<1x16xf32> to vector<16xf32>
        %swap3A_665 = vector.shape_cast %mul3A_660 : vector<16xf32> to vector<1x16xf32>
        tpu.vector_store %arg10[%swap3A_661, %swap3A_662], %swap3A_665 {strides = array<i32>} : memref<128x128xf32, #tpu.memory_space<vmem>>, vector<1x16xf32>,
        %get3A_666 = arith.index_cast %add3A_655 : i32 to index
        %get3A_667 = arith.constant 16 : index
        %get3A_668 = tpu.vector_load %arg10[%get3A_666, %get3A_667] {strides = array<i32>} : memref<128x128xf32, #tpu.memory_space<vmem>>, vector<1x16xf32>,
        %get3A_669 = vector.shape_cast %get3A_668 : vector<1x16xf32> to vector<16xf32>
        %mul3A_670 = arith.mulf %get3A_669, %gather3A_651 : vector<16xf32>
        %swap3A_671 = arith.index_cast %add3A_655 : i32 to index
        %swap3A_672 = arith.constant 16 : index
        %swap3A_673 = tpu.vector_load %arg10[%swap3A_671, %swap3A_672] {strides = array<i32>} : memref<128x128xf32, #tpu.memory_space<vmem>>, vector<1x16xf32>,
        %swap3A_674 = vector.shape_cast %swap3A_673 : vector<1x16xf32> to vector<16xf32>
        %swap3A_675 = vector.shape_cast %mul3A_670 : vector<16xf32> to vector<1x16xf32>
        tpu.vector_store %arg10[%swap3A_671, %swap3A_672], %swap3A_675 {strides = array<i32>} : memref<128x128xf32, #tpu.memory_space<vmem>>, vector<1x16xf32>,
        %get3A_676 = arith.index_cast %add3A_655 : i32 to index
        %get3A_677 = arith.constant 32 : index
        %get3A_678 = tpu.vector_load %arg10[%get3A_676, %get3A_677] {strides = array<i32>} : memref<128x128xf32, #tpu.memory_space<vmem>>, vector<1x16xf32>,
        %get3A_679 = vector.shape_cast %get3A_678 : vector<1x16xf32> to vector<16xf32>
        %mul3A_680 = arith.mulf %get3A_679, %gather3A_651 : vector<16xf32>
        %swap3A_681 = arith.index_cast %add3A_655 : i32 to index
        %swap3A_682 = arith.constant 32 : index
        %swap3A_683 = tpu.vector_load %arg10[%swap3A_681, %swap3A_682] {strides = array<i32>} : memref<128x128xf32, #tpu.memory_space<vmem>>, vector<1x16xf32>,
        %swap3A_684 = vector.shape_cast %swap3A_683 : vector<1x16xf32> to vector<16xf32>
        %swap3A_685 = vector.shape_cast %mul3A_680 : vector<16xf32> to vector<1x16xf32>
        tpu.vector_store %arg10[%swap3A_681, %swap3A_682], %swap3A_685 {strides = array<i32>} : memref<128x128xf32, #tpu.memory_space<vmem>>, vector<1x16xf32>,
        %get3A_686 = arith.index_cast %add3A_655 : i32 to index
        %get3A_687 = arith.constant 48 : index
        %get3A_688 = tpu.vector_load %arg10[%get3A_686, %get3A_687] {strides = array<i32>} : memref<128x128xf32, #tpu.memory_space<vmem>>, vector<1x16xf32>,
        %get3A_689 = vector.shape_cast %get3A_688 : vector<1x16xf32> to vector<16xf32>
        %mul3A_690 = arith.mulf %get3A_689, %gather3A_651 : vector<16xf32>
        %swap3A_691 = arith.index_cast %add3A_655 : i32 to index
        %swap3A_692 = arith.constant 48 : index
        %swap3A_693 = tpu.vector_load %arg10[%swap3A_691, %swap3A_692] {strides = array<i32>} : memref<128x128xf32, #tpu.memory_space<vmem>>, vector<1x16xf32>,
        %swap3A_694 = vector.shape_cast %swap3A_693 : vector<1x16xf32> to vector<16xf32>
        %swap3A_695 = vector.shape_cast %mul3A_690 : vector<16xf32> to vector<1x16xf32>
        tpu.vector_store %arg10[%swap3A_691, %swap3A_692], %swap3A_695 {strides = array<i32>} : memref<128x128xf32, #tpu.memory_space<vmem>>, vector<1x16xf32>,
        %get3A_696 = arith.index_cast %add3A_655 : i32 to index
        %get3A_697 = arith.constant 64 : index
        %get3A_698 = tpu.vector_load %arg10[%get3A_696, %get3A_697] {strides = array<i32>} : memref<128x128xf32, #tpu.memory_space<vmem>>, vector<1x16xf32>,
        %get3A_699 = vector.shape_cast %get3A_698 : vector<1x16xf32> to vector<16xf32>
        %mul3A_700 = arith.mulf %get3A_699, %gather3A_651 : vector<16xf32>
        %swap3A_701 = arith.index_cast %add3A_655 : i32 to index
        %swap3A_702 = arith.constant 64 : index
        %swap3A_703 = tpu.vector_load %arg10[%swap3A_701, %swap3A_702] {strides = array<i32>} : memref<128x128xf32, #tpu.memory_space<vmem>>, vector<1x16xf32>,
        %swap3A_704 = vector.shape_cast %swap3A_703 : vector<1x16xf32> to vector<16xf32>
        %swap3A_705 = vector.shape_cast %mul3A_700 : vector<16xf32> to vector<1x16xf32>
        tpu.vector_store %arg10[%swap3A_701, %swap3A_702], %swap3A_705 {strides = array<i32>} : memref<128x128xf32, #tpu.memory_space<vmem>>, vector<1x16xf32>,
        %get3A_706 = arith.index_cast %add3A_655 : i32 to index
        %get3A_707 = arith.constant 80 : index
        %get3A_708 = tpu.vector_load %arg10[%get3A_706, %get3A_707] {strides = array<i32>} : memref<128x128xf32, #tpu.memory_space<vmem>>, vector<1x16xf32>,
        %get3A_709 = vector.shape_cast %get3A_708 : vector<1x16xf32> to vector<16xf32>
        %mul3A_710 = arith.mulf %get3A_709, %gather3A_651 : vector<16xf32>
        %swap3A_711 = arith.index_cast %add3A_655 : i32 to index
        %swap3A_712 = arith.constant 80 : index
        %swap3A_713 = tpu.vector_load %arg10[%swap3A_711, %swap3A_712] {strides = array<i32>} : memref<128x128xf32, #tpu.memory_space<vmem>>, vector<1x16xf32>,
        %swap3A_714 = vector.shape_cast %swap3A_713 : vector<1x16xf32> to vector<16xf32>
        %swap3A_715 = vector.shape_cast %mul3A_710 : vector<16xf32> to vector<1x16xf32>
        tpu.vector_store %arg10[%swap3A_711, %swap3A_712], %swap3A_715 {strides = array<i32>} : memref<128x128xf32, #tpu.memory_space<vmem>>, vector<1x16xf32>,
        %get3A_716 = arith.index_cast %add3A_655 : i32 to index
        %get3A_717 = arith.constant 96 : index
        %get3A_718 = tpu.vector_load %arg10[%get3A_716, %get3A_717] {strides = array<i32>} : memref<128x128xf32, #tpu.memory_space<vmem>>, vector<1x16xf32>,
        %get3A_719 = vector.shape_cast %get3A_718 : vector<1x16xf32> to vector<16xf32>
        %mul3A_720 = arith.mulf %get3A_719, %gather3A_651 : vector<16xf32>
        %swap3A_721 = arith.index_cast %add3A_655 : i32 to index
        %swap3A_722 = arith.constant 96 : index
        %swap3A_723 = tpu.vector_load %arg10[%swap3A_721, %swap3A_722] {strides = array<i32>} : memref<128x128xf32, #tpu.memory_space<vmem>>, vector<1x16xf32>,
        %swap3A_724 = vector.shape_cast %swap3A_723 : vector<1x16xf32> to vector<16xf32>
        %swap3A_725 = vector.shape_cast %mul3A_720 : vector<16xf32> to vector<1x16xf32>
        tpu.vector_store %arg10[%swap3A_721, %swap3A_722], %swap3A_725 {strides = array<i32>} : memref<128x128xf32, #tpu.memory_space<vmem>>, vector<1x16xf32>,
        %get3A_726 = arith.index_cast %add3A_655 : i32 to index
        %get3A_727 = arith.constant 112 : index
        %get3A_728 = tpu.vector_load %arg10[%get3A_726, %get3A_727] {strides = array<i32>} : memref<128x128xf32, #tpu.memory_space<vmem>>, vector<1x16xf32>,
        %get3A_729 = vector.shape_cast %get3A_728 : vector<1x16xf32> to vector<16xf32>
        %mul3A_730 = arith.mulf %get3A_729, %gather3A_651 : vector<16xf32>
        %swap3A_731 = arith.index_cast %add3A_655 : i32 to index
        %swap3A_732 = arith.constant 112 : index
        %swap3A_733 = tpu.vector_load %arg10[%swap3A_731, %swap3A_732] {strides = array<i32>} : memref<128x128xf32, #tpu.memory_space<vmem>>, vector<1x16xf32>,
        %swap3A_734 = vector.shape_cast %swap3A_733 : vector<1x16xf32> to vector<16xf32>
        %swap3A_735 = vector.shape_cast %mul3A_730 : vector<16xf32> to vector<1x16xf32>
        tpu.vector_store %arg10[%swap3A_731, %swap3A_732], %swap3A_735 {strides = array<i32>} : memref<128x128xf32, #tpu.memory_space<vmem>>, vector<1x16xf32>,
        %broadcast_in_dim3A_736 = arith.constant 7 : i32
        %broadcast_in_dim3A_737 = vector.broadcast %broadcast_in_dim3A_736 : i32 to vector<16xi32>
        %lt3A_738 = arith.constant 0 : i32
        %lt3A_739 = vector.broadcast %lt3A_738 : i32 to vector<16xi32>
        %lt3A_740 = arith.cmpi slt, %broadcast_in_dim3A_737, %lt3A_739 : vector<16xi32>
        %add3A_741 = arith.constant 16 : i32
        %add3A_742 = vector.broadcast %add3A_741 : i32 to vector<16xi32>
        %add3A_743 = arith.addi %broadcast_in_dim3A_737, %add3A_742 : vector<16xi32>
        %select_n3A_744 = arith.select %lt3A_740, %add3A_743, %broadcast_in_dim3A_737 : vector<16xi1>, vector<16xi32>
        %broadcast_in_dim3A_745 = vector.shape_cast %select_n3A_744 : vector<16xi32> to vector<16x1xi32>
        %gather3A_746 = vector.shape_cast %broadcast_in_dim3A_745 : vector<16x1xi32> to vector<16xi32>
        %gather3A_747 = tpu.dynamic_gather %get3A_67[%gather3A_746] in [0] : vector<16xf32>, vector<16xi32> -> vector<16xf32>
        %mul3A_748 = arith.constant 16 : i32
        %mul3A_749 = arith.muli %scan3A_63, %mul3A_748 : i32
        %add3A_750 = arith.constant 7 : i32
        %add3A_751 = arith.addi %mul3A_749, %add3A_750 : i32
        %get3A_752 = arith.index_cast %add3A_751 : i32 to index
        %get3A_753 = arith.constant 0 : index
        %get3A_754 = tpu.vector_load %arg10[%get3A_752, %get3A_753] {strides = array<i32>} : memref<128x128xf32, #tpu.memory_space<vmem>>, vector<1x16xf32>,
        %get3A_755 = vector.shape_cast %get3A_754 : vector<1x16xf32> to vector<16xf32>
        %mul3A_756 = arith.mulf %get3A_755, %gather3A_747 : vector<16xf32>
        %swap3A_757 = arith.index_cast %add3A_751 : i32 to index
        %swap3A_758 = arith.constant 0 : index
        %swap3A_759 = tpu.vector_load %arg10[%swap3A_757, %swap3A_758] {strides = array<i32>} : memref<128x128xf32, #tpu.memory_space<vmem>>, vector<1x16xf32>,
        %swap3A_760 = vector.shape_cast %swap3A_759 : vector<1x16xf32> to vector<16xf32>
        %swap3A_761 = vector.shape_cast %mul3A_756 : vector<16xf32> to vector<1x16xf32>
        tpu.vector_store %arg10[%swap3A_757, %swap3A_758], %swap3A_761 {strides = array<i32>} : memref<128x128xf32, #tpu.memory_space<vmem>>, vector<1x16xf32>,
        %get3A_762 = arith.index_cast %add3A_751 : i32 to index
        %get3A_763 = arith.constant 16 : index
        %get3A_764 = tpu.vector_load %arg10[%get3A_762, %get3A_763] {strides = array<i32>} : memref<128x128xf32, #tpu.memory_space<vmem>>, vector<1x16xf32>,
        %get3A_765 = vector.shape_cast %get3A_764 : vector<1x16xf32> to vector<16xf32>
        %mul3A_766 = arith.mulf %get3A_765, %gather3A_747 : vector<16xf32>
        %swap3A_767 = arith.index_cast %add3A_751 : i32 to index
        %swap3A_768 = arith.constant 16 : index
        %swap3A_769 = tpu.vector_load %arg10[%swap3A_767, %swap3A_768] {strides = array<i32>} : memref<128x128xf32, #tpu.memory_space<vmem>>, vector<1x16xf32>,
        %swap3A_770 = vector.shape_cast %swap3A_769 : vector<1x16xf32> to vector<16xf32>
        %swap3A_771 = vector.shape_cast %mul3A_766 : vector<16xf32> to vector<1x16xf32>
        tpu.vector_store %arg10[%swap3A_767, %swap3A_768], %swap3A_771 {strides = array<i32>} : memref<128x128xf32, #tpu.memory_space<vmem>>, vector<1x16xf32>,
        %get3A_772 = arith.index_cast %add3A_751 : i32 to index
        %get3A_773 = arith.constant 32 : index
        %get3A_774 = tpu.vector_load %arg10[%get3A_772, %get3A_773] {strides = array<i32>} : memref<128x128xf32, #tpu.memory_space<vmem>>, vector<1x16xf32>,
        %get3A_775 = vector.shape_cast %get3A_774 : vector<1x16xf32> to vector<16xf32>
        %mul3A_776 = arith.mulf %get3A_775, %gather3A_747 : vector<16xf32>
        %swap3A_777 = arith.index_cast %add3A_751 : i32 to index
        %swap3A_778 = arith.constant 32 : index
        %swap3A_779 = tpu.vector_load %arg10[%swap3A_777, %swap3A_778] {strides = array<i32>} : memref<128x128xf32, #tpu.memory_space<vmem>>, vector<1x16xf32>,
        %swap3A_780 = vector.shape_cast %swap3A_779 : vector<1x16xf32> to vector<16xf32>
        %swap3A_781 = vector.shape_cast %mul3A_776 : vector<16xf32> to vector<1x16xf32>
        tpu.vector_store %arg10[%swap3A_777, %swap3A_778], %swap3A_781 {strides = array<i32>} : memref<128x128xf32, #tpu.memory_space<vmem>>, vector<1x16xf32>,
        %get3A_782 = arith.index_cast %add3A_751 : i32 to index
        %get3A_783 = arith.constant 48 : index
        %get3A_784 = tpu.vector_load %arg10[%get3A_782, %get3A_783] {strides = array<i32>} : memref<128x128xf32, #tpu.memory_space<vmem>>, vector<1x16xf32>,
        %get3A_785 = vector.shape_cast %get3A_784 : vector<1x16xf32> to vector<16xf32>
        %mul3A_786 = arith.mulf %get3A_785, %gather3A_747 : vector<16xf32>
        %swap3A_787 = arith.index_cast %add3A_751 : i32 to index
        %swap3A_788 = arith.constant 48 : index
        %swap3A_789 = tpu.vector_load %arg10[%swap3A_787, %swap3A_788] {strides = array<i32>} : memref<128x128xf32, #tpu.memory_space<vmem>>, vector<1x16xf32>,
        %swap3A_790 = vector.shape_cast %swap3A_789 : vector<1x16xf32> to vector<16xf32>
        %swap3A_791 = vector.shape_cast %mul3A_786 : vector<16xf32> to vector<1x16xf32>
        tpu.vector_store %arg10[%swap3A_787, %swap3A_788], %swap3A_791 {strides = array<i32>} : memref<128x128xf32, #tpu.memory_space<vmem>>, vector<1x16xf32>,
        %get3A_792 = arith.index_cast %add3A_751 : i32 to index
        %get3A_793 = arith.constant 64 : index
        %get3A_794 = tpu.vector_load %arg10[%get3A_792, %get3A_793] {strides = array<i32>} : memref<128x128xf32, #tpu.memory_space<vmem>>, vector<1x16xf32>,
        %get3A_795 = vector.shape_cast %get3A_794 : vector<1x16xf32> to vector<16xf32>
        %mul3A_796 = arith.mulf %get3A_795, %gather3A_747 : vector<16xf32>
        %swap3A_797 = arith.index_cast %add3A_751 : i32 to index
        %swap3A_798 = arith.constant 64 : index
        %swap3A_799 = tpu.vector_load %arg10[%swap3A_797, %swap3A_798] {strides = array<i32>} : memref<128x128xf32, #tpu.memory_space<vmem>>, vector<1x16xf32>,
        %swap3A_800 = vector.shape_cast %swap3A_799 : vector<1x16xf32> to vector<16xf32>
        %swap3A_801 = vector.shape_cast %mul3A_796 : vector<16xf32> to vector<1x16xf32>
        tpu.vector_store %arg10[%swap3A_797, %swap3A_798], %swap3A_801 {strides = array<i32>} : memref<128x128xf32, #tpu.memory_space<vmem>>, vector<1x16xf32>,
        %get3A_802 = arith.index_cast %add3A_751 : i32 to index
        %get3A_803 = arith.constant 80 : index
        %get3A_804 = tpu.vector_load %arg10[%get3A_802, %get3A_803] {strides = array<i32>} : memref<128x128xf32, #tpu.memory_space<vmem>>, vector<1x16xf32>,
        %get3A_805 = vector.shape_cast %get3A_804 : vector<1x16xf32> to vector<16xf32>
        %mul3A_806 = arith.mulf %get3A_805, %gather3A_747 : vector<16xf32>
        %swap3A_807 = arith.index_cast %add3A_751 : i32 to index
        %swap3A_808 = arith.constant 80 : index
        %swap3A_809 = tpu.vector_load %arg10[%swap3A_807, %swap3A_808] {strides = array<i32>} : memref<128x128xf32, #tpu.memory_space<vmem>>, vector<1x16xf32>,
        %swap3A_810 = vector.shape_cast %swap3A_809 : vector<1x16xf32> to vector<16xf32>
        %swap3A_811 = vector.shape_cast %mul3A_806 : vector<16xf32> to vector<1x16xf32>
        tpu.vector_store %arg10[%swap3A_807, %swap3A_808], %swap3A_811 {strides = array<i32>} : memref<128x128xf32, #tpu.memory_space<vmem>>, vector<1x16xf32>,
        %get3A_812 = arith.index_cast %add3A_751 : i32 to index
        %get3A_813 = arith.constant 96 : index
        %get3A_814 = tpu.vector_load %arg10[%get3A_812, %get3A_813] {strides = array<i32>} : memref<128x128xf32, #tpu.memory_space<vmem>>, vector<1x16xf32>,
        %get3A_815 = vector.shape_cast %get3A_814 : vector<1x16xf32> to vector<16xf32>
        %mul3A_816 = arith.mulf %get3A_815, %gather3A_747 : vector<16xf32>
        %swap3A_817 = arith.index_cast %add3A_751 : i32 to index
        %swap3A_818 = arith.constant 96 : index
        %swap3A_819 = tpu.vector_load %arg10[%swap3A_817, %swap3A_818] {strides = array<i32>} : memref<128x128xf32, #tpu.memory_space<vmem>>, vector<1x16xf32>,
        %swap3A_820 = vector.shape_cast %swap3A_819 : vector<1x16xf32> to vector<16xf32>
        %swap3A_821 = vector.shape_cast %mul3A_816 : vector<16xf32> to vector<1x16xf32>
        tpu.vector_store %arg10[%swap3A_817, %swap3A_818], %swap3A_821 {strides = array<i32>} : memref<128x128xf32, #tpu.memory_space<vmem>>, vector<1x16xf32>,
        %get3A_822 = arith.index_cast %add3A_751 : i32 to index
        %get3A_823 = arith.constant 112 : index
        %get3A_824 = tpu.vector_load %arg10[%get3A_822, %get3A_823] {strides = array<i32>} : memref<128x128xf32, #tpu.memory_space<vmem>>, vector<1x16xf32>,
        %get3A_825 = vector.shape_cast %get3A_824 : vector<1x16xf32> to vector<16xf32>
        %mul3A_826 = arith.mulf %get3A_825, %gather3A_747 : vector<16xf32>
        %swap3A_827 = arith.index_cast %add3A_751 : i32 to index
        %swap3A_828 = arith.constant 112 : index
        %swap3A_829 = tpu.vector_load %arg10[%swap3A_827, %swap3A_828] {strides = array<i32>} : memref<128x128xf32, #tpu.memory_space<vmem>>, vector<1x16xf32>,
        %swap3A_830 = vector.shape_cast %swap3A_829 : vector<1x16xf32> to vector<16xf32>
        %swap3A_831 = vector.shape_cast %mul3A_826 : vector<16xf32> to vector<1x16xf32>
        tpu.vector_store %arg10[%swap3A_827, %swap3A_828], %swap3A_831 {strides = array<i32>} : memref<128x128xf32, #tpu.memory_space<vmem>>, vector<1x16xf32>,
        %broadcast_in_dim3A_832 = arith.constant 8 : i32
        %broadcast_in_dim3A_833 = vector.broadcast %broadcast_in_dim3A_832 : i32 to vector<16xi32>
        %lt3A_834 = arith.constant 0 : i32
        %lt3A_835 = vector.broadcast %lt3A_834 : i32 to vector<16xi32>
        %lt3A_836 = arith.cmpi slt, %broadcast_in_dim3A_833, %lt3A_835 : vector<16xi32>
        %add3A_837 = arith.constant 16 : i32
        %add3A_838 = vector.broadcast %add3A_837 : i32 to vector<16xi32>
        %add3A_839 = arith.addi %broadcast_in_dim3A_833, %add3A_838 : vector<16xi32>
        %select_n3A_840 = arith.select %lt3A_836, %add3A_839, %broadcast_in_dim3A_833 : vector<16xi1>, vector<16xi32>
        %broadcast_in_dim3A_841 = vector.shape_cast %select_n3A_840 : vector<16xi32> to vector<16x1xi32>
        %gather3A_842 = vector.shape_cast %broadcast_in_dim3A_841 : vector<16x1xi32> to vector<16xi32>
        %gather3A_843 = tpu.dynamic_gather %get3A_67[%gather3A_842] in [0] : vector<16xf32>, vector<16xi32> -> vector<16xf32>
        %mul3A_844 = arith.constant 16 : i32
        %mul3A_845 = arith.muli %scan3A_63, %mul3A_844 : i32
        %add3A_846 = arith.constant 8 : i32
        %add3A_847 = arith.addi %mul3A_845, %add3A_846 : i32
        %get3A_848 = arith.index_cast %add3A_847 : i32 to index
        %get3A_849 = arith.constant 0 : index
        %get3A_850 = tpu.vector_load %arg10[%get3A_848, %get3A_849] {strides = array<i32>} : memref<128x128xf32, #tpu.memory_space<vmem>>, vector<1x16xf32>,
        %get3A_851 = vector.shape_cast %get3A_850 : vector<1x16xf32> to vector<16xf32>
        %mul3A_852 = arith.mulf %get3A_851, %gather3A_843 : vector<16xf32>
        %swap3A_853 = arith.index_cast %add3A_847 : i32 to index
        %swap3A_854 = arith.constant 0 : index
        %swap3A_855 = tpu.vector_load %arg10[%swap3A_853, %swap3A_854] {strides = array<i32>} : memref<128x128xf32, #tpu.memory_space<vmem>>, vector<1x16xf32>,
        %swap3A_856 = vector.shape_cast %swap3A_855 : vector<1x16xf32> to vector<16xf32>
        %swap3A_857 = vector.shape_cast %mul3A_852 : vector<16xf32> to vector<1x16xf32>
        tpu.vector_store %arg10[%swap3A_853, %swap3A_854], %swap3A_857 {strides = array<i32>} : memref<128x128xf32, #tpu.memory_space<vmem>>, vector<1x16xf32>,
        %get3A_858 = arith.index_cast %add3A_847 : i32 to index
        %get3A_859 = arith.constant 16 : index
        %get3A_860 = tpu.vector_load %arg10[%get3A_858, %get3A_859] {strides = array<i32>} : memref<128x128xf32, #tpu.memory_space<vmem>>, vector<1x16xf32>,
        %get3A_861 = vector.shape_cast %get3A_860 : vector<1x16xf32> to vector<16xf32>
        %mul3A_862 = arith.mulf %get3A_861, %gather3A_843 : vector<16xf32>
        %swap3A_863 = arith.index_cast %add3A_847 : i32 to index
        %swap3A_864 = arith.constant 16 : index
        %swap3A_865 = tpu.vector_load %arg10[%swap3A_863, %swap3A_864] {strides = array<i32>} : memref<128x128xf32, #tpu.memory_space<vmem>>, vector<1x16xf32>,
        %swap3A_866 = vector.shape_cast %swap3A_865 : vector<1x16xf32> to vector<16xf32>
        %swap3A_867 = vector.shape_cast %mul3A_862 : vector<16xf32> to vector<1x16xf32>
        tpu.vector_store %arg10[%swap3A_863, %swap3A_864], %swap3A_867 {strides = array<i32>} : memref<128x128xf32, #tpu.memory_space<vmem>>, vector<1x16xf32>,
        %get3A_868 = arith.index_cast %add3A_847 : i32 to index
        %get3A_869 = arith.constant 32 : index
        %get3A_870 = tpu.vector_load %arg10[%get3A_868, %get3A_869] {strides = array<i32>} : memref<128x128xf32, #tpu.memory_space<vmem>>, vector<1x16xf32>,
        %get3A_871 = vector.shape_cast %get3A_870 : vector<1x16xf32> to vector<16xf32>
        %mul3A_872 = arith.mulf %get3A_871, %gather3A_843 : vector<16xf32>
        %swap3A_873 = arith.index_cast %add3A_847 : i32 to index
        %swap3A_874 = arith.constant 32 : index
        %swap3A_875 = tpu.vector_load %arg10[%swap3A_873, %swap3A_874] {strides = array<i32>} : memref<128x128xf32, #tpu.memory_space<vmem>>, vector<1x16xf32>,
        %swap3A_876 = vector.shape_cast %swap3A_875 : vector<1x16xf32> to vector<16xf32>
        %swap3A_877 = vector.shape_cast %mul3A_872 : vector<16xf32> to vector<1x16xf32>
        tpu.vector_store %arg10[%swap3A_873, %swap3A_874], %swap3A_877 {strides = array<i32>} : memref<128x128xf32, #tpu.memory_space<vmem>>, vector<1x16xf32>,
        %get3A_878 = arith.index_cast %add3A_847 : i32 to index
        %get3A_879 = arith.constant 48 : index
        %get3A_880 = tpu.vector_load %arg10[%get3A_878, %get3A_879] {strides = array<i32>} : memref<128x128xf32, #tpu.memory_space<vmem>>, vector<1x16xf32>,
        %get3A_881 = vector.shape_cast %get3A_880 : vector<1x16xf32> to vector<16xf32>
        %mul3A_882 = arith.mulf %get3A_881, %gather3A_843 : vector<16xf32>
        %swap3A_883 = arith.index_cast %add3A_847 : i32 to index
        %swap3A_884 = arith.constant 48 : index
        %swap3A_885 = tpu.vector_load %arg10[%swap3A_883, %swap3A_884] {strides = array<i32>} : memref<128x128xf32, #tpu.memory_space<vmem>>, vector<1x16xf32>,
        %swap3A_886 = vector.shape_cast %swap3A_885 : vector<1x16xf32> to vector<16xf32>
        %swap3A_887 = vector.shape_cast %mul3A_882 : vector<16xf32> to vector<1x16xf32>
        tpu.vector_store %arg10[%swap3A_883, %swap3A_884], %swap3A_887 {strides = array<i32>} : memref<128x128xf32, #tpu.memory_space<vmem>>, vector<1x16xf32>,
        %get3A_888 = arith.index_cast %add3A_847 : i32 to index
        %get3A_889 = arith.constant 64 : index
        %get3A_890 = tpu.vector_load %arg10[%get3A_888, %get3A_889] {strides = array<i32>} : memref<128x128xf32, #tpu.memory_space<vmem>>, vector<1x16xf32>,
        %get3A_891 = vector.shape_cast %get3A_890 : vector<1x16xf32> to vector<16xf32>
        %mul3A_892 = arith.mulf %get3A_891, %gather3A_843 : vector<16xf32>
        %swap3A_893 = arith.index_cast %add3A_847 : i32 to index
        %swap3A_894 = arith.constant 64 : index
        %swap3A_895 = tpu.vector_load %arg10[%swap3A_893, %swap3A_894] {strides = array<i32>} : memref<128x128xf32, #tpu.memory_space<vmem>>, vector<1x16xf32>,
        %swap3A_896 = vector.shape_cast %swap3A_895 : vector<1x16xf32> to vector<16xf32>
        %swap3A_897 = vector.shape_cast %mul3A_892 : vector<16xf32> to vector<1x16xf32>
        tpu.vector_store %arg10[%swap3A_893, %swap3A_894], %swap3A_897 {strides = array<i32>} : memref<128x128xf32, #tpu.memory_space<vmem>>, vector<1x16xf32>,
        %get3A_898 = arith.index_cast %add3A_847 : i32 to index
        %get3A_899 = arith.constant 80 : index
        %get3A_900 = tpu.vector_load %arg10[%get3A_898, %get3A_899] {strides = array<i32>} : memref<128x128xf32, #tpu.memory_space<vmem>>, vector<1x16xf32>,
        %get3A_901 = vector.shape_cast %get3A_900 : vector<1x16xf32> to vector<16xf32>
        %mul3A_902 = arith.mulf %get3A_901, %gather3A_843 : vector<16xf32>
        %swap3A_903 = arith.index_cast %add3A_847 : i32 to index
        %swap3A_904 = arith.constant 80 : index
        %swap3A_905 = tpu.vector_load %arg10[%swap3A_903, %swap3A_904] {strides = array<i32>} : memref<128x128xf32, #tpu.memory_space<vmem>>, vector<1x16xf32>,
        %swap3A_906 = vector.shape_cast %swap3A_905 : vector<1x16xf32> to vector<16xf32>
        %swap3A_907 = vector.shape_cast %mul3A_902 : vector<16xf32> to vector<1x16xf32>
        tpu.vector_store %arg10[%swap3A_903, %swap3A_904], %swap3A_907 {strides = array<i32>} : memref<128x128xf32, #tpu.memory_space<vmem>>, vector<1x16xf32>,
        %get3A_908 = arith.index_cast %add3A_847 : i32 to index
        %get3A_909 = arith.constant 96 : index
        %get3A_910 = tpu.vector_load %arg10[%get3A_908, %get3A_909] {strides = array<i32>} : memref<128x128xf32, #tpu.memory_space<vmem>>, vector<1x16xf32>,
        %get3A_911 = vector.shape_cast %get3A_910 : vector<1x16xf32> to vector<16xf32>
        %mul3A_912 = arith.mulf %get3A_911, %gather3A_843 : vector<16xf32>
        %swap3A_913 = arith.index_cast %add3A_847 : i32 to index
        %swap3A_914 = arith.constant 96 : index
        %swap3A_915 = tpu.vector_load %arg10[%swap3A_913, %swap3A_914] {strides = array<i32>} : memref<128x128xf32, #tpu.memory_space<vmem>>, vector<1x16xf32>,
        %swap3A_916 = vector.shape_cast %swap3A_915 : vector<1x16xf32> to vector<16xf32>
        %swap3A_917 = vector.shape_cast %mul3A_912 : vector<16xf32> to vector<1x16xf32>
        tpu.vector_store %arg10[%swap3A_913, %swap3A_914], %swap3A_917 {strides = array<i32>} : memref<128x128xf32, #tpu.memory_space<vmem>>, vector<1x16xf32>,
        %get3A_918 = arith.index_cast %add3A_847 : i32 to index
        %get3A_919 = arith.constant 112 : index
        %get3A_920 = tpu.vector_load %arg10[%get3A_918, %get3A_919] {strides = array<i32>} : memref<128x128xf32, #tpu.memory_space<vmem>>, vector<1x16xf32>,
        %get3A_921 = vector.shape_cast %get3A_920 : vector<1x16xf32> to vector<16xf32>
        %mul3A_922 = arith.mulf %get3A_921, %gather3A_843 : vector<16xf32>
        %swap3A_923 = arith.index_cast %add3A_847 : i32 to index
        %swap3A_924 = arith.constant 112 : index
        %swap3A_925 = tpu.vector_load %arg10[%swap3A_923, %swap3A_924] {strides = array<i32>} : memref<128x128xf32, #tpu.memory_space<vmem>>, vector<1x16xf32>,
        %swap3A_926 = vector.shape_cast %swap3A_925 : vector<1x16xf32> to vector<16xf32>
        %swap3A_927 = vector.shape_cast %mul3A_922 : vector<16xf32> to vector<1x16xf32>
        tpu.vector_store %arg10[%swap3A_923, %swap3A_924], %swap3A_927 {strides = array<i32>} : memref<128x128xf32, #tpu.memory_space<vmem>>, vector<1x16xf32>,
        %broadcast_in_dim3A_928 = arith.constant 9 : i32
        %broadcast_in_dim3A_929 = vector.broadcast %broadcast_in_dim3A_928 : i32 to vector<16xi32>
        %lt3A_930 = arith.constant 0 : i32
        %lt3A_931 = vector.broadcast %lt3A_930 : i32 to vector<16xi32>
        %lt3A_932 = arith.cmpi slt, %broadcast_in_dim3A_929, %lt3A_931 : vector<16xi32>
        %add3A_933 = arith.constant 16 : i32
        %add3A_934 = vector.broadcast %add3A_933 : i32 to vector<16xi32>
        %add3A_935 = arith.addi %broadcast_in_dim3A_929, %add3A_934 : vector<16xi32>
        %select_n3A_936 = arith.select %lt3A_932, %add3A_935, %broadcast_in_dim3A_929 : vector<16xi1>, vector<16xi32>
        %broadcast_in_dim3A_937 = vector.shape_cast %select_n3A_936 : vector<16xi32> to vector<16x1xi32>
        %gather3A_938 = vector.shape_cast %broadcast_in_dim3A_937 : vector<16x1xi32> to vector<16xi32>
        %gather3A_939 = tpu.dynamic_gather %get3A_67[%gather3A_938] in [0] : vector<16xf32>, vector<16xi32> -> vector<16xf32>
        %mul3A_940 = arith.constant 16 : i32
        %mul3A_941 = arith.muli %scan3A_63, %mul3A_940 : i32
        %add3A_942 = arith.constant 9 : i32
        %add3A_943 = arith.addi %mul3A_941, %add3A_942 : i32
        %get3A_944 = arith.index_cast %add3A_943 : i32 to index
        %get3A_945 = arith.constant 0 : index
        %get3A_946 = tpu.vector_load %arg10[%get3A_944, %get3A_945] {strides = array<i32>} : memref<128x128xf32, #tpu.memory_space<vmem>>, vector<1x16xf32>,
        %get3A_947 = vector.shape_cast %get3A_946 : vector<1x16xf32> to vector<16xf32>
        %mul3A_948 = arith.mulf %get3A_947, %gather3A_939 : vector<16xf32>
        %swap3A_949 = arith.index_cast %add3A_943 : i32 to index
        %swap3A_950 = arith.constant 0 : index
        %swap3A_951 = tpu.vector_load %arg10[%swap3A_949, %swap3A_950] {strides = array<i32>} : memref<128x128xf32, #tpu.memory_space<vmem>>, vector<1x16xf32>,
        %swap3A_952 = vector.shape_cast %swap3A_951 : vector<1x16xf32> to vector<16xf32>
        %swap3A_953 = vector.shape_cast %mul3A_948 : vector<16xf32> to vector<1x16xf32>
        tpu.vector_store %arg10[%swap3A_949, %swap3A_950], %swap3A_953 {strides = array<i32>} : memref<128x128xf32, #tpu.memory_space<vmem>>, vector<1x16xf32>,
        %get3A_954 = arith.index_cast %add3A_943 : i32 to index
        %get3A_955 = arith.constant 16 : index
        %get3A_956 = tpu.vector_load %arg10[%get3A_954, %get3A_955] {strides = array<i32>} : memref<128x128xf32, #tpu.memory_space<vmem>>, vector<1x16xf32>,
        %get3A_957 = vector.shape_cast %get3A_956 : vector<1x16xf32> to vector<16xf32>
        %mul3A_958 = arith.mulf %get3A_957, %gather3A_939 : vector<16xf32>
        %swap3A_959 = arith.index_cast %add3A_943 : i32 to index
        %swap3A_960 = arith.constant 16 : index
        %swap3A_961 = tpu.vector_load %arg10[%swap3A_959, %swap3A_960] {strides = array<i32>} : memref<128x128xf32, #tpu.memory_space<vmem>>, vector<1x16xf32>,
        %swap3A_962 = vector.shape_cast %swap3A_961 : vector<1x16xf32> to vector<16xf32>
        %swap3A_963 = vector.shape_cast %mul3A_958 : vector<16xf32> to vector<1x16xf32>
        tpu.vector_store %arg10[%swap3A_959, %swap3A_960], %swap3A_963 {strides = array<i32>} : memref<128x128xf32, #tpu.memory_space<vmem>>, vector<1x16xf32>,
        %get3A_964 = arith.index_cast %add3A_943 : i32 to index
        %get3A_965 = arith.constant 32 : index
        %get3A_966 = tpu.vector_load %arg10[%get3A_964, %get3A_965] {strides = array<i32>} : memref<128x128xf32, #tpu.memory_space<vmem>>, vector<1x16xf32>,
        %get3A_967 = vector.shape_cast %get3A_966 : vector<1x16xf32> to vector<16xf32>
        %mul3A_968 = arith.mulf %get3A_967, %gather3A_939 : vector<16xf32>
        %swap3A_969 = arith.index_cast %add3A_943 : i32 to index
        %swap3A_970 = arith.constant 32 : index
        %swap3A_971 = tpu.vector_load %arg10[%swap3A_969, %swap3A_970] {strides = array<i32>} : memref<128x128xf32, #tpu.memory_space<vmem>>, vector<1x16xf32>,
        %swap3A_972 = vector.shape_cast %swap3A_971 : vector<1x16xf32> to vector<16xf32>
        %swap3A_973 = vector.shape_cast %mul3A_968 : vector<16xf32> to vector<1x16xf32>
        tpu.vector_store %arg10[%swap3A_969, %swap3A_970], %swap3A_973 {strides = array<i32>} : memref<128x128xf32, #tpu.memory_space<vmem>>, vector<1x16xf32>,
        %get3A_974 = arith.index_cast %add3A_943 : i32 to index
        %get3A_975 = arith.constant 48 : index
        %get3A_976 = tpu.vector_load %arg10[%get3A_974, %get3A_975] {strides = array<i32>} : memref<128x128xf32, #tpu.memory_space<vmem>>, vector<1x16xf32>,
        %get3A_977 = vector.shape_cast %get3A_976 : vector<1x16xf32> to vector<16xf32>
        %mul3A_978 = arith.mulf %get3A_977, %gather3A_939 : vector<16xf32>
        %swap3A_979 = arith.index_cast %add3A_943 : i32 to index
        %swap3A_980 = arith.constant 48 : index
        %swap3A_981 = tpu.vector_load %arg10[%swap3A_979, %swap3A_980] {strides = array<i32>} : memref<128x128xf32, #tpu.memory_space<vmem>>, vector<1x16xf32>,
        %swap3A_982 = vector.shape_cast %swap3A_981 : vector<1x16xf32> to vector<16xf32>
        %swap3A_983 = vector.shape_cast %mul3A_978 : vector<16xf32> to vector<1x16xf32>
        tpu.vector_store %arg10[%swap3A_979, %swap3A_980], %swap3A_983 {strides = array<i32>} : memref<128x128xf32, #tpu.memory_space<vmem>>, vector<1x16xf32>,
        %get3A_984 = arith.index_cast %add3A_943 : i32 to index
        %get3A_985 = arith.constant 64 : index
        %get3A_986 = tpu.vector_load %arg10[%get3A_984, %get3A_985] {strides = array<i32>} : memref<128x128xf32, #tpu.memory_space<vmem>>, vector<1x16xf32>,
        %get3A_987 = vector.shape_cast %get3A_986 : vector<1x16xf32> to vector<16xf32>
        %mul3A_988 = arith.mulf %get3A_987, %gather3A_939 : vector<16xf32>
        %swap3A_989 = arith.index_cast %add3A_943 : i32 to index
        %swap3A_990 = arith.constant 64 : index
        %swap3A_991 = tpu.vector_load %arg10[%swap3A_989, %swap3A_990] {strides = array<i32>} : memref<128x128xf32, #tpu.memory_space<vmem>>, vector<1x16xf32>,
        %swap3A_992 = vector.shape_cast %swap3A_991 : vector<1x16xf32> to vector<16xf32>
        %swap3A_993 = vector.shape_cast %mul3A_988 : vector<16xf32> to vector<1x16xf32>
        tpu.vector_store %arg10[%swap3A_989, %swap3A_990], %swap3A_993 {strides = array<i32>} : memref<128x128xf32, #tpu.memory_space<vmem>>, vector<1x16xf32>,
        %get3A_994 = arith.index_cast %add3A_943 : i32 to index
        %get3A_995 = arith.constant 80 : index
        %get3A_996 = tpu.vector_load %arg10[%get3A_994, %get3A_995] {strides = array<i32>} : memref<128x128xf32, #tpu.memory_space<vmem>>, vector<1x16xf32>,
        %get3A_997 = vector.shape_cast %get3A_996 : vector<1x16xf32> to vector<16xf32>
        %mul3A_998 = arith.mulf %get3A_997, %gather3A_939 : vector<16xf32>
        %swap3A_999 = arith.index_cast %add3A_943 : i32 to index
        %swap3A_1000 = arith.constant 80 : index
        %swap3A_1001 = tpu.vector_load %arg10[%swap3A_999, %swap3A_1000] {strides = array<i32>} : memref<128x128xf32, #tpu.memory_space<vmem>>, vector<1x16xf32>,
        %swap3A_1002 = vector.shape_cast %swap3A_1001 : vector<1x16xf32> to vector<16xf32>
        %swap3A_1003 = vector.shape_cast %mul3A_998 : vector<16xf32> to vector<1x16xf32>
        tpu.vector_store %arg10[%swap3A_999, %swap3A_1000], %swap3A_1003 {strides = array<i32>} : memref<128x128xf32, #tpu.memory_space<vmem>>, vector<1x16xf32>,
        %get3A_1004 = arith.index_cast %add3A_943 : i32 to index
        %get3A_1005 = arith.constant 96 : index
        %get3A_1006 = tpu.vector_load %arg10[%get3A_1004, %get3A_1005] {strides = array<i32>} : memref<128x128xf32, #tpu.memory_space<vmem>>, vector<1x16xf32>,
        %get3A_1007 = vector.shape_cast %get3A_1006 : vector<1x16xf32> to vector<16xf32>
        %mul3A_1008 = arith.mulf %get3A_1007, %gather3A_939 : vector<16xf32>
        %swap3A_1009 = arith.index_cast %add3A_943 : i32 to index
        %swap3A_1010 = arith.constant 96 : index
        %swap3A_1011 = tpu.vector_load %arg10[%swap3A_1009, %swap3A_1010] {strides = array<i32>} : memref<128x128xf32, #tpu.memory_space<vmem>>, vector<1x16xf32>,
        %swap3A_1012 = vector.shape_cast %swap3A_1011 : vector<1x16xf32> to vector<16xf32>
        %swap3A_1013 = vector.shape_cast %mul3A_1008 : vector<16xf32> to vector<1x16xf32>
        tpu.vector_store %arg10[%swap3A_1009, %swap3A_1010], %swap3A_1013 {strides = array<i32>} : memref<128x128xf32, #tpu.memory_space<vmem>>, vector<1x16xf32>,
        %get3A_1014 = arith.index_cast %add3A_943 : i32 to index
        %get3A_1015 = arith.constant 112 : index
        %get3A_1016 = tpu.vector_load %arg10[%get3A_1014, %get3A_1015] {strides = array<i32>} : memref<128x128xf32, #tpu.memory_space<vmem>>, vector<1x16xf32>,
        %get3A_1017 = vector.shape_cast %get3A_1016 : vector<1x16xf32> to vector<16xf32>
        %mul3A_1018 = arith.mulf %get3A_1017, %gather3A_939 : vector<16xf32>
        %swap3A_1019 = arith.index_cast %add3A_943 : i32 to index
        %swap3A_1020 = arith.constant 112 : index
        %swap3A_1021 = tpu.vector_load %arg10[%swap3A_1019, %swap3A_1020] {strides = array<i32>} : memref<128x128xf32, #tpu.memory_space<vmem>>, vector<1x16xf32>,
        %swap3A_1022 = vector.shape_cast %swap3A_1021 : vector<1x16xf32> to vector<16xf32>
        %swap3A_1023 = vector.shape_cast %mul3A_1018 : vector<16xf32> to vector<1x16xf32>
        tpu.vector_store %arg10[%swap3A_1019, %swap3A_1020], %swap3A_1023 {strides = array<i32>} : memref<128x128xf32, #tpu.memory_space<vmem>>, vector<1x16xf32>,
        %broadcast_in_dim3A_1024 = arith.constant 10 : i32
        %broadcast_in_dim3A_1025 = vector.broadcast %broadcast_in_dim3A_1024 : i32 to vector<16xi32>
        %lt3A_1026 = arith.constant 0 : i32
        %lt3A_1027 = vector.broadcast %lt3A_1026 : i32 to vector<16xi32>
        %lt3A_1028 = arith.cmpi slt, %broadcast_in_dim3A_1025, %lt3A_1027 : vector<16xi32>
        %add3A_1029 = arith.constant 16 : i32
        %add3A_1030 = vector.broadcast %add3A_1029 : i32 to vector<16xi32>
        %add3A_1031 = arith.addi %broadcast_in_dim3A_1025, %add3A_1030 : vector<16xi32>
        %select_n3A_1032 = arith.select %lt3A_1028, %add3A_1031, %broadcast_in_dim3A_1025 : vector<16xi1>, vector<16xi32>
        %broadcast_in_dim3A_1033 = vector.shape_cast %select_n3A_1032 : vector<16xi32> to vector<16x1xi32>
        %gather3A_1034 = vector.shape_cast %broadcast_in_dim3A_1033 : vector<16x1xi32> to vector<16xi32>
        %gather3A_1035 = tpu.dynamic_gather %get3A_67[%gather3A_1034] in [0] : vector<16xf32>, vector<16xi32> -> vector<16xf32>
        %mul3A_1036 = arith.constant 16 : i32
        %mul3A_1037 = arith.muli %scan3A_63, %mul3A_1036 : i32
        %add3A_1038 = arith.constant 10 : i32
        %add3A_1039 = arith.addi %mul3A_1037, %add3A_1038 : i32
        %get3A_1040 = arith.index_cast %add3A_1039 : i32 to index
        %get3A_1041 = arith.constant 0 : index
        %get3A_1042 = tpu.vector_load %arg10[%get3A_1040, %get3A_1041] {strides = array<i32>} : memref<128x128xf32, #tpu.memory_space<vmem>>, vector<1x16xf32>,
        %get3A_1043 = vector.shape_cast %get3A_1042 : vector<1x16xf32> to vector<16xf32>
        %mul3A_1044 = arith.mulf %get3A_1043, %gather3A_1035 : vector<16xf32>
        %swap3A_1045 = arith.index_cast %add3A_1039 : i32 to index
        %swap3A_1046 = arith.constant 0 : index
        %swap3A_1047 = tpu.vector_load %arg10[%swap3A_1045, %swap3A_1046] {strides = array<i32>} : memref<128x128xf32, #tpu.memory_space<vmem>>, vector<1x16xf32>,
        %swap3A_1048 = vector.shape_cast %swap3A_1047 : vector<1x16xf32> to vector<16xf32>
        %swap3A_1049 = vector.shape_cast %mul3A_1044 : vector<16xf32> to vector<1x16xf32>
        tpu.vector_store %arg10[%swap3A_1045, %swap3A_1046], %swap3A_1049 {strides = array<i32>} : memref<128x128xf32, #tpu.memory_space<vmem>>, vector<1x16xf32>,
        %get3A_1050 = arith.index_cast %add3A_1039 : i32 to index
        %get3A_1051 = arith.constant 16 : index
        %get3A_1052 = tpu.vector_load %arg10[%get3A_1050, %get3A_1051] {strides = array<i32>} : memref<128x128xf32, #tpu.memory_space<vmem>>, vector<1x16xf32>,
        %get3A_1053 = vector.shape_cast %get3A_1052 : vector<1x16xf32> to vector<16xf32>
        %mul3A_1054 = arith.mulf %get3A_1053, %gather3A_1035 : vector<16xf32>
        %swap3A_1055 = arith.index_cast %add3A_1039 : i32 to index
        %swap3A_1056 = arith.constant 16 : index
        %swap3A_1057 = tpu.vector_load %arg10[%swap3A_1055, %swap3A_1056] {strides = array<i32>} : memref<128x128xf32, #tpu.memory_space<vmem>>, vector<1x16xf32>,
        %swap3A_1058 = vector.shape_cast %swap3A_1057 : vector<1x16xf32> to vector<16xf32>
        %swap3A_1059 = vector.shape_cast %mul3A_1054 : vector<16xf32> to vector<1x16xf32>
        tpu.vector_store %arg10[%swap3A_1055, %swap3A_1056], %swap3A_1059 {strides = array<i32>} : memref<128x128xf32, #tpu.memory_space<vmem>>, vector<1x16xf32>,
        %get3A_1060 = arith.index_cast %add3A_1039 : i32 to index
        %get3A_1061 = arith.constant 32 : index
        %get3A_1062 = tpu.vector_load %arg10[%get3A_1060, %get3A_1061] {strides = array<i32>} : memref<128x128xf32, #tpu.memory_space<vmem>>, vector<1x16xf32>,
        %get3A_1063 = vector.shape_cast %get3A_1062 : vector<1x16xf32> to vector<16xf32>
        %mul3A_1064 = arith.mulf %get3A_1063, %gather3A_1035 : vector<16xf32>
        %swap3A_1065 = arith.index_cast %add3A_1039 : i32 to index
        %swap3A_1066 = arith.constant 32 : index
        %swap3A_1067 = tpu.vector_load %arg10[%swap3A_1065, %swap3A_1066] {strides = array<i32>} : memref<128x128xf32, #tpu.memory_space<vmem>>, vector<1x16xf32>,
        %swap3A_1068 = vector.shape_cast %swap3A_1067 : vector<1x16xf32> to vector<16xf32>
        %swap3A_1069 = vector.shape_cast %mul3A_1064 : vector<16xf32> to vector<1x16xf32>
        tpu.vector_store %arg10[%swap3A_1065, %swap3A_1066], %swap3A_1069 {strides = array<i32>} : memref<128x128xf32, #tpu.memory_space<vmem>>, vector<1x16xf32>,
        %get3A_1070 = arith.index_cast %add3A_1039 : i32 to index
        %get3A_1071 = arith.constant 48 : index
        %get3A_1072 = tpu.vector_load %arg10[%get3A_1070, %get3A_1071] {strides = array<i32>} : memref<128x128xf32, #tpu.memory_space<vmem>>, vector<1x16xf32>,
        %get3A_1073 = vector.shape_cast %get3A_1072 : vector<1x16xf32> to vector<16xf32>
        %mul3A_1074 = arith.mulf %get3A_1073, %gather3A_1035 : vector<16xf32>
        %swap3A_1075 = arith.index_cast %add3A_1039 : i32 to index
        %swap3A_1076 = arith.constant 48 : index
        %swap3A_1077 = tpu.vector_load %arg10[%swap3A_1075, %swap3A_1076] {strides = array<i32>} : memref<128x128xf32, #tpu.memory_space<vmem>>, vector<1x16xf32>,
        %swap3A_1078 = vector.shape_cast %swap3A_1077 : vector<1x16xf32> to vector<16xf32>
        %swap3A_1079 = vector.shape_cast %mul3A_1074 : vector<16xf32> to vector<1x16xf32>
        tpu.vector_store %arg10[%swap3A_1075, %swap3A_1076], %swap3A_1079 {strides = array<i32>} : memref<128x128xf32, #tpu.memory_space<vmem>>, vector<1x16xf32>,
        %get3A_1080 = arith.index_cast %add3A_1039 : i32 to index
        %get3A_1081 = arith.constant 64 : index
        %get3A_1082 = tpu.vector_load %arg10[%get3A_1080, %get3A_1081] {strides = array<i32>} : memref<128x128xf32, #tpu.memory_space<vmem>>, vector<1x16xf32>,
        %get3A_1083 = vector.shape_cast %get3A_1082 : vector<1x16xf32> to vector<16xf32>
        %mul3A_1084 = arith.mulf %get3A_1083, %gather3A_1035 : vector<16xf32>
        %swap3A_1085 = arith.index_cast %add3A_1039 : i32 to index
        %swap3A_1086 = arith.constant 64 : index
        %swap3A_1087 = tpu.vector_load %arg10[%swap3A_1085, %swap3A_1086] {strides = array<i32>} : memref<128x128xf32, #tpu.memory_space<vmem>>, vector<1x16xf32>,
        %swap3A_1088 = vector.shape_cast %swap3A_1087 : vector<1x16xf32> to vector<16xf32>
        %swap3A_1089 = vector.shape_cast %mul3A_1084 : vector<16xf32> to vector<1x16xf32>
        tpu.vector_store %arg10[%swap3A_1085, %swap3A_1086], %swap3A_1089 {strides = array<i32>} : memref<128x128xf32, #tpu.memory_space<vmem>>, vector<1x16xf32>,
        %get3A_1090 = arith.index_cast %add3A_1039 : i32 to index
        %get3A_1091 = arith.constant 80 : index
        %get3A_1092 = tpu.vector_load %arg10[%get3A_1090, %get3A_1091] {strides = array<i32>} : memref<128x128xf32, #tpu.memory_space<vmem>>, vector<1x16xf32>,
        %get3A_1093 = vector.shape_cast %get3A_1092 : vector<1x16xf32> to vector<16xf32>
        %mul3A_1094 = arith.mulf %get3A_1093, %gather3A_1035 : vector<16xf32>
        %swap3A_1095 = arith.index_cast %add3A_1039 : i32 to index
        %swap3A_1096 = arith.constant 80 : index
        %swap3A_1097 = tpu.vector_load %arg10[%swap3A_1095, %swap3A_1096] {strides = array<i32>} : memref<128x128xf32, #tpu.memory_space<vmem>>, vector<1x16xf32>,
        %swap3A_1098 = vector.shape_cast %swap3A_1097 : vector<1x16xf32> to vector<16xf32>
        %swap3A_1099 = vector.shape_cast %mul3A_1094 : vector<16xf32> to vector<1x16xf32>
        tpu.vector_store %arg10[%swap3A_1095, %swap3A_1096], %swap3A_1099 {strides = array<i32>} : memref<128x128xf32, #tpu.memory_space<vmem>>, vector<1x16xf32>,
        %get3A_1100 = arith.index_cast %add3A_1039 : i32 to index
        %get3A_1101 = arith.constant 96 : index
        %get3A_1102 = tpu.vector_load %arg10[%get3A_1100, %get3A_1101] {strides = array<i32>} : memref<128x128xf32, #tpu.memory_space<vmem>>, vector<1x16xf32>,
        %get3A_1103 = vector.shape_cast %get3A_1102 : vector<1x16xf32> to vector<16xf32>
        %mul3A_1104 = arith.mulf %get3A_1103, %gather3A_1035 : vector<16xf32>
        %swap3A_1105 = arith.index_cast %add3A_1039 : i32 to index
        %swap3A_1106 = arith.constant 96 : index
        %swap3A_1107 = tpu.vector_load %arg10[%swap3A_1105, %swap3A_1106] {strides = array<i32>} : memref<128x128xf32, #tpu.memory_space<vmem>>, vector<1x16xf32>,
        %swap3A_1108 = vector.shape_cast %swap3A_1107 : vector<1x16xf32> to vector<16xf32>
        %swap3A_1109 = vector.shape_cast %mul3A_1104 : vector<16xf32> to vector<1x16xf32>
        tpu.vector_store %arg10[%swap3A_1105, %swap3A_1106], %swap3A_1109 {strides = array<i32>} : memref<128x128xf32, #tpu.memory_space<vmem>>, vector<1x16xf32>,
        %get3A_1110 = arith.index_cast %add3A_1039 : i32 to index
        %get3A_1111 = arith.constant 112 : index
        %get3A_1112 = tpu.vector_load %arg10[%get3A_1110, %get3A_1111] {strides = array<i32>} : memref<128x128xf32, #tpu.memory_space<vmem>>, vector<1x16xf32>,
        %get3A_1113 = vector.shape_cast %get3A_1112 : vector<1x16xf32> to vector<16xf32>
        %mul3A_1114 = arith.mulf %get3A_1113, %gather3A_1035 : vector<16xf32>
        %swap3A_1115 = arith.index_cast %add3A_1039 : i32 to index
        %swap3A_1116 = arith.constant 112 : index
        %swap3A_1117 = tpu.vector_load %arg10[%swap3A_1115, %swap3A_1116] {strides = array<i32>} : memref<128x128xf32, #tpu.memory_space<vmem>>, vector<1x16xf32>,
        %swap3A_1118 = vector.shape_cast %swap3A_1117 : vector<1x16xf32> to vector<16xf32>
        %swap3A_1119 = vector.shape_cast %mul3A_1114 : vector<16xf32> to vector<1x16xf32>
        tpu.vector_store %arg10[%swap3A_1115, %swap3A_1116], %swap3A_1119 {strides = array<i32>} : memref<128x128xf32, #tpu.memory_space<vmem>>, vector<1x16xf32>,
        %broadcast_in_dim3A_1120 = arith.constant 11 : i32
        %broadcast_in_dim3A_1121 = vector.broadcast %broadcast_in_dim3A_1120 : i32 to vector<16xi32>
        %lt3A_1122 = arith.constant 0 : i32
        %lt3A_1123 = vector.broadcast %lt3A_1122 : i32 to vector<16xi32>
        %lt3A_1124 = arith.cmpi slt, %broadcast_in_dim3A_1121, %lt3A_1123 : vector<16xi32>
        %add3A_1125 = arith.constant 16 : i32
        %add3A_1126 = vector.broadcast %add3A_1125 : i32 to vector<16xi32>
        %add3A_1127 = arith.addi %broadcast_in_dim3A_1121, %add3A_1126 : vector<16xi32>
        %select_n3A_1128 = arith.select %lt3A_1124, %add3A_1127, %broadcast_in_dim3A_1121 : vector<16xi1>, vector<16xi32>
        %broadcast_in_dim3A_1129 = vector.shape_cast %select_n3A_1128 : vector<16xi32> to vector<16x1xi32>
        %gather3A_1130 = vector.shape_cast %broadcast_in_dim3A_1129 : vector<16x1xi32> to vector<16xi32>
        %gather3A_1131 = tpu.dynamic_gather %get3A_67[%gather3A_1130] in [0] : vector<16xf32>, vector<16xi32> -> vector<16xf32>
        %mul3A_1132 = arith.constant 16 : i32
        %mul3A_1133 = arith.muli %scan3A_63, %mul3A_1132 : i32
        %add3A_1134 = arith.constant 11 : i32
        %add3A_1135 = arith.addi %mul3A_1133, %add3A_1134 : i32
        %get3A_1136 = arith.index_cast %add3A_1135 : i32 to index
        %get3A_1137 = arith.constant 0 : index
        %get3A_1138 = tpu.vector_load %arg10[%get3A_1136, %get3A_1137] {strides = array<i32>} : memref<128x128xf32, #tpu.memory_space<vmem>>, vector<1x16xf32>,
        %get3A_1139 = vector.shape_cast %get3A_1138 : vector<1x16xf32> to vector<16xf32>
        %mul3A_1140 = arith.mulf %get3A_1139, %gather3A_1131 : vector<16xf32>
        %swap3A_1141 = arith.index_cast %add3A_1135 : i32 to index
        %swap3A_1142 = arith.constant 0 : index
        %swap3A_1143 = tpu.vector_load %arg10[%swap3A_1141, %swap3A_1142] {strides = array<i32>} : memref<128x128xf32, #tpu.memory_space<vmem>>, vector<1x16xf32>,
        %swap3A_1144 = vector.shape_cast %swap3A_1143 : vector<1x16xf32> to vector<16xf32>
        %swap3A_1145 = vector.shape_cast %mul3A_1140 : vector<16xf32> to vector<1x16xf32>
        tpu.vector_store %arg10[%swap3A_1141, %swap3A_1142], %swap3A_1145 {strides = array<i32>} : memref<128x128xf32, #tpu.memory_space<vmem>>, vector<1x16xf32>,
        %get3A_1146 = arith.index_cast %add3A_1135 : i32 to index
        %get3A_1147 = arith.constant 16 : index
        %get3A_1148 = tpu.vector_load %arg10[%get3A_1146, %get3A_1147] {strides = array<i32>} : memref<128x128xf32, #tpu.memory_space<vmem>>, vector<1x16xf32>,
        %get3A_1149 = vector.shape_cast %get3A_1148 : vector<1x16xf32> to vector<16xf32>
        %mul3A_1150 = arith.mulf %get3A_1149, %gather3A_1131 : vector<16xf32>
        %swap3A_1151 = arith.index_cast %add3A_1135 : i32 to index
        %swap3A_1152 = arith.constant 16 : index
        %swap3A_1153 = tpu.vector_load %arg10[%swap3A_1151, %swap3A_1152] {strides = array<i32>} : memref<128x128xf32, #tpu.memory_space<vmem>>, vector<1x16xf32>,
        %swap3A_1154 = vector.shape_cast %swap3A_1153 : vector<1x16xf32> to vector<16xf32>
        %swap3A_1155 = vector.shape_cast %mul3A_1150 : vector<16xf32> to vector<1x16xf32>
        tpu.vector_store %arg10[%swap3A_1151, %swap3A_1152], %swap3A_1155 {strides = array<i32>} : memref<128x128xf32, #tpu.memory_space<vmem>>, vector<1x16xf32>,
        %get3A_1156 = arith.index_cast %add3A_1135 : i32 to index
        %get3A_1157 = arith.constant 32 : index
        %get3A_1158 = tpu.vector_load %arg10[%get3A_1156, %get3A_1157] {strides = array<i32>} : memref<128x128xf32, #tpu.memory_space<vmem>>, vector<1x16xf32>,
        %get3A_1159 = vector.shape_cast %get3A_1158 : vector<1x16xf32> to vector<16xf32>
        %mul3A_1160 = arith.mulf %get3A_1159, %gather3A_1131 : vector<16xf32>
        %swap3A_1161 = arith.index_cast %add3A_1135 : i32 to index
        %swap3A_1162 = arith.constant 32 : index
        %swap3A_1163 = tpu.vector_load %arg10[%swap3A_1161, %swap3A_1162] {strides = array<i32>} : memref<128x128xf32, #tpu.memory_space<vmem>>, vector<1x16xf32>,
        %swap3A_1164 = vector.shape_cast %swap3A_1163 : vector<1x16xf32> to vector<16xf32>
        %swap3A_1165 = vector.shape_cast %mul3A_1160 : vector<16xf32> to vector<1x16xf32>
        tpu.vector_store %arg10[%swap3A_1161, %swap3A_1162], %swap3A_1165 {strides = array<i32>} : memref<128x128xf32, #tpu.memory_space<vmem>>, vector<1x16xf32>,
        %get3A_1166 = arith.index_cast %add3A_1135 : i32 to index
        %get3A_1167 = arith.constant 48 : index
        %get3A_1168 = tpu.vector_load %arg10[%get3A_1166, %get3A_1167] {strides = array<i32>} : memref<128x128xf32, #tpu.memory_space<vmem>>, vector<1x16xf32>,
        %get3A_1169 = vector.shape_cast %get3A_1168 : vector<1x16xf32> to vector<16xf32>
        %mul3A_1170 = arith.mulf %get3A_1169, %gather3A_1131 : vector<16xf32>
        %swap3A_1171 = arith.index_cast %add3A_1135 : i32 to index
        %swap3A_1172 = arith.constant 48 : index
        %swap3A_1173 = tpu.vector_load %arg10[%swap3A_1171, %swap3A_1172] {strides = array<i32>} : memref<128x128xf32, #tpu.memory_space<vmem>>, vector<1x16xf32>,
        %swap3A_1174 = vector.shape_cast %swap3A_1173 : vector<1x16xf32> to vector<16xf32>
        %swap3A_1175 = vector.shape_cast %mul3A_1170 : vector<16xf32> to vector<1x16xf32>
        tpu.vector_store %arg10[%swap3A_1171, %swap3A_1172], %swap3A_1175 {strides = array<i32>} : memref<128x128xf32, #tpu.memory_space<vmem>>, vector<1x16xf32>,
        %get3A_1176 = arith.index_cast %add3A_1135 : i32 to index
        %get3A_1177 = arith.constant 64 : index
        %get3A_1178 = tpu.vector_load %arg10[%get3A_1176, %get3A_1177] {strides = array<i32>} : memref<128x128xf32, #tpu.memory_space<vmem>>, vector<1x16xf32>,
        %get3A_1179 = vector.shape_cast %get3A_1178 : vector<1x16xf32> to vector<16xf32>
        %mul3A_1180 = arith.mulf %get3A_1179, %gather3A_1131 : vector<16xf32>
        %swap3A_1181 = arith.index_cast %add3A_1135 : i32 to index
        %swap3A_1182 = arith.constant 64 : index
        %swap3A_1183 = tpu.vector_load %arg10[%swap3A_1181, %swap3A_1182] {strides = array<i32>} : memref<128x128xf32, #tpu.memory_space<vmem>>, vector<1x16xf32>,
        %swap3A_1184 = vector.shape_cast %swap3A_1183 : vector<1x16xf32> to vector<16xf32>
        %swap3A_1185 = vector.shape_cast %mul3A_1180 : vector<16xf32> to vector<1x16xf32>
        tpu.vector_store %arg10[%swap3A_1181, %swap3A_1182], %swap3A_1185 {strides = array<i32>} : memref<128x128xf32, #tpu.memory_space<vmem>>, vector<1x16xf32>,
        %get3A_1186 = arith.index_cast %add3A_1135 : i32 to index
        %get3A_1187 = arith.constant 80 : index
        %get3A_1188 = tpu.vector_load %arg10[%get3A_1186, %get3A_1187] {strides = array<i32>} : memref<128x128xf32, #tpu.memory_space<vmem>>, vector<1x16xf32>,
        %get3A_1189 = vector.shape_cast %get3A_1188 : vector<1x16xf32> to vector<16xf32>
        %mul3A_1190 = arith.mulf %get3A_1189, %gather3A_1131 : vector<16xf32>
        %swap3A_1191 = arith.index_cast %add3A_1135 : i32 to index
        %swap3A_1192 = arith.constant 80 : index
        %swap3A_1193 = tpu.vector_load %arg10[%swap3A_1191, %swap3A_1192] {strides = array<i32>} : memref<128x128xf32, #tpu.memory_space<vmem>>, vector<1x16xf32>,
        %swap3A_1194 = vector.shape_cast %swap3A_1193 : vector<1x16xf32> to vector<16xf32>
        %swap3A_1195 = vector.shape_cast %mul3A_1190 : vector<16xf32> to vector<1x16xf32>
        tpu.vector_store %arg10[%swap3A_1191, %swap3A_1192], %swap3A_1195 {strides = array<i32>} : memref<128x128xf32, #tpu.memory_space<vmem>>, vector<1x16xf32>,
        %get3A_1196 = arith.index_cast %add3A_1135 : i32 to index
        %get3A_1197 = arith.constant 96 : index
        %get3A_1198 = tpu.vector_load %arg10[%get3A_1196, %get3A_1197] {strides = array<i32>} : memref<128x128xf32, #tpu.memory_space<vmem>>, vector<1x16xf32>,
        %get3A_1199 = vector.shape_cast %get3A_1198 : vector<1x16xf32> to vector<16xf32>
        %mul3A_1200 = arith.mulf %get3A_1199, %gather3A_1131 : vector<16xf32>
        %swap3A_1201 = arith.index_cast %add3A_1135 : i32 to index
        %swap3A_1202 = arith.constant 96 : index
        %swap3A_1203 = tpu.vector_load %arg10[%swap3A_1201, %swap3A_1202] {strides = array<i32>} : memref<128x128xf32, #tpu.memory_space<vmem>>, vector<1x16xf32>,
        %swap3A_1204 = vector.shape_cast %swap3A_1203 : vector<1x16xf32> to vector<16xf32>
        %swap3A_1205 = vector.shape_cast %mul3A_1200 : vector<16xf32> to vector<1x16xf32>
        tpu.vector_store %arg10[%swap3A_1201, %swap3A_1202], %swap3A_1205 {strides = array<i32>} : memref<128x128xf32, #tpu.memory_space<vmem>>, vector<1x16xf32>,
        %get3A_1206 = arith.index_cast %add3A_1135 : i32 to index
        %get3A_1207 = arith.constant 112 : index
        %get3A_1208 = tpu.vector_load %arg10[%get3A_1206, %get3A_1207] {strides = array<i32>} : memref<128x128xf32, #tpu.memory_space<vmem>>, vector<1x16xf32>,
        %get3A_1209 = vector.shape_cast %get3A_1208 : vector<1x16xf32> to vector<16xf32>
        %mul3A_1210 = arith.mulf %get3A_1209, %gather3A_1131 : vector<16xf32>
        %swap3A_1211 = arith.index_cast %add3A_1135 : i32 to index
        %swap3A_1212 = arith.constant 112 : index
        %swap3A_1213 = tpu.vector_load %arg10[%swap3A_1211, %swap3A_1212] {strides = array<i32>} : memref<128x128xf32, #tpu.memory_space<vmem>>, vector<1x16xf32>,
        %swap3A_1214 = vector.shape_cast %swap3A_1213 : vector<1x16xf32> to vector<16xf32>
        %swap3A_1215 = vector.shape_cast %mul3A_1210 : vector<16xf32> to vector<1x16xf32>
        tpu.vector_store %arg10[%swap3A_1211, %swap3A_1212], %swap3A_1215 {strides = array<i32>} : memref<128x128xf32, #tpu.memory_space<vmem>>, vector<1x16xf32>,
        %broadcast_in_dim3A_1216 = arith.constant 12 : i32
        %broadcast_in_dim3A_1217 = vector.broadcast %broadcast_in_dim3A_1216 : i32 to vector<16xi32>
        %lt3A_1218 = arith.constant 0 : i32
        %lt3A_1219 = vector.broadcast %lt3A_1218 : i32 to vector<16xi32>
        %lt3A_1220 = arith.cmpi slt, %broadcast_in_dim3A_1217, %lt3A_1219 : vector<16xi32>
        %add3A_1221 = arith.constant 16 : i32
        %add3A_1222 = vector.broadcast %add3A_1221 : i32 to vector<16xi32>
        %add3A_1223 = arith.addi %broadcast_in_dim3A_1217, %add3A_1222 : vector<16xi32>
        %select_n3A_1224 = arith.select %lt3A_1220, %add3A_1223, %broadcast_in_dim3A_1217 : vector<16xi1>, vector<16xi32>
        %broadcast_in_dim3A_1225 = vector.shape_cast %select_n3A_1224 : vector<16xi32> to vector<16x1xi32>
        %gather3A_1226 = vector.shape_cast %broadcast_in_dim3A_1225 : vector<16x1xi32> to vector<16xi32>
        %gather3A_1227 = tpu.dynamic_gather %get3A_67[%gather3A_1226] in [0] : vector<16xf32>, vector<16xi32> -> vector<16xf32>
        %mul3A_1228 = arith.constant 16 : i32
        %mul3A_1229 = arith.muli %scan3A_63, %mul3A_1228 : i32
        %add3A_1230 = arith.constant 12 : i32
        %add3A_1231 = arith.addi %mul3A_1229, %add3A_1230 : i32
        %get3A_1232 = arith.index_cast %add3A_1231 : i32 to index
        %get3A_1233 = arith.constant 0 : index
        %get3A_1234 = tpu.vector_load %arg10[%get3A_1232, %get3A_1233] {strides = array<i32>} : memref<128x128xf32, #tpu.memory_space<vmem>>, vector<1x16xf32>,
        %get3A_1235 = vector.shape_cast %get3A_1234 : vector<1x16xf32> to vector<16xf32>
        %mul3A_1236 = arith.mulf %get3A_1235, %gather3A_1227 : vector<16xf32>
        %swap3A_1237 = arith.index_cast %add3A_1231 : i32 to index
        %swap3A_1238 = arith.constant 0 : index
        %swap3A_1239 = tpu.vector_load %arg10[%swap3A_1237, %swap3A_1238] {strides = array<i32>} : memref<128x128xf32, #tpu.memory_space<vmem>>, vector<1x16xf32>,
        %swap3A_1240 = vector.shape_cast %swap3A_1239 : vector<1x16xf32> to vector<16xf32>
        %swap3A_1241 = vector.shape_cast %mul3A_1236 : vector<16xf32> to vector<1x16xf32>
        tpu.vector_store %arg10[%swap3A_1237, %swap3A_1238], %swap3A_1241 {strides = array<i32>} : memref<128x128xf32, #tpu.memory_space<vmem>>, vector<1x16xf32>,
        %get3A_1242 = arith.index_cast %add3A_1231 : i32 to index
        %get3A_1243 = arith.constant 16 : index
        %get3A_1244 = tpu.vector_load %arg10[%get3A_1242, %get3A_1243] {strides = array<i32>} : memref<128x128xf32, #tpu.memory_space<vmem>>, vector<1x16xf32>,
        %get3A_1245 = vector.shape_cast %get3A_1244 : vector<1x16xf32> to vector<16xf32>
        %mul3A_1246 = arith.mulf %get3A_1245, %gather3A_1227 : vector<16xf32>
        %swap3A_1247 = arith.index_cast %add3A_1231 : i32 to index
        %swap3A_1248 = arith.constant 16 : index
        %swap3A_1249 = tpu.vector_load %arg10[%swap3A_1247, %swap3A_1248] {strides = array<i32>} : memref<128x128xf32, #tpu.memory_space<vmem>>, vector<1x16xf32>,
        %swap3A_1250 = vector.shape_cast %swap3A_1249 : vector<1x16xf32> to vector<16xf32>
        %swap3A_1251 = vector.shape_cast %mul3A_1246 : vector<16xf32> to vector<1x16xf32>
        tpu.vector_store %arg10[%swap3A_1247, %swap3A_1248], %swap3A_1251 {strides = array<i32>} : memref<128x128xf32, #tpu.memory_space<vmem>>, vector<1x16xf32>,
        %get3A_1252 = arith.index_cast %add3A_1231 : i32 to index
        %get3A_1253 = arith.constant 32 : index
        %get3A_1254 = tpu.vector_load %arg10[%get3A_1252, %get3A_1253] {strides = array<i32>} : memref<128x128xf32, #tpu.memory_space<vmem>>, vector<1x16xf32>,
        %get3A_1255 = vector.shape_cast %get3A_1254 : vector<1x16xf32> to vector<16xf32>
        %mul3A_1256 = arith.mulf %get3A_1255, %gather3A_1227 : vector<16xf32>
        %swap3A_1257 = arith.index_cast %add3A_1231 : i32 to index
        %swap3A_1258 = arith.constant 32 : index
        %swap3A_1259 = tpu.vector_load %arg10[%swap3A_1257, %swap3A_1258] {strides = array<i32>} : memref<128x128xf32, #tpu.memory_space<vmem>>, vector<1x16xf32>,
        %swap3A_1260 = vector.shape_cast %swap3A_1259 : vector<1x16xf32> to vector<16xf32>
        %swap3A_1261 = vector.shape_cast %mul3A_1256 : vector<16xf32> to vector<1x16xf32>
        tpu.vector_store %arg10[%swap3A_1257, %swap3A_1258], %swap3A_1261 {strides = array<i32>} : memref<128x128xf32, #tpu.memory_space<vmem>>, vector<1x16xf32>,
        %get3A_1262 = arith.index_cast %add3A_1231 : i32 to index
        %get3A_1263 = arith.constant 48 : index
        %get3A_1264 = tpu.vector_load %arg10[%get3A_1262, %get3A_1263] {strides = array<i32>} : memref<128x128xf32, #tpu.memory_space<vmem>>, vector<1x16xf32>,
        %get3A_1265 = vector.shape_cast %get3A_1264 : vector<1x16xf32> to vector<16xf32>
        %mul3A_1266 = arith.mulf %get3A_1265, %gather3A_1227 : vector<16xf32>
        %swap3A_1267 = arith.index_cast %add3A_1231 : i32 to index
        %swap3A_1268 = arith.constant 48 : index
        %swap3A_1269 = tpu.vector_load %arg10[%swap3A_1267, %swap3A_1268] {strides = array<i32>} : memref<128x128xf32, #tpu.memory_space<vmem>>, vector<1x16xf32>,
        %swap3A_1270 = vector.shape_cast %swap3A_1269 : vector<1x16xf32> to vector<16xf32>
        %swap3A_1271 = vector.shape_cast %mul3A_1266 : vector<16xf32> to vector<1x16xf32>
        tpu.vector_store %arg10[%swap3A_1267, %swap3A_1268], %swap3A_1271 {strides = array<i32>} : memref<128x128xf32, #tpu.memory_space<vmem>>, vector<1x16xf32>,
        %get3A_1272 = arith.index_cast %add3A_1231 : i32 to index
        %get3A_1273 = arith.constant 64 : index
        %get3A_1274 = tpu.vector_load %arg10[%get3A_1272, %get3A_1273] {strides = array<i32>} : memref<128x128xf32, #tpu.memory_space<vmem>>, vector<1x16xf32>,
        %get3A_1275 = vector.shape_cast %get3A_1274 : vector<1x16xf32> to vector<16xf32>
        %mul3A_1276 = arith.mulf %get3A_1275, %gather3A_1227 : vector<16xf32>
        %swap3A_1277 = arith.index_cast %add3A_1231 : i32 to index
        %swap3A_1278 = arith.constant 64 : index
        %swap3A_1279 = tpu.vector_load %arg10[%swap3A_1277, %swap3A_1278] {strides = array<i32>} : memref<128x128xf32, #tpu.memory_space<vmem>>, vector<1x16xf32>,
        %swap3A_1280 = vector.shape_cast %swap3A_1279 : vector<1x16xf32> to vector<16xf32>
        %swap3A_1281 = vector.shape_cast %mul3A_1276 : vector<16xf32> to vector<1x16xf32>
        tpu.vector_store %arg10[%swap3A_1277, %swap3A_1278], %swap3A_1281 {strides = array<i32>} : memref<128x128xf32, #tpu.memory_space<vmem>>, vector<1x16xf32>,
        %get3A_1282 = arith.index_cast %add3A_1231 : i32 to index
        %get3A_1283 = arith.constant 80 : index
        %get3A_1284 = tpu.vector_load %arg10[%get3A_1282, %get3A_1283] {strides = array<i32>} : memref<128x128xf32, #tpu.memory_space<vmem>>, vector<1x16xf32>,
        %get3A_1285 = vector.shape_cast %get3A_1284 : vector<1x16xf32> to vector<16xf32>
        %mul3A_1286 = arith.mulf %get3A_1285, %gather3A_1227 : vector<16xf32>
        %swap3A_1287 = arith.index_cast %add3A_1231 : i32 to index
        %swap3A_1288 = arith.constant 80 : index
        %swap3A_1289 = tpu.vector_load %arg10[%swap3A_1287, %swap3A_1288] {strides = array<i32>} : memref<128x128xf32, #tpu.memory_space<vmem>>, vector<1x16xf32>,
        %swap3A_1290 = vector.shape_cast %swap3A_1289 : vector<1x16xf32> to vector<16xf32>
        %swap3A_1291 = vector.shape_cast %mul3A_1286 : vector<16xf32> to vector<1x16xf32>
        tpu.vector_store %arg10[%swap3A_1287, %swap3A_1288], %swap3A_1291 {strides = array<i32>} : memref<128x128xf32, #tpu.memory_space<vmem>>, vector<1x16xf32>,
        %get3A_1292 = arith.index_cast %add3A_1231 : i32 to index
        %get3A_1293 = arith.constant 96 : index
        %get3A_1294 = tpu.vector_load %arg10[%get3A_1292, %get3A_1293] {strides = array<i32>} : memref<128x128xf32, #tpu.memory_space<vmem>>, vector<1x16xf32>,
        %get3A_1295 = vector.shape_cast %get3A_1294 : vector<1x16xf32> to vector<16xf32>
        %mul3A_1296 = arith.mulf %get3A_1295, %gather3A_1227 : vector<16xf32>
        %swap3A_1297 = arith.index_cast %add3A_1231 : i32 to index
        %swap3A_1298 = arith.constant 96 : index
        %swap3A_1299 = tpu.vector_load %arg10[%swap3A_1297, %swap3A_1298] {strides = array<i32>} : memref<128x128xf32, #tpu.memory_space<vmem>>, vector<1x16xf32>,
        %swap3A_1300 = vector.shape_cast %swap3A_1299 : vector<1x16xf32> to vector<16xf32>
        %swap3A_1301 = vector.shape_cast %mul3A_1296 : vector<16xf32> to vector<1x16xf32>
        tpu.vector_store %arg10[%swap3A_1297, %swap3A_1298], %swap3A_1301 {strides = array<i32>} : memref<128x128xf32, #tpu.memory_space<vmem>>, vector<1x16xf32>,
        %get3A_1302 = arith.index_cast %add3A_1231 : i32 to index
        %get3A_1303 = arith.constant 112 : index
        %get3A_1304 = tpu.vector_load %arg10[%get3A_1302, %get3A_1303] {strides = array<i32>} : memref<128x128xf32, #tpu.memory_space<vmem>>, vector<1x16xf32>,
        %get3A_1305 = vector.shape_cast %get3A_1304 : vector<1x16xf32> to vector<16xf32>
        %mul3A_1306 = arith.mulf %get3A_1305, %gather3A_1227 : vector<16xf32>
        %swap3A_1307 = arith.index_cast %add3A_1231 : i32 to index
        %swap3A_1308 = arith.constant 112 : index
        %swap3A_1309 = tpu.vector_load %arg10[%swap3A_1307, %swap3A_1308] {strides = array<i32>} : memref<128x128xf32, #tpu.memory_space<vmem>>, vector<1x16xf32>,
        %swap3A_1310 = vector.shape_cast %swap3A_1309 : vector<1x16xf32> to vector<16xf32>
        %swap3A_1311 = vector.shape_cast %mul3A_1306 : vector<16xf32> to vector<1x16xf32>
        tpu.vector_store %arg10[%swap3A_1307, %swap3A_1308], %swap3A_1311 {strides = array<i32>} : memref<128x128xf32, #tpu.memory_space<vmem>>, vector<1x16xf32>,
        %broadcast_in_dim3A_1312 = arith.constant 13 : i32
        %broadcast_in_dim3A_1313 = vector.broadcast %broadcast_in_dim3A_1312 : i32 to vector<16xi32>
        %lt3A_1314 = arith.constant 0 : i32
        %lt3A_1315 = vector.broadcast %lt3A_1314 : i32 to vector<16xi32>
        %lt3A_1316 = arith.cmpi slt, %broadcast_in_dim3A_1313, %lt3A_1315 : vector<16xi32>
        %add3A_1317 = arith.constant 16 : i32
        %add3A_1318 = vector.broadcast %add3A_1317 : i32 to vector<16xi32>
        %add3A_1319 = arith.addi %broadcast_in_dim3A_1313, %add3A_1318 : vector<16xi32>
        %select_n3A_1320 = arith.select %lt3A_1316, %add3A_1319, %broadcast_in_dim3A_1313 : vector<16xi1>, vector<16xi32>
        %broadcast_in_dim3A_1321 = vector.shape_cast %select_n3A_1320 : vector<16xi32> to vector<16x1xi32>
        %gather3A_1322 = vector.shape_cast %broadcast_in_dim3A_1321 : vector<16x1xi32> to vector<16xi32>
        %gather3A_1323 = tpu.dynamic_gather %get3A_67[%gather3A_1322] in [0] : vector<16xf32>, vector<16xi32> -> vector<16xf32>
        %mul3A_1324 = arith.constant 16 : i32
        %mul3A_1325 = arith.muli %scan3A_63, %mul3A_1324 : i32
        %add3A_1326 = arith.constant 13 : i32
        %add3A_1327 = arith.addi %mul3A_1325, %add3A_1326 : i32
        %get3A_1328 = arith.index_cast %add3A_1327 : i32 to index
        %get3A_1329 = arith.constant 0 : index
        %get3A_1330 = tpu.vector_load %arg10[%get3A_1328, %get3A_1329] {strides = array<i32>} : memref<128x128xf32, #tpu.memory_space<vmem>>, vector<1x16xf32>,
        %get3A_1331 = vector.shape_cast %get3A_1330 : vector<1x16xf32> to vector<16xf32>
        %mul3A_1332 = arith.mulf %get3A_1331, %gather3A_1323 : vector<16xf32>
        %swap3A_1333 = arith.index_cast %add3A_1327 : i32 to index
        %swap3A_1334 = arith.constant 0 : index
        %swap3A_1335 = tpu.vector_load %arg10[%swap3A_1333, %swap3A_1334] {strides = array<i32>} : memref<128x128xf32, #tpu.memory_space<vmem>>, vector<1x16xf32>,
        %swap3A_1336 = vector.shape_cast %swap3A_1335 : vector<1x16xf32> to vector<16xf32>
        %swap3A_1337 = vector.shape_cast %mul3A_1332 : vector<16xf32> to vector<1x16xf32>
        tpu.vector_store %arg10[%swap3A_1333, %swap3A_1334], %swap3A_1337 {strides = array<i32>} : memref<128x128xf32, #tpu.memory_space<vmem>>, vector<1x16xf32>,
        %get3A_1338 = arith.index_cast %add3A_1327 : i32 to index
        %get3A_1339 = arith.constant 16 : index
        %get3A_1340 = tpu.vector_load %arg10[%get3A_1338, %get3A_1339] {strides = array<i32>} : memref<128x128xf32, #tpu.memory_space<vmem>>, vector<1x16xf32>,
        %get3A_1341 = vector.shape_cast %get3A_1340 : vector<1x16xf32> to vector<16xf32>
        %mul3A_1342 = arith.mulf %get3A_1341, %gather3A_1323 : vector<16xf32>
        %swap3A_1343 = arith.index_cast %add3A_1327 : i32 to index
        %swap3A_1344 = arith.constant 16 : index
        %swap3A_1345 = tpu.vector_load %arg10[%swap3A_1343, %swap3A_1344] {strides = array<i32>} : memref<128x128xf32, #tpu.memory_space<vmem>>, vector<1x16xf32>,
        %swap3A_1346 = vector.shape_cast %swap3A_1345 : vector<1x16xf32> to vector<16xf32>
        %swap3A_1347 = vector.shape_cast %mul3A_1342 : vector<16xf32> to vector<1x16xf32>
        tpu.vector_store %arg10[%swap3A_1343, %swap3A_1344], %swap3A_1347 {strides = array<i32>} : memref<128x128xf32, #tpu.memory_space<vmem>>, vector<1x16xf32>,
        %get3A_1348 = arith.index_cast %add3A_1327 : i32 to index
        %get3A_1349 = arith.constant 32 : index
        %get3A_1350 = tpu.vector_load %arg10[%get3A_1348, %get3A_1349] {strides = array<i32>} : memref<128x128xf32, #tpu.memory_space<vmem>>, vector<1x16xf32>,
        %get3A_1351 = vector.shape_cast %get3A_1350 : vector<1x16xf32> to vector<16xf32>
        %mul3A_1352 = arith.mulf %get3A_1351, %gather3A_1323 : vector<16xf32>
        %swap3A_1353 = arith.index_cast %add3A_1327 : i32 to index
        %swap3A_1354 = arith.constant 32 : index
        %swap3A_1355 = tpu.vector_load %arg10[%swap3A_1353, %swap3A_1354] {strides = array<i32>} : memref<128x128xf32, #tpu.memory_space<vmem>>, vector<1x16xf32>,
        %swap3A_1356 = vector.shape_cast %swap3A_1355 : vector<1x16xf32> to vector<16xf32>
        %swap3A_1357 = vector.shape_cast %mul3A_1352 : vector<16xf32> to vector<1x16xf32>
        tpu.vector_store %arg10[%swap3A_1353, %swap3A_1354], %swap3A_1357 {strides = array<i32>} : memref<128x128xf32, #tpu.memory_space<vmem>>, vector<1x16xf32>,
        %get3A_1358 = arith.index_cast %add3A_1327 : i32 to index
        %get3A_1359 = arith.constant 48 : index
        %get3A_1360 = tpu.vector_load %arg10[%get3A_1358, %get3A_1359] {strides = array<i32>} : memref<128x128xf32, #tpu.memory_space<vmem>>, vector<1x16xf32>,
        %get3A_1361 = vector.shape_cast %get3A_1360 : vector<1x16xf32> to vector<16xf32>
        %mul3A_1362 = arith.mulf %get3A_1361, %gather3A_1323 : vector<16xf32>
        %swap3A_1363 = arith.index_cast %add3A_1327 : i32 to index
        %swap3A_1364 = arith.constant 48 : index
        %swap3A_1365 = tpu.vector_load %arg10[%swap3A_1363, %swap3A_1364] {strides = array<i32>} : memref<128x128xf32, #tpu.memory_space<vmem>>, vector<1x16xf32>,
        %swap3A_1366 = vector.shape_cast %swap3A_1365 : vector<1x16xf32> to vector<16xf32>
        %swap3A_1367 = vector.shape_cast %mul3A_1362 : vector<16xf32> to vector<1x16xf32>
        tpu.vector_store %arg10[%swap3A_1363, %swap3A_1364], %swap3A_1367 {strides = array<i32>} : memref<128x128xf32, #tpu.memory_space<vmem>>, vector<1x16xf32>,
        %get3A_1368 = arith.index_cast %add3A_1327 : i32 to index
        %get3A_1369 = arith.constant 64 : index
        %get3A_1370 = tpu.vector_load %arg10[%get3A_1368, %get3A_1369] {strides = array<i32>} : memref<128x128xf32, #tpu.memory_space<vmem>>, vector<1x16xf32>,
        %get3A_1371 = vector.shape_cast %get3A_1370 : vector<1x16xf32> to vector<16xf32>
        %mul3A_1372 = arith.mulf %get3A_1371, %gather3A_1323 : vector<16xf32>
        %swap3A_1373 = arith.index_cast %add3A_1327 : i32 to index
        %swap3A_1374 = arith.constant 64 : index
        %swap3A_1375 = tpu.vector_load %arg10[%swap3A_1373, %swap3A_1374] {strides = array<i32>} : memref<128x128xf32, #tpu.memory_space<vmem>>, vector<1x16xf32>,
        %swap3A_1376 = vector.shape_cast %swap3A_1375 : vector<1x16xf32> to vector<16xf32>
        %swap3A_1377 = vector.shape_cast %mul3A_1372 : vector<16xf32> to vector<1x16xf32>
        tpu.vector_store %arg10[%swap3A_1373, %swap3A_1374], %swap3A_1377 {strides = array<i32>} : memref<128x128xf32, #tpu.memory_space<vmem>>, vector<1x16xf32>,
        %get3A_1378 = arith.index_cast %add3A_1327 : i32 to index
        %get3A_1379 = arith.constant 80 : index
        %get3A_1380 = tpu.vector_load %arg10[%get3A_1378, %get3A_1379] {strides = array<i32>} : memref<128x128xf32, #tpu.memory_space<vmem>>, vector<1x16xf32>,
        %get3A_1381 = vector.shape_cast %get3A_1380 : vector<1x16xf32> to vector<16xf32>
        %mul3A_1382 = arith.mulf %get3A_1381, %gather3A_1323 : vector<16xf32>
        %swap3A_1383 = arith.index_cast %add3A_1327 : i32 to index
        %swap3A_1384 = arith.constant 80 : index
        %swap3A_1385 = tpu.vector_load %arg10[%swap3A_1383, %swap3A_1384] {strides = array<i32>} : memref<128x128xf32, #tpu.memory_space<vmem>>, vector<1x16xf32>,
        %swap3A_1386 = vector.shape_cast %swap3A_1385 : vector<1x16xf32> to vector<16xf32>
        %swap3A_1387 = vector.shape_cast %mul3A_1382 : vector<16xf32> to vector<1x16xf32>
        tpu.vector_store %arg10[%swap3A_1383, %swap3A_1384], %swap3A_1387 {strides = array<i32>} : memref<128x128xf32, #tpu.memory_space<vmem>>, vector<1x16xf32>,
        %get3A_1388 = arith.index_cast %add3A_1327 : i32 to index
        %get3A_1389 = arith.constant 96 : index
        %get3A_1390 = tpu.vector_load %arg10[%get3A_1388, %get3A_1389] {strides = array<i32>} : memref<128x128xf32, #tpu.memory_space<vmem>>, vector<1x16xf32>,
        %get3A_1391 = vector.shape_cast %get3A_1390 : vector<1x16xf32> to vector<16xf32>
        %mul3A_1392 = arith.mulf %get3A_1391, %gather3A_1323 : vector<16xf32>
        %swap3A_1393 = arith.index_cast %add3A_1327 : i32 to index
        %swap3A_1394 = arith.constant 96 : index
        %swap3A_1395 = tpu.vector_load %arg10[%swap3A_1393, %swap3A_1394] {strides = array<i32>} : memref<128x128xf32, #tpu.memory_space<vmem>>, vector<1x16xf32>,
        %swap3A_1396 = vector.shape_cast %swap3A_1395 : vector<1x16xf32> to vector<16xf32>
        %swap3A_1397 = vector.shape_cast %mul3A_1392 : vector<16xf32> to vector<1x16xf32>
        tpu.vector_store %arg10[%swap3A_1393, %swap3A_1394], %swap3A_1397 {strides = array<i32>} : memref<128x128xf32, #tpu.memory_space<vmem>>, vector<1x16xf32>,
        %get3A_1398 = arith.index_cast %add3A_1327 : i32 to index
        %get3A_1399 = arith.constant 112 : index
        %get3A_1400 = tpu.vector_load %arg10[%get3A_1398, %get3A_1399] {strides = array<i32>} : memref<128x128xf32, #tpu.memory_space<vmem>>, vector<1x16xf32>,
        %get3A_1401 = vector.shape_cast %get3A_1400 : vector<1x16xf32> to vector<16xf32>
        %mul3A_1402 = arith.mulf %get3A_1401, %gather3A_1323 : vector<16xf32>
        %swap3A_1403 = arith.index_cast %add3A_1327 : i32 to index
        %swap3A_1404 = arith.constant 112 : index
        %swap3A_1405 = tpu.vector_load %arg10[%swap3A_1403, %swap3A_1404] {strides = array<i32>} : memref<128x128xf32, #tpu.memory_space<vmem>>, vector<1x16xf32>,
        %swap3A_1406 = vector.shape_cast %swap3A_1405 : vector<1x16xf32> to vector<16xf32>
        %swap3A_1407 = vector.shape_cast %mul3A_1402 : vector<16xf32> to vector<1x16xf32>
        tpu.vector_store %arg10[%swap3A_1403, %swap3A_1404], %swap3A_1407 {strides = array<i32>} : memref<128x128xf32, #tpu.memory_space<vmem>>, vector<1x16xf32>,
        %broadcast_in_dim3A_1408 = arith.constant 14 : i32
        %broadcast_in_dim3A_1409 = vector.broadcast %broadcast_in_dim3A_1408 : i32 to vector<16xi32>
        %lt3A_1410 = arith.constant 0 : i32
        %lt3A_1411 = vector.broadcast %lt3A_1410 : i32 to vector<16xi32>
        %lt3A_1412 = arith.cmpi slt, %broadcast_in_dim3A_1409, %lt3A_1411 : vector<16xi32>
        %add3A_1413 = arith.constant 16 : i32
        %add3A_1414 = vector.broadcast %add3A_1413 : i32 to vector<16xi32>
        %add3A_1415 = arith.addi %broadcast_in_dim3A_1409, %add3A_1414 : vector<16xi32>
        %select_n3A_1416 = arith.select %lt3A_1412, %add3A_1415, %broadcast_in_dim3A_1409 : vector<16xi1>, vector<16xi32>
        %broadcast_in_dim3A_1417 = vector.shape_cast %select_n3A_1416 : vector<16xi32> to vector<16x1xi32>
        %gather3A_1418 = vector.shape_cast %broadcast_in_dim3A_1417 : vector<16x1xi32> to vector<16xi32>
        %gather3A_1419 = tpu.dynamic_gather %get3A_67[%gather3A_1418] in [0] : vector<16xf32>, vector<16xi32> -> vector<16xf32>
        %mul3A_1420 = arith.constant 16 : i32
        %mul3A_1421 = arith.muli %scan3A_63, %mul3A_1420 : i32
        %add3A_1422 = arith.constant 14 : i32
        %add3A_1423 = arith.addi %mul3A_1421, %add3A_1422 : i32
        %get3A_1424 = arith.index_cast %add3A_1423 : i32 to index
        %get3A_1425 = arith.constant 0 : index
        %get3A_1426 = tpu.vector_load %arg10[%get3A_1424, %get3A_1425] {strides = array<i32>} : memref<128x128xf32, #tpu.memory_space<vmem>>, vector<1x16xf32>,
        %get3A_1427 = vector.shape_cast %get3A_1426 : vector<1x16xf32> to vector<16xf32>
        %mul3A_1428 = arith.mulf %get3A_1427, %gather3A_1419 : vector<16xf32>
        %swap3A_1429 = arith.index_cast %add3A_1423 : i32 to index
        %swap3A_1430 = arith.constant 0 : index
        %swap3A_1431 = tpu.vector_load %arg10[%swap3A_1429, %swap3A_1430] {strides = array<i32>} : memref<128x128xf32, #tpu.memory_space<vmem>>, vector<1x16xf32>,
        %swap3A_1432 = vector.shape_cast %swap3A_1431 : vector<1x16xf32> to vector<16xf32>
        %swap3A_1433 = vector.shape_cast %mul3A_1428 : vector<16xf32> to vector<1x16xf32>
        tpu.vector_store %arg10[%swap3A_1429, %swap3A_1430], %swap3A_1433 {strides = array<i32>} : memref<128x128xf32, #tpu.memory_space<vmem>>, vector<1x16xf32>,
        %get3A_1434 = arith.index_cast %add3A_1423 : i32 to index
        %get3A_1435 = arith.constant 16 : index
        %get3A_1436 = tpu.vector_load %arg10[%get3A_1434, %get3A_1435] {strides = array<i32>} : memref<128x128xf32, #tpu.memory_space<vmem>>, vector<1x16xf32>,
        %get3A_1437 = vector.shape_cast %get3A_1436 : vector<1x16xf32> to vector<16xf32>
        %mul3A_1438 = arith.mulf %get3A_1437, %gather3A_1419 : vector<16xf32>
        %swap3A_1439 = arith.index_cast %add3A_1423 : i32 to index
        %swap3A_1440 = arith.constant 16 : index
        %swap3A_1441 = tpu.vector_load %arg10[%swap3A_1439, %swap3A_1440] {strides = array<i32>} : memref<128x128xf32, #tpu.memory_space<vmem>>, vector<1x16xf32>,
        %swap3A_1442 = vector.shape_cast %swap3A_1441 : vector<1x16xf32> to vector<16xf32>
        %swap3A_1443 = vector.shape_cast %mul3A_1438 : vector<16xf32> to vector<1x16xf32>
        tpu.vector_store %arg10[%swap3A_1439, %swap3A_1440], %swap3A_1443 {strides = array<i32>} : memref<128x128xf32, #tpu.memory_space<vmem>>, vector<1x16xf32>,
        %get3A_1444 = arith.index_cast %add3A_1423 : i32 to index
        %get3A_1445 = arith.constant 32 : index
        %get3A_1446 = tpu.vector_load %arg10[%get3A_1444, %get3A_1445] {strides = array<i32>} : memref<128x128xf32, #tpu.memory_space<vmem>>, vector<1x16xf32>,
        %get3A_1447 = vector.shape_cast %get3A_1446 : vector<1x16xf32> to vector<16xf32>
        %mul3A_1448 = arith.mulf %get3A_1447, %gather3A_1419 : vector<16xf32>
        %swap3A_1449 = arith.index_cast %add3A_1423 : i32 to index
        %swap3A_1450 = arith.constant 32 : index
        %swap3A_1451 = tpu.vector_load %arg10[%swap3A_1449, %swap3A_1450] {strides = array<i32>} : memref<128x128xf32, #tpu.memory_space<vmem>>, vector<1x16xf32>,
        %swap3A_1452 = vector.shape_cast %swap3A_1451 : vector<1x16xf32> to vector<16xf32>
        %swap3A_1453 = vector.shape_cast %mul3A_1448 : vector<16xf32> to vector<1x16xf32>
        tpu.vector_store %arg10[%swap3A_1449, %swap3A_1450], %swap3A_1453 {strides = array<i32>} : memref<128x128xf32, #tpu.memory_space<vmem>>, vector<1x16xf32>,
        %get3A_1454 = arith.index_cast %add3A_1423 : i32 to index
        %get3A_1455 = arith.constant 48 : index
        %get3A_1456 = tpu.vector_load %arg10[%get3A_1454, %get3A_1455] {strides = array<i32>} : memref<128x128xf32, #tpu.memory_space<vmem>>, vector<1x16xf32>,
        %get3A_1457 = vector.shape_cast %get3A_1456 : vector<1x16xf32> to vector<16xf32>
        %mul3A_1458 = arith.mulf %get3A_1457, %gather3A_1419 : vector<16xf32>
        %swap3A_1459 = arith.index_cast %add3A_1423 : i32 to index
        %swap3A_1460 = arith.constant 48 : index
        %swap3A_1461 = tpu.vector_load %arg10[%swap3A_1459, %swap3A_1460] {strides = array<i32>} : memref<128x128xf32, #tpu.memory_space<vmem>>, vector<1x16xf32>,
        %swap3A_1462 = vector.shape_cast %swap3A_1461 : vector<1x16xf32> to vector<16xf32>
        %swap3A_1463 = vector.shape_cast %mul3A_1458 : vector<16xf32> to vector<1x16xf32>
        tpu.vector_store %arg10[%swap3A_1459, %swap3A_1460], %swap3A_1463 {strides = array<i32>} : memref<128x128xf32, #tpu.memory_space<vmem>>, vector<1x16xf32>,
        %get3A_1464 = arith.index_cast %add3A_1423 : i32 to index
        %get3A_1465 = arith.constant 64 : index
        %get3A_1466 = tpu.vector_load %arg10[%get3A_1464, %get3A_1465] {strides = array<i32>} : memref<128x128xf32, #tpu.memory_space<vmem>>, vector<1x16xf32>,
        %get3A_1467 = vector.shape_cast %get3A_1466 : vector<1x16xf32> to vector<16xf32>
        %mul3A_1468 = arith.mulf %get3A_1467, %gather3A_1419 : vector<16xf32>
        %swap3A_1469 = arith.index_cast %add3A_1423 : i32 to index
        %swap3A_1470 = arith.constant 64 : index
        %swap3A_1471 = tpu.vector_load %arg10[%swap3A_1469, %swap3A_1470] {strides = array<i32>} : memref<128x128xf32, #tpu.memory_space<vmem>>, vector<1x16xf32>,
        %swap3A_1472 = vector.shape_cast %swap3A_1471 : vector<1x16xf32> to vector<16xf32>
        %swap3A_1473 = vector.shape_cast %mul3A_1468 : vector<16xf32> to vector<1x16xf32>
        tpu.vector_store %arg10[%swap3A_1469, %swap3A_1470], %swap3A_1473 {strides = array<i32>} : memref<128x128xf32, #tpu.memory_space<vmem>>, vector<1x16xf32>,
        %get3A_1474 = arith.index_cast %add3A_1423 : i32 to index
        %get3A_1475 = arith.constant 80 : index
        %get3A_1476 = tpu.vector_load %arg10[%get3A_1474, %get3A_1475] {strides = array<i32>} : memref<128x128xf32, #tpu.memory_space<vmem>>, vector<1x16xf32>,
        %get3A_1477 = vector.shape_cast %get3A_1476 : vector<1x16xf32> to vector<16xf32>
        %mul3A_1478 = arith.mulf %get3A_1477, %gather3A_1419 : vector<16xf32>
        %swap3A_1479 = arith.index_cast %add3A_1423 : i32 to index
        %swap3A_1480 = arith.constant 80 : index
        %swap3A_1481 = tpu.vector_load %arg10[%swap3A_1479, %swap3A_1480] {strides = array<i32>} : memref<128x128xf32, #tpu.memory_space<vmem>>, vector<1x16xf32>,
        %swap3A_1482 = vector.shape_cast %swap3A_1481 : vector<1x16xf32> to vector<16xf32>
        %swap3A_1483 = vector.shape_cast %mul3A_1478 : vector<16xf32> to vector<1x16xf32>
        tpu.vector_store %arg10[%swap3A_1479, %swap3A_1480], %swap3A_1483 {strides = array<i32>} : memref<128x128xf32, #tpu.memory_space<vmem>>, vector<1x16xf32>,
        %get3A_1484 = arith.index_cast %add3A_1423 : i32 to index
        %get3A_1485 = arith.constant 96 : index
        %get3A_1486 = tpu.vector_load %arg10[%get3A_1484, %get3A_1485] {strides = array<i32>} : memref<128x128xf32, #tpu.memory_space<vmem>>, vector<1x16xf32>,
        %get3A_1487 = vector.shape_cast %get3A_1486 : vector<1x16xf32> to vector<16xf32>
        %mul3A_1488 = arith.mulf %get3A_1487, %gather3A_1419 : vector<16xf32>
        %swap3A_1489 = arith.index_cast %add3A_1423 : i32 to index
        %swap3A_1490 = arith.constant 96 : index
        %swap3A_1491 = tpu.vector_load %arg10[%swap3A_1489, %swap3A_1490] {strides = array<i32>} : memref<128x128xf32, #tpu.memory_space<vmem>>, vector<1x16xf32>,
        %swap3A_1492 = vector.shape_cast %swap3A_1491 : vector<1x16xf32> to vector<16xf32>
        %swap3A_1493 = vector.shape_cast %mul3A_1488 : vector<16xf32> to vector<1x16xf32>
        tpu.vector_store %arg10[%swap3A_1489, %swap3A_1490], %swap3A_1493 {strides = array<i32>} : memref<128x128xf32, #tpu.memory_space<vmem>>, vector<1x16xf32>,
        %get3A_1494 = arith.index_cast %add3A_1423 : i32 to index
        %get3A_1495 = arith.constant 112 : index
        %get3A_1496 = tpu.vector_load %arg10[%get3A_1494, %get3A_1495] {strides = array<i32>} : memref<128x128xf32, #tpu.memory_space<vmem>>, vector<1x16xf32>,
        %get3A_1497 = vector.shape_cast %get3A_1496 : vector<1x16xf32> to vector<16xf32>
        %mul3A_1498 = arith.mulf %get3A_1497, %gather3A_1419 : vector<16xf32>
        %swap3A_1499 = arith.index_cast %add3A_1423 : i32 to index
        %swap3A_1500 = arith.constant 112 : index
        %swap3A_1501 = tpu.vector_load %arg10[%swap3A_1499, %swap3A_1500] {strides = array<i32>} : memref<128x128xf32, #tpu.memory_space<vmem>>, vector<1x16xf32>,
        %swap3A_1502 = vector.shape_cast %swap3A_1501 : vector<1x16xf32> to vector<16xf32>
        %swap3A_1503 = vector.shape_cast %mul3A_1498 : vector<16xf32> to vector<1x16xf32>
        tpu.vector_store %arg10[%swap3A_1499, %swap3A_1500], %swap3A_1503 {strides = array<i32>} : memref<128x128xf32, #tpu.memory_space<vmem>>, vector<1x16xf32>,
        %broadcast_in_dim3A_1504 = arith.constant 15 : i32
        %broadcast_in_dim3A_1505 = vector.broadcast %broadcast_in_dim3A_1504 : i32 to vector<16xi32>
        %lt3A_1506 = arith.constant 0 : i32
        %lt3A_1507 = vector.broadcast %lt3A_1506 : i32 to vector<16xi32>
        %lt3A_1508 = arith.cmpi slt, %broadcast_in_dim3A_1505, %lt3A_1507 : vector<16xi32>
        %add3A_1509 = arith.constant 16 : i32
        %add3A_1510 = vector.broadcast %add3A_1509 : i32 to vector<16xi32>
        %add3A_1511 = arith.addi %broadcast_in_dim3A_1505, %add3A_1510 : vector<16xi32>
        %select_n3A_1512 = arith.select %lt3A_1508, %add3A_1511, %broadcast_in_dim3A_1505 : vector<16xi1>, vector<16xi32>
        %broadcast_in_dim3A_1513 = vector.shape_cast %select_n3A_1512 : vector<16xi32> to vector<16x1xi32>
        %gather3A_1514 = vector.shape_cast %broadcast_in_dim3A_1513 : vector<16x1xi32> to vector<16xi32>
        %gather3A_1515 = tpu.dynamic_gather %get3A_67[%gather3A_1514] in [0] : vector<16xf32>, vector<16xi32> -> vector<16xf32>
        %mul3A_1516 = arith.constant 16 : i32
        %mul3A_1517 = arith.muli %scan3A_63, %mul3A_1516 : i32
        %add3A_1518 = arith.constant 15 : i32
        %add3A_1519 = arith.addi %mul3A_1517, %add3A_1518 : i32
        %get3A_1520 = arith.index_cast %add3A_1519 : i32 to index
        %get3A_1521 = arith.constant 0 : index
        %get3A_1522 = tpu.vector_load %arg10[%get3A_1520, %get3A_1521] {strides = array<i32>} : memref<128x128xf32, #tpu.memory_space<vmem>>, vector<1x16xf32>,
        %get3A_1523 = vector.shape_cast %get3A_1522 : vector<1x16xf32> to vector<16xf32>
        %mul3A_1524 = arith.mulf %get3A_1523, %gather3A_1515 : vector<16xf32>
        %swap3A_1525 = arith.index_cast %add3A_1519 : i32 to index
        %swap3A_1526 = arith.constant 0 : index
        %swap3A_1527 = tpu.vector_load %arg10[%swap3A_1525, %swap3A_1526] {strides = array<i32>} : memref<128x128xf32, #tpu.memory_space<vmem>>, vector<1x16xf32>,
        %swap3A_1528 = vector.shape_cast %swap3A_1527 : vector<1x16xf32> to vector<16xf32>
        %swap3A_1529 = vector.shape_cast %mul3A_1524 : vector<16xf32> to vector<1x16xf32>
        tpu.vector_store %arg10[%swap3A_1525, %swap3A_1526], %swap3A_1529 {strides = array<i32>} : memref<128x128xf32, #tpu.memory_space<vmem>>, vector<1x16xf32>,
        %get3A_1530 = arith.index_cast %add3A_1519 : i32 to index
        %get3A_1531 = arith.constant 16 : index
        %get3A_1532 = tpu.vector_load %arg10[%get3A_1530, %get3A_1531] {strides = array<i32>} : memref<128x128xf32, #tpu.memory_space<vmem>>, vector<1x16xf32>,
        %get3A_1533 = vector.shape_cast %get3A_1532 : vector<1x16xf32> to vector<16xf32>
        %mul3A_1534 = arith.mulf %get3A_1533, %gather3A_1515 : vector<16xf32>
        %swap3A_1535 = arith.index_cast %add3A_1519 : i32 to index
        %swap3A_1536 = arith.constant 16 : index
        %swap3A_1537 = tpu.vector_load %arg10[%swap3A_1535, %swap3A_1536] {strides = array<i32>} : memref<128x128xf32, #tpu.memory_space<vmem>>, vector<1x16xf32>,
        %swap3A_1538 = vector.shape_cast %swap3A_1537 : vector<1x16xf32> to vector<16xf32>
        %swap3A_1539 = vector.shape_cast %mul3A_1534 : vector<16xf32> to vector<1x16xf32>
        tpu.vector_store %arg10[%swap3A_1535, %swap3A_1536], %swap3A_1539 {strides = array<i32>} : memref<128x128xf32, #tpu.memory_space<vmem>>, vector<1x16xf32>,
        %get3A_1540 = arith.index_cast %add3A_1519 : i32 to index
        %get3A_1541 = arith.constant 32 : index
        %get3A_1542 = tpu.vector_load %arg10[%get3A_1540, %get3A_1541] {strides = array<i32>} : memref<128x128xf32, #tpu.memory_space<vmem>>, vector<1x16xf32>,
        %get3A_1543 = vector.shape_cast %get3A_1542 : vector<1x16xf32> to vector<16xf32>
        %mul3A_1544 = arith.mulf %get3A_1543, %gather3A_1515 : vector<16xf32>
        %swap3A_1545 = arith.index_cast %add3A_1519 : i32 to index
        %swap3A_1546 = arith.constant 32 : index
        %swap3A_1547 = tpu.vector_load %arg10[%swap3A_1545, %swap3A_1546] {strides = array<i32>} : memref<128x128xf32, #tpu.memory_space<vmem>>, vector<1x16xf32>,
        %swap3A_1548 = vector.shape_cast %swap3A_1547 : vector<1x16xf32> to vector<16xf32>
        %swap3A_1549 = vector.shape_cast %mul3A_1544 : vector<16xf32> to vector<1x16xf32>
        tpu.vector_store %arg10[%swap3A_1545, %swap3A_1546], %swap3A_1549 {strides = array<i32>} : memref<128x128xf32, #tpu.memory_space<vmem>>, vector<1x16xf32>,
        %get3A_1550 = arith.index_cast %add3A_1519 : i32 to index
        %get3A_1551 = arith.constant 48 : index
        %get3A_1552 = tpu.vector_load %arg10[%get3A_1550, %get3A_1551] {strides = array<i32>} : memref<128x128xf32, #tpu.memory_space<vmem>>, vector<1x16xf32>,
        %get3A_1553 = vector.shape_cast %get3A_1552 : vector<1x16xf32> to vector<16xf32>
        %mul3A_1554 = arith.mulf %get3A_1553, %gather3A_1515 : vector<16xf32>
        %swap3A_1555 = arith.index_cast %add3A_1519 : i32 to index
        %swap3A_1556 = arith.constant 48 : index
        %swap3A_1557 = tpu.vector_load %arg10[%swap3A_1555, %swap3A_1556] {strides = array<i32>} : memref<128x128xf32, #tpu.memory_space<vmem>>, vector<1x16xf32>,
        %swap3A_1558 = vector.shape_cast %swap3A_1557 : vector<1x16xf32> to vector<16xf32>
        %swap3A_1559 = vector.shape_cast %mul3A_1554 : vector<16xf32> to vector<1x16xf32>
        tpu.vector_store %arg10[%swap3A_1555, %swap3A_1556], %swap3A_1559 {strides = array<i32>} : memref<128x128xf32, #tpu.memory_space<vmem>>, vector<1x16xf32>,
        %get3A_1560 = arith.index_cast %add3A_1519 : i32 to index
        %get3A_1561 = arith.constant 64 : index
        %get3A_1562 = tpu.vector_load %arg10[%get3A_1560, %get3A_1561] {strides = array<i32>} : memref<128x128xf32, #tpu.memory_space<vmem>>, vector<1x16xf32>,
        %get3A_1563 = vector.shape_cast %get3A_1562 : vector<1x16xf32> to vector<16xf32>
        %mul3A_1564 = arith.mulf %get3A_1563, %gather3A_1515 : vector<16xf32>
        %swap3A_1565 = arith.index_cast %add3A_1519 : i32 to index
        %swap3A_1566 = arith.constant 64 : index
        %swap3A_1567 = tpu.vector_load %arg10[%swap3A_1565, %swap3A_1566] {strides = array<i32>} : memref<128x128xf32, #tpu.memory_space<vmem>>, vector<1x16xf32>,
        %swap3A_1568 = vector.shape_cast %swap3A_1567 : vector<1x16xf32> to vector<16xf32>
        %swap3A_1569 = vector.shape_cast %mul3A_1564 : vector<16xf32> to vector<1x16xf32>
        tpu.vector_store %arg10[%swap3A_1565, %swap3A_1566], %swap3A_1569 {strides = array<i32>} : memref<128x128xf32, #tpu.memory_space<vmem>>, vector<1x16xf32>,
        %get3A_1570 = arith.index_cast %add3A_1519 : i32 to index
        %get3A_1571 = arith.constant 80 : index
        %get3A_1572 = tpu.vector_load %arg10[%get3A_1570, %get3A_1571] {strides = array<i32>} : memref<128x128xf32, #tpu.memory_space<vmem>>, vector<1x16xf32>,
        %get3A_1573 = vector.shape_cast %get3A_1572 : vector<1x16xf32> to vector<16xf32>
        %mul3A_1574 = arith.mulf %get3A_1573, %gather3A_1515 : vector<16xf32>
        %swap3A_1575 = arith.index_cast %add3A_1519 : i32 to index
        %swap3A_1576 = arith.constant 80 : index
        %swap3A_1577 = tpu.vector_load %arg10[%swap3A_1575, %swap3A_1576] {strides = array<i32>} : memref<128x128xf32, #tpu.memory_space<vmem>>, vector<1x16xf32>,
        %swap3A_1578 = vector.shape_cast %swap3A_1577 : vector<1x16xf32> to vector<16xf32>
        %swap3A_1579 = vector.shape_cast %mul3A_1574 : vector<16xf32> to vector<1x16xf32>
        tpu.vector_store %arg10[%swap3A_1575, %swap3A_1576], %swap3A_1579 {strides = array<i32>} : memref<128x128xf32, #tpu.memory_space<vmem>>, vector<1x16xf32>,
        %get3A_1580 = arith.index_cast %add3A_1519 : i32 to index
        %get3A_1581 = arith.constant 96 : index
        %get3A_1582 = tpu.vector_load %arg10[%get3A_1580, %get3A_1581] {strides = array<i32>} : memref<128x128xf32, #tpu.memory_space<vmem>>, vector<1x16xf32>,
        %get3A_1583 = vector.shape_cast %get3A_1582 : vector<1x16xf32> to vector<16xf32>
        %mul3A_1584 = arith.mulf %get3A_1583, %gather3A_1515 : vector<16xf32>
        %swap3A_1585 = arith.index_cast %add3A_1519 : i32 to index
        %swap3A_1586 = arith.constant 96 : index
        %swap3A_1587 = tpu.vector_load %arg10[%swap3A_1585, %swap3A_1586] {strides = array<i32>} : memref<128x128xf32, #tpu.memory_space<vmem>>, vector<1x16xf32>,
        %swap3A_1588 = vector.shape_cast %swap3A_1587 : vector<1x16xf32> to vector<16xf32>
        %swap3A_1589 = vector.shape_cast %mul3A_1584 : vector<16xf32> to vector<1x16xf32>
        tpu.vector_store %arg10[%swap3A_1585, %swap3A_1586], %swap3A_1589 {strides = array<i32>} : memref<128x128xf32, #tpu.memory_space<vmem>>, vector<1x16xf32>,
        %get3A_1590 = arith.index_cast %add3A_1519 : i32 to index
        %get3A_1591 = arith.constant 112 : index
        %get3A_1592 = tpu.vector_load %arg10[%get3A_1590, %get3A_1591] {strides = array<i32>} : memref<128x128xf32, #tpu.memory_space<vmem>>, vector<1x16xf32>,
        %get3A_1593 = vector.shape_cast %get3A_1592 : vector<1x16xf32> to vector<16xf32>
        %mul3A_1594 = arith.mulf %get3A_1593, %gather3A_1515 : vector<16xf32>
        %swap3A_1595 = arith.index_cast %add3A_1519 : i32 to index
        %swap3A_1596 = arith.constant 112 : index
        %swap3A_1597 = tpu.vector_load %arg10[%swap3A_1595, %swap3A_1596] {strides = array<i32>} : memref<128x128xf32, #tpu.memory_space<vmem>>, vector<1x16xf32>,
        %swap3A_1598 = vector.shape_cast %swap3A_1597 : vector<1x16xf32> to vector<16xf32>
        %swap3A_1599 = vector.shape_cast %mul3A_1594 : vector<16xf32> to vector<1x16xf32>
        tpu.vector_store %arg10[%swap3A_1595, %swap3A_1596], %swap3A_1599 {strides = array<i32>} : memref<128x128xf32, #tpu.memory_space<vmem>>, vector<1x16xf32>,
      }
      %scan3A_62 = arith.constant 8 : i32
      "tpu.region"() ({
        %run_scoped3A = tpu.sem_alloc : memref<!tpu.dma_semaphore, #tpu.memory_space<semaphore_mem>>
        %dma_start3A_63 = arith.constant 0 : i32
        %dma_start3A_64 = arith.constant 0 : i32
        %dma_start3A_65 = tpu.memref_slice %arg12[%dma_start3A_63, %dma_start3A_64] : memref<10240x128xf32, #tpu.memory_space<vmem_shared>> -> memref<10240x128xf32, #tpu.memory_space<vmem_shared>>
        tpu.enqueue_indirect_dma source(%arg10 : memref<128x128xf32, #tpu.memory_space<vmem>>) target(%dma_start3A_65 : memref<10240x128xf32, #tpu.memory_space<vmem_shared>>) offsets(%arg8 : memref<128xi32, #tpu.memory_space<vmem>>) semaphore(%run_scoped3A : memref<!tpu.dma_semaphore, #tpu.memory_space<semaphore_mem>>) {add = true}
        %dma_wait3A_66 = arith.constant 0 : i32
        %dma_wait3A_67 = arith.constant 0 : i32
        %dma_wait3A_68 = tpu.memref_slice %arg12[%dma_wait3A_66, %dma_wait3A_67] : memref<10240x128xf32, #tpu.memory_space<vmem_shared>> -> memref<10240x128xf32, #tpu.memory_space<vmem_shared>>
        tpu.wait_indirect_dma semaphore(%run_scoped3A : memref<!tpu.dma_semaphore, #tpu.memory_space<semaphore_mem>>) src(%arg10 : memref<128x128xf32, #tpu.memory_space<vmem>>) dst(%dma_wait3A_68 : memref<10240x128xf32, #tpu.memory_space<vmem_shared>>)
        tpu.yield
      }) : () -> ()
    }
    %while3A_46 = arith.constant 1 : i32
    scf.for %while3A_48 = %while3A_44 to %while3A_40 step %while3A_46  : i32 {
      %mul3A_49 = arith.constant 32 : i32
      %mul3A_50 = arith.muli %while3A_48, %mul3A_49 : i32
      %add3A_51 = arith.addi %add3A, %mul3A_50 : i32
      %mul3A_52 = arith.constant 128 : i32
      %mul3A_53 = arith.muli %add3A_51, %mul3A_52 : i32
      "tpu.region"() ({
        %run_scoped3A = tpu.sem_alloc : memref<!tpu.dma_semaphore, #tpu.memory_space<semaphore_mem>>
        %dma_start3A_63 = tpu.memref_slice %arg3[%mul3A_53] : memref<320000xi32, #tpu.memory_space<hbm>> -> memref<128xi32, #tpu.memory_space<hbm>>
        %dma_start3A_64 = tpu.memref_slice %arg3[%mul3A_53] : memref<320000xi32, #tpu.memory_space<hbm>> -> memref<128xi32, #tpu.memory_space<hbm>>
        tpu.enqueue_dma source(%dma_start3A_64 : memref<128xi32, #tpu.memory_space<hbm>>) target(%arg7 : memref<128xi32, #tpu.memory_space<vmem>>) target_semaphore(%run_scoped3A : memref<!tpu.dma_semaphore, #tpu.memory_space<semaphore_mem>>)
        %dma_wait3A_65 = tpu.memref_slice %arg3[%mul3A_53] : memref<320000xi32, #tpu.memory_space<hbm>> -> memref<128xi32, #tpu.memory_space<hbm>>
        %dma_wait3A_66 = tpu.memref_slice %arg3[%mul3A_53] : memref<320000xi32, #tpu.memory_space<hbm>> -> memref<128xi32, #tpu.memory_space<hbm>>
        tpu.wait_dma2 semaphore(%run_scoped3A : memref<!tpu.dma_semaphore, #tpu.memory_space<semaphore_mem>>) src(%dma_wait3A_66 : memref<128xi32, #tpu.memory_space<hbm>>) dst(%arg7 : memref<128xi32, #tpu.memory_space<vmem>>)
        tpu.yield
      }) : () -> ()
      "tpu.region"() ({
        %run_scoped3A = tpu.sem_alloc : memref<!tpu.dma_semaphore, #tpu.memory_space<semaphore_mem>>
        %dma_start3A_63 = tpu.memref_slice %arg4[%mul3A_53] : memref<320000xi32, #tpu.memory_space<hbm>> -> memref<128xi32, #tpu.memory_space<hbm>>
        %dma_start3A_64 = tpu.memref_slice %arg4[%mul3A_53] : memref<320000xi32, #tpu.memory_space<hbm>> -> memref<128xi32, #tpu.memory_space<hbm>>
        tpu.enqueue_dma source(%dma_start3A_64 : memref<128xi32, #tpu.memory_space<hbm>>) target(%arg8 : memref<128xi32, #tpu.memory_space<vmem>>) target_semaphore(%run_scoped3A : memref<!tpu.dma_semaphore, #tpu.memory_space<semaphore_mem>>)
        %dma_wait3A_65 = tpu.memref_slice %arg4[%mul3A_53] : memref<320000xi32, #tpu.memory_space<hbm>> -> memref<128xi32, #tpu.memory_space<hbm>>
        %dma_wait3A_66 = tpu.memref_slice %arg4[%mul3A_53] : memref<320000xi32, #tpu.memory_space<hbm>> -> memref<128xi32, #tpu.memory_space<hbm>>
        tpu.wait_dma2 semaphore(%run_scoped3A : memref<!tpu.dma_semaphore, #tpu.memory_space<semaphore_mem>>) src(%dma_wait3A_66 : memref<128xi32, #tpu.memory_space<hbm>>) dst(%arg8 : memref<128xi32, #tpu.memory_space<vmem>>)
        tpu.yield
      }) : () -> ()
      "tpu.region"() ({
        %run_scoped3A = tpu.sem_alloc : memref<!tpu.dma_semaphore, #tpu.memory_space<semaphore_mem>>
        %dma_start3A_63 = tpu.memref_slice %arg5[%mul3A_53] : memref<320000xf32, #tpu.memory_space<hbm>> -> memref<128xf32, #tpu.memory_space<hbm>>
        %dma_start3A_64 = tpu.memref_slice %arg5[%mul3A_53] : memref<320000xf32, #tpu.memory_space<hbm>> -> memref<128xf32, #tpu.memory_space<hbm>>
        tpu.enqueue_dma source(%dma_start3A_64 : memref<128xf32, #tpu.memory_space<hbm>>) target(%arg9 : memref<128xf32, #tpu.memory_space<vmem>>) target_semaphore(%run_scoped3A : memref<!tpu.dma_semaphore, #tpu.memory_space<semaphore_mem>>)
        %dma_wait3A_65 = tpu.memref_slice %arg5[%mul3A_53] : memref<320000xf32, #tpu.memory_space<hbm>> -> memref<128xf32, #tpu.memory_space<hbm>>
        %dma_wait3A_66 = tpu.memref_slice %arg5[%mul3A_53] : memref<320000xf32, #tpu.memory_space<hbm>> -> memref<128xf32, #tpu.memory_space<hbm>>
        tpu.wait_dma2 semaphore(%run_scoped3A : memref<!tpu.dma_semaphore, #tpu.memory_space<semaphore_mem>>) src(%dma_wait3A_66 : memref<128xf32, #tpu.memory_space<hbm>>) dst(%arg9 : memref<128xf32, #tpu.memory_space<vmem>>)
        tpu.yield
      }) : () -> ()
      %dma_start3A = arith.constant 0 : i32
      %dma_start3A_54 = arith.constant 0 : i32
      %dma_start3A_55 = tpu.memref_slice %arg2[%dma_start3A, %dma_start3A_54] : memref<10000x128xf32, #tpu.memory_space<hbm>> -> memref<10000x128xf32, #tpu.memory_space<hbm>>
      tpu.enqueue_indirect_dma source(%dma_start3A_55 : memref<10000x128xf32, #tpu.memory_space<hbm>>) target(%arg10 : memref<128x128xf32, #tpu.memory_space<vmem>>) offsets(%arg7 : memref<128xi32, #tpu.memory_space<vmem>>) semaphore(%arg13 : memref<!tpu.dma_semaphore, #tpu.memory_space<semaphore_mem>>)
      %dma_wait3A = arith.constant 0 : i32
      %dma_wait3A_56 = arith.constant 0 : i32
      %dma_wait3A_57 = tpu.memref_slice %arg2[%dma_wait3A, %dma_wait3A_56] : memref<10000x128xf32, #tpu.memory_space<hbm>> -> memref<10000x128xf32, #tpu.memory_space<hbm>>
      tpu.wait_indirect_dma semaphore(%arg13 : memref<!tpu.dma_semaphore, #tpu.memory_space<semaphore_mem>>) src(%dma_wait3A_57 : memref<10000x128xf32, #tpu.memory_space<hbm>>) dst(%arg10 : memref<128x128xf32, #tpu.memory_space<vmem>>)
      %scan3A_58 = arith.constant 0 : i32
      %scan3A_59 = arith.constant 8 : i32
      %scan3A_60 = arith.addi %scan3A_58, %scan3A_59 : i32
      %scan3A_61 = arith.constant 1 : i32
      scf.for %scan3A_63 = %scan3A_58 to %scan3A_60 step %scan3A_61  : i32 {
        %mul3A_64 = arith.constant 16 : i32
        %mul3A_65 = arith.muli %scan3A_63, %mul3A_64 : i32
        %get3A = arith.index_cast %mul3A_65 : i32 to index
        %get3A_66 = tpu.vector_load %arg9[%get3A] {strides = array<i32>} : memref<128xf32, #tpu.memory_space<vmem>>, vector<16xf32>,
        %get3A_67 = vector.shape_cast %get3A_66 : vector<16xf32> to vector<16xf32>
        %broadcast_in_dim3A = arith.constant 0 : i32
        %broadcast_in_dim3A_68 = vector.broadcast %broadcast_in_dim3A : i32 to vector<16xi32>
        %lt3A = arith.constant 0 : i32
        %lt3A_69 = vector.broadcast %lt3A : i32 to vector<16xi32>
        %lt3A_70 = arith.cmpi slt, %broadcast_in_dim3A_68, %lt3A_69 : vector<16xi32>
        %add3A_71 = arith.constant 16 : i32
        %add3A_72 = vector.broadcast %add3A_71 : i32 to vector<16xi32>
        %add3A_73 = arith.addi %broadcast_in_dim3A_68, %add3A_72 : vector<16xi32>
        %select_n3A_74 = arith.select %lt3A_70, %add3A_73, %broadcast_in_dim3A_68 : vector<16xi1>, vector<16xi32>
        %broadcast_in_dim3A_75 = vector.shape_cast %select_n3A_74 : vector<16xi32> to vector<16x1xi32>
        %gather3A = vector.shape_cast %broadcast_in_dim3A_75 : vector<16x1xi32> to vector<16xi32>
        %gather3A_76 = tpu.dynamic_gather %get3A_67[%gather3A] in [0] : vector<16xf32>, vector<16xi32> -> vector<16xf32>
        %mul3A_77 = arith.constant 16 : i32
        %mul3A_78 = arith.muli %scan3A_63, %mul3A_77 : i32
        %add3A_79 = arith.constant 0 : i32
        %add3A_80 = arith.addi %mul3A_78, %add3A_79 : i32
        %get3A_81 = arith.index_cast %add3A_80 : i32 to index
        %get3A_82 = arith.constant 0 : index
        %get3A_83 = tpu.vector_load %arg10[%get3A_81, %get3A_82] {strides = array<i32>} : memref<128x128xf32, #tpu.memory_space<vmem>>, vector<1x16xf32>,
        %get3A_84 = vector.shape_cast %get3A_83 : vector<1x16xf32> to vector<16xf32>
        %mul3A_85 = arith.mulf %get3A_84, %gather3A_76 : vector<16xf32>
        %swap3A = arith.index_cast %add3A_80 : i32 to index
        %swap3A_86 = arith.constant 0 : index
        %swap3A_87 = tpu.vector_load %arg10[%swap3A, %swap3A_86] {strides = array<i32>} : memref<128x128xf32, #tpu.memory_space<vmem>>, vector<1x16xf32>,
        %swap3A_88 = vector.shape_cast %swap3A_87 : vector<1x16xf32> to vector<16xf32>
        %swap3A_89 = vector.shape_cast %mul3A_85 : vector<16xf32> to vector<1x16xf32>
        tpu.vector_store %arg10[%swap3A, %swap3A_86], %swap3A_89 {strides = array<i32>} : memref<128x128xf32, #tpu.memory_space<vmem>>, vector<1x16xf32>,
        %get3A_90 = arith.index_cast %add3A_80 : i32 to index
        %get3A_91 = arith.constant 16 : index
        %get3A_92 = tpu.vector_load %arg10[%get3A_90, %get3A_91] {strides = array<i32>} : memref<128x128xf32, #tpu.memory_space<vmem>>, vector<1x16xf32>,
        %get3A_93 = vector.shape_cast %get3A_92 : vector<1x16xf32> to vector<16xf32>
        %mul3A_94 = arith.mulf %get3A_93, %gather3A_76 : vector<16xf32>
        %swap3A_95 = arith.index_cast %add3A_80 : i32 to index
        %swap3A_96 = arith.constant 16 : index
        %swap3A_97 = tpu.vector_load %arg10[%swap3A_95, %swap3A_96] {strides = array<i32>} : memref<128x128xf32, #tpu.memory_space<vmem>>, vector<1x16xf32>,
        %swap3A_98 = vector.shape_cast %swap3A_97 : vector<1x16xf32> to vector<16xf32>
        %swap3A_99 = vector.shape_cast %mul3A_94 : vector<16xf32> to vector<1x16xf32>
        tpu.vector_store %arg10[%swap3A_95, %swap3A_96], %swap3A_99 {strides = array<i32>} : memref<128x128xf32, #tpu.memory_space<vmem>>, vector<1x16xf32>,
        %get3A_100 = arith.index_cast %add3A_80 : i32 to index
        %get3A_101 = arith.constant 32 : index
        %get3A_102 = tpu.vector_load %arg10[%get3A_100, %get3A_101] {strides = array<i32>} : memref<128x128xf32, #tpu.memory_space<vmem>>, vector<1x16xf32>,
        %get3A_103 = vector.shape_cast %get3A_102 : vector<1x16xf32> to vector<16xf32>
        %mul3A_104 = arith.mulf %get3A_103, %gather3A_76 : vector<16xf32>
        %swap3A_105 = arith.index_cast %add3A_80 : i32 to index
        %swap3A_106 = arith.constant 32 : index
        %swap3A_107 = tpu.vector_load %arg10[%swap3A_105, %swap3A_106] {strides = array<i32>} : memref<128x128xf32, #tpu.memory_space<vmem>>, vector<1x16xf32>,
        %swap3A_108 = vector.shape_cast %swap3A_107 : vector<1x16xf32> to vector<16xf32>
        %swap3A_109 = vector.shape_cast %mul3A_104 : vector<16xf32> to vector<1x16xf32>
        tpu.vector_store %arg10[%swap3A_105, %swap3A_106], %swap3A_109 {strides = array<i32>} : memref<128x128xf32, #tpu.memory_space<vmem>>, vector<1x16xf32>,
        %get3A_110 = arith.index_cast %add3A_80 : i32 to index
        %get3A_111 = arith.constant 48 : index
        %get3A_112 = tpu.vector_load %arg10[%get3A_110, %get3A_111] {strides = array<i32>} : memref<128x128xf32, #tpu.memory_space<vmem>>, vector<1x16xf32>,
        %get3A_113 = vector.shape_cast %get3A_112 : vector<1x16xf32> to vector<16xf32>
        %mul3A_114 = arith.mulf %get3A_113, %gather3A_76 : vector<16xf32>
        %swap3A_115 = arith.index_cast %add3A_80 : i32 to index
        %swap3A_116 = arith.constant 48 : index
        %swap3A_117 = tpu.vector_load %arg10[%swap3A_115, %swap3A_116] {strides = array<i32>} : memref<128x128xf32, #tpu.memory_space<vmem>>, vector<1x16xf32>,
        %swap3A_118 = vector.shape_cast %swap3A_117 : vector<1x16xf32> to vector<16xf32>
        %swap3A_119 = vector.shape_cast %mul3A_114 : vector<16xf32> to vector<1x16xf32>
        tpu.vector_store %arg10[%swap3A_115, %swap3A_116], %swap3A_119 {strides = array<i32>} : memref<128x128xf32, #tpu.memory_space<vmem>>, vector<1x16xf32>,
        %get3A_120 = arith.index_cast %add3A_80 : i32 to index
        %get3A_121 = arith.constant 64 : index
        %get3A_122 = tpu.vector_load %arg10[%get3A_120, %get3A_121] {strides = array<i32>} : memref<128x128xf32, #tpu.memory_space<vmem>>, vector<1x16xf32>,
        %get3A_123 = vector.shape_cast %get3A_122 : vector<1x16xf32> to vector<16xf32>
        %mul3A_124 = arith.mulf %get3A_123, %gather3A_76 : vector<16xf32>
        %swap3A_125 = arith.index_cast %add3A_80 : i32 to index
        %swap3A_126 = arith.constant 64 : index
        %swap3A_127 = tpu.vector_load %arg10[%swap3A_125, %swap3A_126] {strides = array<i32>} : memref<128x128xf32, #tpu.memory_space<vmem>>, vector<1x16xf32>,
        %swap3A_128 = vector.shape_cast %swap3A_127 : vector<1x16xf32> to vector<16xf32>
        %swap3A_129 = vector.shape_cast %mul3A_124 : vector<16xf32> to vector<1x16xf32>
        tpu.vector_store %arg10[%swap3A_125, %swap3A_126], %swap3A_129 {strides = array<i32>} : memref<128x128xf32, #tpu.memory_space<vmem>>, vector<1x16xf32>,
        %get3A_130 = arith.index_cast %add3A_80 : i32 to index
        %get3A_131 = arith.constant 80 : index
        %get3A_132 = tpu.vector_load %arg10[%get3A_130, %get3A_131] {strides = array<i32>} : memref<128x128xf32, #tpu.memory_space<vmem>>, vector<1x16xf32>,
        %get3A_133 = vector.shape_cast %get3A_132 : vector<1x16xf32> to vector<16xf32>
        %mul3A_134 = arith.mulf %get3A_133, %gather3A_76 : vector<16xf32>
        %swap3A_135 = arith.index_cast %add3A_80 : i32 to index
        %swap3A_136 = arith.constant 80 : index
        %swap3A_137 = tpu.vector_load %arg10[%swap3A_135, %swap3A_136] {strides = array<i32>} : memref<128x128xf32, #tpu.memory_space<vmem>>, vector<1x16xf32>,
        %swap3A_138 = vector.shape_cast %swap3A_137 : vector<1x16xf32> to vector<16xf32>
        %swap3A_139 = vector.shape_cast %mul3A_134 : vector<16xf32> to vector<1x16xf32>
        tpu.vector_store %arg10[%swap3A_135, %swap3A_136], %swap3A_139 {strides = array<i32>} : memref<128x128xf32, #tpu.memory_space<vmem>>, vector<1x16xf32>,
        %get3A_140 = arith.index_cast %add3A_80 : i32 to index
        %get3A_141 = arith.constant 96 : index
        %get3A_142 = tpu.vector_load %arg10[%get3A_140, %get3A_141] {strides = array<i32>} : memref<128x128xf32, #tpu.memory_space<vmem>>, vector<1x16xf32>,
        %get3A_143 = vector.shape_cast %get3A_142 : vector<1x16xf32> to vector<16xf32>
        %mul3A_144 = arith.mulf %get3A_143, %gather3A_76 : vector<16xf32>
        %swap3A_145 = arith.index_cast %add3A_80 : i32 to index
        %swap3A_146 = arith.constant 96 : index
        %swap3A_147 = tpu.vector_load %arg10[%swap3A_145, %swap3A_146] {strides = array<i32>} : memref<128x128xf32, #tpu.memory_space<vmem>>, vector<1x16xf32>,
        %swap3A_148 = vector.shape_cast %swap3A_147 : vector<1x16xf32> to vector<16xf32>
        %swap3A_149 = vector.shape_cast %mul3A_144 : vector<16xf32> to vector<1x16xf32>
        tpu.vector_store %arg10[%swap3A_145, %swap3A_146], %swap3A_149 {strides = array<i32>} : memref<128x128xf32, #tpu.memory_space<vmem>>, vector<1x16xf32>,
        %get3A_150 = arith.index_cast %add3A_80 : i32 to index
        %get3A_151 = arith.constant 112 : index
        %get3A_152 = tpu.vector_load %arg10[%get3A_150, %get3A_151] {strides = array<i32>} : memref<128x128xf32, #tpu.memory_space<vmem>>, vector<1x16xf32>,
        %get3A_153 = vector.shape_cast %get3A_152 : vector<1x16xf32> to vector<16xf32>
        %mul3A_154 = arith.mulf %get3A_153, %gather3A_76 : vector<16xf32>
        %swap3A_155 = arith.index_cast %add3A_80 : i32 to index
        %swap3A_156 = arith.constant 112 : index
        %swap3A_157 = tpu.vector_load %arg10[%swap3A_155, %swap3A_156] {strides = array<i32>} : memref<128x128xf32, #tpu.memory_space<vmem>>, vector<1x16xf32>,
        %swap3A_158 = vector.shape_cast %swap3A_157 : vector<1x16xf32> to vector<16xf32>
        %swap3A_159 = vector.shape_cast %mul3A_154 : vector<16xf32> to vector<1x16xf32>
        tpu.vector_store %arg10[%swap3A_155, %swap3A_156], %swap3A_159 {strides = array<i32>} : memref<128x128xf32, #tpu.memory_space<vmem>>, vector<1x16xf32>,
        %broadcast_in_dim3A_160 = arith.constant 1 : i32
        %broadcast_in_dim3A_161 = vector.broadcast %broadcast_in_dim3A_160 : i32 to vector<16xi32>
        %lt3A_162 = arith.constant 0 : i32
        %lt3A_163 = vector.broadcast %lt3A_162 : i32 to vector<16xi32>
        %lt3A_164 = arith.cmpi slt, %broadcast_in_dim3A_161, %lt3A_163 : vector<16xi32>
        %add3A_165 = arith.constant 16 : i32
        %add3A_166 = vector.broadcast %add3A_165 : i32 to vector<16xi32>
        %add3A_167 = arith.addi %broadcast_in_dim3A_161, %add3A_166 : vector<16xi32>
        %select_n3A_168 = arith.select %lt3A_164, %add3A_167, %broadcast_in_dim3A_161 : vector<16xi1>, vector<16xi32>
        %broadcast_in_dim3A_169 = vector.shape_cast %select_n3A_168 : vector<16xi32> to vector<16x1xi32>
        %gather3A_170 = vector.shape_cast %broadcast_in_dim3A_169 : vector<16x1xi32> to vector<16xi32>
        %gather3A_171 = tpu.dynamic_gather %get3A_67[%gather3A_170] in [0] : vector<16xf32>, vector<16xi32> -> vector<16xf32>
        %mul3A_172 = arith.constant 16 : i32
        %mul3A_173 = arith.muli %scan3A_63, %mul3A_172 : i32
        %add3A_174 = arith.constant 1 : i32
        %add3A_175 = arith.addi %mul3A_173, %add3A_174 : i32
        %get3A_176 = arith.index_cast %add3A_175 : i32 to index
        %get3A_177 = arith.constant 0 : index
        %get3A_178 = tpu.vector_load %arg10[%get3A_176, %get3A_177] {strides = array<i32>} : memref<128x128xf32, #tpu.memory_space<vmem>>, vector<1x16xf32>,
        %get3A_179 = vector.shape_cast %get3A_178 : vector<1x16xf32> to vector<16xf32>
        %mul3A_180 = arith.mulf %get3A_179, %gather3A_171 : vector<16xf32>
        %swap3A_181 = arith.index_cast %add3A_175 : i32 to index
        %swap3A_182 = arith.constant 0 : index
        %swap3A_183 = tpu.vector_load %arg10[%swap3A_181, %swap3A_182] {strides = array<i32>} : memref<128x128xf32, #tpu.memory_space<vmem>>, vector<1x16xf32>,
        %swap3A_184 = vector.shape_cast %swap3A_183 : vector<1x16xf32> to vector<16xf32>
        %swap3A_185 = vector.shape_cast %mul3A_180 : vector<16xf32> to vector<1x16xf32>
        tpu.vector_store %arg10[%swap3A_181, %swap3A_182], %swap3A_185 {strides = array<i32>} : memref<128x128xf32, #tpu.memory_space<vmem>>, vector<1x16xf32>,
        %get3A_186 = arith.index_cast %add3A_175 : i32 to index
        %get3A_187 = arith.constant 16 : index
        %get3A_188 = tpu.vector_load %arg10[%get3A_186, %get3A_187] {strides = array<i32>} : memref<128x128xf32, #tpu.memory_space<vmem>>, vector<1x16xf32>,
        %get3A_189 = vector.shape_cast %get3A_188 : vector<1x16xf32> to vector<16xf32>
        %mul3A_190 = arith.mulf %get3A_189, %gather3A_171 : vector<16xf32>
        %swap3A_191 = arith.index_cast %add3A_175 : i32 to index
        %swap3A_192 = arith.constant 16 : index
        %swap3A_193 = tpu.vector_load %arg10[%swap3A_191, %swap3A_192] {strides = array<i32>} : memref<128x128xf32, #tpu.memory_space<vmem>>, vector<1x16xf32>,
        %swap3A_194 = vector.shape_cast %swap3A_193 : vector<1x16xf32> to vector<16xf32>
        %swap3A_195 = vector.shape_cast %mul3A_190 : vector<16xf32> to vector<1x16xf32>
        tpu.vector_store %arg10[%swap3A_191, %swap3A_192], %swap3A_195 {strides = array<i32>} : memref<128x128xf32, #tpu.memory_space<vmem>>, vector<1x16xf32>,
        %get3A_196 = arith.index_cast %add3A_175 : i32 to index
        %get3A_197 = arith.constant 32 : index
        %get3A_198 = tpu.vector_load %arg10[%get3A_196, %get3A_197] {strides = array<i32>} : memref<128x128xf32, #tpu.memory_space<vmem>>, vector<1x16xf32>,
        %get3A_199 = vector.shape_cast %get3A_198 : vector<1x16xf32> to vector<16xf32>
        %mul3A_200 = arith.mulf %get3A_199, %gather3A_171 : vector<16xf32>
        %swap3A_201 = arith.index_cast %add3A_175 : i32 to index
        %swap3A_202 = arith.constant 32 : index
        %swap3A_203 = tpu.vector_load %arg10[%swap3A_201, %swap3A_202] {strides = array<i32>} : memref<128x128xf32, #tpu.memory_space<vmem>>, vector<1x16xf32>,
        %swap3A_204 = vector.shape_cast %swap3A_203 : vector<1x16xf32> to vector<16xf32>
        %swap3A_205 = vector.shape_cast %mul3A_200 : vector<16xf32> to vector<1x16xf32>
        tpu.vector_store %arg10[%swap3A_201, %swap3A_202], %swap3A_205 {strides = array<i32>} : memref<128x128xf32, #tpu.memory_space<vmem>>, vector<1x16xf32>,
        %get3A_206 = arith.index_cast %add3A_175 : i32 to index
        %get3A_207 = arith.constant 48 : index
        %get3A_208 = tpu.vector_load %arg10[%get3A_206, %get3A_207] {strides = array<i32>} : memref<128x128xf32, #tpu.memory_space<vmem>>, vector<1x16xf32>,
        %get3A_209 = vector.shape_cast %get3A_208 : vector<1x16xf32> to vector<16xf32>
        %mul3A_210 = arith.mulf %get3A_209, %gather3A_171 : vector<16xf32>
        %swap3A_211 = arith.index_cast %add3A_175 : i32 to index
        %swap3A_212 = arith.constant 48 : index
        %swap3A_213 = tpu.vector_load %arg10[%swap3A_211, %swap3A_212] {strides = array<i32>} : memref<128x128xf32, #tpu.memory_space<vmem>>, vector<1x16xf32>,
        %swap3A_214 = vector.shape_cast %swap3A_213 : vector<1x16xf32> to vector<16xf32>
        %swap3A_215 = vector.shape_cast %mul3A_210 : vector<16xf32> to vector<1x16xf32>
        tpu.vector_store %arg10[%swap3A_211, %swap3A_212], %swap3A_215 {strides = array<i32>} : memref<128x128xf32, #tpu.memory_space<vmem>>, vector<1x16xf32>,
        %get3A_216 = arith.index_cast %add3A_175 : i32 to index
        %get3A_217 = arith.constant 64 : index
        %get3A_218 = tpu.vector_load %arg10[%get3A_216, %get3A_217] {strides = array<i32>} : memref<128x128xf32, #tpu.memory_space<vmem>>, vector<1x16xf32>,
        %get3A_219 = vector.shape_cast %get3A_218 : vector<1x16xf32> to vector<16xf32>
        %mul3A_220 = arith.mulf %get3A_219, %gather3A_171 : vector<16xf32>
        %swap3A_221 = arith.index_cast %add3A_175 : i32 to index
        %swap3A_222 = arith.constant 64 : index
        %swap3A_223 = tpu.vector_load %arg10[%swap3A_221, %swap3A_222] {strides = array<i32>} : memref<128x128xf32, #tpu.memory_space<vmem>>, vector<1x16xf32>,
        %swap3A_224 = vector.shape_cast %swap3A_223 : vector<1x16xf32> to vector<16xf32>
        %swap3A_225 = vector.shape_cast %mul3A_220 : vector<16xf32> to vector<1x16xf32>
        tpu.vector_store %arg10[%swap3A_221, %swap3A_222], %swap3A_225 {strides = array<i32>} : memref<128x128xf32, #tpu.memory_space<vmem>>, vector<1x16xf32>,
        %get3A_226 = arith.index_cast %add3A_175 : i32 to index
        %get3A_227 = arith.constant 80 : index
        %get3A_228 = tpu.vector_load %arg10[%get3A_226, %get3A_227] {strides = array<i32>} : memref<128x128xf32, #tpu.memory_space<vmem>>, vector<1x16xf32>,
        %get3A_229 = vector.shape_cast %get3A_228 : vector<1x16xf32> to vector<16xf32>
        %mul3A_230 = arith.mulf %get3A_229, %gather3A_171 : vector<16xf32>
        %swap3A_231 = arith.index_cast %add3A_175 : i32 to index
        %swap3A_232 = arith.constant 80 : index
        %swap3A_233 = tpu.vector_load %arg10[%swap3A_231, %swap3A_232] {strides = array<i32>} : memref<128x128xf32, #tpu.memory_space<vmem>>, vector<1x16xf32>,
        %swap3A_234 = vector.shape_cast %swap3A_233 : vector<1x16xf32> to vector<16xf32>
        %swap3A_235 = vector.shape_cast %mul3A_230 : vector<16xf32> to vector<1x16xf32>
        tpu.vector_store %arg10[%swap3A_231, %swap3A_232], %swap3A_235 {strides = array<i32>} : memref<128x128xf32, #tpu.memory_space<vmem>>, vector<1x16xf32>,
        %get3A_236 = arith.index_cast %add3A_175 : i32 to index
        %get3A_237 = arith.constant 96 : index
        %get3A_238 = tpu.vector_load %arg10[%get3A_236, %get3A_237] {strides = array<i32>} : memref<128x128xf32, #tpu.memory_space<vmem>>, vector<1x16xf32>,
        %get3A_239 = vector.shape_cast %get3A_238 : vector<1x16xf32> to vector<16xf32>
        %mul3A_240 = arith.mulf %get3A_239, %gather3A_171 : vector<16xf32>
        %swap3A_241 = arith.index_cast %add3A_175 : i32 to index
        %swap3A_242 = arith.constant 96 : index
        %swap3A_243 = tpu.vector_load %arg10[%swap3A_241, %swap3A_242] {strides = array<i32>} : memref<128x128xf32, #tpu.memory_space<vmem>>, vector<1x16xf32>,
        %swap3A_244 = vector.shape_cast %swap3A_243 : vector<1x16xf32> to vector<16xf32>
        %swap3A_245 = vector.shape_cast %mul3A_240 : vector<16xf32> to vector<1x16xf32>
        tpu.vector_store %arg10[%swap3A_241, %swap3A_242], %swap3A_245 {strides = array<i32>} : memref<128x128xf32, #tpu.memory_space<vmem>>, vector<1x16xf32>,
        %get3A_246 = arith.index_cast %add3A_175 : i32 to index
        %get3A_247 = arith.constant 112 : index
        %get3A_248 = tpu.vector_load %arg10[%get3A_246, %get3A_247] {strides = array<i32>} : memref<128x128xf32, #tpu.memory_space<vmem>>, vector<1x16xf32>,
        %get3A_249 = vector.shape_cast %get3A_248 : vector<1x16xf32> to vector<16xf32>
        %mul3A_250 = arith.mulf %get3A_249, %gather3A_171 : vector<16xf32>
        %swap3A_251 = arith.index_cast %add3A_175 : i32 to index
        %swap3A_252 = arith.constant 112 : index
        %swap3A_253 = tpu.vector_load %arg10[%swap3A_251, %swap3A_252] {strides = array<i32>} : memref<128x128xf32, #tpu.memory_space<vmem>>, vector<1x16xf32>,
        %swap3A_254 = vector.shape_cast %swap3A_253 : vector<1x16xf32> to vector<16xf32>
        %swap3A_255 = vector.shape_cast %mul3A_250 : vector<16xf32> to vector<1x16xf32>
        tpu.vector_store %arg10[%swap3A_251, %swap3A_252], %swap3A_255 {strides = array<i32>} : memref<128x128xf32, #tpu.memory_space<vmem>>, vector<1x16xf32>,
        %broadcast_in_dim3A_256 = arith.constant 2 : i32
        %broadcast_in_dim3A_257 = vector.broadcast %broadcast_in_dim3A_256 : i32 to vector<16xi32>
        %lt3A_258 = arith.constant 0 : i32
        %lt3A_259 = vector.broadcast %lt3A_258 : i32 to vector<16xi32>
        %lt3A_260 = arith.cmpi slt, %broadcast_in_dim3A_257, %lt3A_259 : vector<16xi32>
        %add3A_261 = arith.constant 16 : i32
        %add3A_262 = vector.broadcast %add3A_261 : i32 to vector<16xi32>
        %add3A_263 = arith.addi %broadcast_in_dim3A_257, %add3A_262 : vector<16xi32>
        %select_n3A_264 = arith.select %lt3A_260, %add3A_263, %broadcast_in_dim3A_257 : vector<16xi1>, vector<16xi32>
        %broadcast_in_dim3A_265 = vector.shape_cast %select_n3A_264 : vector<16xi32> to vector<16x1xi32>
        %gather3A_266 = vector.shape_cast %broadcast_in_dim3A_265 : vector<16x1xi32> to vector<16xi32>
        %gather3A_267 = tpu.dynamic_gather %get3A_67[%gather3A_266] in [0] : vector<16xf32>, vector<16xi32> -> vector<16xf32>
        %mul3A_268 = arith.constant 16 : i32
        %mul3A_269 = arith.muli %scan3A_63, %mul3A_268 : i32
        %add3A_270 = arith.constant 2 : i32
        %add3A_271 = arith.addi %mul3A_269, %add3A_270 : i32
        %get3A_272 = arith.index_cast %add3A_271 : i32 to index
        %get3A_273 = arith.constant 0 : index
        %get3A_274 = tpu.vector_load %arg10[%get3A_272, %get3A_273] {strides = array<i32>} : memref<128x128xf32, #tpu.memory_space<vmem>>, vector<1x16xf32>,
        %get3A_275 = vector.shape_cast %get3A_274 : vector<1x16xf32> to vector<16xf32>
        %mul3A_276 = arith.mulf %get3A_275, %gather3A_267 : vector<16xf32>
        %swap3A_277 = arith.index_cast %add3A_271 : i32 to index
        %swap3A_278 = arith.constant 0 : index
        %swap3A_279 = tpu.vector_load %arg10[%swap3A_277, %swap3A_278] {strides = array<i32>} : memref<128x128xf32, #tpu.memory_space<vmem>>, vector<1x16xf32>,
        %swap3A_280 = vector.shape_cast %swap3A_279 : vector<1x16xf32> to vector<16xf32>
        %swap3A_281 = vector.shape_cast %mul3A_276 : vector<16xf32> to vector<1x16xf32>
        tpu.vector_store %arg10[%swap3A_277, %swap3A_278], %swap3A_281 {strides = array<i32>} : memref<128x128xf32, #tpu.memory_space<vmem>>, vector<1x16xf32>,
        %get3A_282 = arith.index_cast %add3A_271 : i32 to index
        %get3A_283 = arith.constant 16 : index
        %get3A_284 = tpu.vector_load %arg10[%get3A_282, %get3A_283] {strides = array<i32>} : memref<128x128xf32, #tpu.memory_space<vmem>>, vector<1x16xf32>,
        %get3A_285 = vector.shape_cast %get3A_284 : vector<1x16xf32> to vector<16xf32>
        %mul3A_286 = arith.mulf %get3A_285, %gather3A_267 : vector<16xf32>
        %swap3A_287 = arith.index_cast %add3A_271 : i32 to index
        %swap3A_288 = arith.constant 16 : index
        %swap3A_289 = tpu.vector_load %arg10[%swap3A_287, %swap3A_288] {strides = array<i32>} : memref<128x128xf32, #tpu.memory_space<vmem>>, vector<1x16xf32>,
        %swap3A_290 = vector.shape_cast %swap3A_289 : vector<1x16xf32> to vector<16xf32>
        %swap3A_291 = vector.shape_cast %mul3A_286 : vector<16xf32> to vector<1x16xf32>
        tpu.vector_store %arg10[%swap3A_287, %swap3A_288], %swap3A_291 {strides = array<i32>} : memref<128x128xf32, #tpu.memory_space<vmem>>, vector<1x16xf32>,
        %get3A_292 = arith.index_cast %add3A_271 : i32 to index
        %get3A_293 = arith.constant 32 : index
        %get3A_294 = tpu.vector_load %arg10[%get3A_292, %get3A_293] {strides = array<i32>} : memref<128x128xf32, #tpu.memory_space<vmem>>, vector<1x16xf32>,
        %get3A_295 = vector.shape_cast %get3A_294 : vector<1x16xf32> to vector<16xf32>
        %mul3A_296 = arith.mulf %get3A_295, %gather3A_267 : vector<16xf32>
        %swap3A_297 = arith.index_cast %add3A_271 : i32 to index
        %swap3A_298 = arith.constant 32 : index
        %swap3A_299 = tpu.vector_load %arg10[%swap3A_297, %swap3A_298] {strides = array<i32>} : memref<128x128xf32, #tpu.memory_space<vmem>>, vector<1x16xf32>,
        %swap3A_300 = vector.shape_cast %swap3A_299 : vector<1x16xf32> to vector<16xf32>
        %swap3A_301 = vector.shape_cast %mul3A_296 : vector<16xf32> to vector<1x16xf32>
        tpu.vector_store %arg10[%swap3A_297, %swap3A_298], %swap3A_301 {strides = array<i32>} : memref<128x128xf32, #tpu.memory_space<vmem>>, vector<1x16xf32>,
        %get3A_302 = arith.index_cast %add3A_271 : i32 to index
        %get3A_303 = arith.constant 48 : index
        %get3A_304 = tpu.vector_load %arg10[%get3A_302, %get3A_303] {strides = array<i32>} : memref<128x128xf32, #tpu.memory_space<vmem>>, vector<1x16xf32>,
        %get3A_305 = vector.shape_cast %get3A_304 : vector<1x16xf32> to vector<16xf32>
        %mul3A_306 = arith.mulf %get3A_305, %gather3A_267 : vector<16xf32>
        %swap3A_307 = arith.index_cast %add3A_271 : i32 to index
        %swap3A_308 = arith.constant 48 : index
        %swap3A_309 = tpu.vector_load %arg10[%swap3A_307, %swap3A_308] {strides = array<i32>} : memref<128x128xf32, #tpu.memory_space<vmem>>, vector<1x16xf32>,
        %swap3A_310 = vector.shape_cast %swap3A_309 : vector<1x16xf32> to vector<16xf32>
        %swap3A_311 = vector.shape_cast %mul3A_306 : vector<16xf32> to vector<1x16xf32>
        tpu.vector_store %arg10[%swap3A_307, %swap3A_308], %swap3A_311 {strides = array<i32>} : memref<128x128xf32, #tpu.memory_space<vmem>>, vector<1x16xf32>,
        %get3A_312 = arith.index_cast %add3A_271 : i32 to index
        %get3A_313 = arith.constant 64 : index
        %get3A_314 = tpu.vector_load %arg10[%get3A_312, %get3A_313] {strides = array<i32>} : memref<128x128xf32, #tpu.memory_space<vmem>>, vector<1x16xf32>,
        %get3A_315 = vector.shape_cast %get3A_314 : vector<1x16xf32> to vector<16xf32>
        %mul3A_316 = arith.mulf %get3A_315, %gather3A_267 : vector<16xf32>
        %swap3A_317 = arith.index_cast %add3A_271 : i32 to index
        %swap3A_318 = arith.constant 64 : index
        %swap3A_319 = tpu.vector_load %arg10[%swap3A_317, %swap3A_318] {strides = array<i32>} : memref<128x128xf32, #tpu.memory_space<vmem>>, vector<1x16xf32>,
        %swap3A_320 = vector.shape_cast %swap3A_319 : vector<1x16xf32> to vector<16xf32>
        %swap3A_321 = vector.shape_cast %mul3A_316 : vector<16xf32> to vector<1x16xf32>
        tpu.vector_store %arg10[%swap3A_317, %swap3A_318], %swap3A_321 {strides = array<i32>} : memref<128x128xf32, #tpu.memory_space<vmem>>, vector<1x16xf32>,
        %get3A_322 = arith.index_cast %add3A_271 : i32 to index
        %get3A_323 = arith.constant 80 : index
        %get3A_324 = tpu.vector_load %arg10[%get3A_322, %get3A_323] {strides = array<i32>} : memref<128x128xf32, #tpu.memory_space<vmem>>, vector<1x16xf32>,
        %get3A_325 = vector.shape_cast %get3A_324 : vector<1x16xf32> to vector<16xf32>
        %mul3A_326 = arith.mulf %get3A_325, %gather3A_267 : vector<16xf32>
        %swap3A_327 = arith.index_cast %add3A_271 : i32 to index
        %swap3A_328 = arith.constant 80 : index
        %swap3A_329 = tpu.vector_load %arg10[%swap3A_327, %swap3A_328] {strides = array<i32>} : memref<128x128xf32, #tpu.memory_space<vmem>>, vector<1x16xf32>,
        %swap3A_330 = vector.shape_cast %swap3A_329 : vector<1x16xf32> to vector<16xf32>
        %swap3A_331 = vector.shape_cast %mul3A_326 : vector<16xf32> to vector<1x16xf32>
        tpu.vector_store %arg10[%swap3A_327, %swap3A_328], %swap3A_331 {strides = array<i32>} : memref<128x128xf32, #tpu.memory_space<vmem>>, vector<1x16xf32>,
        %get3A_332 = arith.index_cast %add3A_271 : i32 to index
        %get3A_333 = arith.constant 96 : index
        %get3A_334 = tpu.vector_load %arg10[%get3A_332, %get3A_333] {strides = array<i32>} : memref<128x128xf32, #tpu.memory_space<vmem>>, vector<1x16xf32>,
        %get3A_335 = vector.shape_cast %get3A_334 : vector<1x16xf32> to vector<16xf32>
        %mul3A_336 = arith.mulf %get3A_335, %gather3A_267 : vector<16xf32>
        %swap3A_337 = arith.index_cast %add3A_271 : i32 to index
        %swap3A_338 = arith.constant 96 : index
        %swap3A_339 = tpu.vector_load %arg10[%swap3A_337, %swap3A_338] {strides = array<i32>} : memref<128x128xf32, #tpu.memory_space<vmem>>, vector<1x16xf32>,
        %swap3A_340 = vector.shape_cast %swap3A_339 : vector<1x16xf32> to vector<16xf32>
        %swap3A_341 = vector.shape_cast %mul3A_336 : vector<16xf32> to vector<1x16xf32>
        tpu.vector_store %arg10[%swap3A_337, %swap3A_338], %swap3A_341 {strides = array<i32>} : memref<128x128xf32, #tpu.memory_space<vmem>>, vector<1x16xf32>,
        %get3A_342 = arith.index_cast %add3A_271 : i32 to index
        %get3A_343 = arith.constant 112 : index
        %get3A_344 = tpu.vector_load %arg10[%get3A_342, %get3A_343] {strides = array<i32>} : memref<128x128xf32, #tpu.memory_space<vmem>>, vector<1x16xf32>,
        %get3A_345 = vector.shape_cast %get3A_344 : vector<1x16xf32> to vector<16xf32>
        %mul3A_346 = arith.mulf %get3A_345, %gather3A_267 : vector<16xf32>
        %swap3A_347 = arith.index_cast %add3A_271 : i32 to index
        %swap3A_348 = arith.constant 112 : index
        %swap3A_349 = tpu.vector_load %arg10[%swap3A_347, %swap3A_348] {strides = array<i32>} : memref<128x128xf32, #tpu.memory_space<vmem>>, vector<1x16xf32>,
        %swap3A_350 = vector.shape_cast %swap3A_349 : vector<1x16xf32> to vector<16xf32>
        %swap3A_351 = vector.shape_cast %mul3A_346 : vector<16xf32> to vector<1x16xf32>
        tpu.vector_store %arg10[%swap3A_347, %swap3A_348], %swap3A_351 {strides = array<i32>} : memref<128x128xf32, #tpu.memory_space<vmem>>, vector<1x16xf32>,
        %broadcast_in_dim3A_352 = arith.constant 3 : i32
        %broadcast_in_dim3A_353 = vector.broadcast %broadcast_in_dim3A_352 : i32 to vector<16xi32>
        %lt3A_354 = arith.constant 0 : i32
        %lt3A_355 = vector.broadcast %lt3A_354 : i32 to vector<16xi32>
        %lt3A_356 = arith.cmpi slt, %broadcast_in_dim3A_353, %lt3A_355 : vector<16xi32>
        %add3A_357 = arith.constant 16 : i32
        %add3A_358 = vector.broadcast %add3A_357 : i32 to vector<16xi32>
        %add3A_359 = arith.addi %broadcast_in_dim3A_353, %add3A_358 : vector<16xi32>
        %select_n3A_360 = arith.select %lt3A_356, %add3A_359, %broadcast_in_dim3A_353 : vector<16xi1>, vector<16xi32>
        %broadcast_in_dim3A_361 = vector.shape_cast %select_n3A_360 : vector<16xi32> to vector<16x1xi32>
        %gather3A_362 = vector.shape_cast %broadcast_in_dim3A_361 : vector<16x1xi32> to vector<16xi32>
        %gather3A_363 = tpu.dynamic_gather %get3A_67[%gather3A_362] in [0] : vector<16xf32>, vector<16xi32> -> vector<16xf32>
        %mul3A_364 = arith.constant 16 : i32
        %mul3A_365 = arith.muli %scan3A_63, %mul3A_364 : i32
        %add3A_366 = arith.constant 3 : i32
        %add3A_367 = arith.addi %mul3A_365, %add3A_366 : i32
        %get3A_368 = arith.index_cast %add3A_367 : i32 to index
        %get3A_369 = arith.constant 0 : index
        %get3A_370 = tpu.vector_load %arg10[%get3A_368, %get3A_369] {strides = array<i32>} : memref<128x128xf32, #tpu.memory_space<vmem>>, vector<1x16xf32>,
        %get3A_371 = vector.shape_cast %get3A_370 : vector<1x16xf32> to vector<16xf32>
        %mul3A_372 = arith.mulf %get3A_371, %gather3A_363 : vector<16xf32>
        %swap3A_373 = arith.index_cast %add3A_367 : i32 to index
        %swap3A_374 = arith.constant 0 : index
        %swap3A_375 = tpu.vector_load %arg10[%swap3A_373, %swap3A_374] {strides = array<i32>} : memref<128x128xf32, #tpu.memory_space<vmem>>, vector<1x16xf32>,
        %swap3A_376 = vector.shape_cast %swap3A_375 : vector<1x16xf32> to vector<16xf32>
        %swap3A_377 = vector.shape_cast %mul3A_372 : vector<16xf32> to vector<1x16xf32>
        tpu.vector_store %arg10[%swap3A_373, %swap3A_374], %swap3A_377 {strides = array<i32>} : memref<128x128xf32, #tpu.memory_space<vmem>>, vector<1x16xf32>,
        %get3A_378 = arith.index_cast %add3A_367 : i32 to index
        %get3A_379 = arith.constant 16 : index
        %get3A_380 = tpu.vector_load %arg10[%get3A_378, %get3A_379] {strides = array<i32>} : memref<128x128xf32, #tpu.memory_space<vmem>>, vector<1x16xf32>,
        %get3A_381 = vector.shape_cast %get3A_380 : vector<1x16xf32> to vector<16xf32>
        %mul3A_382 = arith.mulf %get3A_381, %gather3A_363 : vector<16xf32>
        %swap3A_383 = arith.index_cast %add3A_367 : i32 to index
        %swap3A_384 = arith.constant 16 : index
        %swap3A_385 = tpu.vector_load %arg10[%swap3A_383, %swap3A_384] {strides = array<i32>} : memref<128x128xf32, #tpu.memory_space<vmem>>, vector<1x16xf32>,
        %swap3A_386 = vector.shape_cast %swap3A_385 : vector<1x16xf32> to vector<16xf32>
        %swap3A_387 = vector.shape_cast %mul3A_382 : vector<16xf32> to vector<1x16xf32>
        tpu.vector_store %arg10[%swap3A_383, %swap3A_384], %swap3A_387 {strides = array<i32>} : memref<128x128xf32, #tpu.memory_space<vmem>>, vector<1x16xf32>,
        %get3A_388 = arith.index_cast %add3A_367 : i32 to index
        %get3A_389 = arith.constant 32 : index
        %get3A_390 = tpu.vector_load %arg10[%get3A_388, %get3A_389] {strides = array<i32>} : memref<128x128xf32, #tpu.memory_space<vmem>>, vector<1x16xf32>,
        %get3A_391 = vector.shape_cast %get3A_390 : vector<1x16xf32> to vector<16xf32>
        %mul3A_392 = arith.mulf %get3A_391, %gather3A_363 : vector<16xf32>
        %swap3A_393 = arith.index_cast %add3A_367 : i32 to index
        %swap3A_394 = arith.constant 32 : index
        %swap3A_395 = tpu.vector_load %arg10[%swap3A_393, %swap3A_394] {strides = array<i32>} : memref<128x128xf32, #tpu.memory_space<vmem>>, vector<1x16xf32>,
        %swap3A_396 = vector.shape_cast %swap3A_395 : vector<1x16xf32> to vector<16xf32>
        %swap3A_397 = vector.shape_cast %mul3A_392 : vector<16xf32> to vector<1x16xf32>
        tpu.vector_store %arg10[%swap3A_393, %swap3A_394], %swap3A_397 {strides = array<i32>} : memref<128x128xf32, #tpu.memory_space<vmem>>, vector<1x16xf32>,
        %get3A_398 = arith.index_cast %add3A_367 : i32 to index
        %get3A_399 = arith.constant 48 : index
        %get3A_400 = tpu.vector_load %arg10[%get3A_398, %get3A_399] {strides = array<i32>} : memref<128x128xf32, #tpu.memory_space<vmem>>, vector<1x16xf32>,
        %get3A_401 = vector.shape_cast %get3A_400 : vector<1x16xf32> to vector<16xf32>
        %mul3A_402 = arith.mulf %get3A_401, %gather3A_363 : vector<16xf32>
        %swap3A_403 = arith.index_cast %add3A_367 : i32 to index
        %swap3A_404 = arith.constant 48 : index
        %swap3A_405 = tpu.vector_load %arg10[%swap3A_403, %swap3A_404] {strides = array<i32>} : memref<128x128xf32, #tpu.memory_space<vmem>>, vector<1x16xf32>,
        %swap3A_406 = vector.shape_cast %swap3A_405 : vector<1x16xf32> to vector<16xf32>
        %swap3A_407 = vector.shape_cast %mul3A_402 : vector<16xf32> to vector<1x16xf32>
        tpu.vector_store %arg10[%swap3A_403, %swap3A_404], %swap3A_407 {strides = array<i32>} : memref<128x128xf32, #tpu.memory_space<vmem>>, vector<1x16xf32>,
        %get3A_408 = arith.index_cast %add3A_367 : i32 to index
        %get3A_409 = arith.constant 64 : index
        %get3A_410 = tpu.vector_load %arg10[%get3A_408, %get3A_409] {strides = array<i32>} : memref<128x128xf32, #tpu.memory_space<vmem>>, vector<1x16xf32>,
        %get3A_411 = vector.shape_cast %get3A_410 : vector<1x16xf32> to vector<16xf32>
        %mul3A_412 = arith.mulf %get3A_411, %gather3A_363 : vector<16xf32>
        %swap3A_413 = arith.index_cast %add3A_367 : i32 to index
        %swap3A_414 = arith.constant 64 : index
        %swap3A_415 = tpu.vector_load %arg10[%swap3A_413, %swap3A_414] {strides = array<i32>} : memref<128x128xf32, #tpu.memory_space<vmem>>, vector<1x16xf32>,
        %swap3A_416 = vector.shape_cast %swap3A_415 : vector<1x16xf32> to vector<16xf32>
        %swap3A_417 = vector.shape_cast %mul3A_412 : vector<16xf32> to vector<1x16xf32>
        tpu.vector_store %arg10[%swap3A_413, %swap3A_414], %swap3A_417 {strides = array<i32>} : memref<128x128xf32, #tpu.memory_space<vmem>>, vector<1x16xf32>,
        %get3A_418 = arith.index_cast %add3A_367 : i32 to index
        %get3A_419 = arith.constant 80 : index
        %get3A_420 = tpu.vector_load %arg10[%get3A_418, %get3A_419] {strides = array<i32>} : memref<128x128xf32, #tpu.memory_space<vmem>>, vector<1x16xf32>,
        %get3A_421 = vector.shape_cast %get3A_420 : vector<1x16xf32> to vector<16xf32>
        %mul3A_422 = arith.mulf %get3A_421, %gather3A_363 : vector<16xf32>
        %swap3A_423 = arith.index_cast %add3A_367 : i32 to index
        %swap3A_424 = arith.constant 80 : index
        %swap3A_425 = tpu.vector_load %arg10[%swap3A_423, %swap3A_424] {strides = array<i32>} : memref<128x128xf32, #tpu.memory_space<vmem>>, vector<1x16xf32>,
        %swap3A_426 = vector.shape_cast %swap3A_425 : vector<1x16xf32> to vector<16xf32>
        %swap3A_427 = vector.shape_cast %mul3A_422 : vector<16xf32> to vector<1x16xf32>
        tpu.vector_store %arg10[%swap3A_423, %swap3A_424], %swap3A_427 {strides = array<i32>} : memref<128x128xf32, #tpu.memory_space<vmem>>, vector<1x16xf32>,
        %get3A_428 = arith.index_cast %add3A_367 : i32 to index
        %get3A_429 = arith.constant 96 : index
        %get3A_430 = tpu.vector_load %arg10[%get3A_428, %get3A_429] {strides = array<i32>} : memref<128x128xf32, #tpu.memory_space<vmem>>, vector<1x16xf32>,
        %get3A_431 = vector.shape_cast %get3A_430 : vector<1x16xf32> to vector<16xf32>
        %mul3A_432 = arith.mulf %get3A_431, %gather3A_363 : vector<16xf32>
        %swap3A_433 = arith.index_cast %add3A_367 : i32 to index
        %swap3A_434 = arith.constant 96 : index
        %swap3A_435 = tpu.vector_load %arg10[%swap3A_433, %swap3A_434] {strides = array<i32>} : memref<128x128xf32, #tpu.memory_space<vmem>>, vector<1x16xf32>,
        %swap3A_436 = vector.shape_cast %swap3A_435 : vector<1x16xf32> to vector<16xf32>
        %swap3A_437 = vector.shape_cast %mul3A_432 : vector<16xf32> to vector<1x16xf32>
        tpu.vector_store %arg10[%swap3A_433, %swap3A_434], %swap3A_437 {strides = array<i32>} : memref<128x128xf32, #tpu.memory_space<vmem>>, vector<1x16xf32>,
        %get3A_438 = arith.index_cast %add3A_367 : i32 to index
        %get3A_439 = arith.constant 112 : index
        %get3A_440 = tpu.vector_load %arg10[%get3A_438, %get3A_439] {strides = array<i32>} : memref<128x128xf32, #tpu.memory_space<vmem>>, vector<1x16xf32>,
        %get3A_441 = vector.shape_cast %get3A_440 : vector<1x16xf32> to vector<16xf32>
        %mul3A_442 = arith.mulf %get3A_441, %gather3A_363 : vector<16xf32>
        %swap3A_443 = arith.index_cast %add3A_367 : i32 to index
        %swap3A_444 = arith.constant 112 : index
        %swap3A_445 = tpu.vector_load %arg10[%swap3A_443, %swap3A_444] {strides = array<i32>} : memref<128x128xf32, #tpu.memory_space<vmem>>, vector<1x16xf32>,
        %swap3A_446 = vector.shape_cast %swap3A_445 : vector<1x16xf32> to vector<16xf32>
        %swap3A_447 = vector.shape_cast %mul3A_442 : vector<16xf32> to vector<1x16xf32>
        tpu.vector_store %arg10[%swap3A_443, %swap3A_444], %swap3A_447 {strides = array<i32>} : memref<128x128xf32, #tpu.memory_space<vmem>>, vector<1x16xf32>,
        %broadcast_in_dim3A_448 = arith.constant 4 : i32
        %broadcast_in_dim3A_449 = vector.broadcast %broadcast_in_dim3A_448 : i32 to vector<16xi32>
        %lt3A_450 = arith.constant 0 : i32
        %lt3A_451 = vector.broadcast %lt3A_450 : i32 to vector<16xi32>
        %lt3A_452 = arith.cmpi slt, %broadcast_in_dim3A_449, %lt3A_451 : vector<16xi32>
        %add3A_453 = arith.constant 16 : i32
        %add3A_454 = vector.broadcast %add3A_453 : i32 to vector<16xi32>
        %add3A_455 = arith.addi %broadcast_in_dim3A_449, %add3A_454 : vector<16xi32>
        %select_n3A_456 = arith.select %lt3A_452, %add3A_455, %broadcast_in_dim3A_449 : vector<16xi1>, vector<16xi32>
        %broadcast_in_dim3A_457 = vector.shape_cast %select_n3A_456 : vector<16xi32> to vector<16x1xi32>
        %gather3A_458 = vector.shape_cast %broadcast_in_dim3A_457 : vector<16x1xi32> to vector<16xi32>
        %gather3A_459 = tpu.dynamic_gather %get3A_67[%gather3A_458] in [0] : vector<16xf32>, vector<16xi32> -> vector<16xf32>
        %mul3A_460 = arith.constant 16 : i32
        %mul3A_461 = arith.muli %scan3A_63, %mul3A_460 : i32
        %add3A_462 = arith.constant 4 : i32
        %add3A_463 = arith.addi %mul3A_461, %add3A_462 : i32
        %get3A_464 = arith.index_cast %add3A_463 : i32 to index
        %get3A_465 = arith.constant 0 : index
        %get3A_466 = tpu.vector_load %arg10[%get3A_464, %get3A_465] {strides = array<i32>} : memref<128x128xf32, #tpu.memory_space<vmem>>, vector<1x16xf32>,
        %get3A_467 = vector.shape_cast %get3A_466 : vector<1x16xf32> to vector<16xf32>
        %mul3A_468 = arith.mulf %get3A_467, %gather3A_459 : vector<16xf32>
        %swap3A_469 = arith.index_cast %add3A_463 : i32 to index
        %swap3A_470 = arith.constant 0 : index
        %swap3A_471 = tpu.vector_load %arg10[%swap3A_469, %swap3A_470] {strides = array<i32>} : memref<128x128xf32, #tpu.memory_space<vmem>>, vector<1x16xf32>,
        %swap3A_472 = vector.shape_cast %swap3A_471 : vector<1x16xf32> to vector<16xf32>
        %swap3A_473 = vector.shape_cast %mul3A_468 : vector<16xf32> to vector<1x16xf32>
        tpu.vector_store %arg10[%swap3A_469, %swap3A_470], %swap3A_473 {strides = array<i32>} : memref<128x128xf32, #tpu.memory_space<vmem>>, vector<1x16xf32>,
        %get3A_474 = arith.index_cast %add3A_463 : i32 to index
        %get3A_475 = arith.constant 16 : index
        %get3A_476 = tpu.vector_load %arg10[%get3A_474, %get3A_475] {strides = array<i32>} : memref<128x128xf32, #tpu.memory_space<vmem>>, vector<1x16xf32>,
        %get3A_477 = vector.shape_cast %get3A_476 : vector<1x16xf32> to vector<16xf32>
        %mul3A_478 = arith.mulf %get3A_477, %gather3A_459 : vector<16xf32>
        %swap3A_479 = arith.index_cast %add3A_463 : i32 to index
        %swap3A_480 = arith.constant 16 : index
        %swap3A_481 = tpu.vector_load %arg10[%swap3A_479, %swap3A_480] {strides = array<i32>} : memref<128x128xf32, #tpu.memory_space<vmem>>, vector<1x16xf32>,
        %swap3A_482 = vector.shape_cast %swap3A_481 : vector<1x16xf32> to vector<16xf32>
        %swap3A_483 = vector.shape_cast %mul3A_478 : vector<16xf32> to vector<1x16xf32>
        tpu.vector_store %arg10[%swap3A_479, %swap3A_480], %swap3A_483 {strides = array<i32>} : memref<128x128xf32, #tpu.memory_space<vmem>>, vector<1x16xf32>,
        %get3A_484 = arith.index_cast %add3A_463 : i32 to index
        %get3A_485 = arith.constant 32 : index
        %get3A_486 = tpu.vector_load %arg10[%get3A_484, %get3A_485] {strides = array<i32>} : memref<128x128xf32, #tpu.memory_space<vmem>>, vector<1x16xf32>,
        %get3A_487 = vector.shape_cast %get3A_486 : vector<1x16xf32> to vector<16xf32>
        %mul3A_488 = arith.mulf %get3A_487, %gather3A_459 : vector<16xf32>
        %swap3A_489 = arith.index_cast %add3A_463 : i32 to index
        %swap3A_490 = arith.constant 32 : index
        %swap3A_491 = tpu.vector_load %arg10[%swap3A_489, %swap3A_490] {strides = array<i32>} : memref<128x128xf32, #tpu.memory_space<vmem>>, vector<1x16xf32>,
        %swap3A_492 = vector.shape_cast %swap3A_491 : vector<1x16xf32> to vector<16xf32>
        %swap3A_493 = vector.shape_cast %mul3A_488 : vector<16xf32> to vector<1x16xf32>
        tpu.vector_store %arg10[%swap3A_489, %swap3A_490], %swap3A_493 {strides = array<i32>} : memref<128x128xf32, #tpu.memory_space<vmem>>, vector<1x16xf32>,
        %get3A_494 = arith.index_cast %add3A_463 : i32 to index
        %get3A_495 = arith.constant 48 : index
        %get3A_496 = tpu.vector_load %arg10[%get3A_494, %get3A_495] {strides = array<i32>} : memref<128x128xf32, #tpu.memory_space<vmem>>, vector<1x16xf32>,
        %get3A_497 = vector.shape_cast %get3A_496 : vector<1x16xf32> to vector<16xf32>
        %mul3A_498 = arith.mulf %get3A_497, %gather3A_459 : vector<16xf32>
        %swap3A_499 = arith.index_cast %add3A_463 : i32 to index
        %swap3A_500 = arith.constant 48 : index
        %swap3A_501 = tpu.vector_load %arg10[%swap3A_499, %swap3A_500] {strides = array<i32>} : memref<128x128xf32, #tpu.memory_space<vmem>>, vector<1x16xf32>,
        %swap3A_502 = vector.shape_cast %swap3A_501 : vector<1x16xf32> to vector<16xf32>
        %swap3A_503 = vector.shape_cast %mul3A_498 : vector<16xf32> to vector<1x16xf32>
        tpu.vector_store %arg10[%swap3A_499, %swap3A_500], %swap3A_503 {strides = array<i32>} : memref<128x128xf32, #tpu.memory_space<vmem>>, vector<1x16xf32>,
        %get3A_504 = arith.index_cast %add3A_463 : i32 to index
        %get3A_505 = arith.constant 64 : index
        %get3A_506 = tpu.vector_load %arg10[%get3A_504, %get3A_505] {strides = array<i32>} : memref<128x128xf32, #tpu.memory_space<vmem>>, vector<1x16xf32>,
        %get3A_507 = vector.shape_cast %get3A_506 : vector<1x16xf32> to vector<16xf32>
        %mul3A_508 = arith.mulf %get3A_507, %gather3A_459 : vector<16xf32>
        %swap3A_509 = arith.index_cast %add3A_463 : i32 to index
        %swap3A_510 = arith.constant 64 : index
        %swap3A_511 = tpu.vector_load %arg10[%swap3A_509, %swap3A_510] {strides = array<i32>} : memref<128x128xf32, #tpu.memory_space<vmem>>, vector<1x16xf32>,
        %swap3A_512 = vector.shape_cast %swap3A_511 : vector<1x16xf32> to vector<16xf32>
        %swap3A_513 = vector.shape_cast %mul3A_508 : vector<16xf32> to vector<1x16xf32>
        tpu.vector_store %arg10[%swap3A_509, %swap3A_510], %swap3A_513 {strides = array<i32>} : memref<128x128xf32, #tpu.memory_space<vmem>>, vector<1x16xf32>,
        %get3A_514 = arith.index_cast %add3A_463 : i32 to index
        %get3A_515 = arith.constant 80 : index
        %get3A_516 = tpu.vector_load %arg10[%get3A_514, %get3A_515] {strides = array<i32>} : memref<128x128xf32, #tpu.memory_space<vmem>>, vector<1x16xf32>,
        %get3A_517 = vector.shape_cast %get3A_516 : vector<1x16xf32> to vector<16xf32>
        %mul3A_518 = arith.mulf %get3A_517, %gather3A_459 : vector<16xf32>
        %swap3A_519 = arith.index_cast %add3A_463 : i32 to index
        %swap3A_520 = arith.constant 80 : index
        %swap3A_521 = tpu.vector_load %arg10[%swap3A_519, %swap3A_520] {strides = array<i32>} : memref<128x128xf32, #tpu.memory_space<vmem>>, vector<1x16xf32>,
        %swap3A_522 = vector.shape_cast %swap3A_521 : vector<1x16xf32> to vector<16xf32>
        %swap3A_523 = vector.shape_cast %mul3A_518 : vector<16xf32> to vector<1x16xf32>
        tpu.vector_store %arg10[%swap3A_519, %swap3A_520], %swap3A_523 {strides = array<i32>} : memref<128x128xf32, #tpu.memory_space<vmem>>, vector<1x16xf32>,
        %get3A_524 = arith.index_cast %add3A_463 : i32 to index
        %get3A_525 = arith.constant 96 : index
        %get3A_526 = tpu.vector_load %arg10[%get3A_524, %get3A_525] {strides = array<i32>} : memref<128x128xf32, #tpu.memory_space<vmem>>, vector<1x16xf32>,
        %get3A_527 = vector.shape_cast %get3A_526 : vector<1x16xf32> to vector<16xf32>
        %mul3A_528 = arith.mulf %get3A_527, %gather3A_459 : vector<16xf32>
        %swap3A_529 = arith.index_cast %add3A_463 : i32 to index
        %swap3A_530 = arith.constant 96 : index
        %swap3A_531 = tpu.vector_load %arg10[%swap3A_529, %swap3A_530] {strides = array<i32>} : memref<128x128xf32, #tpu.memory_space<vmem>>, vector<1x16xf32>,
        %swap3A_532 = vector.shape_cast %swap3A_531 : vector<1x16xf32> to vector<16xf32>
        %swap3A_533 = vector.shape_cast %mul3A_528 : vector<16xf32> to vector<1x16xf32>
        tpu.vector_store %arg10[%swap3A_529, %swap3A_530], %swap3A_533 {strides = array<i32>} : memref<128x128xf32, #tpu.memory_space<vmem>>, vector<1x16xf32>,
        %get3A_534 = arith.index_cast %add3A_463 : i32 to index
        %get3A_535 = arith.constant 112 : index
        %get3A_536 = tpu.vector_load %arg10[%get3A_534, %get3A_535] {strides = array<i32>} : memref<128x128xf32, #tpu.memory_space<vmem>>, vector<1x16xf32>,
        %get3A_537 = vector.shape_cast %get3A_536 : vector<1x16xf32> to vector<16xf32>
        %mul3A_538 = arith.mulf %get3A_537, %gather3A_459 : vector<16xf32>
        %swap3A_539 = arith.index_cast %add3A_463 : i32 to index
        %swap3A_540 = arith.constant 112 : index
        %swap3A_541 = tpu.vector_load %arg10[%swap3A_539, %swap3A_540] {strides = array<i32>} : memref<128x128xf32, #tpu.memory_space<vmem>>, vector<1x16xf32>,
        %swap3A_542 = vector.shape_cast %swap3A_541 : vector<1x16xf32> to vector<16xf32>
        %swap3A_543 = vector.shape_cast %mul3A_538 : vector<16xf32> to vector<1x16xf32>
        tpu.vector_store %arg10[%swap3A_539, %swap3A_540], %swap3A_543 {strides = array<i32>} : memref<128x128xf32, #tpu.memory_space<vmem>>, vector<1x16xf32>,
        %broadcast_in_dim3A_544 = arith.constant 5 : i32
        %broadcast_in_dim3A_545 = vector.broadcast %broadcast_in_dim3A_544 : i32 to vector<16xi32>
        %lt3A_546 = arith.constant 0 : i32
        %lt3A_547 = vector.broadcast %lt3A_546 : i32 to vector<16xi32>
        %lt3A_548 = arith.cmpi slt, %broadcast_in_dim3A_545, %lt3A_547 : vector<16xi32>
        %add3A_549 = arith.constant 16 : i32
        %add3A_550 = vector.broadcast %add3A_549 : i32 to vector<16xi32>
        %add3A_551 = arith.addi %broadcast_in_dim3A_545, %add3A_550 : vector<16xi32>
        %select_n3A_552 = arith.select %lt3A_548, %add3A_551, %broadcast_in_dim3A_545 : vector<16xi1>, vector<16xi32>
        %broadcast_in_dim3A_553 = vector.shape_cast %select_n3A_552 : vector<16xi32> to vector<16x1xi32>
        %gather3A_554 = vector.shape_cast %broadcast_in_dim3A_553 : vector<16x1xi32> to vector<16xi32>
        %gather3A_555 = tpu.dynamic_gather %get3A_67[%gather3A_554] in [0] : vector<16xf32>, vector<16xi32> -> vector<16xf32>
        %mul3A_556 = arith.constant 16 : i32
        %mul3A_557 = arith.muli %scan3A_63, %mul3A_556 : i32
        %add3A_558 = arith.constant 5 : i32
        %add3A_559 = arith.addi %mul3A_557, %add3A_558 : i32
        %get3A_560 = arith.index_cast %add3A_559 : i32 to index
        %get3A_561 = arith.constant 0 : index
        %get3A_562 = tpu.vector_load %arg10[%get3A_560, %get3A_561] {strides = array<i32>} : memref<128x128xf32, #tpu.memory_space<vmem>>, vector<1x16xf32>,
        %get3A_563 = vector.shape_cast %get3A_562 : vector<1x16xf32> to vector<16xf32>
        %mul3A_564 = arith.mulf %get3A_563, %gather3A_555 : vector<16xf32>
        %swap3A_565 = arith.index_cast %add3A_559 : i32 to index
        %swap3A_566 = arith.constant 0 : index
        %swap3A_567 = tpu.vector_load %arg10[%swap3A_565, %swap3A_566] {strides = array<i32>} : memref<128x128xf32, #tpu.memory_space<vmem>>, vector<1x16xf32>,
        %swap3A_568 = vector.shape_cast %swap3A_567 : vector<1x16xf32> to vector<16xf32>
        %swap3A_569 = vector.shape_cast %mul3A_564 : vector<16xf32> to vector<1x16xf32>
        tpu.vector_store %arg10[%swap3A_565, %swap3A_566], %swap3A_569 {strides = array<i32>} : memref<128x128xf32, #tpu.memory_space<vmem>>, vector<1x16xf32>,
        %get3A_570 = arith.index_cast %add3A_559 : i32 to index
        %get3A_571 = arith.constant 16 : index
        %get3A_572 = tpu.vector_load %arg10[%get3A_570, %get3A_571] {strides = array<i32>} : memref<128x128xf32, #tpu.memory_space<vmem>>, vector<1x16xf32>,
        %get3A_573 = vector.shape_cast %get3A_572 : vector<1x16xf32> to vector<16xf32>
        %mul3A_574 = arith.mulf %get3A_573, %gather3A_555 : vector<16xf32>
        %swap3A_575 = arith.index_cast %add3A_559 : i32 to index
        %swap3A_576 = arith.constant 16 : index
        %swap3A_577 = tpu.vector_load %arg10[%swap3A_575, %swap3A_576] {strides = array<i32>} : memref<128x128xf32, #tpu.memory_space<vmem>>, vector<1x16xf32>,
        %swap3A_578 = vector.shape_cast %swap3A_577 : vector<1x16xf32> to vector<16xf32>
        %swap3A_579 = vector.shape_cast %mul3A_574 : vector<16xf32> to vector<1x16xf32>
        tpu.vector_store %arg10[%swap3A_575, %swap3A_576], %swap3A_579 {strides = array<i32>} : memref<128x128xf32, #tpu.memory_space<vmem>>, vector<1x16xf32>,
        %get3A_580 = arith.index_cast %add3A_559 : i32 to index
        %get3A_581 = arith.constant 32 : index
        %get3A_582 = tpu.vector_load %arg10[%get3A_580, %get3A_581] {strides = array<i32>} : memref<128x128xf32, #tpu.memory_space<vmem>>, vector<1x16xf32>,
        %get3A_583 = vector.shape_cast %get3A_582 : vector<1x16xf32> to vector<16xf32>
        %mul3A_584 = arith.mulf %get3A_583, %gather3A_555 : vector<16xf32>
        %swap3A_585 = arith.index_cast %add3A_559 : i32 to index
        %swap3A_586 = arith.constant 32 : index
        %swap3A_587 = tpu.vector_load %arg10[%swap3A_585, %swap3A_586] {strides = array<i32>} : memref<128x128xf32, #tpu.memory_space<vmem>>, vector<1x16xf32>,
        %swap3A_588 = vector.shape_cast %swap3A_587 : vector<1x16xf32> to vector<16xf32>
        %swap3A_589 = vector.shape_cast %mul3A_584 : vector<16xf32> to vector<1x16xf32>
        tpu.vector_store %arg10[%swap3A_585, %swap3A_586], %swap3A_589 {strides = array<i32>} : memref<128x128xf32, #tpu.memory_space<vmem>>, vector<1x16xf32>,
        %get3A_590 = arith.index_cast %add3A_559 : i32 to index
        %get3A_591 = arith.constant 48 : index
        %get3A_592 = tpu.vector_load %arg10[%get3A_590, %get3A_591] {strides = array<i32>} : memref<128x128xf32, #tpu.memory_space<vmem>>, vector<1x16xf32>,
        %get3A_593 = vector.shape_cast %get3A_592 : vector<1x16xf32> to vector<16xf32>
        %mul3A_594 = arith.mulf %get3A_593, %gather3A_555 : vector<16xf32>
        %swap3A_595 = arith.index_cast %add3A_559 : i32 to index
        %swap3A_596 = arith.constant 48 : index
        %swap3A_597 = tpu.vector_load %arg10[%swap3A_595, %swap3A_596] {strides = array<i32>} : memref<128x128xf32, #tpu.memory_space<vmem>>, vector<1x16xf32>,
        %swap3A_598 = vector.shape_cast %swap3A_597 : vector<1x16xf32> to vector<16xf32>
        %swap3A_599 = vector.shape_cast %mul3A_594 : vector<16xf32> to vector<1x16xf32>
        tpu.vector_store %arg10[%swap3A_595, %swap3A_596], %swap3A_599 {strides = array<i32>} : memref<128x128xf32, #tpu.memory_space<vmem>>, vector<1x16xf32>,
        %get3A_600 = arith.index_cast %add3A_559 : i32 to index
        %get3A_601 = arith.constant 64 : index
        %get3A_602 = tpu.vector_load %arg10[%get3A_600, %get3A_601] {strides = array<i32>} : memref<128x128xf32, #tpu.memory_space<vmem>>, vector<1x16xf32>,
        %get3A_603 = vector.shape_cast %get3A_602 : vector<1x16xf32> to vector<16xf32>
        %mul3A_604 = arith.mulf %get3A_603, %gather3A_555 : vector<16xf32>
        %swap3A_605 = arith.index_cast %add3A_559 : i32 to index
        %swap3A_606 = arith.constant 64 : index
        %swap3A_607 = tpu.vector_load %arg10[%swap3A_605, %swap3A_606] {strides = array<i32>} : memref<128x128xf32, #tpu.memory_space<vmem>>, vector<1x16xf32>,
        %swap3A_608 = vector.shape_cast %swap3A_607 : vector<1x16xf32> to vector<16xf32>
        %swap3A_609 = vector.shape_cast %mul3A_604 : vector<16xf32> to vector<1x16xf32>
        tpu.vector_store %arg10[%swap3A_605, %swap3A_606], %swap3A_609 {strides = array<i32>} : memref<128x128xf32, #tpu.memory_space<vmem>>, vector<1x16xf32>,
        %get3A_610 = arith.index_cast %add3A_559 : i32 to index
        %get3A_611 = arith.constant 80 : index
        %get3A_612 = tpu.vector_load %arg10[%get3A_610, %get3A_611] {strides = array<i32>} : memref<128x128xf32, #tpu.memory_space<vmem>>, vector<1x16xf32>,
        %get3A_613 = vector.shape_cast %get3A_612 : vector<1x16xf32> to vector<16xf32>
        %mul3A_614 = arith.mulf %get3A_613, %gather3A_555 : vector<16xf32>
        %swap3A_615 = arith.index_cast %add3A_559 : i32 to index
        %swap3A_616 = arith.constant 80 : index
        %swap3A_617 = tpu.vector_load %arg10[%swap3A_615, %swap3A_616] {strides = array<i32>} : memref<128x128xf32, #tpu.memory_space<vmem>>, vector<1x16xf32>,
        %swap3A_618 = vector.shape_cast %swap3A_617 : vector<1x16xf32> to vector<16xf32>
        %swap3A_619 = vector.shape_cast %mul3A_614 : vector<16xf32> to vector<1x16xf32>
        tpu.vector_store %arg10[%swap3A_615, %swap3A_616], %swap3A_619 {strides = array<i32>} : memref<128x128xf32, #tpu.memory_space<vmem>>, vector<1x16xf32>,
        %get3A_620 = arith.index_cast %add3A_559 : i32 to index
        %get3A_621 = arith.constant 96 : index
        %get3A_622 = tpu.vector_load %arg10[%get3A_620, %get3A_621] {strides = array<i32>} : memref<128x128xf32, #tpu.memory_space<vmem>>, vector<1x16xf32>,
        %get3A_623 = vector.shape_cast %get3A_622 : vector<1x16xf32> to vector<16xf32>
        %mul3A_624 = arith.mulf %get3A_623, %gather3A_555 : vector<16xf32>
        %swap3A_625 = arith.index_cast %add3A_559 : i32 to index
        %swap3A_626 = arith.constant 96 : index
        %swap3A_627 = tpu.vector_load %arg10[%swap3A_625, %swap3A_626] {strides = array<i32>} : memref<128x128xf32, #tpu.memory_space<vmem>>, vector<1x16xf32>,
        %swap3A_628 = vector.shape_cast %swap3A_627 : vector<1x16xf32> to vector<16xf32>
        %swap3A_629 = vector.shape_cast %mul3A_624 : vector<16xf32> to vector<1x16xf32>
        tpu.vector_store %arg10[%swap3A_625, %swap3A_626], %swap3A_629 {strides = array<i32>} : memref<128x128xf32, #tpu.memory_space<vmem>>, vector<1x16xf32>,
        %get3A_630 = arith.index_cast %add3A_559 : i32 to index
        %get3A_631 = arith.constant 112 : index
        %get3A_632 = tpu.vector_load %arg10[%get3A_630, %get3A_631] {strides = array<i32>} : memref<128x128xf32, #tpu.memory_space<vmem>>, vector<1x16xf32>,
        %get3A_633 = vector.shape_cast %get3A_632 : vector<1x16xf32> to vector<16xf32>
        %mul3A_634 = arith.mulf %get3A_633, %gather3A_555 : vector<16xf32>
        %swap3A_635 = arith.index_cast %add3A_559 : i32 to index
        %swap3A_636 = arith.constant 112 : index
        %swap3A_637 = tpu.vector_load %arg10[%swap3A_635, %swap3A_636] {strides = array<i32>} : memref<128x128xf32, #tpu.memory_space<vmem>>, vector<1x16xf32>,
        %swap3A_638 = vector.shape_cast %swap3A_637 : vector<1x16xf32> to vector<16xf32>
        %swap3A_639 = vector.shape_cast %mul3A_634 : vector<16xf32> to vector<1x16xf32>
        tpu.vector_store %arg10[%swap3A_635, %swap3A_636], %swap3A_639 {strides = array<i32>} : memref<128x128xf32, #tpu.memory_space<vmem>>, vector<1x16xf32>,
        %broadcast_in_dim3A_640 = arith.constant 6 : i32
        %broadcast_in_dim3A_641 = vector.broadcast %broadcast_in_dim3A_640 : i32 to vector<16xi32>
        %lt3A_642 = arith.constant 0 : i32
        %lt3A_643 = vector.broadcast %lt3A_642 : i32 to vector<16xi32>
        %lt3A_644 = arith.cmpi slt, %broadcast_in_dim3A_641, %lt3A_643 : vector<16xi32>
        %add3A_645 = arith.constant 16 : i32
        %add3A_646 = vector.broadcast %add3A_645 : i32 to vector<16xi32>
        %add3A_647 = arith.addi %broadcast_in_dim3A_641, %add3A_646 : vector<16xi32>
        %select_n3A_648 = arith.select %lt3A_644, %add3A_647, %broadcast_in_dim3A_641 : vector<16xi1>, vector<16xi32>
        %broadcast_in_dim3A_649 = vector.shape_cast %select_n3A_648 : vector<16xi32> to vector<16x1xi32>
        %gather3A_650 = vector.shape_cast %broadcast_in_dim3A_649 : vector<16x1xi32> to vector<16xi32>
        %gather3A_651 = tpu.dynamic_gather %get3A_67[%gather3A_650] in [0] : vector<16xf32>, vector<16xi32> -> vector<16xf32>
        %mul3A_652 = arith.constant 16 : i32
        %mul3A_653 = arith.muli %scan3A_63, %mul3A_652 : i32
        %add3A_654 = arith.constant 6 : i32
        %add3A_655 = arith.addi %mul3A_653, %add3A_654 : i32
        %get3A_656 = arith.index_cast %add3A_655 : i32 to index
        %get3A_657 = arith.constant 0 : index
        %get3A_658 = tpu.vector_load %arg10[%get3A_656, %get3A_657] {strides = array<i32>} : memref<128x128xf32, #tpu.memory_space<vmem>>, vector<1x16xf32>,
        %get3A_659 = vector.shape_cast %get3A_658 : vector<1x16xf32> to vector<16xf32>
        %mul3A_660 = arith.mulf %get3A_659, %gather3A_651 : vector<16xf32>
        %swap3A_661 = arith.index_cast %add3A_655 : i32 to index
        %swap3A_662 = arith.constant 0 : index
        %swap3A_663 = tpu.vector_load %arg10[%swap3A_661, %swap3A_662] {strides = array<i32>} : memref<128x128xf32, #tpu.memory_space<vmem>>, vector<1x16xf32>,
        %swap3A_664 = vector.shape_cast %swap3A_663 : vector<1x16xf32> to vector<16xf32>
        %swap3A_665 = vector.shape_cast %mul3A_660 : vector<16xf32> to vector<1x16xf32>
        tpu.vector_store %arg10[%swap3A_661, %swap3A_662], %swap3A_665 {strides = array<i32>} : memref<128x128xf32, #tpu.memory_space<vmem>>, vector<1x16xf32>,
        %get3A_666 = arith.index_cast %add3A_655 : i32 to index
        %get3A_667 = arith.constant 16 : index
        %get3A_668 = tpu.vector_load %arg10[%get3A_666, %get3A_667] {strides = array<i32>} : memref<128x128xf32, #tpu.memory_space<vmem>>, vector<1x16xf32>,
        %get3A_669 = vector.shape_cast %get3A_668 : vector<1x16xf32> to vector<16xf32>
        %mul3A_670 = arith.mulf %get3A_669, %gather3A_651 : vector<16xf32>
        %swap3A_671 = arith.index_cast %add3A_655 : i32 to index
        %swap3A_672 = arith.constant 16 : index
        %swap3A_673 = tpu.vector_load %arg10[%swap3A_671, %swap3A_672] {strides = array<i32>} : memref<128x128xf32, #tpu.memory_space<vmem>>, vector<1x16xf32>,
        %swap3A_674 = vector.shape_cast %swap3A_673 : vector<1x16xf32> to vector<16xf32>
        %swap3A_675 = vector.shape_cast %mul3A_670 : vector<16xf32> to vector<1x16xf32>
        tpu.vector_store %arg10[%swap3A_671, %swap3A_672], %swap3A_675 {strides = array<i32>} : memref<128x128xf32, #tpu.memory_space<vmem>>, vector<1x16xf32>,
        %get3A_676 = arith.index_cast %add3A_655 : i32 to index
        %get3A_677 = arith.constant 32 : index
        %get3A_678 = tpu.vector_load %arg10[%get3A_676, %get3A_677] {strides = array<i32>} : memref<128x128xf32, #tpu.memory_space<vmem>>, vector<1x16xf32>,
        %get3A_679 = vector.shape_cast %get3A_678 : vector<1x16xf32> to vector<16xf32>
        %mul3A_680 = arith.mulf %get3A_679, %gather3A_651 : vector<16xf32>
        %swap3A_681 = arith.index_cast %add3A_655 : i32 to index
        %swap3A_682 = arith.constant 32 : index
        %swap3A_683 = tpu.vector_load %arg10[%swap3A_681, %swap3A_682] {strides = array<i32>} : memref<128x128xf32, #tpu.memory_space<vmem>>, vector<1x16xf32>,
        %swap3A_684 = vector.shape_cast %swap3A_683 : vector<1x16xf32> to vector<16xf32>
        %swap3A_685 = vector.shape_cast %mul3A_680 : vector<16xf32> to vector<1x16xf32>
        tpu.vector_store %arg10[%swap3A_681, %swap3A_682], %swap3A_685 {strides = array<i32>} : memref<128x128xf32, #tpu.memory_space<vmem>>, vector<1x16xf32>,
        %get3A_686 = arith.index_cast %add3A_655 : i32 to index
        %get3A_687 = arith.constant 48 : index
        %get3A_688 = tpu.vector_load %arg10[%get3A_686, %get3A_687] {strides = array<i32>} : memref<128x128xf32, #tpu.memory_space<vmem>>, vector<1x16xf32>,
        %get3A_689 = vector.shape_cast %get3A_688 : vector<1x16xf32> to vector<16xf32>
        %mul3A_690 = arith.mulf %get3A_689, %gather3A_651 : vector<16xf32>
        %swap3A_691 = arith.index_cast %add3A_655 : i32 to index
        %swap3A_692 = arith.constant 48 : index
        %swap3A_693 = tpu.vector_load %arg10[%swap3A_691, %swap3A_692] {strides = array<i32>} : memref<128x128xf32, #tpu.memory_space<vmem>>, vector<1x16xf32>,
        %swap3A_694 = vector.shape_cast %swap3A_693 : vector<1x16xf32> to vector<16xf32>
        %swap3A_695 = vector.shape_cast %mul3A_690 : vector<16xf32> to vector<1x16xf32>
        tpu.vector_store %arg10[%swap3A_691, %swap3A_692], %swap3A_695 {strides = array<i32>} : memref<128x128xf32, #tpu.memory_space<vmem>>, vector<1x16xf32>,
        %get3A_696 = arith.index_cast %add3A_655 : i32 to index
        %get3A_697 = arith.constant 64 : index
        %get3A_698 = tpu.vector_load %arg10[%get3A_696, %get3A_697] {strides = array<i32>} : memref<128x128xf32, #tpu.memory_space<vmem>>, vector<1x16xf32>,
        %get3A_699 = vector.shape_cast %get3A_698 : vector<1x16xf32> to vector<16xf32>
        %mul3A_700 = arith.mulf %get3A_699, %gather3A_651 : vector<16xf32>
        %swap3A_701 = arith.index_cast %add3A_655 : i32 to index
        %swap3A_702 = arith.constant 64 : index
        %swap3A_703 = tpu.vector_load %arg10[%swap3A_701, %swap3A_702] {strides = array<i32>} : memref<128x128xf32, #tpu.memory_space<vmem>>, vector<1x16xf32>,
        %swap3A_704 = vector.shape_cast %swap3A_703 : vector<1x16xf32> to vector<16xf32>
        %swap3A_705 = vector.shape_cast %mul3A_700 : vector<16xf32> to vector<1x16xf32>
        tpu.vector_store %arg10[%swap3A_701, %swap3A_702], %swap3A_705 {strides = array<i32>} : memref<128x128xf32, #tpu.memory_space<vmem>>, vector<1x16xf32>,
        %get3A_706 = arith.index_cast %add3A_655 : i32 to index
        %get3A_707 = arith.constant 80 : index
        %get3A_708 = tpu.vector_load %arg10[%get3A_706, %get3A_707] {strides = array<i32>} : memref<128x128xf32, #tpu.memory_space<vmem>>, vector<1x16xf32>,
        %get3A_709 = vector.shape_cast %get3A_708 : vector<1x16xf32> to vector<16xf32>
        %mul3A_710 = arith.mulf %get3A_709, %gather3A_651 : vector<16xf32>
        %swap3A_711 = arith.index_cast %add3A_655 : i32 to index
        %swap3A_712 = arith.constant 80 : index
        %swap3A_713 = tpu.vector_load %arg10[%swap3A_711, %swap3A_712] {strides = array<i32>} : memref<128x128xf32, #tpu.memory_space<vmem>>, vector<1x16xf32>,
        %swap3A_714 = vector.shape_cast %swap3A_713 : vector<1x16xf32> to vector<16xf32>
        %swap3A_715 = vector.shape_cast %mul3A_710 : vector<16xf32> to vector<1x16xf32>
        tpu.vector_store %arg10[%swap3A_711, %swap3A_712], %swap3A_715 {strides = array<i32>} : memref<128x128xf32, #tpu.memory_space<vmem>>, vector<1x16xf32>,
        %get3A_716 = arith.index_cast %add3A_655 : i32 to index
        %get3A_717 = arith.constant 96 : index
        %get3A_718 = tpu.vector_load %arg10[%get3A_716, %get3A_717] {strides = array<i32>} : memref<128x128xf32, #tpu.memory_space<vmem>>, vector<1x16xf32>,
        %get3A_719 = vector.shape_cast %get3A_718 : vector<1x16xf32> to vector<16xf32>
        %mul3A_720 = arith.mulf %get3A_719, %gather3A_651 : vector<16xf32>
        %swap3A_721 = arith.index_cast %add3A_655 : i32 to index
        %swap3A_722 = arith.constant 96 : index
        %swap3A_723 = tpu.vector_load %arg10[%swap3A_721, %swap3A_722] {strides = array<i32>} : memref<128x128xf32, #tpu.memory_space<vmem>>, vector<1x16xf32>,
        %swap3A_724 = vector.shape_cast %swap3A_723 : vector<1x16xf32> to vector<16xf32>
        %swap3A_725 = vector.shape_cast %mul3A_720 : vector<16xf32> to vector<1x16xf32>
        tpu.vector_store %arg10[%swap3A_721, %swap3A_722], %swap3A_725 {strides = array<i32>} : memref<128x128xf32, #tpu.memory_space<vmem>>, vector<1x16xf32>,
        %get3A_726 = arith.index_cast %add3A_655 : i32 to index
        %get3A_727 = arith.constant 112 : index
        %get3A_728 = tpu.vector_load %arg10[%get3A_726, %get3A_727] {strides = array<i32>} : memref<128x128xf32, #tpu.memory_space<vmem>>, vector<1x16xf32>,
        %get3A_729 = vector.shape_cast %get3A_728 : vector<1x16xf32> to vector<16xf32>
        %mul3A_730 = arith.mulf %get3A_729, %gather3A_651 : vector<16xf32>
        %swap3A_731 = arith.index_cast %add3A_655 : i32 to index
        %swap3A_732 = arith.constant 112 : index
        %swap3A_733 = tpu.vector_load %arg10[%swap3A_731, %swap3A_732] {strides = array<i32>} : memref<128x128xf32, #tpu.memory_space<vmem>>, vector<1x16xf32>,
        %swap3A_734 = vector.shape_cast %swap3A_733 : vector<1x16xf32> to vector<16xf32>
        %swap3A_735 = vector.shape_cast %mul3A_730 : vector<16xf32> to vector<1x16xf32>
        tpu.vector_store %arg10[%swap3A_731, %swap3A_732], %swap3A_735 {strides = array<i32>} : memref<128x128xf32, #tpu.memory_space<vmem>>, vector<1x16xf32>,
        %broadcast_in_dim3A_736 = arith.constant 7 : i32
        %broadcast_in_dim3A_737 = vector.broadcast %broadcast_in_dim3A_736 : i32 to vector<16xi32>
        %lt3A_738 = arith.constant 0 : i32
        %lt3A_739 = vector.broadcast %lt3A_738 : i32 to vector<16xi32>
        %lt3A_740 = arith.cmpi slt, %broadcast_in_dim3A_737, %lt3A_739 : vector<16xi32>
        %add3A_741 = arith.constant 16 : i32
        %add3A_742 = vector.broadcast %add3A_741 : i32 to vector<16xi32>
        %add3A_743 = arith.addi %broadcast_in_dim3A_737, %add3A_742 : vector<16xi32>
        %select_n3A_744 = arith.select %lt3A_740, %add3A_743, %broadcast_in_dim3A_737 : vector<16xi1>, vector<16xi32>
        %broadcast_in_dim3A_745 = vector.shape_cast %select_n3A_744 : vector<16xi32> to vector<16x1xi32>
        %gather3A_746 = vector.shape_cast %broadcast_in_dim3A_745 : vector<16x1xi32> to vector<16xi32>
        %gather3A_747 = tpu.dynamic_gather %get3A_67[%gather3A_746] in [0] : vector<16xf32>, vector<16xi32> -> vector<16xf32>
        %mul3A_748 = arith.constant 16 : i32
        %mul3A_749 = arith.muli %scan3A_63, %mul3A_748 : i32
        %add3A_750 = arith.constant 7 : i32
        %add3A_751 = arith.addi %mul3A_749, %add3A_750 : i32
        %get3A_752 = arith.index_cast %add3A_751 : i32 to index
        %get3A_753 = arith.constant 0 : index
        %get3A_754 = tpu.vector_load %arg10[%get3A_752, %get3A_753] {strides = array<i32>} : memref<128x128xf32, #tpu.memory_space<vmem>>, vector<1x16xf32>,
        %get3A_755 = vector.shape_cast %get3A_754 : vector<1x16xf32> to vector<16xf32>
        %mul3A_756 = arith.mulf %get3A_755, %gather3A_747 : vector<16xf32>
        %swap3A_757 = arith.index_cast %add3A_751 : i32 to index
        %swap3A_758 = arith.constant 0 : index
        %swap3A_759 = tpu.vector_load %arg10[%swap3A_757, %swap3A_758] {strides = array<i32>} : memref<128x128xf32, #tpu.memory_space<vmem>>, vector<1x16xf32>,
        %swap3A_760 = vector.shape_cast %swap3A_759 : vector<1x16xf32> to vector<16xf32>
        %swap3A_761 = vector.shape_cast %mul3A_756 : vector<16xf32> to vector<1x16xf32>
        tpu.vector_store %arg10[%swap3A_757, %swap3A_758], %swap3A_761 {strides = array<i32>} : memref<128x128xf32, #tpu.memory_space<vmem>>, vector<1x16xf32>,
        %get3A_762 = arith.index_cast %add3A_751 : i32 to index
        %get3A_763 = arith.constant 16 : index
        %get3A_764 = tpu.vector_load %arg10[%get3A_762, %get3A_763] {strides = array<i32>} : memref<128x128xf32, #tpu.memory_space<vmem>>, vector<1x16xf32>,
        %get3A_765 = vector.shape_cast %get3A_764 : vector<1x16xf32> to vector<16xf32>
        %mul3A_766 = arith.mulf %get3A_765, %gather3A_747 : vector<16xf32>
        %swap3A_767 = arith.index_cast %add3A_751 : i32 to index
        %swap3A_768 = arith.constant 16 : index
        %swap3A_769 = tpu.vector_load %arg10[%swap3A_767, %swap3A_768] {strides = array<i32>} : memref<128x128xf32, #tpu.memory_space<vmem>>, vector<1x16xf32>,
        %swap3A_770 = vector.shape_cast %swap3A_769 : vector<1x16xf32> to vector<16xf32>
        %swap3A_771 = vector.shape_cast %mul3A_766 : vector<16xf32> to vector<1x16xf32>
        tpu.vector_store %arg10[%swap3A_767, %swap3A_768], %swap3A_771 {strides = array<i32>} : memref<128x128xf32, #tpu.memory_space<vmem>>, vector<1x16xf32>,
        %get3A_772 = arith.index_cast %add3A_751 : i32 to index
        %get3A_773 = arith.constant 32 : index
        %get3A_774 = tpu.vector_load %arg10[%get3A_772, %get3A_773] {strides = array<i32>} : memref<128x128xf32, #tpu.memory_space<vmem>>, vector<1x16xf32>,
        %get3A_775 = vector.shape_cast %get3A_774 : vector<1x16xf32> to vector<16xf32>
        %mul3A_776 = arith.mulf %get3A_775, %gather3A_747 : vector<16xf32>
        %swap3A_777 = arith.index_cast %add3A_751 : i32 to index
        %swap3A_778 = arith.constant 32 : index
        %swap3A_779 = tpu.vector_load %arg10[%swap3A_777, %swap3A_778] {strides = array<i32>} : memref<128x128xf32, #tpu.memory_space<vmem>>, vector<1x16xf32>,
        %swap3A_780 = vector.shape_cast %swap3A_779 : vector<1x16xf32> to vector<16xf32>
        %swap3A_781 = vector.shape_cast %mul3A_776 : vector<16xf32> to vector<1x16xf32>
        tpu.vector_store %arg10[%swap3A_777, %swap3A_778], %swap3A_781 {strides = array<i32>} : memref<128x128xf32, #tpu.memory_space<vmem>>, vector<1x16xf32>,
        %get3A_782 = arith.index_cast %add3A_751 : i32 to index
        %get3A_783 = arith.constant 48 : index
        %get3A_784 = tpu.vector_load %arg10[%get3A_782, %get3A_783] {strides = array<i32>} : memref<128x128xf32, #tpu.memory_space<vmem>>, vector<1x16xf32>,
        %get3A_785 = vector.shape_cast %get3A_784 : vector<1x16xf32> to vector<16xf32>
        %mul3A_786 = arith.mulf %get3A_785, %gather3A_747 : vector<16xf32>
        %swap3A_787 = arith.index_cast %add3A_751 : i32 to index
        %swap3A_788 = arith.constant 48 : index
        %swap3A_789 = tpu.vector_load %arg10[%swap3A_787, %swap3A_788] {strides = array<i32>} : memref<128x128xf32, #tpu.memory_space<vmem>>, vector<1x16xf32>,
        %swap3A_790 = vector.shape_cast %swap3A_789 : vector<1x16xf32> to vector<16xf32>
        %swap3A_791 = vector.shape_cast %mul3A_786 : vector<16xf32> to vector<1x16xf32>
        tpu.vector_store %arg10[%swap3A_787, %swap3A_788], %swap3A_791 {strides = array<i32>} : memref<128x128xf32, #tpu.memory_space<vmem>>, vector<1x16xf32>,
        %get3A_792 = arith.index_cast %add3A_751 : i32 to index
        %get3A_793 = arith.constant 64 : index
        %get3A_794 = tpu.vector_load %arg10[%get3A_792, %get3A_793] {strides = array<i32>} : memref<128x128xf32, #tpu.memory_space<vmem>>, vector<1x16xf32>,
        %get3A_795 = vector.shape_cast %get3A_794 : vector<1x16xf32> to vector<16xf32>
        %mul3A_796 = arith.mulf %get3A_795, %gather3A_747 : vector<16xf32>
        %swap3A_797 = arith.index_cast %add3A_751 : i32 to index
        %swap3A_798 = arith.constant 64 : index
        %swap3A_799 = tpu.vector_load %arg10[%swap3A_797, %swap3A_798] {strides = array<i32>} : memref<128x128xf32, #tpu.memory_space<vmem>>, vector<1x16xf32>,
        %swap3A_800 = vector.shape_cast %swap3A_799 : vector<1x16xf32> to vector<16xf32>
        %swap3A_801 = vector.shape_cast %mul3A_796 : vector<16xf32> to vector<1x16xf32>
        tpu.vector_store %arg10[%swap3A_797, %swap3A_798], %swap3A_801 {strides = array<i32>} : memref<128x128xf32, #tpu.memory_space<vmem>>, vector<1x16xf32>,
        %get3A_802 = arith.index_cast %add3A_751 : i32 to index
        %get3A_803 = arith.constant 80 : index
        %get3A_804 = tpu.vector_load %arg10[%get3A_802, %get3A_803] {strides = array<i32>} : memref<128x128xf32, #tpu.memory_space<vmem>>, vector<1x16xf32>,
        %get3A_805 = vector.shape_cast %get3A_804 : vector<1x16xf32> to vector<16xf32>
        %mul3A_806 = arith.mulf %get3A_805, %gather3A_747 : vector<16xf32>
        %swap3A_807 = arith.index_cast %add3A_751 : i32 to index
        %swap3A_808 = arith.constant 80 : index
        %swap3A_809 = tpu.vector_load %arg10[%swap3A_807, %swap3A_808] {strides = array<i32>} : memref<128x128xf32, #tpu.memory_space<vmem>>, vector<1x16xf32>,
        %swap3A_810 = vector.shape_cast %swap3A_809 : vector<1x16xf32> to vector<16xf32>
        %swap3A_811 = vector.shape_cast %mul3A_806 : vector<16xf32> to vector<1x16xf32>
        tpu.vector_store %arg10[%swap3A_807, %swap3A_808], %swap3A_811 {strides = array<i32>} : memref<128x128xf32, #tpu.memory_space<vmem>>, vector<1x16xf32>,
        %get3A_812 = arith.index_cast %add3A_751 : i32 to index
        %get3A_813 = arith.constant 96 : index
        %get3A_814 = tpu.vector_load %arg10[%get3A_812, %get3A_813] {strides = array<i32>} : memref<128x128xf32, #tpu.memory_space<vmem>>, vector<1x16xf32>,
        %get3A_815 = vector.shape_cast %get3A_814 : vector<1x16xf32> to vector<16xf32>
        %mul3A_816 = arith.mulf %get3A_815, %gather3A_747 : vector<16xf32>
        %swap3A_817 = arith.index_cast %add3A_751 : i32 to index
        %swap3A_818 = arith.constant 96 : index
        %swap3A_819 = tpu.vector_load %arg10[%swap3A_817, %swap3A_818] {strides = array<i32>} : memref<128x128xf32, #tpu.memory_space<vmem>>, vector<1x16xf32>,
        %swap3A_820 = vector.shape_cast %swap3A_819 : vector<1x16xf32> to vector<16xf32>
        %swap3A_821 = vector.shape_cast %mul3A_816 : vector<16xf32> to vector<1x16xf32>
        tpu.vector_store %arg10[%swap3A_817, %swap3A_818], %swap3A_821 {strides = array<i32>} : memref<128x128xf32, #tpu.memory_space<vmem>>, vector<1x16xf32>,
        %get3A_822 = arith.index_cast %add3A_751 : i32 to index
        %get3A_823 = arith.constant 112 : index
        %get3A_824 = tpu.vector_load %arg10[%get3A_822, %get3A_823] {strides = array<i32>} : memref<128x128xf32, #tpu.memory_space<vmem>>, vector<1x16xf32>,
        %get3A_825 = vector.shape_cast %get3A_824 : vector<1x16xf32> to vector<16xf32>
        %mul3A_826 = arith.mulf %get3A_825, %gather3A_747 : vector<16xf32>
        %swap3A_827 = arith.index_cast %add3A_751 : i32 to index
        %swap3A_828 = arith.constant 112 : index
        %swap3A_829 = tpu.vector_load %arg10[%swap3A_827, %swap3A_828] {strides = array<i32>} : memref<128x128xf32, #tpu.memory_space<vmem>>, vector<1x16xf32>,
        %swap3A_830 = vector.shape_cast %swap3A_829 : vector<1x16xf32> to vector<16xf32>
        %swap3A_831 = vector.shape_cast %mul3A_826 : vector<16xf32> to vector<1x16xf32>
        tpu.vector_store %arg10[%swap3A_827, %swap3A_828], %swap3A_831 {strides = array<i32>} : memref<128x128xf32, #tpu.memory_space<vmem>>, vector<1x16xf32>,
        %broadcast_in_dim3A_832 = arith.constant 8 : i32
        %broadcast_in_dim3A_833 = vector.broadcast %broadcast_in_dim3A_832 : i32 to vector<16xi32>
        %lt3A_834 = arith.constant 0 : i32
        %lt3A_835 = vector.broadcast %lt3A_834 : i32 to vector<16xi32>
        %lt3A_836 = arith.cmpi slt, %broadcast_in_dim3A_833, %lt3A_835 : vector<16xi32>
        %add3A_837 = arith.constant 16 : i32
        %add3A_838 = vector.broadcast %add3A_837 : i32 to vector<16xi32>
        %add3A_839 = arith.addi %broadcast_in_dim3A_833, %add3A_838 : vector<16xi32>
        %select_n3A_840 = arith.select %lt3A_836, %add3A_839, %broadcast_in_dim3A_833 : vector<16xi1>, vector<16xi32>
        %broadcast_in_dim3A_841 = vector.shape_cast %select_n3A_840 : vector<16xi32> to vector<16x1xi32>
        %gather3A_842 = vector.shape_cast %broadcast_in_dim3A_841 : vector<16x1xi32> to vector<16xi32>
        %gather3A_843 = tpu.dynamic_gather %get3A_67[%gather3A_842] in [0] : vector<16xf32>, vector<16xi32> -> vector<16xf32>
        %mul3A_844 = arith.constant 16 : i32
        %mul3A_845 = arith.muli %scan3A_63, %mul3A_844 : i32
        %add3A_846 = arith.constant 8 : i32
        %add3A_847 = arith.addi %mul3A_845, %add3A_846 : i32
        %get3A_848 = arith.index_cast %add3A_847 : i32 to index
        %get3A_849 = arith.constant 0 : index
        %get3A_850 = tpu.vector_load %arg10[%get3A_848, %get3A_849] {strides = array<i32>} : memref<128x128xf32, #tpu.memory_space<vmem>>, vector<1x16xf32>,
        %get3A_851 = vector.shape_cast %get3A_850 : vector<1x16xf32> to vector<16xf32>
        %mul3A_852 = arith.mulf %get3A_851, %gather3A_843 : vector<16xf32>
        %swap3A_853 = arith.index_cast %add3A_847 : i32 to index
        %swap3A_854 = arith.constant 0 : index
        %swap3A_855 = tpu.vector_load %arg10[%swap3A_853, %swap3A_854] {strides = array<i32>} : memref<128x128xf32, #tpu.memory_space<vmem>>, vector<1x16xf32>,
        %swap3A_856 = vector.shape_cast %swap3A_855 : vector<1x16xf32> to vector<16xf32>
        %swap3A_857 = vector.shape_cast %mul3A_852 : vector<16xf32> to vector<1x16xf32>
        tpu.vector_store %arg10[%swap3A_853, %swap3A_854], %swap3A_857 {strides = array<i32>} : memref<128x128xf32, #tpu.memory_space<vmem>>, vector<1x16xf32>,
        %get3A_858 = arith.index_cast %add3A_847 : i32 to index
        %get3A_859 = arith.constant 16 : index
        %get3A_860 = tpu.vector_load %arg10[%get3A_858, %get3A_859] {strides = array<i32>} : memref<128x128xf32, #tpu.memory_space<vmem>>, vector<1x16xf32>,
        %get3A_861 = vector.shape_cast %get3A_860 : vector<1x16xf32> to vector<16xf32>
        %mul3A_862 = arith.mulf %get3A_861, %gather3A_843 : vector<16xf32>
        %swap3A_863 = arith.index_cast %add3A_847 : i32 to index
        %swap3A_864 = arith.constant 16 : index
        %swap3A_865 = tpu.vector_load %arg10[%swap3A_863, %swap3A_864] {strides = array<i32>} : memref<128x128xf32, #tpu.memory_space<vmem>>, vector<1x16xf32>,
        %swap3A_866 = vector.shape_cast %swap3A_865 : vector<1x16xf32> to vector<16xf32>
        %swap3A_867 = vector.shape_cast %mul3A_862 : vector<16xf32> to vector<1x16xf32>
        tpu.vector_store %arg10[%swap3A_863, %swap3A_864], %swap3A_867 {strides = array<i32>} : memref<128x128xf32, #tpu.memory_space<vmem>>, vector<1x16xf32>,
        %get3A_868 = arith.index_cast %add3A_847 : i32 to index
        %get3A_869 = arith.constant 32 : index
        %get3A_870 = tpu.vector_load %arg10[%get3A_868, %get3A_869] {strides = array<i32>} : memref<128x128xf32, #tpu.memory_space<vmem>>, vector<1x16xf32>,
        %get3A_871 = vector.shape_cast %get3A_870 : vector<1x16xf32> to vector<16xf32>
        %mul3A_872 = arith.mulf %get3A_871, %gather3A_843 : vector<16xf32>
        %swap3A_873 = arith.index_cast %add3A_847 : i32 to index
        %swap3A_874 = arith.constant 32 : index
        %swap3A_875 = tpu.vector_load %arg10[%swap3A_873, %swap3A_874] {strides = array<i32>} : memref<128x128xf32, #tpu.memory_space<vmem>>, vector<1x16xf32>,
        %swap3A_876 = vector.shape_cast %swap3A_875 : vector<1x16xf32> to vector<16xf32>
        %swap3A_877 = vector.shape_cast %mul3A_872 : vector<16xf32> to vector<1x16xf32>
        tpu.vector_store %arg10[%swap3A_873, %swap3A_874], %swap3A_877 {strides = array<i32>} : memref<128x128xf32, #tpu.memory_space<vmem>>, vector<1x16xf32>,
        %get3A_878 = arith.index_cast %add3A_847 : i32 to index
        %get3A_879 = arith.constant 48 : index
        %get3A_880 = tpu.vector_load %arg10[%get3A_878, %get3A_879] {strides = array<i32>} : memref<128x128xf32, #tpu.memory_space<vmem>>, vector<1x16xf32>,
        %get3A_881 = vector.shape_cast %get3A_880 : vector<1x16xf32> to vector<16xf32>
        %mul3A_882 = arith.mulf %get3A_881, %gather3A_843 : vector<16xf32>
        %swap3A_883 = arith.index_cast %add3A_847 : i32 to index
        %swap3A_884 = arith.constant 48 : index
        %swap3A_885 = tpu.vector_load %arg10[%swap3A_883, %swap3A_884] {strides = array<i32>} : memref<128x128xf32, #tpu.memory_space<vmem>>, vector<1x16xf32>,
        %swap3A_886 = vector.shape_cast %swap3A_885 : vector<1x16xf32> to vector<16xf32>
        %swap3A_887 = vector.shape_cast %mul3A_882 : vector<16xf32> to vector<1x16xf32>
        tpu.vector_store %arg10[%swap3A_883, %swap3A_884], %swap3A_887 {strides = array<i32>} : memref<128x128xf32, #tpu.memory_space<vmem>>, vector<1x16xf32>,
        %get3A_888 = arith.index_cast %add3A_847 : i32 to index
        %get3A_889 = arith.constant 64 : index
        %get3A_890 = tpu.vector_load %arg10[%get3A_888, %get3A_889] {strides = array<i32>} : memref<128x128xf32, #tpu.memory_space<vmem>>, vector<1x16xf32>,
        %get3A_891 = vector.shape_cast %get3A_890 : vector<1x16xf32> to vector<16xf32>
        %mul3A_892 = arith.mulf %get3A_891, %gather3A_843 : vector<16xf32>
        %swap3A_893 = arith.index_cast %add3A_847 : i32 to index
        %swap3A_894 = arith.constant 64 : index
        %swap3A_895 = tpu.vector_load %arg10[%swap3A_893, %swap3A_894] {strides = array<i32>} : memref<128x128xf32, #tpu.memory_space<vmem>>, vector<1x16xf32>,
        %swap3A_896 = vector.shape_cast %swap3A_895 : vector<1x16xf32> to vector<16xf32>
        %swap3A_897 = vector.shape_cast %mul3A_892 : vector<16xf32> to vector<1x16xf32>
        tpu.vector_store %arg10[%swap3A_893, %swap3A_894], %swap3A_897 {strides = array<i32>} : memref<128x128xf32, #tpu.memory_space<vmem>>, vector<1x16xf32>,
        %get3A_898 = arith.index_cast %add3A_847 : i32 to index
        %get3A_899 = arith.constant 80 : index
        %get3A_900 = tpu.vector_load %arg10[%get3A_898, %get3A_899] {strides = array<i32>} : memref<128x128xf32, #tpu.memory_space<vmem>>, vector<1x16xf32>,
        %get3A_901 = vector.shape_cast %get3A_900 : vector<1x16xf32> to vector<16xf32>
        %mul3A_902 = arith.mulf %get3A_901, %gather3A_843 : vector<16xf32>
        %swap3A_903 = arith.index_cast %add3A_847 : i32 to index
        %swap3A_904 = arith.constant 80 : index
        %swap3A_905 = tpu.vector_load %arg10[%swap3A_903, %swap3A_904] {strides = array<i32>} : memref<128x128xf32, #tpu.memory_space<vmem>>, vector<1x16xf32>,
        %swap3A_906 = vector.shape_cast %swap3A_905 : vector<1x16xf32> to vector<16xf32>
        %swap3A_907 = vector.shape_cast %mul3A_902 : vector<16xf32> to vector<1x16xf32>
        tpu.vector_store %arg10[%swap3A_903, %swap3A_904], %swap3A_907 {strides = array<i32>} : memref<128x128xf32, #tpu.memory_space<vmem>>, vector<1x16xf32>,
        %get3A_908 = arith.index_cast %add3A_847 : i32 to index
        %get3A_909 = arith.constant 96 : index
        %get3A_910 = tpu.vector_load %arg10[%get3A_908, %get3A_909] {strides = array<i32>} : memref<128x128xf32, #tpu.memory_space<vmem>>, vector<1x16xf32>,
        %get3A_911 = vector.shape_cast %get3A_910 : vector<1x16xf32> to vector<16xf32>
        %mul3A_912 = arith.mulf %get3A_911, %gather3A_843 : vector<16xf32>
        %swap3A_913 = arith.index_cast %add3A_847 : i32 to index
        %swap3A_914 = arith.constant 96 : index
        %swap3A_915 = tpu.vector_load %arg10[%swap3A_913, %swap3A_914] {strides = array<i32>} : memref<128x128xf32, #tpu.memory_space<vmem>>, vector<1x16xf32>,
        %swap3A_916 = vector.shape_cast %swap3A_915 : vector<1x16xf32> to vector<16xf32>
        %swap3A_917 = vector.shape_cast %mul3A_912 : vector<16xf32> to vector<1x16xf32>
        tpu.vector_store %arg10[%swap3A_913, %swap3A_914], %swap3A_917 {strides = array<i32>} : memref<128x128xf32, #tpu.memory_space<vmem>>, vector<1x16xf32>,
        %get3A_918 = arith.index_cast %add3A_847 : i32 to index
        %get3A_919 = arith.constant 112 : index
        %get3A_920 = tpu.vector_load %arg10[%get3A_918, %get3A_919] {strides = array<i32>} : memref<128x128xf32, #tpu.memory_space<vmem>>, vector<1x16xf32>,
        %get3A_921 = vector.shape_cast %get3A_920 : vector<1x16xf32> to vector<16xf32>
        %mul3A_922 = arith.mulf %get3A_921, %gather3A_843 : vector<16xf32>
        %swap3A_923 = arith.index_cast %add3A_847 : i32 to index
        %swap3A_924 = arith.constant 112 : index
        %swap3A_925 = tpu.vector_load %arg10[%swap3A_923, %swap3A_924] {strides = array<i32>} : memref<128x128xf32, #tpu.memory_space<vmem>>, vector<1x16xf32>,
        %swap3A_926 = vector.shape_cast %swap3A_925 : vector<1x16xf32> to vector<16xf32>
        %swap3A_927 = vector.shape_cast %mul3A_922 : vector<16xf32> to vector<1x16xf32>
        tpu.vector_store %arg10[%swap3A_923, %swap3A_924], %swap3A_927 {strides = array<i32>} : memref<128x128xf32, #tpu.memory_space<vmem>>, vector<1x16xf32>,
        %broadcast_in_dim3A_928 = arith.constant 9 : i32
        %broadcast_in_dim3A_929 = vector.broadcast %broadcast_in_dim3A_928 : i32 to vector<16xi32>
        %lt3A_930 = arith.constant 0 : i32
        %lt3A_931 = vector.broadcast %lt3A_930 : i32 to vector<16xi32>
        %lt3A_932 = arith.cmpi slt, %broadcast_in_dim3A_929, %lt3A_931 : vector<16xi32>
        %add3A_933 = arith.constant 16 : i32
        %add3A_934 = vector.broadcast %add3A_933 : i32 to vector<16xi32>
        %add3A_935 = arith.addi %broadcast_in_dim3A_929, %add3A_934 : vector<16xi32>
        %select_n3A_936 = arith.select %lt3A_932, %add3A_935, %broadcast_in_dim3A_929 : vector<16xi1>, vector<16xi32>
        %broadcast_in_dim3A_937 = vector.shape_cast %select_n3A_936 : vector<16xi32> to vector<16x1xi32>
        %gather3A_938 = vector.shape_cast %broadcast_in_dim3A_937 : vector<16x1xi32> to vector<16xi32>
        %gather3A_939 = tpu.dynamic_gather %get3A_67[%gather3A_938] in [0] : vector<16xf32>, vector<16xi32> -> vector<16xf32>
        %mul3A_940 = arith.constant 16 : i32
        %mul3A_941 = arith.muli %scan3A_63, %mul3A_940 : i32
        %add3A_942 = arith.constant 9 : i32
        %add3A_943 = arith.addi %mul3A_941, %add3A_942 : i32
        %get3A_944 = arith.index_cast %add3A_943 : i32 to index
        %get3A_945 = arith.constant 0 : index
        %get3A_946 = tpu.vector_load %arg10[%get3A_944, %get3A_945] {strides = array<i32>} : memref<128x128xf32, #tpu.memory_space<vmem>>, vector<1x16xf32>,
        %get3A_947 = vector.shape_cast %get3A_946 : vector<1x16xf32> to vector<16xf32>
        %mul3A_948 = arith.mulf %get3A_947, %gather3A_939 : vector<16xf32>
        %swap3A_949 = arith.index_cast %add3A_943 : i32 to index
        %swap3A_950 = arith.constant 0 : index
        %swap3A_951 = tpu.vector_load %arg10[%swap3A_949, %swap3A_950] {strides = array<i32>} : memref<128x128xf32, #tpu.memory_space<vmem>>, vector<1x16xf32>,
        %swap3A_952 = vector.shape_cast %swap3A_951 : vector<1x16xf32> to vector<16xf32>
        %swap3A_953 = vector.shape_cast %mul3A_948 : vector<16xf32> to vector<1x16xf32>
        tpu.vector_store %arg10[%swap3A_949, %swap3A_950], %swap3A_953 {strides = array<i32>} : memref<128x128xf32, #tpu.memory_space<vmem>>, vector<1x16xf32>,
        %get3A_954 = arith.index_cast %add3A_943 : i32 to index
        %get3A_955 = arith.constant 16 : index
        %get3A_956 = tpu.vector_load %arg10[%get3A_954, %get3A_955] {strides = array<i32>} : memref<128x128xf32, #tpu.memory_space<vmem>>, vector<1x16xf32>,
        %get3A_957 = vector.shape_cast %get3A_956 : vector<1x16xf32> to vector<16xf32>
        %mul3A_958 = arith.mulf %get3A_957, %gather3A_939 : vector<16xf32>
        %swap3A_959 = arith.index_cast %add3A_943 : i32 to index
        %swap3A_960 = arith.constant 16 : index
        %swap3A_961 = tpu.vector_load %arg10[%swap3A_959, %swap3A_960] {strides = array<i32>} : memref<128x128xf32, #tpu.memory_space<vmem>>, vector<1x16xf32>,
        %swap3A_962 = vector.shape_cast %swap3A_961 : vector<1x16xf32> to vector<16xf32>
        %swap3A_963 = vector.shape_cast %mul3A_958 : vector<16xf32> to vector<1x16xf32>
        tpu.vector_store %arg10[%swap3A_959, %swap3A_960], %swap3A_963 {strides = array<i32>} : memref<128x128xf32, #tpu.memory_space<vmem>>, vector<1x16xf32>,
        %get3A_964 = arith.index_cast %add3A_943 : i32 to index
        %get3A_965 = arith.constant 32 : index
        %get3A_966 = tpu.vector_load %arg10[%get3A_964, %get3A_965] {strides = array<i32>} : memref<128x128xf32, #tpu.memory_space<vmem>>, vector<1x16xf32>,
        %get3A_967 = vector.shape_cast %get3A_966 : vector<1x16xf32> to vector<16xf32>
        %mul3A_968 = arith.mulf %get3A_967, %gather3A_939 : vector<16xf32>
        %swap3A_969 = arith.index_cast %add3A_943 : i32 to index
        %swap3A_970 = arith.constant 32 : index
        %swap3A_971 = tpu.vector_load %arg10[%swap3A_969, %swap3A_970] {strides = array<i32>} : memref<128x128xf32, #tpu.memory_space<vmem>>, vector<1x16xf32>,
        %swap3A_972 = vector.shape_cast %swap3A_971 : vector<1x16xf32> to vector<16xf32>
        %swap3A_973 = vector.shape_cast %mul3A_968 : vector<16xf32> to vector<1x16xf32>
        tpu.vector_store %arg10[%swap3A_969, %swap3A_970], %swap3A_973 {strides = array<i32>} : memref<128x128xf32, #tpu.memory_space<vmem>>, vector<1x16xf32>,
        %get3A_974 = arith.index_cast %add3A_943 : i32 to index
        %get3A_975 = arith.constant 48 : index
        %get3A_976 = tpu.vector_load %arg10[%get3A_974, %get3A_975] {strides = array<i32>} : memref<128x128xf32, #tpu.memory_space<vmem>>, vector<1x16xf32>,
        %get3A_977 = vector.shape_cast %get3A_976 : vector<1x16xf32> to vector<16xf32>
        %mul3A_978 = arith.mulf %get3A_977, %gather3A_939 : vector<16xf32>
        %swap3A_979 = arith.index_cast %add3A_943 : i32 to index
        %swap3A_980 = arith.constant 48 : index
        %swap3A_981 = tpu.vector_load %arg10[%swap3A_979, %swap3A_980] {strides = array<i32>} : memref<128x128xf32, #tpu.memory_space<vmem>>, vector<1x16xf32>,
        %swap3A_982 = vector.shape_cast %swap3A_981 : vector<1x16xf32> to vector<16xf32>
        %swap3A_983 = vector.shape_cast %mul3A_978 : vector<16xf32> to vector<1x16xf32>
        tpu.vector_store %arg10[%swap3A_979, %swap3A_980], %swap3A_983 {strides = array<i32>} : memref<128x128xf32, #tpu.memory_space<vmem>>, vector<1x16xf32>,
        %get3A_984 = arith.index_cast %add3A_943 : i32 to index
        %get3A_985 = arith.constant 64 : index
        %get3A_986 = tpu.vector_load %arg10[%get3A_984, %get3A_985] {strides = array<i32>} : memref<128x128xf32, #tpu.memory_space<vmem>>, vector<1x16xf32>,
        %get3A_987 = vector.shape_cast %get3A_986 : vector<1x16xf32> to vector<16xf32>
        %mul3A_988 = arith.mulf %get3A_987, %gather3A_939 : vector<16xf32>
        %swap3A_989 = arith.index_cast %add3A_943 : i32 to index
        %swap3A_990 = arith.constant 64 : index
        %swap3A_991 = tpu.vector_load %arg10[%swap3A_989, %swap3A_990] {strides = array<i32>} : memref<128x128xf32, #tpu.memory_space<vmem>>, vector<1x16xf32>,
        %swap3A_992 = vector.shape_cast %swap3A_991 : vector<1x16xf32> to vector<16xf32>
        %swap3A_993 = vector.shape_cast %mul3A_988 : vector<16xf32> to vector<1x16xf32>
        tpu.vector_store %arg10[%swap3A_989, %swap3A_990], %swap3A_993 {strides = array<i32>} : memref<128x128xf32, #tpu.memory_space<vmem>>, vector<1x16xf32>,
        %get3A_994 = arith.index_cast %add3A_943 : i32 to index
        %get3A_995 = arith.constant 80 : index
        %get3A_996 = tpu.vector_load %arg10[%get3A_994, %get3A_995] {strides = array<i32>} : memref<128x128xf32, #tpu.memory_space<vmem>>, vector<1x16xf32>,
        %get3A_997 = vector.shape_cast %get3A_996 : vector<1x16xf32> to vector<16xf32>
        %mul3A_998 = arith.mulf %get3A_997, %gather3A_939 : vector<16xf32>
        %swap3A_999 = arith.index_cast %add3A_943 : i32 to index
        %swap3A_1000 = arith.constant 80 : index
        %swap3A_1001 = tpu.vector_load %arg10[%swap3A_999, %swap3A_1000] {strides = array<i32>} : memref<128x128xf32, #tpu.memory_space<vmem>>, vector<1x16xf32>,
        %swap3A_1002 = vector.shape_cast %swap3A_1001 : vector<1x16xf32> to vector<16xf32>
        %swap3A_1003 = vector.shape_cast %mul3A_998 : vector<16xf32> to vector<1x16xf32>
        tpu.vector_store %arg10[%swap3A_999, %swap3A_1000], %swap3A_1003 {strides = array<i32>} : memref<128x128xf32, #tpu.memory_space<vmem>>, vector<1x16xf32>,
        %get3A_1004 = arith.index_cast %add3A_943 : i32 to index
        %get3A_1005 = arith.constant 96 : index
        %get3A_1006 = tpu.vector_load %arg10[%get3A_1004, %get3A_1005] {strides = array<i32>} : memref<128x128xf32, #tpu.memory_space<vmem>>, vector<1x16xf32>,
        %get3A_1007 = vector.shape_cast %get3A_1006 : vector<1x16xf32> to vector<16xf32>
        %mul3A_1008 = arith.mulf %get3A_1007, %gather3A_939 : vector<16xf32>
        %swap3A_1009 = arith.index_cast %add3A_943 : i32 to index
        %swap3A_1010 = arith.constant 96 : index
        %swap3A_1011 = tpu.vector_load %arg10[%swap3A_1009, %swap3A_1010] {strides = array<i32>} : memref<128x128xf32, #tpu.memory_space<vmem>>, vector<1x16xf32>,
        %swap3A_1012 = vector.shape_cast %swap3A_1011 : vector<1x16xf32> to vector<16xf32>
        %swap3A_1013 = vector.shape_cast %mul3A_1008 : vector<16xf32> to vector<1x16xf32>
        tpu.vector_store %arg10[%swap3A_1009, %swap3A_1010], %swap3A_1013 {strides = array<i32>} : memref<128x128xf32, #tpu.memory_space<vmem>>, vector<1x16xf32>,
        %get3A_1014 = arith.index_cast %add3A_943 : i32 to index
        %get3A_1015 = arith.constant 112 : index
        %get3A_1016 = tpu.vector_load %arg10[%get3A_1014, %get3A_1015] {strides = array<i32>} : memref<128x128xf32, #tpu.memory_space<vmem>>, vector<1x16xf32>,
        %get3A_1017 = vector.shape_cast %get3A_1016 : vector<1x16xf32> to vector<16xf32>
        %mul3A_1018 = arith.mulf %get3A_1017, %gather3A_939 : vector<16xf32>
        %swap3A_1019 = arith.index_cast %add3A_943 : i32 to index
        %swap3A_1020 = arith.constant 112 : index
        %swap3A_1021 = tpu.vector_load %arg10[%swap3A_1019, %swap3A_1020] {strides = array<i32>} : memref<128x128xf32, #tpu.memory_space<vmem>>, vector<1x16xf32>,
        %swap3A_1022 = vector.shape_cast %swap3A_1021 : vector<1x16xf32> to vector<16xf32>
        %swap3A_1023 = vector.shape_cast %mul3A_1018 : vector<16xf32> to vector<1x16xf32>
        tpu.vector_store %arg10[%swap3A_1019, %swap3A_1020], %swap3A_1023 {strides = array<i32>} : memref<128x128xf32, #tpu.memory_space<vmem>>, vector<1x16xf32>,
        %broadcast_in_dim3A_1024 = arith.constant 10 : i32
        %broadcast_in_dim3A_1025 = vector.broadcast %broadcast_in_dim3A_1024 : i32 to vector<16xi32>
        %lt3A_1026 = arith.constant 0 : i32
        %lt3A_1027 = vector.broadcast %lt3A_1026 : i32 to vector<16xi32>
        %lt3A_1028 = arith.cmpi slt, %broadcast_in_dim3A_1025, %lt3A_1027 : vector<16xi32>
        %add3A_1029 = arith.constant 16 : i32
        %add3A_1030 = vector.broadcast %add3A_1029 : i32 to vector<16xi32>
        %add3A_1031 = arith.addi %broadcast_in_dim3A_1025, %add3A_1030 : vector<16xi32>
        %select_n3A_1032 = arith.select %lt3A_1028, %add3A_1031, %broadcast_in_dim3A_1025 : vector<16xi1>, vector<16xi32>
        %broadcast_in_dim3A_1033 = vector.shape_cast %select_n3A_1032 : vector<16xi32> to vector<16x1xi32>
        %gather3A_1034 = vector.shape_cast %broadcast_in_dim3A_1033 : vector<16x1xi32> to vector<16xi32>
        %gather3A_1035 = tpu.dynamic_gather %get3A_67[%gather3A_1034] in [0] : vector<16xf32>, vector<16xi32> -> vector<16xf32>
        %mul3A_1036 = arith.constant 16 : i32
        %mul3A_1037 = arith.muli %scan3A_63, %mul3A_1036 : i32
        %add3A_1038 = arith.constant 10 : i32
        %add3A_1039 = arith.addi %mul3A_1037, %add3A_1038 : i32
        %get3A_1040 = arith.index_cast %add3A_1039 : i32 to index
        %get3A_1041 = arith.constant 0 : index
        %get3A_1042 = tpu.vector_load %arg10[%get3A_1040, %get3A_1041] {strides = array<i32>} : memref<128x128xf32, #tpu.memory_space<vmem>>, vector<1x16xf32>,
        %get3A_1043 = vector.shape_cast %get3A_1042 : vector<1x16xf32> to vector<16xf32>
        %mul3A_1044 = arith.mulf %get3A_1043, %gather3A_1035 : vector<16xf32>
        %swap3A_1045 = arith.index_cast %add3A_1039 : i32 to index
        %swap3A_1046 = arith.constant 0 : index
        %swap3A_1047 = tpu.vector_load %arg10[%swap3A_1045, %swap3A_1046] {strides = array<i32>} : memref<128x128xf32, #tpu.memory_space<vmem>>, vector<1x16xf32>,
        %swap3A_1048 = vector.shape_cast %swap3A_1047 : vector<1x16xf32> to vector<16xf32>
        %swap3A_1049 = vector.shape_cast %mul3A_1044 : vector<16xf32> to vector<1x16xf32>
        tpu.vector_store %arg10[%swap3A_1045, %swap3A_1046], %swap3A_1049 {strides = array<i32>} : memref<128x128xf32, #tpu.memory_space<vmem>>, vector<1x16xf32>,
        %get3A_1050 = arith.index_cast %add3A_1039 : i32 to index
        %get3A_1051 = arith.constant 16 : index
        %get3A_1052 = tpu.vector_load %arg10[%get3A_1050, %get3A_1051] {strides = array<i32>} : memref<128x128xf32, #tpu.memory_space<vmem>>, vector<1x16xf32>,
        %get3A_1053 = vector.shape_cast %get3A_1052 : vector<1x16xf32> to vector<16xf32>
        %mul3A_1054 = arith.mulf %get3A_1053, %gather3A_1035 : vector<16xf32>
        %swap3A_1055 = arith.index_cast %add3A_1039 : i32 to index
        %swap3A_1056 = arith.constant 16 : index
        %swap3A_1057 = tpu.vector_load %arg10[%swap3A_1055, %swap3A_1056] {strides = array<i32>} : memref<128x128xf32, #tpu.memory_space<vmem>>, vector<1x16xf32>,
        %swap3A_1058 = vector.shape_cast %swap3A_1057 : vector<1x16xf32> to vector<16xf32>
        %swap3A_1059 = vector.shape_cast %mul3A_1054 : vector<16xf32> to vector<1x16xf32>
        tpu.vector_store %arg10[%swap3A_1055, %swap3A_1056], %swap3A_1059 {strides = array<i32>} : memref<128x128xf32, #tpu.memory_space<vmem>>, vector<1x16xf32>,
        %get3A_1060 = arith.index_cast %add3A_1039 : i32 to index
        %get3A_1061 = arith.constant 32 : index
        %get3A_1062 = tpu.vector_load %arg10[%get3A_1060, %get3A_1061] {strides = array<i32>} : memref<128x128xf32, #tpu.memory_space<vmem>>, vector<1x16xf32>,
        %get3A_1063 = vector.shape_cast %get3A_1062 : vector<1x16xf32> to vector<16xf32>
        %mul3A_1064 = arith.mulf %get3A_1063, %gather3A_1035 : vector<16xf32>
        %swap3A_1065 = arith.index_cast %add3A_1039 : i32 to index
        %swap3A_1066 = arith.constant 32 : index
        %swap3A_1067 = tpu.vector_load %arg10[%swap3A_1065, %swap3A_1066] {strides = array<i32>} : memref<128x128xf32, #tpu.memory_space<vmem>>, vector<1x16xf32>,
        %swap3A_1068 = vector.shape_cast %swap3A_1067 : vector<1x16xf32> to vector<16xf32>
        %swap3A_1069 = vector.shape_cast %mul3A_1064 : vector<16xf32> to vector<1x16xf32>
        tpu.vector_store %arg10[%swap3A_1065, %swap3A_1066], %swap3A_1069 {strides = array<i32>} : memref<128x128xf32, #tpu.memory_space<vmem>>, vector<1x16xf32>,
        %get3A_1070 = arith.index_cast %add3A_1039 : i32 to index
        %get3A_1071 = arith.constant 48 : index
        %get3A_1072 = tpu.vector_load %arg10[%get3A_1070, %get3A_1071] {strides = array<i32>} : memref<128x128xf32, #tpu.memory_space<vmem>>, vector<1x16xf32>,
        %get3A_1073 = vector.shape_cast %get3A_1072 : vector<1x16xf32> to vector<16xf32>
        %mul3A_1074 = arith.mulf %get3A_1073, %gather3A_1035 : vector<16xf32>
        %swap3A_1075 = arith.index_cast %add3A_1039 : i32 to index
        %swap3A_1076 = arith.constant 48 : index
        %swap3A_1077 = tpu.vector_load %arg10[%swap3A_1075, %swap3A_1076] {strides = array<i32>} : memref<128x128xf32, #tpu.memory_space<vmem>>, vector<1x16xf32>,
        %swap3A_1078 = vector.shape_cast %swap3A_1077 : vector<1x16xf32> to vector<16xf32>
        %swap3A_1079 = vector.shape_cast %mul3A_1074 : vector<16xf32> to vector<1x16xf32>
        tpu.vector_store %arg10[%swap3A_1075, %swap3A_1076], %swap3A_1079 {strides = array<i32>} : memref<128x128xf32, #tpu.memory_space<vmem>>, vector<1x16xf32>,
        %get3A_1080 = arith.index_cast %add3A_1039 : i32 to index
        %get3A_1081 = arith.constant 64 : index
        %get3A_1082 = tpu.vector_load %arg10[%get3A_1080, %get3A_1081] {strides = array<i32>} : memref<128x128xf32, #tpu.memory_space<vmem>>, vector<1x16xf32>,
        %get3A_1083 = vector.shape_cast %get3A_1082 : vector<1x16xf32> to vector<16xf32>
        %mul3A_1084 = arith.mulf %get3A_1083, %gather3A_1035 : vector<16xf32>
        %swap3A_1085 = arith.index_cast %add3A_1039 : i32 to index
        %swap3A_1086 = arith.constant 64 : index
        %swap3A_1087 = tpu.vector_load %arg10[%swap3A_1085, %swap3A_1086] {strides = array<i32>} : memref<128x128xf32, #tpu.memory_space<vmem>>, vector<1x16xf32>,
        %swap3A_1088 = vector.shape_cast %swap3A_1087 : vector<1x16xf32> to vector<16xf32>
        %swap3A_1089 = vector.shape_cast %mul3A_1084 : vector<16xf32> to vector<1x16xf32>
        tpu.vector_store %arg10[%swap3A_1085, %swap3A_1086], %swap3A_1089 {strides = array<i32>} : memref<128x128xf32, #tpu.memory_space<vmem>>, vector<1x16xf32>,
        %get3A_1090 = arith.index_cast %add3A_1039 : i32 to index
        %get3A_1091 = arith.constant 80 : index
        %get3A_1092 = tpu.vector_load %arg10[%get3A_1090, %get3A_1091] {strides = array<i32>} : memref<128x128xf32, #tpu.memory_space<vmem>>, vector<1x16xf32>,
        %get3A_1093 = vector.shape_cast %get3A_1092 : vector<1x16xf32> to vector<16xf32>
        %mul3A_1094 = arith.mulf %get3A_1093, %gather3A_1035 : vector<16xf32>
        %swap3A_1095 = arith.index_cast %add3A_1039 : i32 to index
        %swap3A_1096 = arith.constant 80 : index
        %swap3A_1097 = tpu.vector_load %arg10[%swap3A_1095, %swap3A_1096] {strides = array<i32>} : memref<128x128xf32, #tpu.memory_space<vmem>>, vector<1x16xf32>,
        %swap3A_1098 = vector.shape_cast %swap3A_1097 : vector<1x16xf32> to vector<16xf32>
        %swap3A_1099 = vector.shape_cast %mul3A_1094 : vector<16xf32> to vector<1x16xf32>
        tpu.vector_store %arg10[%swap3A_1095, %swap3A_1096], %swap3A_1099 {strides = array<i32>} : memref<128x128xf32, #tpu.memory_space<vmem>>, vector<1x16xf32>,
        %get3A_1100 = arith.index_cast %add3A_1039 : i32 to index
        %get3A_1101 = arith.constant 96 : index
        %get3A_1102 = tpu.vector_load %arg10[%get3A_1100, %get3A_1101] {strides = array<i32>} : memref<128x128xf32, #tpu.memory_space<vmem>>, vector<1x16xf32>,
        %get3A_1103 = vector.shape_cast %get3A_1102 : vector<1x16xf32> to vector<16xf32>
        %mul3A_1104 = arith.mulf %get3A_1103, %gather3A_1035 : vector<16xf32>
        %swap3A_1105 = arith.index_cast %add3A_1039 : i32 to index
        %swap3A_1106 = arith.constant 96 : index
        %swap3A_1107 = tpu.vector_load %arg10[%swap3A_1105, %swap3A_1106] {strides = array<i32>} : memref<128x128xf32, #tpu.memory_space<vmem>>, vector<1x16xf32>,
        %swap3A_1108 = vector.shape_cast %swap3A_1107 : vector<1x16xf32> to vector<16xf32>
        %swap3A_1109 = vector.shape_cast %mul3A_1104 : vector<16xf32> to vector<1x16xf32>
        tpu.vector_store %arg10[%swap3A_1105, %swap3A_1106], %swap3A_1109 {strides = array<i32>} : memref<128x128xf32, #tpu.memory_space<vmem>>, vector<1x16xf32>,
        %get3A_1110 = arith.index_cast %add3A_1039 : i32 to index
        %get3A_1111 = arith.constant 112 : index
        %get3A_1112 = tpu.vector_load %arg10[%get3A_1110, %get3A_1111] {strides = array<i32>} : memref<128x128xf32, #tpu.memory_space<vmem>>, vector<1x16xf32>,
        %get3A_1113 = vector.shape_cast %get3A_1112 : vector<1x16xf32> to vector<16xf32>
        %mul3A_1114 = arith.mulf %get3A_1113, %gather3A_1035 : vector<16xf32>
        %swap3A_1115 = arith.index_cast %add3A_1039 : i32 to index
        %swap3A_1116 = arith.constant 112 : index
        %swap3A_1117 = tpu.vector_load %arg10[%swap3A_1115, %swap3A_1116] {strides = array<i32>} : memref<128x128xf32, #tpu.memory_space<vmem>>, vector<1x16xf32>,
        %swap3A_1118 = vector.shape_cast %swap3A_1117 : vector<1x16xf32> to vector<16xf32>
        %swap3A_1119 = vector.shape_cast %mul3A_1114 : vector<16xf32> to vector<1x16xf32>
        tpu.vector_store %arg10[%swap3A_1115, %swap3A_1116], %swap3A_1119 {strides = array<i32>} : memref<128x128xf32, #tpu.memory_space<vmem>>, vector<1x16xf32>,
        %broadcast_in_dim3A_1120 = arith.constant 11 : i32
        %broadcast_in_dim3A_1121 = vector.broadcast %broadcast_in_dim3A_1120 : i32 to vector<16xi32>
        %lt3A_1122 = arith.constant 0 : i32
        %lt3A_1123 = vector.broadcast %lt3A_1122 : i32 to vector<16xi32>
        %lt3A_1124 = arith.cmpi slt, %broadcast_in_dim3A_1121, %lt3A_1123 : vector<16xi32>
        %add3A_1125 = arith.constant 16 : i32
        %add3A_1126 = vector.broadcast %add3A_1125 : i32 to vector<16xi32>
        %add3A_1127 = arith.addi %broadcast_in_dim3A_1121, %add3A_1126 : vector<16xi32>
        %select_n3A_1128 = arith.select %lt3A_1124, %add3A_1127, %broadcast_in_dim3A_1121 : vector<16xi1>, vector<16xi32>
        %broadcast_in_dim3A_1129 = vector.shape_cast %select_n3A_1128 : vector<16xi32> to vector<16x1xi32>
        %gather3A_1130 = vector.shape_cast %broadcast_in_dim3A_1129 : vector<16x1xi32> to vector<16xi32>
        %gather3A_1131 = tpu.dynamic_gather %get3A_67[%gather3A_1130] in [0] : vector<16xf32>, vector<16xi32> -> vector<16xf32>
        %mul3A_1132 = arith.constant 16 : i32
        %mul3A_1133 = arith.muli %scan3A_63, %mul3A_1132 : i32
        %add3A_1134 = arith.constant 11 : i32
        %add3A_1135 = arith.addi %mul3A_1133, %add3A_1134 : i32
        %get3A_1136 = arith.index_cast %add3A_1135 : i32 to index
        %get3A_1137 = arith.constant 0 : index
        %get3A_1138 = tpu.vector_load %arg10[%get3A_1136, %get3A_1137] {strides = array<i32>} : memref<128x128xf32, #tpu.memory_space<vmem>>, vector<1x16xf32>,
        %get3A_1139 = vector.shape_cast %get3A_1138 : vector<1x16xf32> to vector<16xf32>
        %mul3A_1140 = arith.mulf %get3A_1139, %gather3A_1131 : vector<16xf32>
        %swap3A_1141 = arith.index_cast %add3A_1135 : i32 to index
        %swap3A_1142 = arith.constant 0 : index
        %swap3A_1143 = tpu.vector_load %arg10[%swap3A_1141, %swap3A_1142] {strides = array<i32>} : memref<128x128xf32, #tpu.memory_space<vmem>>, vector<1x16xf32>,
        %swap3A_1144 = vector.shape_cast %swap3A_1143 : vector<1x16xf32> to vector<16xf32>
        %swap3A_1145 = vector.shape_cast %mul3A_1140 : vector<16xf32> to vector<1x16xf32>
        tpu.vector_store %arg10[%swap3A_1141, %swap3A_1142], %swap3A_1145 {strides = array<i32>} : memref<128x128xf32, #tpu.memory_space<vmem>>, vector<1x16xf32>,
        %get3A_1146 = arith.index_cast %add3A_1135 : i32 to index
        %get3A_1147 = arith.constant 16 : index
        %get3A_1148 = tpu.vector_load %arg10[%get3A_1146, %get3A_1147] {strides = array<i32>} : memref<128x128xf32, #tpu.memory_space<vmem>>, vector<1x16xf32>,
        %get3A_1149 = vector.shape_cast %get3A_1148 : vector<1x16xf32> to vector<16xf32>
        %mul3A_1150 = arith.mulf %get3A_1149, %gather3A_1131 : vector<16xf32>
        %swap3A_1151 = arith.index_cast %add3A_1135 : i32 to index
        %swap3A_1152 = arith.constant 16 : index
        %swap3A_1153 = tpu.vector_load %arg10[%swap3A_1151, %swap3A_1152] {strides = array<i32>} : memref<128x128xf32, #tpu.memory_space<vmem>>, vector<1x16xf32>,
        %swap3A_1154 = vector.shape_cast %swap3A_1153 : vector<1x16xf32> to vector<16xf32>
        %swap3A_1155 = vector.shape_cast %mul3A_1150 : vector<16xf32> to vector<1x16xf32>
        tpu.vector_store %arg10[%swap3A_1151, %swap3A_1152], %swap3A_1155 {strides = array<i32>} : memref<128x128xf32, #tpu.memory_space<vmem>>, vector<1x16xf32>,
        %get3A_1156 = arith.index_cast %add3A_1135 : i32 to index
        %get3A_1157 = arith.constant 32 : index
        %get3A_1158 = tpu.vector_load %arg10[%get3A_1156, %get3A_1157] {strides = array<i32>} : memref<128x128xf32, #tpu.memory_space<vmem>>, vector<1x16xf32>,
        %get3A_1159 = vector.shape_cast %get3A_1158 : vector<1x16xf32> to vector<16xf32>
        %mul3A_1160 = arith.mulf %get3A_1159, %gather3A_1131 : vector<16xf32>
        %swap3A_1161 = arith.index_cast %add3A_1135 : i32 to index
        %swap3A_1162 = arith.constant 32 : index
        %swap3A_1163 = tpu.vector_load %arg10[%swap3A_1161, %swap3A_1162] {strides = array<i32>} : memref<128x128xf32, #tpu.memory_space<vmem>>, vector<1x16xf32>,
        %swap3A_1164 = vector.shape_cast %swap3A_1163 : vector<1x16xf32> to vector<16xf32>
        %swap3A_1165 = vector.shape_cast %mul3A_1160 : vector<16xf32> to vector<1x16xf32>
        tpu.vector_store %arg10[%swap3A_1161, %swap3A_1162], %swap3A_1165 {strides = array<i32>} : memref<128x128xf32, #tpu.memory_space<vmem>>, vector<1x16xf32>,
        %get3A_1166 = arith.index_cast %add3A_1135 : i32 to index
        %get3A_1167 = arith.constant 48 : index
        %get3A_1168 = tpu.vector_load %arg10[%get3A_1166, %get3A_1167] {strides = array<i32>} : memref<128x128xf32, #tpu.memory_space<vmem>>, vector<1x16xf32>,
        %get3A_1169 = vector.shape_cast %get3A_1168 : vector<1x16xf32> to vector<16xf32>
        %mul3A_1170 = arith.mulf %get3A_1169, %gather3A_1131 : vector<16xf32>
        %swap3A_1171 = arith.index_cast %add3A_1135 : i32 to index
        %swap3A_1172 = arith.constant 48 : index
        %swap3A_1173 = tpu.vector_load %arg10[%swap3A_1171, %swap3A_1172] {strides = array<i32>} : memref<128x128xf32, #tpu.memory_space<vmem>>, vector<1x16xf32>,
        %swap3A_1174 = vector.shape_cast %swap3A_1173 : vector<1x16xf32> to vector<16xf32>
        %swap3A_1175 = vector.shape_cast %mul3A_1170 : vector<16xf32> to vector<1x16xf32>
        tpu.vector_store %arg10[%swap3A_1171, %swap3A_1172], %swap3A_1175 {strides = array<i32>} : memref<128x128xf32, #tpu.memory_space<vmem>>, vector<1x16xf32>,
        %get3A_1176 = arith.index_cast %add3A_1135 : i32 to index
        %get3A_1177 = arith.constant 64 : index
        %get3A_1178 = tpu.vector_load %arg10[%get3A_1176, %get3A_1177] {strides = array<i32>} : memref<128x128xf32, #tpu.memory_space<vmem>>, vector<1x16xf32>,
        %get3A_1179 = vector.shape_cast %get3A_1178 : vector<1x16xf32> to vector<16xf32>
        %mul3A_1180 = arith.mulf %get3A_1179, %gather3A_1131 : vector<16xf32>
        %swap3A_1181 = arith.index_cast %add3A_1135 : i32 to index
        %swap3A_1182 = arith.constant 64 : index
        %swap3A_1183 = tpu.vector_load %arg10[%swap3A_1181, %swap3A_1182] {strides = array<i32>} : memref<128x128xf32, #tpu.memory_space<vmem>>, vector<1x16xf32>,
        %swap3A_1184 = vector.shape_cast %swap3A_1183 : vector<1x16xf32> to vector<16xf32>
        %swap3A_1185 = vector.shape_cast %mul3A_1180 : vector<16xf32> to vector<1x16xf32>
        tpu.vector_store %arg10[%swap3A_1181, %swap3A_1182], %swap3A_1185 {strides = array<i32>} : memref<128x128xf32, #tpu.memory_space<vmem>>, vector<1x16xf32>,
        %get3A_1186 = arith.index_cast %add3A_1135 : i32 to index
        %get3A_1187 = arith.constant 80 : index
        %get3A_1188 = tpu.vector_load %arg10[%get3A_1186, %get3A_1187] {strides = array<i32>} : memref<128x128xf32, #tpu.memory_space<vmem>>, vector<1x16xf32>,
        %get3A_1189 = vector.shape_cast %get3A_1188 : vector<1x16xf32> to vector<16xf32>
        %mul3A_1190 = arith.mulf %get3A_1189, %gather3A_1131 : vector<16xf32>
        %swap3A_1191 = arith.index_cast %add3A_1135 : i32 to index
        %swap3A_1192 = arith.constant 80 : index
        %swap3A_1193 = tpu.vector_load %arg10[%swap3A_1191, %swap3A_1192] {strides = array<i32>} : memref<128x128xf32, #tpu.memory_space<vmem>>, vector<1x16xf32>,
        %swap3A_1194 = vector.shape_cast %swap3A_1193 : vector<1x16xf32> to vector<16xf32>
        %swap3A_1195 = vector.shape_cast %mul3A_1190 : vector<16xf32> to vector<1x16xf32>
        tpu.vector_store %arg10[%swap3A_1191, %swap3A_1192], %swap3A_1195 {strides = array<i32>} : memref<128x128xf32, #tpu.memory_space<vmem>>, vector<1x16xf32>,
        %get3A_1196 = arith.index_cast %add3A_1135 : i32 to index
        %get3A_1197 = arith.constant 96 : index
        %get3A_1198 = tpu.vector_load %arg10[%get3A_1196, %get3A_1197] {strides = array<i32>} : memref<128x128xf32, #tpu.memory_space<vmem>>, vector<1x16xf32>,
        %get3A_1199 = vector.shape_cast %get3A_1198 : vector<1x16xf32> to vector<16xf32>
        %mul3A_1200 = arith.mulf %get3A_1199, %gather3A_1131 : vector<16xf32>
        %swap3A_1201 = arith.index_cast %add3A_1135 : i32 to index
        %swap3A_1202 = arith.constant 96 : index
        %swap3A_1203 = tpu.vector_load %arg10[%swap3A_1201, %swap3A_1202] {strides = array<i32>} : memref<128x128xf32, #tpu.memory_space<vmem>>, vector<1x16xf32>,
        %swap3A_1204 = vector.shape_cast %swap3A_1203 : vector<1x16xf32> to vector<16xf32>
        %swap3A_1205 = vector.shape_cast %mul3A_1200 : vector<16xf32> to vector<1x16xf32>
        tpu.vector_store %arg10[%swap3A_1201, %swap3A_1202], %swap3A_1205 {strides = array<i32>} : memref<128x128xf32, #tpu.memory_space<vmem>>, vector<1x16xf32>,
        %get3A_1206 = arith.index_cast %add3A_1135 : i32 to index
        %get3A_1207 = arith.constant 112 : index
        %get3A_1208 = tpu.vector_load %arg10[%get3A_1206, %get3A_1207] {strides = array<i32>} : memref<128x128xf32, #tpu.memory_space<vmem>>, vector<1x16xf32>,
        %get3A_1209 = vector.shape_cast %get3A_1208 : vector<1x16xf32> to vector<16xf32>
        %mul3A_1210 = arith.mulf %get3A_1209, %gather3A_1131 : vector<16xf32>
        %swap3A_1211 = arith.index_cast %add3A_1135 : i32 to index
        %swap3A_1212 = arith.constant 112 : index
        %swap3A_1213 = tpu.vector_load %arg10[%swap3A_1211, %swap3A_1212] {strides = array<i32>} : memref<128x128xf32, #tpu.memory_space<vmem>>, vector<1x16xf32>,
        %swap3A_1214 = vector.shape_cast %swap3A_1213 : vector<1x16xf32> to vector<16xf32>
        %swap3A_1215 = vector.shape_cast %mul3A_1210 : vector<16xf32> to vector<1x16xf32>
        tpu.vector_store %arg10[%swap3A_1211, %swap3A_1212], %swap3A_1215 {strides = array<i32>} : memref<128x128xf32, #tpu.memory_space<vmem>>, vector<1x16xf32>,
        %broadcast_in_dim3A_1216 = arith.constant 12 : i32
        %broadcast_in_dim3A_1217 = vector.broadcast %broadcast_in_dim3A_1216 : i32 to vector<16xi32>
        %lt3A_1218 = arith.constant 0 : i32
        %lt3A_1219 = vector.broadcast %lt3A_1218 : i32 to vector<16xi32>
        %lt3A_1220 = arith.cmpi slt, %broadcast_in_dim3A_1217, %lt3A_1219 : vector<16xi32>
        %add3A_1221 = arith.constant 16 : i32
        %add3A_1222 = vector.broadcast %add3A_1221 : i32 to vector<16xi32>
        %add3A_1223 = arith.addi %broadcast_in_dim3A_1217, %add3A_1222 : vector<16xi32>
        %select_n3A_1224 = arith.select %lt3A_1220, %add3A_1223, %broadcast_in_dim3A_1217 : vector<16xi1>, vector<16xi32>
        %broadcast_in_dim3A_1225 = vector.shape_cast %select_n3A_1224 : vector<16xi32> to vector<16x1xi32>
        %gather3A_1226 = vector.shape_cast %broadcast_in_dim3A_1225 : vector<16x1xi32> to vector<16xi32>
        %gather3A_1227 = tpu.dynamic_gather %get3A_67[%gather3A_1226] in [0] : vector<16xf32>, vector<16xi32> -> vector<16xf32>
        %mul3A_1228 = arith.constant 16 : i32
        %mul3A_1229 = arith.muli %scan3A_63, %mul3A_1228 : i32
        %add3A_1230 = arith.constant 12 : i32
        %add3A_1231 = arith.addi %mul3A_1229, %add3A_1230 : i32
        %get3A_1232 = arith.index_cast %add3A_1231 : i32 to index
        %get3A_1233 = arith.constant 0 : index
        %get3A_1234 = tpu.vector_load %arg10[%get3A_1232, %get3A_1233] {strides = array<i32>} : memref<128x128xf32, #tpu.memory_space<vmem>>, vector<1x16xf32>,
        %get3A_1235 = vector.shape_cast %get3A_1234 : vector<1x16xf32> to vector<16xf32>
        %mul3A_1236 = arith.mulf %get3A_1235, %gather3A_1227 : vector<16xf32>
        %swap3A_1237 = arith.index_cast %add3A_1231 : i32 to index
        %swap3A_1238 = arith.constant 0 : index
        %swap3A_1239 = tpu.vector_load %arg10[%swap3A_1237, %swap3A_1238] {strides = array<i32>} : memref<128x128xf32, #tpu.memory_space<vmem>>, vector<1x16xf32>,
        %swap3A_1240 = vector.shape_cast %swap3A_1239 : vector<1x16xf32> to vector<16xf32>
        %swap3A_1241 = vector.shape_cast %mul3A_1236 : vector<16xf32> to vector<1x16xf32>
        tpu.vector_store %arg10[%swap3A_1237, %swap3A_1238], %swap3A_1241 {strides = array<i32>} : memref<128x128xf32, #tpu.memory_space<vmem>>, vector<1x16xf32>,
        %get3A_1242 = arith.index_cast %add3A_1231 : i32 to index
        %get3A_1243 = arith.constant 16 : index
        %get3A_1244 = tpu.vector_load %arg10[%get3A_1242, %get3A_1243] {strides = array<i32>} : memref<128x128xf32, #tpu.memory_space<vmem>>, vector<1x16xf32>,
        %get3A_1245 = vector.shape_cast %get3A_1244 : vector<1x16xf32> to vector<16xf32>
        %mul3A_1246 = arith.mulf %get3A_1245, %gather3A_1227 : vector<16xf32>
        %swap3A_1247 = arith.index_cast %add3A_1231 : i32 to index
        %swap3A_1248 = arith.constant 16 : index
        %swap3A_1249 = tpu.vector_load %arg10[%swap3A_1247, %swap3A_1248] {strides = array<i32>} : memref<128x128xf32, #tpu.memory_space<vmem>>, vector<1x16xf32>,
        %swap3A_1250 = vector.shape_cast %swap3A_1249 : vector<1x16xf32> to vector<16xf32>
        %swap3A_1251 = vector.shape_cast %mul3A_1246 : vector<16xf32> to vector<1x16xf32>
        tpu.vector_store %arg10[%swap3A_1247, %swap3A_1248], %swap3A_1251 {strides = array<i32>} : memref<128x128xf32, #tpu.memory_space<vmem>>, vector<1x16xf32>,
        %get3A_1252 = arith.index_cast %add3A_1231 : i32 to index
        %get3A_1253 = arith.constant 32 : index
        %get3A_1254 = tpu.vector_load %arg10[%get3A_1252, %get3A_1253] {strides = array<i32>} : memref<128x128xf32, #tpu.memory_space<vmem>>, vector<1x16xf32>,
        %get3A_1255 = vector.shape_cast %get3A_1254 : vector<1x16xf32> to vector<16xf32>
        %mul3A_1256 = arith.mulf %get3A_1255, %gather3A_1227 : vector<16xf32>
        %swap3A_1257 = arith.index_cast %add3A_1231 : i32 to index
        %swap3A_1258 = arith.constant 32 : index
        %swap3A_1259 = tpu.vector_load %arg10[%swap3A_1257, %swap3A_1258] {strides = array<i32>} : memref<128x128xf32, #tpu.memory_space<vmem>>, vector<1x16xf32>,
        %swap3A_1260 = vector.shape_cast %swap3A_1259 : vector<1x16xf32> to vector<16xf32>
        %swap3A_1261 = vector.shape_cast %mul3A_1256 : vector<16xf32> to vector<1x16xf32>
        tpu.vector_store %arg10[%swap3A_1257, %swap3A_1258], %swap3A_1261 {strides = array<i32>} : memref<128x128xf32, #tpu.memory_space<vmem>>, vector<1x16xf32>,
        %get3A_1262 = arith.index_cast %add3A_1231 : i32 to index
        %get3A_1263 = arith.constant 48 : index
        %get3A_1264 = tpu.vector_load %arg10[%get3A_1262, %get3A_1263] {strides = array<i32>} : memref<128x128xf32, #tpu.memory_space<vmem>>, vector<1x16xf32>,
        %get3A_1265 = vector.shape_cast %get3A_1264 : vector<1x16xf32> to vector<16xf32>
        %mul3A_1266 = arith.mulf %get3A_1265, %gather3A_1227 : vector<16xf32>
        %swap3A_1267 = arith.index_cast %add3A_1231 : i32 to index
        %swap3A_1268 = arith.constant 48 : index
        %swap3A_1269 = tpu.vector_load %arg10[%swap3A_1267, %swap3A_1268] {strides = array<i32>} : memref<128x128xf32, #tpu.memory_space<vmem>>, vector<1x16xf32>,
        %swap3A_1270 = vector.shape_cast %swap3A_1269 : vector<1x16xf32> to vector<16xf32>
        %swap3A_1271 = vector.shape_cast %mul3A_1266 : vector<16xf32> to vector<1x16xf32>
        tpu.vector_store %arg10[%swap3A_1267, %swap3A_1268], %swap3A_1271 {strides = array<i32>} : memref<128x128xf32, #tpu.memory_space<vmem>>, vector<1x16xf32>,
        %get3A_1272 = arith.index_cast %add3A_1231 : i32 to index
        %get3A_1273 = arith.constant 64 : index
        %get3A_1274 = tpu.vector_load %arg10[%get3A_1272, %get3A_1273] {strides = array<i32>} : memref<128x128xf32, #tpu.memory_space<vmem>>, vector<1x16xf32>,
        %get3A_1275 = vector.shape_cast %get3A_1274 : vector<1x16xf32> to vector<16xf32>
        %mul3A_1276 = arith.mulf %get3A_1275, %gather3A_1227 : vector<16xf32>
        %swap3A_1277 = arith.index_cast %add3A_1231 : i32 to index
        %swap3A_1278 = arith.constant 64 : index
        %swap3A_1279 = tpu.vector_load %arg10[%swap3A_1277, %swap3A_1278] {strides = array<i32>} : memref<128x128xf32, #tpu.memory_space<vmem>>, vector<1x16xf32>,
        %swap3A_1280 = vector.shape_cast %swap3A_1279 : vector<1x16xf32> to vector<16xf32>
        %swap3A_1281 = vector.shape_cast %mul3A_1276 : vector<16xf32> to vector<1x16xf32>
        tpu.vector_store %arg10[%swap3A_1277, %swap3A_1278], %swap3A_1281 {strides = array<i32>} : memref<128x128xf32, #tpu.memory_space<vmem>>, vector<1x16xf32>,
        %get3A_1282 = arith.index_cast %add3A_1231 : i32 to index
        %get3A_1283 = arith.constant 80 : index
        %get3A_1284 = tpu.vector_load %arg10[%get3A_1282, %get3A_1283] {strides = array<i32>} : memref<128x128xf32, #tpu.memory_space<vmem>>, vector<1x16xf32>,
        %get3A_1285 = vector.shape_cast %get3A_1284 : vector<1x16xf32> to vector<16xf32>
        %mul3A_1286 = arith.mulf %get3A_1285, %gather3A_1227 : vector<16xf32>
        %swap3A_1287 = arith.index_cast %add3A_1231 : i32 to index
        %swap3A_1288 = arith.constant 80 : index
        %swap3A_1289 = tpu.vector_load %arg10[%swap3A_1287, %swap3A_1288] {strides = array<i32>} : memref<128x128xf32, #tpu.memory_space<vmem>>, vector<1x16xf32>,
        %swap3A_1290 = vector.shape_cast %swap3A_1289 : vector<1x16xf32> to vector<16xf32>
        %swap3A_1291 = vector.shape_cast %mul3A_1286 : vector<16xf32> to vector<1x16xf32>
        tpu.vector_store %arg10[%swap3A_1287, %swap3A_1288], %swap3A_1291 {strides = array<i32>} : memref<128x128xf32, #tpu.memory_space<vmem>>, vector<1x16xf32>,
        %get3A_1292 = arith.index_cast %add3A_1231 : i32 to index
        %get3A_1293 = arith.constant 96 : index
        %get3A_1294 = tpu.vector_load %arg10[%get3A_1292, %get3A_1293] {strides = array<i32>} : memref<128x128xf32, #tpu.memory_space<vmem>>, vector<1x16xf32>,
        %get3A_1295 = vector.shape_cast %get3A_1294 : vector<1x16xf32> to vector<16xf32>
        %mul3A_1296 = arith.mulf %get3A_1295, %gather3A_1227 : vector<16xf32>
        %swap3A_1297 = arith.index_cast %add3A_1231 : i32 to index
        %swap3A_1298 = arith.constant 96 : index
        %swap3A_1299 = tpu.vector_load %arg10[%swap3A_1297, %swap3A_1298] {strides = array<i32>} : memref<128x128xf32, #tpu.memory_space<vmem>>, vector<1x16xf32>,
        %swap3A_1300 = vector.shape_cast %swap3A_1299 : vector<1x16xf32> to vector<16xf32>
        %swap3A_1301 = vector.shape_cast %mul3A_1296 : vector<16xf32> to vector<1x16xf32>
        tpu.vector_store %arg10[%swap3A_1297, %swap3A_1298], %swap3A_1301 {strides = array<i32>} : memref<128x128xf32, #tpu.memory_space<vmem>>, vector<1x16xf32>,
        %get3A_1302 = arith.index_cast %add3A_1231 : i32 to index
        %get3A_1303 = arith.constant 112 : index
        %get3A_1304 = tpu.vector_load %arg10[%get3A_1302, %get3A_1303] {strides = array<i32>} : memref<128x128xf32, #tpu.memory_space<vmem>>, vector<1x16xf32>,
        %get3A_1305 = vector.shape_cast %get3A_1304 : vector<1x16xf32> to vector<16xf32>
        %mul3A_1306 = arith.mulf %get3A_1305, %gather3A_1227 : vector<16xf32>
        %swap3A_1307 = arith.index_cast %add3A_1231 : i32 to index
        %swap3A_1308 = arith.constant 112 : index
        %swap3A_1309 = tpu.vector_load %arg10[%swap3A_1307, %swap3A_1308] {strides = array<i32>} : memref<128x128xf32, #tpu.memory_space<vmem>>, vector<1x16xf32>,
        %swap3A_1310 = vector.shape_cast %swap3A_1309 : vector<1x16xf32> to vector<16xf32>
        %swap3A_1311 = vector.shape_cast %mul3A_1306 : vector<16xf32> to vector<1x16xf32>
        tpu.vector_store %arg10[%swap3A_1307, %swap3A_1308], %swap3A_1311 {strides = array<i32>} : memref<128x128xf32, #tpu.memory_space<vmem>>, vector<1x16xf32>,
        %broadcast_in_dim3A_1312 = arith.constant 13 : i32
        %broadcast_in_dim3A_1313 = vector.broadcast %broadcast_in_dim3A_1312 : i32 to vector<16xi32>
        %lt3A_1314 = arith.constant 0 : i32
        %lt3A_1315 = vector.broadcast %lt3A_1314 : i32 to vector<16xi32>
        %lt3A_1316 = arith.cmpi slt, %broadcast_in_dim3A_1313, %lt3A_1315 : vector<16xi32>
        %add3A_1317 = arith.constant 16 : i32
        %add3A_1318 = vector.broadcast %add3A_1317 : i32 to vector<16xi32>
        %add3A_1319 = arith.addi %broadcast_in_dim3A_1313, %add3A_1318 : vector<16xi32>
        %select_n3A_1320 = arith.select %lt3A_1316, %add3A_1319, %broadcast_in_dim3A_1313 : vector<16xi1>, vector<16xi32>
        %broadcast_in_dim3A_1321 = vector.shape_cast %select_n3A_1320 : vector<16xi32> to vector<16x1xi32>
        %gather3A_1322 = vector.shape_cast %broadcast_in_dim3A_1321 : vector<16x1xi32> to vector<16xi32>
        %gather3A_1323 = tpu.dynamic_gather %get3A_67[%gather3A_1322] in [0] : vector<16xf32>, vector<16xi32> -> vector<16xf32>
        %mul3A_1324 = arith.constant 16 : i32
        %mul3A_1325 = arith.muli %scan3A_63, %mul3A_1324 : i32
        %add3A_1326 = arith.constant 13 : i32
        %add3A_1327 = arith.addi %mul3A_1325, %add3A_1326 : i32
        %get3A_1328 = arith.index_cast %add3A_1327 : i32 to index
        %get3A_1329 = arith.constant 0 : index
        %get3A_1330 = tpu.vector_load %arg10[%get3A_1328, %get3A_1329] {strides = array<i32>} : memref<128x128xf32, #tpu.memory_space<vmem>>, vector<1x16xf32>,
        %get3A_1331 = vector.shape_cast %get3A_1330 : vector<1x16xf32> to vector<16xf32>
        %mul3A_1332 = arith.mulf %get3A_1331, %gather3A_1323 : vector<16xf32>
        %swap3A_1333 = arith.index_cast %add3A_1327 : i32 to index
        %swap3A_1334 = arith.constant 0 : index
        %swap3A_1335 = tpu.vector_load %arg10[%swap3A_1333, %swap3A_1334] {strides = array<i32>} : memref<128x128xf32, #tpu.memory_space<vmem>>, vector<1x16xf32>,
        %swap3A_1336 = vector.shape_cast %swap3A_1335 : vector<1x16xf32> to vector<16xf32>
        %swap3A_1337 = vector.shape_cast %mul3A_1332 : vector<16xf32> to vector<1x16xf32>
        tpu.vector_store %arg10[%swap3A_1333, %swap3A_1334], %swap3A_1337 {strides = array<i32>} : memref<128x128xf32, #tpu.memory_space<vmem>>, vector<1x16xf32>,
        %get3A_1338 = arith.index_cast %add3A_1327 : i32 to index
        %get3A_1339 = arith.constant 16 : index
        %get3A_1340 = tpu.vector_load %arg10[%get3A_1338, %get3A_1339] {strides = array<i32>} : memref<128x128xf32, #tpu.memory_space<vmem>>, vector<1x16xf32>,
        %get3A_1341 = vector.shape_cast %get3A_1340 : vector<1x16xf32> to vector<16xf32>
        %mul3A_1342 = arith.mulf %get3A_1341, %gather3A_1323 : vector<16xf32>
        %swap3A_1343 = arith.index_cast %add3A_1327 : i32 to index
        %swap3A_1344 = arith.constant 16 : index
        %swap3A_1345 = tpu.vector_load %arg10[%swap3A_1343, %swap3A_1344] {strides = array<i32>} : memref<128x128xf32, #tpu.memory_space<vmem>>, vector<1x16xf32>,
        %swap3A_1346 = vector.shape_cast %swap3A_1345 : vector<1x16xf32> to vector<16xf32>
        %swap3A_1347 = vector.shape_cast %mul3A_1342 : vector<16xf32> to vector<1x16xf32>
        tpu.vector_store %arg10[%swap3A_1343, %swap3A_1344], %swap3A_1347 {strides = array<i32>} : memref<128x128xf32, #tpu.memory_space<vmem>>, vector<1x16xf32>,
        %get3A_1348 = arith.index_cast %add3A_1327 : i32 to index
        %get3A_1349 = arith.constant 32 : index
        %get3A_1350 = tpu.vector_load %arg10[%get3A_1348, %get3A_1349] {strides = array<i32>} : memref<128x128xf32, #tpu.memory_space<vmem>>, vector<1x16xf32>,
        %get3A_1351 = vector.shape_cast %get3A_1350 : vector<1x16xf32> to vector<16xf32>
        %mul3A_1352 = arith.mulf %get3A_1351, %gather3A_1323 : vector<16xf32>
        %swap3A_1353 = arith.index_cast %add3A_1327 : i32 to index
        %swap3A_1354 = arith.constant 32 : index
        %swap3A_1355 = tpu.vector_load %arg10[%swap3A_1353, %swap3A_1354] {strides = array<i32>} : memref<128x128xf32, #tpu.memory_space<vmem>>, vector<1x16xf32>,
        %swap3A_1356 = vector.shape_cast %swap3A_1355 : vector<1x16xf32> to vector<16xf32>
        %swap3A_1357 = vector.shape_cast %mul3A_1352 : vector<16xf32> to vector<1x16xf32>
        tpu.vector_store %arg10[%swap3A_1353, %swap3A_1354], %swap3A_1357 {strides = array<i32>} : memref<128x128xf32, #tpu.memory_space<vmem>>, vector<1x16xf32>,
        %get3A_1358 = arith.index_cast %add3A_1327 : i32 to index
        %get3A_1359 = arith.constant 48 : index
        %get3A_1360 = tpu.vector_load %arg10[%get3A_1358, %get3A_1359] {strides = array<i32>} : memref<128x128xf32, #tpu.memory_space<vmem>>, vector<1x16xf32>,
        %get3A_1361 = vector.shape_cast %get3A_1360 : vector<1x16xf32> to vector<16xf32>
        %mul3A_1362 = arith.mulf %get3A_1361, %gather3A_1323 : vector<16xf32>
        %swap3A_1363 = arith.index_cast %add3A_1327 : i32 to index
        %swap3A_1364 = arith.constant 48 : index
        %swap3A_1365 = tpu.vector_load %arg10[%swap3A_1363, %swap3A_1364] {strides = array<i32>} : memref<128x128xf32, #tpu.memory_space<vmem>>, vector<1x16xf32>,
        %swap3A_1366 = vector.shape_cast %swap3A_1365 : vector<1x16xf32> to vector<16xf32>
        %swap3A_1367 = vector.shape_cast %mul3A_1362 : vector<16xf32> to vector<1x16xf32>
        tpu.vector_store %arg10[%swap3A_1363, %swap3A_1364], %swap3A_1367 {strides = array<i32>} : memref<128x128xf32, #tpu.memory_space<vmem>>, vector<1x16xf32>,
        %get3A_1368 = arith.index_cast %add3A_1327 : i32 to index
        %get3A_1369 = arith.constant 64 : index
        %get3A_1370 = tpu.vector_load %arg10[%get3A_1368, %get3A_1369] {strides = array<i32>} : memref<128x128xf32, #tpu.memory_space<vmem>>, vector<1x16xf32>,
        %get3A_1371 = vector.shape_cast %get3A_1370 : vector<1x16xf32> to vector<16xf32>
        %mul3A_1372 = arith.mulf %get3A_1371, %gather3A_1323 : vector<16xf32>
        %swap3A_1373 = arith.index_cast %add3A_1327 : i32 to index
        %swap3A_1374 = arith.constant 64 : index
        %swap3A_1375 = tpu.vector_load %arg10[%swap3A_1373, %swap3A_1374] {strides = array<i32>} : memref<128x128xf32, #tpu.memory_space<vmem>>, vector<1x16xf32>,
        %swap3A_1376 = vector.shape_cast %swap3A_1375 : vector<1x16xf32> to vector<16xf32>
        %swap3A_1377 = vector.shape_cast %mul3A_1372 : vector<16xf32> to vector<1x16xf32>
        tpu.vector_store %arg10[%swap3A_1373, %swap3A_1374], %swap3A_1377 {strides = array<i32>} : memref<128x128xf32, #tpu.memory_space<vmem>>, vector<1x16xf32>,
        %get3A_1378 = arith.index_cast %add3A_1327 : i32 to index
        %get3A_1379 = arith.constant 80 : index
        %get3A_1380 = tpu.vector_load %arg10[%get3A_1378, %get3A_1379] {strides = array<i32>} : memref<128x128xf32, #tpu.memory_space<vmem>>, vector<1x16xf32>,
        %get3A_1381 = vector.shape_cast %get3A_1380 : vector<1x16xf32> to vector<16xf32>
        %mul3A_1382 = arith.mulf %get3A_1381, %gather3A_1323 : vector<16xf32>
        %swap3A_1383 = arith.index_cast %add3A_1327 : i32 to index
        %swap3A_1384 = arith.constant 80 : index
        %swap3A_1385 = tpu.vector_load %arg10[%swap3A_1383, %swap3A_1384] {strides = array<i32>} : memref<128x128xf32, #tpu.memory_space<vmem>>, vector<1x16xf32>,
        %swap3A_1386 = vector.shape_cast %swap3A_1385 : vector<1x16xf32> to vector<16xf32>
        %swap3A_1387 = vector.shape_cast %mul3A_1382 : vector<16xf32> to vector<1x16xf32>
        tpu.vector_store %arg10[%swap3A_1383, %swap3A_1384], %swap3A_1387 {strides = array<i32>} : memref<128x128xf32, #tpu.memory_space<vmem>>, vector<1x16xf32>,
        %get3A_1388 = arith.index_cast %add3A_1327 : i32 to index
        %get3A_1389 = arith.constant 96 : index
        %get3A_1390 = tpu.vector_load %arg10[%get3A_1388, %get3A_1389] {strides = array<i32>} : memref<128x128xf32, #tpu.memory_space<vmem>>, vector<1x16xf32>,
        %get3A_1391 = vector.shape_cast %get3A_1390 : vector<1x16xf32> to vector<16xf32>
        %mul3A_1392 = arith.mulf %get3A_1391, %gather3A_1323 : vector<16xf32>
        %swap3A_1393 = arith.index_cast %add3A_1327 : i32 to index
        %swap3A_1394 = arith.constant 96 : index
        %swap3A_1395 = tpu.vector_load %arg10[%swap3A_1393, %swap3A_1394] {strides = array<i32>} : memref<128x128xf32, #tpu.memory_space<vmem>>, vector<1x16xf32>,
        %swap3A_1396 = vector.shape_cast %swap3A_1395 : vector<1x16xf32> to vector<16xf32>
        %swap3A_1397 = vector.shape_cast %mul3A_1392 : vector<16xf32> to vector<1x16xf32>
        tpu.vector_store %arg10[%swap3A_1393, %swap3A_1394], %swap3A_1397 {strides = array<i32>} : memref<128x128xf32, #tpu.memory_space<vmem>>, vector<1x16xf32>,
        %get3A_1398 = arith.index_cast %add3A_1327 : i32 to index
        %get3A_1399 = arith.constant 112 : index
        %get3A_1400 = tpu.vector_load %arg10[%get3A_1398, %get3A_1399] {strides = array<i32>} : memref<128x128xf32, #tpu.memory_space<vmem>>, vector<1x16xf32>,
        %get3A_1401 = vector.shape_cast %get3A_1400 : vector<1x16xf32> to vector<16xf32>
        %mul3A_1402 = arith.mulf %get3A_1401, %gather3A_1323 : vector<16xf32>
        %swap3A_1403 = arith.index_cast %add3A_1327 : i32 to index
        %swap3A_1404 = arith.constant 112 : index
        %swap3A_1405 = tpu.vector_load %arg10[%swap3A_1403, %swap3A_1404] {strides = array<i32>} : memref<128x128xf32, #tpu.memory_space<vmem>>, vector<1x16xf32>,
        %swap3A_1406 = vector.shape_cast %swap3A_1405 : vector<1x16xf32> to vector<16xf32>
        %swap3A_1407 = vector.shape_cast %mul3A_1402 : vector<16xf32> to vector<1x16xf32>
        tpu.vector_store %arg10[%swap3A_1403, %swap3A_1404], %swap3A_1407 {strides = array<i32>} : memref<128x128xf32, #tpu.memory_space<vmem>>, vector<1x16xf32>,
        %broadcast_in_dim3A_1408 = arith.constant 14 : i32
        %broadcast_in_dim3A_1409 = vector.broadcast %broadcast_in_dim3A_1408 : i32 to vector<16xi32>
        %lt3A_1410 = arith.constant 0 : i32
        %lt3A_1411 = vector.broadcast %lt3A_1410 : i32 to vector<16xi32>
        %lt3A_1412 = arith.cmpi slt, %broadcast_in_dim3A_1409, %lt3A_1411 : vector<16xi32>
        %add3A_1413 = arith.constant 16 : i32
        %add3A_1414 = vector.broadcast %add3A_1413 : i32 to vector<16xi32>
        %add3A_1415 = arith.addi %broadcast_in_dim3A_1409, %add3A_1414 : vector<16xi32>
        %select_n3A_1416 = arith.select %lt3A_1412, %add3A_1415, %broadcast_in_dim3A_1409 : vector<16xi1>, vector<16xi32>
        %broadcast_in_dim3A_1417 = vector.shape_cast %select_n3A_1416 : vector<16xi32> to vector<16x1xi32>
        %gather3A_1418 = vector.shape_cast %broadcast_in_dim3A_1417 : vector<16x1xi32> to vector<16xi32>
        %gather3A_1419 = tpu.dynamic_gather %get3A_67[%gather3A_1418] in [0] : vector<16xf32>, vector<16xi32> -> vector<16xf32>
        %mul3A_1420 = arith.constant 16 : i32
        %mul3A_1421 = arith.muli %scan3A_63, %mul3A_1420 : i32
        %add3A_1422 = arith.constant 14 : i32
        %add3A_1423 = arith.addi %mul3A_1421, %add3A_1422 : i32
        %get3A_1424 = arith.index_cast %add3A_1423 : i32 to index
        %get3A_1425 = arith.constant 0 : index
        %get3A_1426 = tpu.vector_load %arg10[%get3A_1424, %get3A_1425] {strides = array<i32>} : memref<128x128xf32, #tpu.memory_space<vmem>>, vector<1x16xf32>,
        %get3A_1427 = vector.shape_cast %get3A_1426 : vector<1x16xf32> to vector<16xf32>
        %mul3A_1428 = arith.mulf %get3A_1427, %gather3A_1419 : vector<16xf32>
        %swap3A_1429 = arith.index_cast %add3A_1423 : i32 to index
        %swap3A_1430 = arith.constant 0 : index
        %swap3A_1431 = tpu.vector_load %arg10[%swap3A_1429, %swap3A_1430] {strides = array<i32>} : memref<128x128xf32, #tpu.memory_space<vmem>>, vector<1x16xf32>,
        %swap3A_1432 = vector.shape_cast %swap3A_1431 : vector<1x16xf32> to vector<16xf32>
        %swap3A_1433 = vector.shape_cast %mul3A_1428 : vector<16xf32> to vector<1x16xf32>
        tpu.vector_store %arg10[%swap3A_1429, %swap3A_1430], %swap3A_1433 {strides = array<i32>} : memref<128x128xf32, #tpu.memory_space<vmem>>, vector<1x16xf32>,
        %get3A_1434 = arith.index_cast %add3A_1423 : i32 to index
        %get3A_1435 = arith.constant 16 : index
        %get3A_1436 = tpu.vector_load %arg10[%get3A_1434, %get3A_1435] {strides = array<i32>} : memref<128x128xf32, #tpu.memory_space<vmem>>, vector<1x16xf32>,
        %get3A_1437 = vector.shape_cast %get3A_1436 : vector<1x16xf32> to vector<16xf32>
        %mul3A_1438 = arith.mulf %get3A_1437, %gather3A_1419 : vector<16xf32>
        %swap3A_1439 = arith.index_cast %add3A_1423 : i32 to index
        %swap3A_1440 = arith.constant 16 : index
        %swap3A_1441 = tpu.vector_load %arg10[%swap3A_1439, %swap3A_1440] {strides = array<i32>} : memref<128x128xf32, #tpu.memory_space<vmem>>, vector<1x16xf32>,
        %swap3A_1442 = vector.shape_cast %swap3A_1441 : vector<1x16xf32> to vector<16xf32>
        %swap3A_1443 = vector.shape_cast %mul3A_1438 : vector<16xf32> to vector<1x16xf32>
        tpu.vector_store %arg10[%swap3A_1439, %swap3A_1440], %swap3A_1443 {strides = array<i32>} : memref<128x128xf32, #tpu.memory_space<vmem>>, vector<1x16xf32>,
        %get3A_1444 = arith.index_cast %add3A_1423 : i32 to index
        %get3A_1445 = arith.constant 32 : index
        %get3A_1446 = tpu.vector_load %arg10[%get3A_1444, %get3A_1445] {strides = array<i32>} : memref<128x128xf32, #tpu.memory_space<vmem>>, vector<1x16xf32>,
        %get3A_1447 = vector.shape_cast %get3A_1446 : vector<1x16xf32> to vector<16xf32>
        %mul3A_1448 = arith.mulf %get3A_1447, %gather3A_1419 : vector<16xf32>
        %swap3A_1449 = arith.index_cast %add3A_1423 : i32 to index
        %swap3A_1450 = arith.constant 32 : index
        %swap3A_1451 = tpu.vector_load %arg10[%swap3A_1449, %swap3A_1450] {strides = array<i32>} : memref<128x128xf32, #tpu.memory_space<vmem>>, vector<1x16xf32>,
        %swap3A_1452 = vector.shape_cast %swap3A_1451 : vector<1x16xf32> to vector<16xf32>
        %swap3A_1453 = vector.shape_cast %mul3A_1448 : vector<16xf32> to vector<1x16xf32>
        tpu.vector_store %arg10[%swap3A_1449, %swap3A_1450], %swap3A_1453 {strides = array<i32>} : memref<128x128xf32, #tpu.memory_space<vmem>>, vector<1x16xf32>,
        %get3A_1454 = arith.index_cast %add3A_1423 : i32 to index
        %get3A_1455 = arith.constant 48 : index
        %get3A_1456 = tpu.vector_load %arg10[%get3A_1454, %get3A_1455] {strides = array<i32>} : memref<128x128xf32, #tpu.memory_space<vmem>>, vector<1x16xf32>,
        %get3A_1457 = vector.shape_cast %get3A_1456 : vector<1x16xf32> to vector<16xf32>
        %mul3A_1458 = arith.mulf %get3A_1457, %gather3A_1419 : vector<16xf32>
        %swap3A_1459 = arith.index_cast %add3A_1423 : i32 to index
        %swap3A_1460 = arith.constant 48 : index
        %swap3A_1461 = tpu.vector_load %arg10[%swap3A_1459, %swap3A_1460] {strides = array<i32>} : memref<128x128xf32, #tpu.memory_space<vmem>>, vector<1x16xf32>,
        %swap3A_1462 = vector.shape_cast %swap3A_1461 : vector<1x16xf32> to vector<16xf32>
        %swap3A_1463 = vector.shape_cast %mul3A_1458 : vector<16xf32> to vector<1x16xf32>
        tpu.vector_store %arg10[%swap3A_1459, %swap3A_1460], %swap3A_1463 {strides = array<i32>} : memref<128x128xf32, #tpu.memory_space<vmem>>, vector<1x16xf32>,
        %get3A_1464 = arith.index_cast %add3A_1423 : i32 to index
        %get3A_1465 = arith.constant 64 : index
        %get3A_1466 = tpu.vector_load %arg10[%get3A_1464, %get3A_1465] {strides = array<i32>} : memref<128x128xf32, #tpu.memory_space<vmem>>, vector<1x16xf32>,
        %get3A_1467 = vector.shape_cast %get3A_1466 : vector<1x16xf32> to vector<16xf32>
        %mul3A_1468 = arith.mulf %get3A_1467, %gather3A_1419 : vector<16xf32>
        %swap3A_1469 = arith.index_cast %add3A_1423 : i32 to index
        %swap3A_1470 = arith.constant 64 : index
        %swap3A_1471 = tpu.vector_load %arg10[%swap3A_1469, %swap3A_1470] {strides = array<i32>} : memref<128x128xf32, #tpu.memory_space<vmem>>, vector<1x16xf32>,
        %swap3A_1472 = vector.shape_cast %swap3A_1471 : vector<1x16xf32> to vector<16xf32>
        %swap3A_1473 = vector.shape_cast %mul3A_1468 : vector<16xf32> to vector<1x16xf32>
        tpu.vector_store %arg10[%swap3A_1469, %swap3A_1470], %swap3A_1473 {strides = array<i32>} : memref<128x128xf32, #tpu.memory_space<vmem>>, vector<1x16xf32>,
        %get3A_1474 = arith.index_cast %add3A_1423 : i32 to index
        %get3A_1475 = arith.constant 80 : index
        %get3A_1476 = tpu.vector_load %arg10[%get3A_1474, %get3A_1475] {strides = array<i32>} : memref<128x128xf32, #tpu.memory_space<vmem>>, vector<1x16xf32>,
        %get3A_1477 = vector.shape_cast %get3A_1476 : vector<1x16xf32> to vector<16xf32>
        %mul3A_1478 = arith.mulf %get3A_1477, %gather3A_1419 : vector<16xf32>
        %swap3A_1479 = arith.index_cast %add3A_1423 : i32 to index
        %swap3A_1480 = arith.constant 80 : index
        %swap3A_1481 = tpu.vector_load %arg10[%swap3A_1479, %swap3A_1480] {strides = array<i32>} : memref<128x128xf32, #tpu.memory_space<vmem>>, vector<1x16xf32>,
        %swap3A_1482 = vector.shape_cast %swap3A_1481 : vector<1x16xf32> to vector<16xf32>
        %swap3A_1483 = vector.shape_cast %mul3A_1478 : vector<16xf32> to vector<1x16xf32>
        tpu.vector_store %arg10[%swap3A_1479, %swap3A_1480], %swap3A_1483 {strides = array<i32>} : memref<128x128xf32, #tpu.memory_space<vmem>>, vector<1x16xf32>,
        %get3A_1484 = arith.index_cast %add3A_1423 : i32 to index
        %get3A_1485 = arith.constant 96 : index
        %get3A_1486 = tpu.vector_load %arg10[%get3A_1484, %get3A_1485] {strides = array<i32>} : memref<128x128xf32, #tpu.memory_space<vmem>>, vector<1x16xf32>,
        %get3A_1487 = vector.shape_cast %get3A_1486 : vector<1x16xf32> to vector<16xf32>
        %mul3A_1488 = arith.mulf %get3A_1487, %gather3A_1419 : vector<16xf32>
        %swap3A_1489 = arith.index_cast %add3A_1423 : i32 to index
        %swap3A_1490 = arith.constant 96 : index
        %swap3A_1491 = tpu.vector_load %arg10[%swap3A_1489, %swap3A_1490] {strides = array<i32>} : memref<128x128xf32, #tpu.memory_space<vmem>>, vector<1x16xf32>,
        %swap3A_1492 = vector.shape_cast %swap3A_1491 : vector<1x16xf32> to vector<16xf32>
        %swap3A_1493 = vector.shape_cast %mul3A_1488 : vector<16xf32> to vector<1x16xf32>
        tpu.vector_store %arg10[%swap3A_1489, %swap3A_1490], %swap3A_1493 {strides = array<i32>} : memref<128x128xf32, #tpu.memory_space<vmem>>, vector<1x16xf32>,
        %get3A_1494 = arith.index_cast %add3A_1423 : i32 to index
        %get3A_1495 = arith.constant 112 : index
        %get3A_1496 = tpu.vector_load %arg10[%get3A_1494, %get3A_1495] {strides = array<i32>} : memref<128x128xf32, #tpu.memory_space<vmem>>, vector<1x16xf32>,
        %get3A_1497 = vector.shape_cast %get3A_1496 : vector<1x16xf32> to vector<16xf32>
        %mul3A_1498 = arith.mulf %get3A_1497, %gather3A_1419 : vector<16xf32>
        %swap3A_1499 = arith.index_cast %add3A_1423 : i32 to index
        %swap3A_1500 = arith.constant 112 : index
        %swap3A_1501 = tpu.vector_load %arg10[%swap3A_1499, %swap3A_1500] {strides = array<i32>} : memref<128x128xf32, #tpu.memory_space<vmem>>, vector<1x16xf32>,
        %swap3A_1502 = vector.shape_cast %swap3A_1501 : vector<1x16xf32> to vector<16xf32>
        %swap3A_1503 = vector.shape_cast %mul3A_1498 : vector<16xf32> to vector<1x16xf32>
        tpu.vector_store %arg10[%swap3A_1499, %swap3A_1500], %swap3A_1503 {strides = array<i32>} : memref<128x128xf32, #tpu.memory_space<vmem>>, vector<1x16xf32>,
        %broadcast_in_dim3A_1504 = arith.constant 15 : i32
        %broadcast_in_dim3A_1505 = vector.broadcast %broadcast_in_dim3A_1504 : i32 to vector<16xi32>
        %lt3A_1506 = arith.constant 0 : i32
        %lt3A_1507 = vector.broadcast %lt3A_1506 : i32 to vector<16xi32>
        %lt3A_1508 = arith.cmpi slt, %broadcast_in_dim3A_1505, %lt3A_1507 : vector<16xi32>
        %add3A_1509 = arith.constant 16 : i32
        %add3A_1510 = vector.broadcast %add3A_1509 : i32 to vector<16xi32>
        %add3A_1511 = arith.addi %broadcast_in_dim3A_1505, %add3A_1510 : vector<16xi32>
        %select_n3A_1512 = arith.select %lt3A_1508, %add3A_1511, %broadcast_in_dim3A_1505 : vector<16xi1>, vector<16xi32>
        %broadcast_in_dim3A_1513 = vector.shape_cast %select_n3A_1512 : vector<16xi32> to vector<16x1xi32>
        %gather3A_1514 = vector.shape_cast %broadcast_in_dim3A_1513 : vector<16x1xi32> to vector<16xi32>
        %gather3A_1515 = tpu.dynamic_gather %get3A_67[%gather3A_1514] in [0] : vector<16xf32>, vector<16xi32> -> vector<16xf32>
        %mul3A_1516 = arith.constant 16 : i32
        %mul3A_1517 = arith.muli %scan3A_63, %mul3A_1516 : i32
        %add3A_1518 = arith.constant 15 : i32
        %add3A_1519 = arith.addi %mul3A_1517, %add3A_1518 : i32
        %get3A_1520 = arith.index_cast %add3A_1519 : i32 to index
        %get3A_1521 = arith.constant 0 : index
        %get3A_1522 = tpu.vector_load %arg10[%get3A_1520, %get3A_1521] {strides = array<i32>} : memref<128x128xf32, #tpu.memory_space<vmem>>, vector<1x16xf32>,
        %get3A_1523 = vector.shape_cast %get3A_1522 : vector<1x16xf32> to vector<16xf32>
        %mul3A_1524 = arith.mulf %get3A_1523, %gather3A_1515 : vector<16xf32>
        %swap3A_1525 = arith.index_cast %add3A_1519 : i32 to index
        %swap3A_1526 = arith.constant 0 : index
        %swap3A_1527 = tpu.vector_load %arg10[%swap3A_1525, %swap3A_1526] {strides = array<i32>} : memref<128x128xf32, #tpu.memory_space<vmem>>, vector<1x16xf32>,
        %swap3A_1528 = vector.shape_cast %swap3A_1527 : vector<1x16xf32> to vector<16xf32>
        %swap3A_1529 = vector.shape_cast %mul3A_1524 : vector<16xf32> to vector<1x16xf32>
        tpu.vector_store %arg10[%swap3A_1525, %swap3A_1526], %swap3A_1529 {strides = array<i32>} : memref<128x128xf32, #tpu.memory_space<vmem>>, vector<1x16xf32>,
        %get3A_1530 = arith.index_cast %add3A_1519 : i32 to index
        %get3A_1531 = arith.constant 16 : index
        %get3A_1532 = tpu.vector_load %arg10[%get3A_1530, %get3A_1531] {strides = array<i32>} : memref<128x128xf32, #tpu.memory_space<vmem>>, vector<1x16xf32>,
        %get3A_1533 = vector.shape_cast %get3A_1532 : vector<1x16xf32> to vector<16xf32>
        %mul3A_1534 = arith.mulf %get3A_1533, %gather3A_1515 : vector<16xf32>
        %swap3A_1535 = arith.index_cast %add3A_1519 : i32 to index
        %swap3A_1536 = arith.constant 16 : index
        %swap3A_1537 = tpu.vector_load %arg10[%swap3A_1535, %swap3A_1536] {strides = array<i32>} : memref<128x128xf32, #tpu.memory_space<vmem>>, vector<1x16xf32>,
        %swap3A_1538 = vector.shape_cast %swap3A_1537 : vector<1x16xf32> to vector<16xf32>
        %swap3A_1539 = vector.shape_cast %mul3A_1534 : vector<16xf32> to vector<1x16xf32>
        tpu.vector_store %arg10[%swap3A_1535, %swap3A_1536], %swap3A_1539 {strides = array<i32>} : memref<128x128xf32, #tpu.memory_space<vmem>>, vector<1x16xf32>,
        %get3A_1540 = arith.index_cast %add3A_1519 : i32 to index
        %get3A_1541 = arith.constant 32 : index
        %get3A_1542 = tpu.vector_load %arg10[%get3A_1540, %get3A_1541] {strides = array<i32>} : memref<128x128xf32, #tpu.memory_space<vmem>>, vector<1x16xf32>,
        %get3A_1543 = vector.shape_cast %get3A_1542 : vector<1x16xf32> to vector<16xf32>
        %mul3A_1544 = arith.mulf %get3A_1543, %gather3A_1515 : vector<16xf32>
        %swap3A_1545 = arith.index_cast %add3A_1519 : i32 to index
        %swap3A_1546 = arith.constant 32 : index
        %swap3A_1547 = tpu.vector_load %arg10[%swap3A_1545, %swap3A_1546] {strides = array<i32>} : memref<128x128xf32, #tpu.memory_space<vmem>>, vector<1x16xf32>,
        %swap3A_1548 = vector.shape_cast %swap3A_1547 : vector<1x16xf32> to vector<16xf32>
        %swap3A_1549 = vector.shape_cast %mul3A_1544 : vector<16xf32> to vector<1x16xf32>
        tpu.vector_store %arg10[%swap3A_1545, %swap3A_1546], %swap3A_1549 {strides = array<i32>} : memref<128x128xf32, #tpu.memory_space<vmem>>, vector<1x16xf32>,
        %get3A_1550 = arith.index_cast %add3A_1519 : i32 to index
        %get3A_1551 = arith.constant 48 : index
        %get3A_1552 = tpu.vector_load %arg10[%get3A_1550, %get3A_1551] {strides = array<i32>} : memref<128x128xf32, #tpu.memory_space<vmem>>, vector<1x16xf32>,
        %get3A_1553 = vector.shape_cast %get3A_1552 : vector<1x16xf32> to vector<16xf32>
        %mul3A_1554 = arith.mulf %get3A_1553, %gather3A_1515 : vector<16xf32>
        %swap3A_1555 = arith.index_cast %add3A_1519 : i32 to index
        %swap3A_1556 = arith.constant 48 : index
        %swap3A_1557 = tpu.vector_load %arg10[%swap3A_1555, %swap3A_1556] {strides = array<i32>} : memref<128x128xf32, #tpu.memory_space<vmem>>, vector<1x16xf32>,
        %swap3A_1558 = vector.shape_cast %swap3A_1557 : vector<1x16xf32> to vector<16xf32>
        %swap3A_1559 = vector.shape_cast %mul3A_1554 : vector<16xf32> to vector<1x16xf32>
        tpu.vector_store %arg10[%swap3A_1555, %swap3A_1556], %swap3A_1559 {strides = array<i32>} : memref<128x128xf32, #tpu.memory_space<vmem>>, vector<1x16xf32>,
        %get3A_1560 = arith.index_cast %add3A_1519 : i32 to index
        %get3A_1561 = arith.constant 64 : index
        %get3A_1562 = tpu.vector_load %arg10[%get3A_1560, %get3A_1561] {strides = array<i32>} : memref<128x128xf32, #tpu.memory_space<vmem>>, vector<1x16xf32>,
        %get3A_1563 = vector.shape_cast %get3A_1562 : vector<1x16xf32> to vector<16xf32>
        %mul3A_1564 = arith.mulf %get3A_1563, %gather3A_1515 : vector<16xf32>
        %swap3A_1565 = arith.index_cast %add3A_1519 : i32 to index
        %swap3A_1566 = arith.constant 64 : index
        %swap3A_1567 = tpu.vector_load %arg10[%swap3A_1565, %swap3A_1566] {strides = array<i32>} : memref<128x128xf32, #tpu.memory_space<vmem>>, vector<1x16xf32>,
        %swap3A_1568 = vector.shape_cast %swap3A_1567 : vector<1x16xf32> to vector<16xf32>
        %swap3A_1569 = vector.shape_cast %mul3A_1564 : vector<16xf32> to vector<1x16xf32>
        tpu.vector_store %arg10[%swap3A_1565, %swap3A_1566], %swap3A_1569 {strides = array<i32>} : memref<128x128xf32, #tpu.memory_space<vmem>>, vector<1x16xf32>,
        %get3A_1570 = arith.index_cast %add3A_1519 : i32 to index
        %get3A_1571 = arith.constant 80 : index
        %get3A_1572 = tpu.vector_load %arg10[%get3A_1570, %get3A_1571] {strides = array<i32>} : memref<128x128xf32, #tpu.memory_space<vmem>>, vector<1x16xf32>,
        %get3A_1573 = vector.shape_cast %get3A_1572 : vector<1x16xf32> to vector<16xf32>
        %mul3A_1574 = arith.mulf %get3A_1573, %gather3A_1515 : vector<16xf32>
        %swap3A_1575 = arith.index_cast %add3A_1519 : i32 to index
        %swap3A_1576 = arith.constant 80 : index
        %swap3A_1577 = tpu.vector_load %arg10[%swap3A_1575, %swap3A_1576] {strides = array<i32>} : memref<128x128xf32, #tpu.memory_space<vmem>>, vector<1x16xf32>,
        %swap3A_1578 = vector.shape_cast %swap3A_1577 : vector<1x16xf32> to vector<16xf32>
        %swap3A_1579 = vector.shape_cast %mul3A_1574 : vector<16xf32> to vector<1x16xf32>
        tpu.vector_store %arg10[%swap3A_1575, %swap3A_1576], %swap3A_1579 {strides = array<i32>} : memref<128x128xf32, #tpu.memory_space<vmem>>, vector<1x16xf32>,
        %get3A_1580 = arith.index_cast %add3A_1519 : i32 to index
        %get3A_1581 = arith.constant 96 : index
        %get3A_1582 = tpu.vector_load %arg10[%get3A_1580, %get3A_1581] {strides = array<i32>} : memref<128x128xf32, #tpu.memory_space<vmem>>, vector<1x16xf32>,
        %get3A_1583 = vector.shape_cast %get3A_1582 : vector<1x16xf32> to vector<16xf32>
        %mul3A_1584 = arith.mulf %get3A_1583, %gather3A_1515 : vector<16xf32>
        %swap3A_1585 = arith.index_cast %add3A_1519 : i32 to index
        %swap3A_1586 = arith.constant 96 : index
        %swap3A_1587 = tpu.vector_load %arg10[%swap3A_1585, %swap3A_1586] {strides = array<i32>} : memref<128x128xf32, #tpu.memory_space<vmem>>, vector<1x16xf32>,
        %swap3A_1588 = vector.shape_cast %swap3A_1587 : vector<1x16xf32> to vector<16xf32>
        %swap3A_1589 = vector.shape_cast %mul3A_1584 : vector<16xf32> to vector<1x16xf32>
        tpu.vector_store %arg10[%swap3A_1585, %swap3A_1586], %swap3A_1589 {strides = array<i32>} : memref<128x128xf32, #tpu.memory_space<vmem>>, vector<1x16xf32>,
        %get3A_1590 = arith.index_cast %add3A_1519 : i32 to index
        %get3A_1591 = arith.constant 112 : index
        %get3A_1592 = tpu.vector_load %arg10[%get3A_1590, %get3A_1591] {strides = array<i32>} : memref<128x128xf32, #tpu.memory_space<vmem>>, vector<1x16xf32>,
        %get3A_1593 = vector.shape_cast %get3A_1592 : vector<1x16xf32> to vector<16xf32>
        %mul3A_1594 = arith.mulf %get3A_1593, %gather3A_1515 : vector<16xf32>
        %swap3A_1595 = arith.index_cast %add3A_1519 : i32 to index
        %swap3A_1596 = arith.constant 112 : index
        %swap3A_1597 = tpu.vector_load %arg10[%swap3A_1595, %swap3A_1596] {strides = array<i32>} : memref<128x128xf32, #tpu.memory_space<vmem>>, vector<1x16xf32>,
        %swap3A_1598 = vector.shape_cast %swap3A_1597 : vector<1x16xf32> to vector<16xf32>
        %swap3A_1599 = vector.shape_cast %mul3A_1594 : vector<16xf32> to vector<1x16xf32>
        tpu.vector_store %arg10[%swap3A_1595, %swap3A_1596], %swap3A_1599 {strides = array<i32>} : memref<128x128xf32, #tpu.memory_space<vmem>>, vector<1x16xf32>,
      }
      %scan3A_62 = arith.constant 8 : i32
      "tpu.region"() ({
        %run_scoped3A = tpu.sem_alloc : memref<!tpu.dma_semaphore, #tpu.memory_space<semaphore_mem>>
        %dma_start3A_63 = arith.constant 0 : i32
        %dma_start3A_64 = arith.constant 0 : i32
        %dma_start3A_65 = tpu.memref_slice %arg12[%dma_start3A_63, %dma_start3A_64] : memref<10240x128xf32, #tpu.memory_space<vmem_shared>> -> memref<10240x128xf32, #tpu.memory_space<vmem_shared>>
        tpu.enqueue_indirect_dma source(%arg10 : memref<128x128xf32, #tpu.memory_space<vmem>>) target(%dma_start3A_65 : memref<10240x128xf32, #tpu.memory_space<vmem_shared>>) offsets(%arg8 : memref<128xi32, #tpu.memory_space<vmem>>) semaphore(%run_scoped3A : memref<!tpu.dma_semaphore, #tpu.memory_space<semaphore_mem>>) {add = true}
        %dma_wait3A_66 = arith.constant 0 : i32
        %dma_wait3A_67 = arith.constant 0 : i32
        %dma_wait3A_68 = tpu.memref_slice %arg12[%dma_wait3A_66, %dma_wait3A_67] : memref<10240x128xf32, #tpu.memory_space<vmem_shared>> -> memref<10240x128xf32, #tpu.memory_space<vmem_shared>>
        tpu.wait_indirect_dma semaphore(%run_scoped3A : memref<!tpu.dma_semaphore, #tpu.memory_space<semaphore_mem>>) src(%arg10 : memref<128x128xf32, #tpu.memory_space<vmem>>) dst(%dma_wait3A_68 : memref<10240x128xf32, #tpu.memory_space<vmem_shared>>)
        tpu.yield
      }) : () -> ()
    }
    %barrier3A_47 = arith.constant 0 : index
    tpu.barrier barrier_id(%barrier3A_47)
    "tpu.region"() ({
      %run_scoped3A = tpu.sem_alloc : memref<!tpu.dma_semaphore, #tpu.memory_space<semaphore_mem>>
      %dma_start3A = arith.constant 0 : i32
      %dma_start3A_48 = tpu.memref_slice %arg6[%arg0, %mul3A_6, %dma_start3A] : memref<2x10240x128xf32, #tpu.memory_space<hbm>> -> memref<1x640x128xf32, #tpu.memory_space<hbm>>
      %dma_start3A_49 = tpu.memref_squeeze %dma_start3A_48 : memref<1x640x128xf32, #tpu.memory_space<hbm>> -> memref<640x128xf32, #tpu.memory_space<hbm>>
      %dma_start3A_50 = arith.constant 0 : i32
      %dma_start3A_51 = tpu.memref_slice %arg12[%mul3A_6, %dma_start3A_50] : memref<10240x128xf32, #tpu.memory_space<vmem_shared>> -> memref<640x128xf32, #tpu.memory_space<vmem_shared>>
      tpu.enqueue_dma source(%dma_start3A_51 : memref<640x128xf32, #tpu.memory_space<vmem_shared>>) target(%dma_start3A_49 : memref<640x128xf32, #tpu.memory_space<hbm>>) target_semaphore(%run_scoped3A : memref<!tpu.dma_semaphore, #tpu.memory_space<semaphore_mem>>)
      %dma_wait3A = arith.constant 0 : i32
      %dma_wait3A_52 = tpu.memref_slice %arg6[%arg0, %mul3A_6, %dma_wait3A] : memref<2x10240x128xf32, #tpu.memory_space<hbm>> -> memref<1x640x128xf32, #tpu.memory_space<hbm>>
      %dma_wait3A_53 = tpu.memref_squeeze %dma_wait3A_52 : memref<1x640x128xf32, #tpu.memory_space<hbm>> -> memref<640x128xf32, #tpu.memory_space<hbm>>
      %dma_wait3A_54 = arith.constant 0 : i32
      %dma_wait3A_55 = tpu.memref_slice %arg12[%mul3A_6, %dma_wait3A_54] : memref<10240x128xf32, #tpu.memory_space<vmem_shared>> -> memref<640x128xf32, #tpu.memory_space<vmem_shared>>
      tpu.wait_dma2 semaphore(%run_scoped3A : memref<!tpu.dma_semaphore, #tpu.memory_space<semaphore_mem>>) src(%dma_wait3A_55 : memref<640x128xf32, #tpu.memory_space<vmem_shared>>) dst(%dma_wait3A_53 : memref<640x128xf32, #tpu.memory_space<hbm>>)
      tpu.yield
    }) : () -> ()
    return
  }
}

</mosaic_0001>

<sc_bundles>
// kernel: _hop.3.cloned.1.call-start
scs
__scs_entry_jumppad:
0x0: {  	(pc) =	sbr.rel $0x88, $3  }
0x1: {  	(tag) =	ssettag $0x0;
	lr =	simm.s32 $0x1  }
0x2: {  	[smem:$0x3F9D] =	sst lr;
	_ =	strace $0xD0000000  }
0x3: {  	_ = 	snop  }
0x4: {  	_ = 	snop  }
0x5: {  	_ = 	snop  }
0x6: {  	_ = 	snop  }
0x7: {  	_ = 	snop  }
__scs_overlays_trampoline_lowered:
0x8: {  	[smem:$0x3FAC] =	sst s0  }
0x9: {  	[smem:$0x3FAD] =	sst s1  }
0xa: {  	[smem:$0x3FAE] =	sst s2  }
0xb: {  	[smem:$0x3FAF] =	sst s3  }
0xc: {  	[smem:$0x3FB0] =	sst s4  }
0xd: {  	[smem:$0x3FB1] =	sst s5  }
0xe: {  	[smem:$0x3FB2] =	sst s6  }
0xf: {  	[smem:$0x3FB3] =	sst s7  }
0x10: {  	[smem:$0x3FB4] =	sst s8  }
0x11: {  	[smem:$0x3FB5] =	sst s9;
	s0 =	simm.s32 @!p0 $0x0  }
0x12: {  	s1 =	sld [smem:$0x3F9B];
	s0 =	simm.s32 @p0 $0x1  }
0x13: {  	[smem:$0x3FB6] =	sst s0;
	s0 =	simm.s32 @!p1 $0x0  }
0x14: {  	s2 =	sld [smem:$0x3F9A];
	s0 =	simm.s32 @p1 $0x1  }
0x15: {  	[smem:$0x3FB7] =	sst s0;
	s0 =	simm.s32 @!p2 $0x0  }
0x16: {  	s3 =	sld [smem:$0x3FDB];
	s0 =	simm.s32 @p2 $0x1  }
0x17: {  	s4 =	simm.s32 $0x1BF5;
	[smem:$0x3FB9] =	sst s0  }
0x18: {  	s0 =	sld [smem:$0x3F9C];
	_ =	swait.ge [sflag:s4], $0x0  }
0x19: {  	s7 =	sld [smem:$0x3F9D]  }
0x1a: {  	s8 =	sadd.s32 $0xFFFFE003, lr  }
0x1b: {  	s9 =	sadd.s32 $0xFFFFFEF7, lr;
	s5 =	simm.s32 $0xFFFFFFFF;
	p2 =	slt.u32 s8, $0xFFFFF086  }
0x1c: {  	p1 =	slt.u32 s9, $0xF7A;
	s5 =	simm.s32 @!p2 $0x0  }
0x1d: {  	s5 =	simm.s32 @p1 $0x1;
	p0 =	seq.s32 s7, s2  }
0x1e: {  	s7 =	smul.u32 @!p0 $0xF7A, s2;
	p2 =	seq.s32 @!p0 s5, $0x0  }
0x1f: {  	s9 =	smul.u32 $0xF7A, s1;
	s8 =	simm.s32 @!p0 $0x1BF5;
	p2 =	por !p2, p0  }
0x20: {  	[sflag:s8] =	ssyncset.s32 @!p0 $0xFFFFF086;
	s6 =	sadd.s32 @!p0 s3, s7;
	s7 =	simm.s32 @!p0 $0x108  }
0x21: {  	s3 =	sadd.s32 s3, s9;
	s6 =	sadd.s32 @!p0 $0x88, s6;
	s7 =	simm.s32 @p2 $0x1082  }
0x22: {  	[simem:s7], [sflag:s8] =	dma.local @!p0 [hbm:s6], $0xF7A  }
0x23: {  	s9 =	sor.u32 $0xD0000000, s2;
	s6 =	simm.s32 $0x108;
	_ =	swait.ge @!p0 [sflag:s8], $0x0  }
0x24: {  	s3 =	sadd.s32 $0x88, s3;
	s6 =	simm.s32 @!p1 $0x1082;
	[sflag:s4] =	ssyncset.s32 $0xFFFFF086  }
0x25: {  	[simem:s6], [sflag:s4] =	dma.local [hbm:s3], $0xF7A  }
0x26: {  	[smem:$0x3F9D] =	sst s1;
	(tag) =	ssettag s2;
	_ =	strace s9  }
0x27: {  	s1 =	sld [smem:$0x3FAD]  }
0x28: {  	s2 =	sld [smem:$0x3FAE]  }
0x29: {  	s4 =	sld [smem:$0x3FB0]  }
0x2a: {  	p0 =	seq.s32 s5, $0x0;
	s5 =	sld [smem:$0x3FB1]  }
0x2b: {  	s6 =	sld [smem:$0x3FB2]  }
0x2c: {  	s7 =	sld [smem:$0x3FB3]  }
0x2d: {  	s3 =	simm.s32 $0x108;
	s8 =	sld [smem:$0x3FB4]  }
0x2e: {  	s3 =	simm.s32 @!p0 $0x1082;
	s9 =	sld [smem:$0x3FB5]  }
0x2f: {  	lr =	sadd.s32 s0, s3;
	s0 =	sld [smem:$0x3FAC]  }
0x30: {  	s3 =	sld [smem:$0x3FAF]  }
0x31: {  	[smem:$0x3FB8] =	sst s10  }
0x32: {  	s10 =	sld [smem:$0x3FB6];
	_ =	sdelay $0x3  }
0x33: {  	p0 =	seq.s32 s10, $0x1;
	s10 =	sld [smem:$0x3FB8];
	_ =	sdelay $0x3  }
0x34: {  	[smem:$0x3FB8] =	sst s10  }
0x35: {  	s10 =	sld [smem:$0x3FB7];
	_ =	sdelay $0x3  }
0x36: {  	p1 =	seq.s32 s10, $0x1;
	s10 =	sld [smem:$0x3FB8];
	_ =	sdelay $0x3  }
0x37: {  	[smem:$0x3FB8] =	sst s10  }
0x38: {  	s10 =	sld [smem:$0x3FB9]  }
0x39: {  	_ = 	snop;
	(pc) =	sbr.ind lr, $3  }
0x3a: {  	_ = 	snop  }
0x3b: {  	_ = 	snop  }
0x3c: {  	p2 =	seq.s32 s10, $0x1;
	s10 =	sld [smem:$0x3FB8]  }
0x3d: {  	_ =	shalt  }
0x3e: {  	_ =	shalt  }
0x3f: {  	_ =	shalt  }
0x40: {  	_ =	shalt  }
0x41: {  	_ =	shalt  }
0x42: {  	_ =	shalt  }
0x43: {  	_ =	shalt  }
0x44: {  	_ =	shalt  }
0x45: {  	_ =	shalt  }
0x46: {  	_ =	shalt  }
0x47: {  	_ =	shalt  }
0x48: {  	_ =	shalt  }
0x49: {  	_ =	shalt  }
0x4a: {  	_ =	shalt  }
0x4b: {  	_ =	shalt  }
0x4c: {  	_ =	shalt  }
0x4d: {  	_ =	shalt  }
0x4e: {  	_ =	shalt  }
0x4f: {  	_ =	shalt  }
0x50: {  	_ =	shalt  }
0x51: {  	_ =	shalt  }
0x52: {  	_ =	shalt  }
0x53: {  	_ =	shalt  }
0x54: {  	_ =	shalt  }
0x55: {  	_ =	shalt  }
0x56: {  	_ =	shalt  }
0x57: {  	_ =	shalt  }
0x58: {  	_ =	shalt  }
0x59: {  	_ =	shalt  }
0x5a: {  	_ =	shalt  }
0x5b: {  	_ =	shalt  }
0x5c: {  	_ =	shalt  }
0x5d: {  	_ =	shalt  }
0x5e: {  	_ =	shalt  }
0x5f: {  	_ =	shalt  }
0x60: {  	_ =	shalt  }
0x61: {  	_ =	shalt  }
0x62: {  	_ =	shalt  }
0x63: {  	_ =	shalt  }
0x64: {  	_ =	shalt  }
0x65: {  	_ =	shalt  }
0x66: {  	_ =	shalt  }
0x67: {  	_ =	shalt  }
0x68: {  	_ =	shalt  }
0x69: {  	_ =	shalt  }
0x6a: {  	_ =	shalt  }
0x6b: {  	_ =	shalt  }
0x6c: {  	_ =	shalt  }
0x6d: {  	_ =	shalt  }
0x6e: {  	_ =	shalt  }
0x6f: {  	_ =	shalt  }
0x70: {  	_ =	shalt  }
0x71: {  	_ =	shalt  }
0x72: {  	_ =	shalt  }
0x73: {  	_ =	shalt  }
0x74: {  	_ =	shalt  }
0x75: {  	_ =	shalt  }
0x76: {  	_ =	shalt  }
0x77: {  	_ =	shalt  }
0x78: {  	_ =	shalt  }
0x79: {  	_ =	shalt  }
0x7a: {  	_ =	shalt  }
0x7b: {  	_ =	shalt  }
0x7c: {  	_ =	shalt  }
0x7d: {  	_ =	shalt  }
0x7e: {  	_ =	shalt  }
0x7f: {  	_ =	shalt  }
0x80: {  	_ =	shalt  }
0x81: {  	_ =	shalt  }
0x82: {  	_ =	shalt  }
0x83: {  	_ =	shalt  }
0x84: {  	_ =	shalt  }
0x85: {  	_ =	shalt  }
0x86: {  	_ =	shalt  }
0x87: {  	_ =	shalt  }
.Lfunc_end0:
.L_simem_size_0:
called_computation_lowered:
.L_overlay_start_0:
0x88: {  	s2 =	sld [smem:$0x3FD9]  }
0x89: {  	s3 =	sld [smem:$0x3FFE];
	_ =	sdelay $0x1  }
0x8a: {  	s1 =	srdreg.scid  }
0x8b: {  	s0 =	sand.u32 $0x1, s1  }
0x8c: {  	s18 =	sshll.u32 s0, $0xA;
	s2 =	sadd.s32 s3, s2  }
0x8d: {  	s2 =	sadd.s32 s2, s18  }
0x8e: {  	[smem:$0x3FC4] =	sst s2  }
0x8f: {  	_ = 	snop  }
0x90: {  	s2 =	sld [smem:$0x3FC9]  }
0x91: {  	s19 =	sld [smem:$0x3FC8]  }
0x92: {  	s4 =	sld [smem:$0x3FC7]  }
0x93: {  	s5 =	sld [smem:$0x3FC6]  }
0x94: {  	s6 =	sld [smem:$0x3FD0];
	(tm) =	ssettm $0x1  }
0x95: {  	s7 =	sld [smem:$0x3FFB];
	_ =	sdelay $0x3  }
0x96: {  	_ =	strace s7  }
0x97: {  	s7 =	sld [smem:$0x3FFC];
	_ =	sdelay $0x3  }
0x98: {  	_ =	strace s7  }
0x99: {  	s7 =	sld [smem:$0x3FFD];
	_ =	sdelay $0x3  }
0x9a: {  	_ =	strace s7  }
0x9b: {  	_ =	strace $0x8FFFFFFF  }
0x9c: {  	s20 =	sld [smem:$0x3FDB];
	_ =	sdelay $0x1  }
0x9d: {  	s8 =	simm.s32 $_scs_section_size  }
0x9e: {  	s9 =	simm.s32 $_size__tile_overlayer_lowered;
	s10 =	simm.s32 $_tile_overlayer_lowered  }
0x9f: {  	s23 =	simm.s32 $0x1BFF;
	s22 =	sshll.u32 s10, $0x1;
	s7 =	sadd.s32 s8, s20  }
0xa0: {  	s11 =	simm.s32 $0x0;
	s21 =	sshll.u32 s9, $0x1;
	s9 =	sadd.s32 s22, s7  }
0xa1: {  	[timem:s11], [sflag:s23] =	dma.local [hbm:s9], s21  }
0xa2: {  	_ =	swait.ge [sflag:s23], s21  }
0xa3: {  	s8 =	ssub.s32 $0x0, s21;
	[sflag:s23] =	ssyncset.done $0x0  }
0xa4: {  	[sflag:s23] =	ssyncadd.s32 s8;
	_ =	sdelay $0x1  }
0xa5: {  	s24 =	simm.s32 $0x1B8B  }
0xa6: {  	_ =	swait.ge [sflag:s24], $0x1  }
0xa7: {  	[sflag:s24] =	ssyncset.done $0x0  }
0xa8: {  	s25 =	simm.s32 $0x1B8E;
	[sflag:s24] =	ssyncadd.s32 $0xFFFFFFFF  }
0xa9: {  	s26 =	simm.s32 $execute0_lowered;
	[smem:$0x3FD2] =	sst s25  }
0xaa: {  	s8 =	sshll.u32 s26, $0x1;
	_ =	strace $0x80000046;
	[dreg:$0x1] =	wrdreg $0xFFFFFFFF  }
0xab: {  	s28 =	simm.s32 $_size_execute0_lowered;
	s7 =	sadd.s32 s7, s8;
	[dreg:$0x0] =	wrdreg $0x0  }
0xac: {  	s8 =	sshll.u32 s28, $0x1;
	[dreg:$0x2] =	wrdreg s7  }
0xad: {  	[dreg:$0x3] =	wrdreg s8  }
0xae: {  	[dreg:$0x4] =	wrdreg $0xC0  }
0xaf: {  	_ =	task [dreg:s11], $0x5FFFF  }
0xb0: {  	[dreg:$0x1] =	wrdreg $0xFFFFFFFF  }
0xb1: {  	[dreg:$0x0] =	wrdreg $0x60  }
0xb2: {  	[dreg:$0x2] =	wrdreg s2  }
0xb3: {  	[dreg:$0x3] =	wrdreg s19  }
0xb4: {  	[dreg:$0x4] =	wrdreg s4  }
0xb5: {  	[dreg:$0x5] =	wrdreg s5  }
0xb6: {  	[dreg:$0x6] =	wrdreg s6  }
0xb7: {  	[dreg:$0x7] =	wrdreg $0x81800  }
0xb8: {  	[dreg:$0x8] =	wrdreg $0x9  }
0xb9: {  	_ =	task.clear_ibuf [dreg:s11], $0x9FFFF;
	_ =	strace $0x90000046  }
0xba: {  	s29 =	simm.s32 $0x9;
	_ =	strace $0x80000048  }
0xbb: {  	_ =	swait.ge [sflag:s29], $0x1  }
0xbc: {  	[sflag:s29] =	ssyncadd.s32 $0xFFFFFFFF  }
0xbd: {  	_ =	strace $0x90000048  }
0xbe: {  	_ =	sfence  }
0xbf: {  	s30 =	sld [smem:$0x0];
	_ =	sdelay $0x2  }
0xc0: {  	s31 =	sshll.u32 s1, $0xD;
	s1 =	sshrl.u32 s1, $0x2  }
0xc1: {  	s3 =	sand.u32 $0x4000, s31;
	s1 =	sadd.s32 s1, s30  }
0xc2: {  	s0 =	sor.u32 s3, s0;
	s1 =	sshll.u32 s1, $0x11  }
0xc3: {  	s0 =	sor.u32 s1, s0  }
0xc4: {  	s0 =	sadd.s32 $0x8F2B, s0  }
0xc5: {  	[sflag:s0] =	ssyncadd.remote.s32 $0x1  }
0xc6: {  	_ =	sfence.sel $0xFFFF  }
0xc7: {  	[dreg:$0x0] =	wrdreg $0xFFFFFFFF;
	(pc) =	sbr.abs _section_cstart, $3  }
0xc8: {  	[dreg:$0x1] =	wrdreg $0xFFFFFFFF  }
0xc9: {  	_ =	task.clear_ibuf [dreg:s11], $0x2FFFF;
	_ =	strace $0x9FFFFFFF  }
0xca: {  	(tm) =	ssettm $0x7FFFFFFF  }
0xcb: {  	_ =	shalt  }
tec
execute0_lowered:
.L_overlay_start_1:
0x0: {  	(tag) =	ssettag $0x1  }
0x1: {  	s1 =	rddreg [dreg:$0x0]  }
0x2: {  	s2 =	rddreg [dreg:$0x1]  }
0x3: {  	s3 =	rddreg [dreg:$0x2]  }
0x4: {  	s4 =	rddreg [dreg:$0x3]  }
0x5: {  	s14 =	rddreg [dreg:$0x4]  }
0x6: {  	s6 =	rddreg [dreg:$0x5]  }
0x7: {  	s0 =	rddreg [dreg:$0x6]  }
0x8: {  	s8 =	srdreg.scid;
	s7 =	simm.s32 $0x0;
	s5 =	stileid.u32  }
0x9: {  	s18 =	simm.s32 $0x2;
	s19 =	simm.s32 $0x80;
	s20 =	simm.s32 $0x100  }
0xa: {  	s21 =	simm.s32 $0x180;
	s22 =	simm.s32 $0x1;
	s9 =	sand.u32 $0x1, s8  }
0xb: {  	[smem:$0x7FF] =	sst s7;
	s10 =	smul.u32 $0x50000, s5;
	s31 =	sshll.u32 s5, $0x1  }
0xc: {  	s15 =	smul.u32 $0x14000, s5;
	s8 =	ssub.s32 $0x2, s9;
	_ =	strace $0x80000047  }
0xd: {  	v0 =	vimm.f32 $0.0e+00;
	v1 =	vimm.s32 $0x0;
	s13 =	smul.u32 $0x140000, s9;
	s11 =	sshrl.u32 s8, $0x1;
	s30 =	sshrl.u32 s10, $0x2  }
0xe: {  	v2 =	vimm.s32 $0x1;
	v3 =	vimm.s32 $0x2;
	v4 =	vimm.s32 $0x3;
	s17 =	sor.u32 s9, s31;
	s16 =	ssub.s32 s8, s11;
	s8 =	sadd.s32 s30, s6  }
0xf: {  	v5 =	vimm.s32 $0x4;
	v6 =	vimm.s32 $0x5;
	v7 =	vimm.s32 $0x6;
	s15 =	sadd.s32 s15, s13;
	s13 =	sshll.u32 s17, $0x7;
	s17 =	ssub.s32 $0x9E3, s17  }
0x10: {  	v8 =	vimm.s32 $0x7;
	v9 =	vimm.s32 $0x8;
	v10 =	vimm.s32 $0x9;
	s9 =	sadd.s32 $0x4000, s8;
	s10 =	sadd.s32 $0x8000, s8;
	s11 =	sadd.s32 $0xC000, s8  }
0x11: {  	v11 =	vimm.s32 $0xA;
	v12 =	vimm.s32 $0xB;
	v13 =	vimm.s32 $0xC;
	s12 =	sadd.s32 $0x10000, s8;
	s15 =	sshrl.u32 s15, $0x3;
	s16 =	smax.u32 s16, $0x1  }
0x12: {  	v14 =	vimm.s32 $0xD;
	v15 =	vimm.s32 $0xE;
	v16 =	vimm.s32 $0xF;
	s14 =	sadd.s32 s14, s15;
	s15 =	sshrl.u32 s17, $0x5;
	s17 =	simm.s32 $0x4180  }
.LBB2_1:
0x13: {  	s23 =	simm.s32 $0x0;
	s24 =	simm.s32 $0x200  }
.LBB2_2:
0x14: {  	p0 =	sne.s32 s24, $0xFE00;
	[tilespmem:s23+$0x41F0] =	vst v0  }
0x15: {  	[tilespmem:s23+$0x4180] =	vst v0  }
0x16: {  	[tilespmem:s23+$0x4190] =	vst v0  }
.Ltmp0:
0x17: {  	[tilespmem:s23+$0x41A0] =	vst v0;
	(pc) =	sbr.rel @p0 .LBB2_2-.Ltmp0, $4  }
0x18: {  	[tilespmem:s23+$0x41B0] =	vst v0  }
0x19: {  	[tilespmem:s23+$0x41C0] =	vst v0  }
0x1a: {  	[tilespmem:s23+$0x41D0] =	vst v0  }
0x1b: {  	[tilespmem:s23+$0x41E0] =	vst v0;
	s23 =	sshra.s32 s24, $0x2;
	s24 =	sadd.s32 $0x200, s24  }
0x1c: {  	[tilespmem:s23+$0x41F0] =	vst v0  }
0x1d: {  	[tilespmem:s23+$0x4180] =	vst v0  }
0x1e: {  	[tilespmem:s23+$0x4190] =	vst v0  }
0x1f: {  	[tilespmem:s23+$0x41A0] =	vst v0  }
0x20: {  	[tilespmem:s23+$0x41B0] =	vst v0  }
0x21: {  	[tilespmem:s23+$0x41C0] =	vst v0  }
0x22: {  	[tilespmem:s23+$0x41D0] =	vst v0  }
0x23: {  	[tilespmem:s23+$0x41E0] =	vst v0  }
0x24: {  	[spmem:s8] =	stream.linear.scatter [tilespmem:s17], [sflag:$0x2], $0x4000, $0x38;
	[tilespmem:$0x1C180] =	vst v63  }
0x25: {  	_ =	swait.ge [sflag:s18], $0x4000  }
0x26: {  	[sflag:s18] =	ssyncset.done $0x0  }
0x27: {  	[sflag:s18] =	ssyncadd.s32 $0xFFFFC000  }
0x28: {  	[spmem:s9] =	stream.linear.scatter [tilespmem:s17], [sflag:$0x2], $0x4000, $0x38;
	[tilespmem:$0x1C180] =	vst v63  }
0x29: {  	_ =	swait.ge [sflag:s18], $0x4000  }
0x2a: {  	[sflag:s18] =	ssyncset.done $0x0  }
0x2b: {  	[sflag:s18] =	ssyncadd.s32 $0xFFFFC000  }
0x2c: {  	[spmem:s10] =	stream.linear.scatter [tilespmem:s17], [sflag:$0x2], $0x4000, $0x38;
	[tilespmem:$0x1C180] =	vst v63  }
0x2d: {  	_ =	swait.ge [sflag:s18], $0x4000  }
0x2e: {  	[sflag:s18] =	ssyncset.done $0x0  }
0x2f: {  	[sflag:s18] =	ssyncadd.s32 $0xFFFFC000  }
0x30: {  	[spmem:s11] =	stream.linear.scatter [tilespmem:s17], [sflag:$0x2], $0x4000, $0x38;
	[tilespmem:$0x1C180] =	vst v63  }
0x31: {  	_ =	swait.ge [sflag:s18], $0x4000  }
0x32: {  	[sflag:s18] =	ssyncset.done $0x0  }
0x33: {  	[sflag:s18] =	ssyncadd.s32 $0xFFFFC000  }
0x34: {  	[spmem:s12] =	stream.linear.scatter [tilespmem:s17], [sflag:$0x2], $0x4000, $0x38;
	[tilespmem:$0x1C180] =	vst v63  }
0x35: {  	_ =	swait.ge [sflag:s18], $0x4000  }
0x36: {  	[sflag:s18] =	ssyncset.done $0x0  }
0x37: {  	[sflag:s18] =	ssyncadd.s32 $0xFFFFC000  }
0x38: {  	s23 =	simm.s32 $0x0;
	s24 =	simm.s32 $0x0;
	[bflag:$0x0] =	sbarrier.arrive $0xFFFF  }
.LBB2_4:
0x39: {  	s25 =	sshll.u32 s24, $0xC  }
0x3a: {  	s25 =	sor.u32 s13, s25  }
0x3b: {  	s25 =	sshrl.u32 s25, $0x3  }
0x3c: {  	s26 =	sadd.s32 s2, s25  }
0x3d: {  	[tilespmem:s23], [sflag:$0x2] =	stream.linear.gather [hbm4b:s26+s23], $0x80, $0x38;
	[tilespmem:$0x1C180] =	vst v63  }
0x3e: {  	_ =	swait.ge [sflag:s18], $0x80  }
0x3f: {  	[sflag:s18] =	ssyncset.done $0x0  }
0x40: {  	s31 =	sadd.s32 s3, s25;
	[sflag:s18] =	ssyncadd.s32 $0xFFFFFF80  }
0x41: {  	[tilespmem:s19], [sflag:$0x2] =	stream.linear.gather [hbm4b:s31+s23], $0x80, $0x38;
	[tilespmem:$0x1C180] =	vst v63  }
0x42: {  	_ =	swait.ge [sflag:s18], $0x80  }
0x43: {  	[sflag:s18] =	ssyncset.done $0x0  }
0x44: {  	s25 =	sadd.s32 s4, s25;
	[sflag:s18] =	ssyncadd.s32 $0xFFFFFF80  }
0x45: {  	[tilespmem:s20], [sflag:$0x2] =	stream.linear.gather [hbm4b:s25+s23], $0x80, $0x38;
	[tilespmem:$0x1C180] =	vst v63  }
0x46: {  	_ =	swait.ge [sflag:s18], $0x80  }
0x47: {  	[sflag:s18] =	ssyncset.done $0x0  }
0x48: {  	[sflag:s18] =	ssyncadd.s32 $0xFFFFFF80  }
0x49: {  	[tilespmem:s21], [sflag:$0x1] =	stream.indirect.gather [hbm4b:s1+s19], $0x80, s23, s19, $0xb8;
	[tilespmem:$0x1C180] =	vst v63  }
0x4a: {  	_ =	swait.ge [sflag:s22], $0x4000  }
0x4b: {  	[sflag:s22] =	ssyncset.done $0x0  }
0x4c: {  	s25 =	simm.s32 $0x0;
	[sflag:s22] =	ssyncadd.s32 $0xFFFFC000  }
.LBB2_5:
0x4d: {  	s26 =	sshll.u32 s25, $0x4  }
0x4e: {  	s26 =	sand.u32 $0x3FFFFFF0, s26  }
0x4f: {  	s31 =	sshll.u32 s25, $0xB;
	v17 =	vld [tilespmem:s26+$0x100]  }
0x50: {  	s26 =	sand.u32 $0x3FFFF800, s31  }
0x51: {  	v18 =	vld [tilespmem:s26+$0x180]  }
0x52: {  	v19 =	vld [tilespmem:s26+$0x190]  }
0x53: {  	v20 =	vld [tilespmem:s26+$0x1A0]  }
0x54: {  	v22 =	vld [tilespmem:s26+$0x1B0];
	v21 =	vperm.xlane v17, v1  }
0x55: {  	v23 =	vld [tilespmem:s26+$0x1C0]  }
0x56: {  	v24 =	vld [tilespmem:s26+$0x1D0];
	v18 =	vmul.f32 v18, v21  }
0x57: {  	v25 =	vld [tilespmem:s26+$0x1E0];
	v19 =	vmul.f32 v19, v21  }
0x58: {  	v38 =	vld [tilespmem:s26+$0x1F0];
	[tilespmem:s26+$0x180] =	vst v18;
	v18 =	vmul.f32 v20, v21  }
0x59: {  	v39 =	vld [tilespmem:s26+$0x200];
	[tilespmem:s26+$0x190] =	vst v19;
	v19 =	vmul.f32 v22, v21  }
0x5a: {  	v40 =	vld [tilespmem:s26+$0x210];
	[tilespmem:s26+$0x1A0] =	vst v18;
	v18 =	vmul.f32 v23, v21  }
0x5b: {  	v41 =	vld [tilespmem:s26+$0x220];
	[tilespmem:s26+$0x1B0] =	vst v19;
	v19 =	vmul.f32 v24, v21  }
0x5c: {  	v26 =	vld [tilespmem:s26+$0x230];
	v42 =	vperm.xlane v17, v2;
	[tilespmem:s26+$0x1C0] =	vst v18;
	v18 =	vmul.f32 v25, v21  }
0x5d: {  	v43 =	vld [tilespmem:s26+$0x240];
	[tilespmem:s26+$0x1D0] =	vst v19;
	v19 =	vmul.f32 v38, v21  }
0x5e: {  	v44 =	vld [tilespmem:s26+$0x250];
	[tilespmem:s26+$0x1E0] =	vst v18;
	v18 =	vmul.f32 v39, v42  }
0x5f: {  	v45 =	vld [tilespmem:s26+$0x260];
	[tilespmem:s26+$0x1F0] =	vst v19;
	v19 =	vmul.f32 v40, v42  }
0x60: {  	v46 =	vld [tilespmem:s26+$0x270];
	[tilespmem:s26+$0x200] =	vst v18;
	v18 =	vmul.f32 v41, v42  }
0x61: {  	v47 =	vld [tilespmem:s26+$0x280];
	[tilespmem:s26+$0x210] =	vst v19;
	v19 =	vmul.f32 v26, v42  }
0x62: {  	v48 =	vld [tilespmem:s26+$0x290];
	[tilespmem:s26+$0x220] =	vst v18;
	v18 =	vmul.f32 v43, v42  }
0x63: {  	v49 =	vld [tilespmem:s26+$0x2A0];
	[tilespmem:s26+$0x230] =	vst v19;
	v19 =	vmul.f32 v44, v42  }
0x64: {  	v51 =	vld [tilespmem:s26+$0x2B0];
	v50 =	vperm.xlane v17, v3;
	[tilespmem:s26+$0x240] =	vst v18;
	v18 =	vmul.f32 v45, v42  }
0x65: {  	v52 =	vld [tilespmem:s26+$0x2C0];
	[tilespmem:s26+$0x250] =	vst v19;
	v19 =	vmul.f32 v46, v42  }
0x66: {  	v53 =	vld [tilespmem:s26+$0x2D0];
	[tilespmem:s26+$0x260] =	vst v18;
	v18 =	vmul.f32 v47, v50  }
0x67: {  	v54 =	vld [tilespmem:s26+$0x2E0];
	[tilespmem:s26+$0x270] =	vst v19;
	v19 =	vmul.f32 v48, v50  }
0x68: {  	v55 =	vld [tilespmem:s26+$0x2F0];
	[tilespmem:s26+$0x280] =	vst v18;
	v18 =	vmul.f32 v49, v50  }
0x69: {  	v56 =	vld [tilespmem:s26+$0x300];
	[tilespmem:s26+$0x290] =	vst v19;
	v19 =	vmul.f32 v51, v50  }
0x6a: {  	v57 =	vld [tilespmem:s26+$0x310];
	[tilespmem:s26+$0x2A0] =	vst v18;
	v18 =	vmul.f32 v52, v50  }
0x6b: {  	v58 =	vld [tilespmem:s26+$0x320];
	[tilespmem:s26+$0x2B0] =	vst v19;
	v19 =	vmul.f32 v53, v50  }
0x6c: {  	v60 =	vld [tilespmem:s26+$0x330];
	v59 =	vperm.xlane v17, v4;
	[tilespmem:s26+$0x2C0] =	vst v18;
	v18 =	vmul.f32 v54, v50  }
0x6d: {  	v61 =	vld [tilespmem:s26+$0x340];
	[tilespmem:s26+$0x2D0] =	vst v19;
	v19 =	vmul.f32 v55, v50  }
0x6e: {  	v62 =	vld [tilespmem:s26+$0x350];
	[tilespmem:s26+$0x2E0] =	vst v18;
	v18 =	vmul.f32 v56, v59  }
0x6f: {  	v63 =	vld [tilespmem:s26+$0x360];
	[tilespmem:s26+$0x2F0] =	vst v19;
	v19 =	vmul.f32 v57, v59  }
0x70: {  	v28 =	vld [tilespmem:s26+$0x370];
	[tilespmem:s26+$0x300] =	vst v18;
	v18 =	vmul.f32 v58, v59  }
0x71: {  	v29 =	vld [tilespmem:s26+$0x380];
	[tilespmem:s26+$0x310] =	vst v19;
	v19 =	vmul.f32 v60, v59  }
0x72: {  	v30 =	vld [tilespmem:s26+$0x390];
	[tilespmem:s26+$0x320] =	vst v18;
	v18 =	vmul.f32 v61, v59  }
0x73: {  	v31 =	vld [tilespmem:s26+$0x3A0];
	[tilespmem:s26+$0x330] =	vst v19;
	v19 =	vmul.f32 v62, v59  }
0x74: {  	v33 =	vld [tilespmem:s26+$0x3B0];
	v32 =	vperm.xlane v17, v5;
	[tilespmem:s26+$0x340] =	vst v18;
	v18 =	vmul.f32 v63, v59  }
0x75: {  	v34 =	vld [tilespmem:s26+$0x3C0];
	[tilespmem:s26+$0x350] =	vst v19;
	v19 =	vmul.f32 v28, v59  }
0x76: {  	v35 =	vld [tilespmem:s26+$0x3D0];
	[tilespmem:s26+$0x360] =	vst v18;
	v18 =	vmul.f32 v29, v32  }
0x77: {  	v36 =	vld [tilespmem:s26+$0x3E0];
	[tilespmem:s26+$0x370] =	vst v19;
	v19 =	vmul.f32 v30, v32  }
0x78: {  	v37 =	vld [tilespmem:s26+$0x3F0];
	[tilespmem:s26+$0x380] =	vst v18;
	v18 =	vmul.f32 v31, v32  }
0x79: {  	v38 =	vld [tilespmem:s26+$0x400];
	[tilespmem:s26+$0x390] =	vst v19;
	v19 =	vmul.f32 v33, v32  }
0x7a: {  	v39 =	vld [tilespmem:s26+$0x410];
	[tilespmem:s26+$0x3A0] =	vst v18;
	v18 =	vmul.f32 v34, v32  }
0x7b: {  	v40 =	vld [tilespmem:s26+$0x420];
	[tilespmem:s26+$0x3B0] =	vst v19;
	v19 =	vmul.f32 v35, v32  }
0x7c: {  	v41 =	vperm.xlane v17, v6;
	v42 =	vld [tilespmem:s26+$0x430];
	[tilespmem:s26+$0x3C0] =	vst v18;
	v18 =	vmul.f32 v36, v32  }
0x7d: {  	v43 =	vld [tilespmem:s26+$0x440];
	[tilespmem:s26+$0x3D0] =	vst v19;
	v19 =	vmul.f32 v37, v32  }
0x7e: {  	v44 =	vld [tilespmem:s26+$0x450];
	[tilespmem:s26+$0x3E0] =	vst v18;
	v18 =	vmul.f32 v38, v41  }
0x7f: {  	v45 =	vld [tilespmem:s26+$0x460];
	[tilespmem:s26+$0x3F0] =	vst v19;
	v19 =	vmul.f32 v39, v41  }
0x80: {  	v46 =	vld [tilespmem:s26+$0x470];
	[tilespmem:s26+$0x400] =	vst v18;
	v18 =	vmul.f32 v40, v41  }
0x81: {  	v47 =	vld [tilespmem:s26+$0x480];
	[tilespmem:s26+$0x410] =	vst v19;
	v19 =	vmul.f32 v42, v41  }
0x82: {  	v48 =	vld [tilespmem:s26+$0x490];
	[tilespmem:s26+$0x420] =	vst v18;
	v18 =	vmul.f32 v43, v41  }
0x83: {  	v49 =	vld [tilespmem:s26+$0x4A0];
	[tilespmem:s26+$0x430] =	vst v19;
	v19 =	vmul.f32 v44, v41  }
0x84: {  	v51 =	vld [tilespmem:s26+$0x4B0];
	v50 =	vperm.xlane v17, v7;
	[tilespmem:s26+$0x440] =	vst v18;
	v18 =	vmul.f32 v45, v41  }
0x85: {  	v52 =	vld [tilespmem:s26+$0x4C0];
	[tilespmem:s26+$0x450] =	vst v19;
	v19 =	vmul.f32 v46, v41  }
0x86: {  	v53 =	vld [tilespmem:s26+$0x4D0];
	[tilespmem:s26+$0x460] =	vst v18;
	v18 =	vmul.f32 v47, v50  }
0x87: {  	v54 =	vld [tilespmem:s26+$0x4E0];
	[tilespmem:s26+$0x470] =	vst v19;
	v19 =	vmul.f32 v48, v50  }
0x88: {  	v55 =	vld [tilespmem:s26+$0x4F0];
	[tilespmem:s26+$0x480] =	vst v18;
	v18 =	vmul.f32 v49, v50  }
0x89: {  	v56 =	vld [tilespmem:s26+$0x500];
	[tilespmem:s26+$0x490] =	vst v19;
	v19 =	vmul.f32 v51, v50  }
0x8a: {  	v57 =	vld [tilespmem:s26+$0x510];
	[tilespmem:s26+$0x4A0] =	vst v18;
	v18 =	vmul.f32 v52, v50  }
0x8b: {  	v58 =	vld [tilespmem:s26+$0x520];
	[tilespmem:s26+$0x4B0] =	vst v19;
	v19 =	vmul.f32 v53, v50  }
0x8c: {  	v60 =	vld [tilespmem:s26+$0x530];
	v59 =	vperm.xlane v17, v8;
	[tilespmem:s26+$0x4C0] =	vst v18;
	v18 =	vmul.f32 v54, v50  }
0x8d: {  	v61 =	vld [tilespmem:s26+$0x540];
	[tilespmem:s26+$0x4D0] =	vst v19;
	v19 =	vmul.f32 v55, v50  }
0x8e: {  	v62 =	vld [tilespmem:s26+$0x550];
	[tilespmem:s26+$0x4E0] =	vst v18;
	v18 =	vmul.f32 v56, v59  }
0x8f: {  	v63 =	vld [tilespmem:s26+$0x560];
	[tilespmem:s26+$0x4F0] =	vst v19;
	v19 =	vmul.f32 v57, v59  }
0x90: {  	v28 =	vld [tilespmem:s26+$0x570];
	[tilespmem:s26+$0x500] =	vst v18;
	v18 =	vmul.f32 v58, v59  }
0x91: {  	v29 =	vld [tilespmem:s26+$0x580];
	[tilespmem:s26+$0x510] =	vst v19;
	v19 =	vmul.f32 v60, v59  }
0x92: {  	v30 =	vld [tilespmem:s26+$0x590];
	[tilespmem:s26+$0x520] =	vst v18;
	v18 =	vmul.f32 v61, v59  }
0x93: {  	v31 =	vld [tilespmem:s26+$0x5A0];
	[tilespmem:s26+$0x530] =	vst v19;
	v19 =	vmul.f32 v62, v59  }
0x94: {  	v33 =	vld [tilespmem:s26+$0x5B0];
	v32 =	vperm.xlane v17, v9;
	[tilespmem:s26+$0x540] =	vst v18;
	v18 =	vmul.f32 v63, v59  }
0x95: {  	v34 =	vld [tilespmem:s26+$0x5C0];
	[tilespmem:s26+$0x550] =	vst v19;
	v19 =	vmul.f32 v28, v59  }
0x96: {  	v35 =	vld [tilespmem:s26+$0x5D0];
	[tilespmem:s26+$0x560] =	vst v18;
	v18 =	vmul.f32 v29, v32  }
0x97: {  	v36 =	vld [tilespmem:s26+$0x5E0];
	[tilespmem:s26+$0x570] =	vst v19;
	v19 =	vmul.f32 v30, v32  }
0x98: {  	v37 =	vld [tilespmem:s26+$0x5F0];
	[tilespmem:s26+$0x580] =	vst v18;
	v18 =	vmul.f32 v31, v32  }
0x99: {  	v38 =	vld [tilespmem:s26+$0x600];
	[tilespmem:s26+$0x590] =	vst v19;
	v19 =	vmul.f32 v33, v32  }
0x9a: {  	v39 =	vld [tilespmem:s26+$0x610];
	[tilespmem:s26+$0x5A0] =	vst v18;
	v18 =	vmul.f32 v34, v32  }
0x9b: {  	v40 =	vld [tilespmem:s26+$0x620];
	[tilespmem:s26+$0x5B0] =	vst v19;
	v19 =	vmul.f32 v35, v32  }
0x9c: {  	v42 =	vld [tilespmem:s26+$0x630];
	v41 =	vperm.xlane v17, v10;
	[tilespmem:s26+$0x5C0] =	vst v18;
	v18 =	vmul.f32 v36, v32  }
0x9d: {  	v43 =	vld [tilespmem:s26+$0x640];
	[tilespmem:s26+$0x5D0] =	vst v19;
	v19 =	vmul.f32 v37, v32  }
0x9e: {  	v44 =	vld [tilespmem:s26+$0x650];
	[tilespmem:s26+$0x5E0] =	vst v18;
	v18 =	vmul.f32 v38, v41  }
0x9f: {  	v45 =	vld [tilespmem:s26+$0x660];
	[tilespmem:s26+$0x5F0] =	vst v19;
	v19 =	vmul.f32 v39, v41  }
0xa0: {  	v46 =	vld [tilespmem:s26+$0x670];
	[tilespmem:s26+$0x600] =	vst v18;
	v18 =	vmul.f32 v40, v41  }
0xa1: {  	v47 =	vld [tilespmem:s26+$0x680];
	[tilespmem:s26+$0x610] =	vst v19;
	v19 =	vmul.f32 v42, v41  }
0xa2: {  	v48 =	vld [tilespmem:s26+$0x690];
	[tilespmem:s26+$0x620] =	vst v18;
	v18 =	vmul.f32 v43, v41  }
0xa3: {  	v49 =	vld [tilespmem:s26+$0x6A0];
	[tilespmem:s26+$0x630] =	vst v19;
	v19 =	vmul.f32 v44, v41  }
0xa4: {  	v51 =	vld [tilespmem:s26+$0x6B0];
	v50 =	vperm.xlane v17, v11;
	[tilespmem:s26+$0x640] =	vst v18;
	v18 =	vmul.f32 v45, v41  }
0xa5: {  	v52 =	vld [tilespmem:s26+$0x6C0];
	[tilespmem:s26+$0x650] =	vst v19;
	v19 =	vmul.f32 v46, v41  }
0xa6: {  	v53 =	vld [tilespmem:s26+$0x6D0];
	[tilespmem:s26+$0x660] =	vst v18;
	v18 =	vmul.f32 v47, v50  }
0xa7: {  	v54 =	vld [tilespmem:s26+$0x6E0];
	[tilespmem:s26+$0x670] =	vst v19;
	v19 =	vmul.f32 v48, v50  }
0xa8: {  	v55 =	vld [tilespmem:s26+$0x6F0];
	[tilespmem:s26+$0x680] =	vst v18;
	v18 =	vmul.f32 v49, v50  }
0xa9: {  	v56 =	vld [tilespmem:s26+$0x700];
	[tilespmem:s26+$0x690] =	vst v19;
	v19 =	vmul.f32 v51, v50  }
0xaa: {  	v57 =	vld [tilespmem:s26+$0x710];
	[tilespmem:s26+$0x6A0] =	vst v18;
	v18 =	vmul.f32 v52, v50  }
0xab: {  	v58 =	vld [tilespmem:s26+$0x720];
	[tilespmem:s26+$0x6B0] =	vst v19;
	v19 =	vmul.f32 v53, v50  }
0xac: {  	v60 =	vld [tilespmem:s26+$0x730];
	v59 =	vperm.xlane v17, v12;
	[tilespmem:s26+$0x6C0] =	vst v18;
	v18 =	vmul.f32 v54, v50  }
0xad: {  	v61 =	vld [tilespmem:s26+$0x740];
	[tilespmem:s26+$0x6D0] =	vst v19;
	v19 =	vmul.f32 v55, v50  }
0xae: {  	v62 =	vld [tilespmem:s26+$0x750];
	[tilespmem:s26+$0x6E0] =	vst v18;
	v18 =	vmul.f32 v56, v59  }
0xaf: {  	v63 =	vld [tilespmem:s26+$0x760];
	[tilespmem:s26+$0x6F0] =	vst v19;
	v19 =	vmul.f32 v57, v59  }
0xb0: {  	v28 =	vld [tilespmem:s26+$0x770];
	[tilespmem:s26+$0x700] =	vst v18;
	v18 =	vmul.f32 v58, v59  }
0xb1: {  	v29 =	vld [tilespmem:s26+$0x780];
	[tilespmem:s26+$0x710] =	vst v19;
	v19 =	vmul.f32 v60, v59  }
0xb2: {  	v30 =	vld [tilespmem:s26+$0x790];
	[tilespmem:s26+$0x720] =	vst v18;
	v18 =	vmul.f32 v61, v59  }
0xb3: {  	v31 =	vld [tilespmem:s26+$0x7A0];
	[tilespmem:s26+$0x730] =	vst v19;
	v19 =	vmul.f32 v62, v59  }
0xb4: {  	v33 =	vld [tilespmem:s26+$0x7B0];
	v32 =	vperm.xlane v17, v13;
	[tilespmem:s26+$0x740] =	vst v18;
	v18 =	vmul.f32 v63, v59  }
0xb5: {  	v34 =	vld [tilespmem:s26+$0x7C0];
	[tilespmem:s26+$0x750] =	vst v19;
	v19 =	vmul.f32 v28, v59  }
0xb6: {  	v35 =	vld [tilespmem:s26+$0x7D0];
	[tilespmem:s26+$0x760] =	vst v18;
	v18 =	vmul.f32 v29, v32  }
0xb7: {  	v36 =	vld [tilespmem:s26+$0x7E0];
	[tilespmem:s26+$0x770] =	vst v19;
	v19 =	vmul.f32 v30, v32  }
0xb8: {  	v37 =	vld [tilespmem:s26+$0x7F0];
	[tilespmem:s26+$0x780] =	vst v18;
	v18 =	vmul.f32 v31, v32  }
0xb9: {  	v38 =	vld [tilespmem:s26+$0x800];
	[tilespmem:s26+$0x790] =	vst v19;
	v19 =	vmul.f32 v33, v32  }
0xba: {  	v39 =	vld [tilespmem:s26+$0x810];
	[tilespmem:s26+$0x7A0] =	vst v18;
	v18 =	vmul.f32 v34, v32  }
0xbb: {  	v40 =	vld [tilespmem:s26+$0x820];
	[tilespmem:s26+$0x7B0] =	vst v19;
	v19 =	vmul.f32 v35, v32  }
0xbc: {  	v42 =	vld [tilespmem:s26+$0x830];
	v41 =	vperm.xlane v17, v14;
	[tilespmem:s26+$0x7C0] =	vst v18;
	v18 =	vmul.f32 v36, v32  }
0xbd: {  	v43 =	vld [tilespmem:s26+$0x840];
	[tilespmem:s26+$0x7D0] =	vst v19;
	v19 =	vmul.f32 v37, v32  }
0xbe: {  	v44 =	vld [tilespmem:s26+$0x850];
	[tilespmem:s26+$0x7E0] =	vst v18;
	v18 =	vmul.f32 v38, v41  }
0xbf: {  	v45 =	vld [tilespmem:s26+$0x860];
	[tilespmem:s26+$0x7F0] =	vst v19;
	v19 =	vmul.f32 v39, v41  }
0xc0: {  	v46 =	vld [tilespmem:s26+$0x870];
	[tilespmem:s26+$0x800] =	vst v18;
	v18 =	vmul.f32 v40, v41  }
0xc1: {  	v47 =	vld [tilespmem:s26+$0x880];
	[tilespmem:s26+$0x810] =	vst v19;
	v19 =	vmul.f32 v42, v41  }
0xc2: {  	v48 =	vld [tilespmem:s26+$0x890];
	[tilespmem:s26+$0x820] =	vst v18;
	v18 =	vmul.f32 v43, v41  }
0xc3: {  	v49 =	vld [tilespmem:s26+$0x8A0];
	[tilespmem:s26+$0x830] =	vst v19;
	v19 =	vmul.f32 v44, v41  }
0xc4: {  	v51 =	vld [tilespmem:s26+$0x8B0];
	v50 =	vperm.xlane v17, v15;
	[tilespmem:s26+$0x840] =	vst v18;
	v18 =	vmul.f32 v45, v41  }
0xc5: {  	v52 =	vld [tilespmem:s26+$0x8C0];
	[tilespmem:s26+$0x850] =	vst v19;
	v19 =	vmul.f32 v46, v41  }
0xc6: {  	v53 =	vld [tilespmem:s26+$0x8D0];
	[tilespmem:s26+$0x860] =	vst v18;
	v18 =	vmul.f32 v47, v50  }
0xc7: {  	v54 =	vld [tilespmem:s26+$0x8E0];
	[tilespmem:s26+$0x870] =	vst v19;
	v19 =	vmul.f32 v48, v50  }
0xc8: {  	v55 =	vld [tilespmem:s26+$0x8F0];
	[tilespmem:s26+$0x880] =	vst v18;
	v18 =	vmul.f32 v49, v50  }
0xc9: {  	v56 =	vld [tilespmem:s26+$0x900];
	[tilespmem:s26+$0x890] =	vst v19;
	v19 =	vmul.f32 v51, v50  }
0xca: {  	v57 =	vld [tilespmem:s26+$0x910];
	[tilespmem:s26+$0x8A0] =	vst v18;
	v18 =	vmul.f32 v52, v50  }
0xcb: {  	v58 =	vld [tilespmem:s26+$0x920];
	[tilespmem:s26+$0x8B0] =	vst v19;
	v19 =	vmul.f32 v53, v50  }
0xcc: {  	v17 =	vperm.xlane v17, v16;
	v59 =	vld [tilespmem:s26+$0x930];
	[tilespmem:s26+$0x8C0] =	vst v18;
	v18 =	vmul.f32 v54, v50  }
0xcd: {  	v60 =	vld [tilespmem:s26+$0x940];
	[tilespmem:s26+$0x8D0] =	vst v19;
	v19 =	vmul.f32 v55, v50  }
0xce: {  	v61 =	vld [tilespmem:s26+$0x950];
	[tilespmem:s26+$0x8E0] =	vst v18;
	v18 =	vmul.f32 v56, v17  }
0xcf: {  	v62 =	vld [tilespmem:s26+$0x960];
	[tilespmem:s26+$0x8F0] =	vst v19;
	v19 =	vmul.f32 v57, v17  }
0xd0: {  	v63 =	vld [tilespmem:s26+$0x970];
	[tilespmem:s26+$0x900] =	vst v18;
	v18 =	vmul.f32 v58, v17  }
0xd1: {  	[tilespmem:s26+$0x910] =	vst v19;
	v19 =	vmul.f32 v59, v17  }
0xd2: {  	p0 =	sne.s32 s25, $0x7;
	[tilespmem:s26+$0x920] =	vst v18;
	v18 =	vmul.f32 v60, v17  }
.Ltmp1:
0xd3: {  	[tilespmem:s26+$0x930] =	vst v19;
	v19 =	vmul.f32 v61, v17;
	(pc) =	sbr.rel @p0 .LBB2_5-.Ltmp1, $4  }
0xd4: {  	[tilespmem:s26+$0x940] =	vst v18;
	v18 =	vmul.f32 v62, v17  }
0xd5: {  	[tilespmem:s26+$0x950] =	vst v19;
	v17 =	vmul.f32 v63, v17  }
0xd6: {  	[tilespmem:s26+$0x960] =	vst v18  }
0xd7: {  	s25 =	sadd.s32 $0x1, s25;
	[tilespmem:s26+$0x970] =	vst v17  }
0xd8: {  	s24 =	sadd.s32 $0x1, s24  }
0xd9: {  	p0 =	sne.s32 s24, s15  }
.Ltmp2:
0xda: {  	_ = 	snop;
	(pc) =	sbr.rel @p0 .LBB2_4-.Ltmp2, $4  }
0xdb: {  	[spmem:s6] =	stream.indirect.scatter.add.f32 [tilespmem:s21], [sflag:$0x2], $0x80, s19, s19, $0xb8;
	[tilespmem:$0x1C180] =	vst v63  }
0xdc: {  	_ =	swait.ge [sflag:s18], $0x4000  }
0xdd: {  	[sflag:s18] =	ssyncset.done $0x0  }
0xde: {  	[sflag:s18] =	ssyncadd.s32 $0xFFFFC000  }
0xdf: {  	s7 =	sadd.s32 $0x1, s7  }
0xe0: {  	s23 =	sshll.u32 s5, $0x6;
	[bflag:$0x0] =	sbarrier.arrive $0xFFFF;
	p0 =	sne.s32 s7, s16  }
.Ltmp3:
0xe1: {  	s24 =	sshrl.u32 s8, $0x3;
	s23 =	sor.u32 $0x1C02, s23;
	(pc) =	sbr.rel @p0 .LBB2_1-.Ltmp3, $4  }
0xe2: {  	[hbm:s14], [sflag:s23] =	dma.local [spmem:s24], $0x2800  }
0xe3: {  	_ =	swait.ge [sflag:s18], $0x2800  }
0xe4: {  	[sflag:s18] =	ssyncset.done $0x0  }
0xe5: {  	[sflag:s18] =	ssyncadd.s32 $0xFFFFD800  }
0xe6: {  	_ =	sfence.sel $0x180000  }
0xe7: {  	[bflag:$0x0] =	sbarrier.arrive $0xFFFF  }
0xe8: {  	p0 =	sne.s32 s5, $0x0;
	_ =	strace $0x90000047  }
0xe9: {  	s0 =	sadd.s32 @!p0 $0x100000, s0;
	[bflag:$0x2] =	sbarrier.arrive $0xFFFF  }
0xea: {  	[sflag:s0] =	ssyncadd.tile.s32 @!p0 $0x1;
	_ =	shalt  }
.Lfunc_end2:
_tile_overlayer_lowered:
.L_overlay_start_2:
0xeb: {  	(tag) =	ssettag $0x2  }
0xec: {  	s0 =	rddreg [dreg:$0x0];
	s2 =	stileid.u32  }
0xed: {  	s1 =	rddreg [dreg:$0x1];
	p0 =	sne.s32 s2, $0x0  }
0xee: {  	s3 =	rddreg [dreg:$0x2];
	[bflag:$0x3] =	sbarrier.arrive $0xFFFF;
	s2 =	simm.s32 @!p0 $0x1C02  }
0xef: {  	[timem:s3], [sflag:s2] =	dma.local @!p0 [hbm:s0], s1  }
0xf0: {  	s0 =	simm.s32 @!p0 $0x2  }
0xf1: {  	_ =	swait.ge @!p0 [sflag:s0], s1  }
0xf2: {  	s1 =	ssub.s32 @!p0 $0x0, s1;
	[sflag:s0] =	ssyncset.done @!p0 $0x0  }
0xf3: {  	[sflag:s0] =	ssyncadd.s32 @!p0 s1  }
0xf4: {  	[bflag:$0x3] =	sbarrier.arrive $0xFFFF  }
0xf5: {  	_ =	shalt  }

</sc_bundles>
